<compile_context>
chip_gen: v7x
topology: tpu7x:2x2x1
jax: 0.10.2.dev20260603
libtpu: 0.0.44.dev20260713+nightly
codegen_flags: <defaults>
</compile_context>

<pallas_src>
import functools

import jax
import jax.numpy as jnp
from jax import lax
from jax.experimental import pallas as pl
from jax.experimental.pallas import tpu as pltpu
from jax.experimental.pallas import tpu_sc as plsc

D = 64
BATCH = 4096
HIST = 200
B = BATCH * HIST
NC, NS = 2, 16
NW = NC * NS
XROWS_W = BATCH // NW
B_PER_W = XROWS_W * HIST
GR = 4
GROUP = GR * HIST
NG = XROWS_W // GR

_mesh = plsc.VectorSubcoreMesh(core_axis_name="c", subcore_axis_name="s")


@functools.partial(
    pl.kernel,
    mesh=_mesh,
    out_type=jax.ShapeDtypeStruct((B, 2 * D), jnp.float32),
    compiler_params=pltpu.CompilerParams(use_tc_tiling_on_sc=False),
    scratch_types=[
        pltpu.VMEM((XROWS_W, HIST), jnp.int32),
        pltpu.VMEM((GROUP, D), jnp.float32),
        pltpu.VMEM((GROUP, D), jnp.float32),
        pltpu.SemaphoreType.DMA,
        pltpu.SemaphoreType.DMA,
        pltpu.SemaphoreType.DMA,
        pltpu.SemaphoreType.DMA,
    ],
)
def _sc_gather(x_hbm, table_hbm, out_hbm, idx_v, rows0, rows1,
               gs0, gs1, ws0, ws1):
    wid = lax.axis_index("s") * NC + lax.axis_index("c")
    base = wid * B_PER_W
    rows = (rows0, rows1)
    gs = (gs0, gs1)
    ws = (ws0, ws1)

    pltpu.sync_copy(x_hbm.at[pl.ds(wid * XROWS_W, XROWS_W), :], idx_v)

    def for_group(g, b, fn):
        for q in range(GR):
            fn(pltpu.make_async_copy(
                table_hbm.at[idx_v.at[g * GR + q]],
                rows[b].at[pl.ds(q * HIST, HIST), :], gs[b]))

    def start_group(g, b):
        for_group(g, b, lambda cp: cp.start())

    def wait_group(g, b):
        for_group(g, b, lambda cp: cp.wait())

    start_group(0, 0)
    start_group(1, 1)

    def outer(j, carry):
        for b in range(2):
            g = 2 * j + b
            out_slc = out_hbm.at[pl.ds(base + g * GROUP, GROUP), pl.ds(0, D)]
            wait_group(g, b)
            pltpu.async_copy(rows[b], out_slc, ws[b])

            @pl.when(j < NG // 2 - 1)
            def _():
                pltpu.make_async_copy(rows[b], out_slc, ws[b]).wait()
                start_group(g + 2, b)

        return carry

    lax.fori_loop(0, NG // 2, outer, 0)

    for b in range(2):
        g = NG - 2 + b
        pltpu.make_async_copy(
            rows[b],
            out_hbm.at[pl.ds(base + g * GROUP, GROUP), pl.ds(0, D)],
            ws[b]).wait()


VOCAB = 1000000
L = 16
TC = 128
TCH = TC * D // (2 * D)
NFULL = VOCAB // TC
NUNIF = NFULL // NW
TAILC = VOCAB % TC


@functools.partial(
    pl.kernel,
    mesh=_mesh,
    out_type=jax.ShapeDtypeStruct((VOCAB // 16, 8, 2 * D), jnp.float32),
    compiler_params=pltpu.CompilerParams(
        use_tc_tiling_on_sc=True, needs_layout_passes=False),
    scratch_types=[
        pltpu.VMEM((8, 8, 2 * D), jnp.float32),
        pltpu.VMEM((8, 8, 2 * D), jnp.float32),
        pltpu.VMEM((8, 8, 2 * D), jnp.float32),
        pltpu.VMEM((8, 8, 2 * D), jnp.float32),
        pltpu.SemaphoreType.DMA,
        pltpu.SemaphoreType.DMA,
        pltpu.SemaphoreType.DMA,
        pltpu.SemaphoreType.DMA,
    ],
)
def _sc_transpose(wt_hbm, tail_hbm, out_hbm, src0, src1, buf0, buf1,
                  is0, is1, os0, os1):
    wid = lax.axis_index("s") * NC + lax.axis_index("c")
    src = (src0, src1)
    buf = (buf0, buf1)
    isem = (is0, is1)
    osem = (os0, os1)
    lane = lax.iota(jnp.int32, L)
    two = jnp.full((L,), 2, jnp.int32)
    dd = []
    for g in range(8):
        d_vec = lane + (L * g) % D
        dd.append((d_vec // 8, d_vec % 8))

    def in_cp(k, p):
        c = wid + NW * k
        return pltpu.make_async_copy(
            wt_hbm.at[:, :, pl.ds(c * TC, TC)], src[p], isem[p])

    def out_cp(k, p):
        c = wid + NW * k
        return pltpu.make_async_copy(
            buf[p], out_hbm.at[pl.ds(c * 8, 8), :, :], osem[p])

    def transpose_chunk(p):
        def rows(t, rv):
            r_even, r_odd = rv
            for rr in range(0, 8, 2):
                vals = []
                re, ro = r_even, r_odd
                for drr in range(2):
                    for g in range(8):
                        vals.append(plsc.load_gather(
                            src[p], [dd[g][0], dd[g][1],
                                     re if g < 4 else ro]))
                    re, ro = re + two, ro + two
                for drr in range(2):
                    for g in range(8):
                        buf[p][t, rr + drr, pl.ds(L * g, L)] = \
                            vals[8 * drr + g]
                r_even, r_odd = re, ro
            return r_even, r_odd

        rv = (lane * 0, lane * 0 + 1)
        lax.fori_loop(0, 8, rows, rv)

    in_cp(0, 0).start()
    in_cp(1, 1).start()
    for k0 in (0, 1):
        in_cp(k0, k0).wait()
        transpose_chunk(k0)
        out_cp(k0, k0).start()
        in_cp(k0 + 2, k0).start()

    def outer(j, carry):
        for p in (0, 1):
            k = 2 * j + 2 + p
            in_cp(k, p).wait()
            out_cp(k - 2, p).wait()
            transpose_chunk(p)
            out_cp(k, p).start()

            @pl.when(k + 2 < NUNIF)
            def _():
                in_cp(k + 2, p).start()

        return carry

    lax.fori_loop(0, (NUNIF - 2) // 2, outer, 0)

    out_cp(NUNIF - 2, 0).wait()
    out_cp(NUNIF - 1, 1).wait()

    @pl.when(wid < NFULL - NW * NUNIF)
    def _():
        c = NW * NUNIF + wid
        pltpu.sync_copy(wt_hbm.at[:, :, pl.ds(c * TC, TC)], src0)
        transpose_chunk(0)
        pltpu.sync_copy(buf0, out_hbm.at[pl.ds(c * 8, 8), :, :])

    @pl.when(wid == NFULL - NW * NUNIF)
    def _():
        pltpu.sync_copy(tail_hbm, src0.at[pl.ds(0, 4), :, :])
        pltpu.sync_copy(src0.at[pl.ds(0, 4), :, :],
                        out_hbm.at[pl.ds(NFULL * 8, 4), :, :])


def kernel(x, weight):
    wt3 = weight.T.reshape(8, 8, VOCAB)
    tail3 = weight[VOCAB - TAILC:].reshape(4, 8, 2 * D)
    table = _sc_transpose(wt3, tail3).reshape(VOCAB, D)
    out = _sc_gather(x, table)
    return out[:, :D].reshape(BATCH, HIST, D)

# --- scband reference (transcript-rebuilt; emitter-appended) ---
"""Pipeline reference for scband-vocab-parallel-embedding-17437567221990 (READ-ONLY COPY).

The authoritative reference and input builder live on the scoring server;
editing this copy changes nothing except your own understanding.
"""

import jax, jax.numpy as jnp
import numpy as np

VOCAB = 1000000
EMBED_DIM = 64
BATCH = 4096
HIST = 200

def setup_inputs(seed: int = 0) -> dict:
    key = jax.random.key(seed)
    k1, k2 = jax.random.split(key)
    x = jax.random.randint(k1, (BATCH, HIST), 0, VOCAB, dtype=jnp.int64 if jax.config.jax_enable_x64 else jnp.int32)
    weight = jax.random.normal(k2, (VOCAB, EMBED_DIM), dtype=jnp.float32) * 0.02
    return {"x": x, "weight": weight}

def reference(x, weight):
    # F.embedding(x, weight) -> gather rows of weight at indices x
    y = jnp.take(weight, x, axis=0)
    return y

if __name__ == "__main__":
    import jax
    _d = setup_inputs()
    print(jax.jit(kernel)(*tuple(_d.values())))

</pallas_src>

<mosaic_0001>
#map = affine_map<(d0, d1) -> (0, 0, 0)>
module attributes {stable_mosaic.version = 14 : i64} {
  func.func @_sc_transpose(%arg0: i32, %arg1: i32, %arg2: memref<8x8x1000000xf32, #tpu.memory_space<hbm>>, %arg3: memref<4x8x128xf32, #tpu.memory_space<hbm>>, %arg4: memref<62500x8x128xf32, #tpu.memory_space<hbm>>, %arg5: memref<8x8x128xf32, #tpu.memory_space<vmem>>, %arg6: memref<8x8x128xf32, #tpu.memory_space<vmem>>, %arg7: memref<8x8x128xf32, #tpu.memory_space<vmem>>, %arg8: memref<8x8x128xf32, #tpu.memory_space<vmem>>, %arg9: memref<!tpu.dma_semaphore, #tpu.memory_space<semaphore_mem>>, %arg10: memref<!tpu.dma_semaphore, #tpu.memory_space<semaphore_mem>>, %arg11: memref<!tpu.dma_semaphore, #tpu.memory_space<semaphore_mem>>, %arg12: memref<!tpu.dma_semaphore, #tpu.memory_space<semaphore_mem>>) attributes {dimension_semantics = [#tpu.dimension_semantics<core_parallel>, #tpu.dimension_semantics<subcore_parallel>], iteration_bounds = array<i64: 2, 16>, scalar_prefetch = 0 : i64, scratch_operands = 8 : i64, tpu.core_type = #tpu.core_type<sc_vector_subcore>, window_params = [{transform_indices = #map}, {transform_indices = #map}, {transform_indices = #map}]} {
    %mul3A = arith.constant 2 : i32
    %mul3A_0 = arith.muli %arg1, %mul3A : i32
    %add3A = arith.addi %mul3A_0, %arg0 : i32
    %iota3A = tpu.iota {dimensions = array<i32: 0>} : vector<16xi32>
    %broadcast_in_dim3A = arith.constant 2 : i32
    %broadcast_in_dim3A_1 = vector.broadcast %broadcast_in_dim3A : i32 to vector<16xi32>
    %add3A_2 = arith.constant 0 : i32
    %add3A_3 = vector.broadcast %add3A_2 : i32 to vector<16xi32>
    %add3A_4 = arith.addi %iota3A, %add3A_3 : vector<16xi32>
    %jit3A = arith.constant 8 : i32
    %div3A = vector.broadcast %jit3A : i32 to vector<16xi32>
    %div3A_5 = arith.divsi %add3A_4, %div3A : vector<16xi32>
    %sign3A = arith.constant 0 : i32
    %sign3A_6 = vector.broadcast %sign3A : i32 to vector<16xi32>
    %sign3A_7 = arith.cmpi sgt, %add3A_4, %sign3A_6 : vector<16xi32>
    %sign3A_8 = arith.extui %sign3A_7 : vector<16xi1> to vector<16xi32>
    %sign3A_9 = arith.constant 0 : i32
    %sign3A_10 = vector.broadcast %sign3A_9 : i32 to vector<16xi32>
    %sign3A_11 = arith.cmpi slt, %add3A_4, %sign3A_10 : vector<16xi32>
    %sign3A_12 = arith.extui %sign3A_11 : vector<16xi1> to vector<16xi32>
    %sign3A_13 = arith.subi %sign3A_8, %sign3A_12 : vector<16xi32>
    %sign3A_14 = arith.constant 0 : i32
    %sign3A_15 = arith.cmpi sgt, %jit3A, %sign3A_14 : i32
    %sign3A_16 = arith.extui %sign3A_15 : i1 to i32
    %sign3A_17 = arith.constant 0 : i32
    %sign3A_18 = arith.cmpi slt, %jit3A, %sign3A_17 : i32
    %sign3A_19 = arith.extui %sign3A_18 : i1 to i32
    %sign3A_20 = arith.subi %sign3A_16, %sign3A_19 : i32
    %ne3A = vector.broadcast %sign3A_20 : i32 to vector<16xi32>
    %ne3A_21 = arith.cmpi ne, %sign3A_13, %ne3A : vector<16xi32>
    %rem3A = vector.broadcast %jit3A : i32 to vector<16xi32>
    %rem3A_22 = arith.remsi %add3A_4, %rem3A : vector<16xi32>
    %ne3A_23 = arith.constant 0 : i32
    %ne3A_24 = vector.broadcast %ne3A_23 : i32 to vector<16xi32>
    %ne3A_25 = arith.cmpi ne, %rem3A_22, %ne3A_24 : vector<16xi32>
    %and3A = arith.andi %ne3A_21, %ne3A_25 : vector<16xi1>
    %sub3A = arith.constant 1 : i32
    %sub3A_26 = vector.broadcast %sub3A : i32 to vector<16xi32>
    %sub3A_27 = arith.subi %div3A_5, %sub3A_26 : vector<16xi32>
    %select_n3A = arith.select %and3A, %sub3A_27, %div3A_5 : vector<16xi1>, vector<16xi32>
    %jit3A_28 = arith.constant 8 : i32
    %eq3A = arith.constant 0 : i32
    %eq3A_29 = arith.cmpi eq, %jit3A_28, %eq3A : i32
    %jit3A_30 = arith.constant 1 : i32
    %select_n3A_31 = arith.select %eq3A_29, %jit3A_30, %jit3A_28 : i32
    %rem3A_32 = vector.broadcast %select_n3A_31 : i32 to vector<16xi32>
    %rem3A_33 = arith.remsi %add3A_4, %rem3A_32 : vector<16xi32>
    %ne3A_34 = arith.constant 0 : i32
    %ne3A_35 = vector.broadcast %ne3A_34 : i32 to vector<16xi32>
    %ne3A_36 = arith.cmpi ne, %rem3A_33, %ne3A_35 : vector<16xi32>
    %lt3A = arith.constant 0 : i32
    %lt3A_37 = vector.broadcast %lt3A : i32 to vector<16xi32>
    %lt3A_38 = arith.cmpi slt, %rem3A_33, %lt3A_37 : vector<16xi32>
    %lt3A_39 = arith.constant 0 : i32
    %lt3A_40 = arith.cmpi slt, %select_n3A_31, %lt3A_39 : i32
    %ne3A_41 = vector.broadcast %lt3A_40 : i1 to vector<16xi1>
    %ne3A_42 = vector.broadcast %ne3A_41 : vector<16xi1> to vector<16xi1>
    %ne3A_43 = arith.xori %lt3A_38, %ne3A_42 : vector<16xi1>
    %and3A_44 = arith.andi %ne3A_43, %ne3A_36 : vector<16xi1>
    %add3A_45 = vector.broadcast %select_n3A_31 : i32 to vector<16xi32>
    %add3A_46 = arith.addi %rem3A_33, %add3A_45 : vector<16xi32>
    %select_n3A_47 = arith.select %and3A_44, %add3A_46, %rem3A_33 : vector<16xi1>, vector<16xi32>
    %add3A_48 = arith.constant 16 : i32
    %add3A_49 = vector.broadcast %add3A_48 : i32 to vector<16xi32>
    %add3A_50 = arith.addi %iota3A, %add3A_49 : vector<16xi32>
    %jit3A_51 = arith.constant 8 : i32
    %div3A_52 = vector.broadcast %jit3A_51 : i32 to vector<16xi32>
    %div3A_53 = arith.divsi %add3A_50, %div3A_52 : vector<16xi32>
    %sign3A_54 = arith.constant 0 : i32
    %sign3A_55 = vector.broadcast %sign3A_54 : i32 to vector<16xi32>
    %sign3A_56 = arith.cmpi sgt, %add3A_50, %sign3A_55 : vector<16xi32>
    %sign3A_57 = arith.extui %sign3A_56 : vector<16xi1> to vector<16xi32>
    %sign3A_58 = arith.constant 0 : i32
    %sign3A_59 = vector.broadcast %sign3A_58 : i32 to vector<16xi32>
    %sign3A_60 = arith.cmpi slt, %add3A_50, %sign3A_59 : vector<16xi32>
    %sign3A_61 = arith.extui %sign3A_60 : vector<16xi1> to vector<16xi32>
    %sign3A_62 = arith.subi %sign3A_57, %sign3A_61 : vector<16xi32>
    %sign3A_63 = arith.constant 0 : i32
    %sign3A_64 = arith.cmpi sgt, %jit3A_51, %sign3A_63 : i32
    %sign3A_65 = arith.extui %sign3A_64 : i1 to i32
    %sign3A_66 = arith.constant 0 : i32
    %sign3A_67 = arith.cmpi slt, %jit3A_51, %sign3A_66 : i32
    %sign3A_68 = arith.extui %sign3A_67 : i1 to i32
    %sign3A_69 = arith.subi %sign3A_65, %sign3A_68 : i32
    %ne3A_70 = vector.broadcast %sign3A_69 : i32 to vector<16xi32>
    %ne3A_71 = arith.cmpi ne, %sign3A_62, %ne3A_70 : vector<16xi32>
    %rem3A_72 = vector.broadcast %jit3A_51 : i32 to vector<16xi32>
    %rem3A_73 = arith.remsi %add3A_50, %rem3A_72 : vector<16xi32>
    %ne3A_74 = arith.constant 0 : i32
    %ne3A_75 = vector.broadcast %ne3A_74 : i32 to vector<16xi32>
    %ne3A_76 = arith.cmpi ne, %rem3A_73, %ne3A_75 : vector<16xi32>
    %and3A_77 = arith.andi %ne3A_71, %ne3A_76 : vector<16xi1>
    %sub3A_78 = arith.constant 1 : i32
    %sub3A_79 = vector.broadcast %sub3A_78 : i32 to vector<16xi32>
    %sub3A_80 = arith.subi %div3A_53, %sub3A_79 : vector<16xi32>
    %select_n3A_81 = arith.select %and3A_77, %sub3A_80, %div3A_53 : vector<16xi1>, vector<16xi32>
    %jit3A_82 = arith.constant 8 : i32
    %eq3A_83 = arith.constant 0 : i32
    %eq3A_84 = arith.cmpi eq, %jit3A_82, %eq3A_83 : i32
    %jit3A_85 = arith.constant 1 : i32
    %select_n3A_86 = arith.select %eq3A_84, %jit3A_85, %jit3A_82 : i32
    %rem3A_87 = vector.broadcast %select_n3A_86 : i32 to vector<16xi32>
    %rem3A_88 = arith.remsi %add3A_50, %rem3A_87 : vector<16xi32>
    %ne3A_89 = arith.constant 0 : i32
    %ne3A_90 = vector.broadcast %ne3A_89 : i32 to vector<16xi32>
    %ne3A_91 = arith.cmpi ne, %rem3A_88, %ne3A_90 : vector<16xi32>
    %lt3A_92 = arith.constant 0 : i32
    %lt3A_93 = vector.broadcast %lt3A_92 : i32 to vector<16xi32>
    %lt3A_94 = arith.cmpi slt, %rem3A_88, %lt3A_93 : vector<16xi32>
    %lt3A_95 = arith.constant 0 : i32
    %lt3A_96 = arith.cmpi slt, %select_n3A_86, %lt3A_95 : i32
    %ne3A_97 = vector.broadcast %lt3A_96 : i1 to vector<16xi1>
    %ne3A_98 = vector.broadcast %ne3A_97 : vector<16xi1> to vector<16xi1>
    %ne3A_99 = arith.xori %lt3A_94, %ne3A_98 : vector<16xi1>
    %and3A_100 = arith.andi %ne3A_99, %ne3A_91 : vector<16xi1>
    %add3A_101 = vector.broadcast %select_n3A_86 : i32 to vector<16xi32>
    %add3A_102 = arith.addi %rem3A_88, %add3A_101 : vector<16xi32>
    %select_n3A_103 = arith.select %and3A_100, %add3A_102, %rem3A_88 : vector<16xi1>, vector<16xi32>
    %add3A_104 = arith.constant 32 : i32
    %add3A_105 = vector.broadcast %add3A_104 : i32 to vector<16xi32>
    %add3A_106 = arith.addi %iota3A, %add3A_105 : vector<16xi32>
    %jit3A_107 = arith.constant 8 : i32
    %div3A_108 = vector.broadcast %jit3A_107 : i32 to vector<16xi32>
    %div3A_109 = arith.divsi %add3A_106, %div3A_108 : vector<16xi32>
    %sign3A_110 = arith.constant 0 : i32
    %sign3A_111 = vector.broadcast %sign3A_110 : i32 to vector<16xi32>
    %sign3A_112 = arith.cmpi sgt, %add3A_106, %sign3A_111 : vector<16xi32>
    %sign3A_113 = arith.extui %sign3A_112 : vector<16xi1> to vector<16xi32>
    %sign3A_114 = arith.constant 0 : i32
    %sign3A_115 = vector.broadcast %sign3A_114 : i32 to vector<16xi32>
    %sign3A_116 = arith.cmpi slt, %add3A_106, %sign3A_115 : vector<16xi32>
    %sign3A_117 = arith.extui %sign3A_116 : vector<16xi1> to vector<16xi32>
    %sign3A_118 = arith.subi %sign3A_113, %sign3A_117 : vector<16xi32>
    %sign3A_119 = arith.constant 0 : i32
    %sign3A_120 = arith.cmpi sgt, %jit3A_107, %sign3A_119 : i32
    %sign3A_121 = arith.extui %sign3A_120 : i1 to i32
    %sign3A_122 = arith.constant 0 : i32
    %sign3A_123 = arith.cmpi slt, %jit3A_107, %sign3A_122 : i32
    %sign3A_124 = arith.extui %sign3A_123 : i1 to i32
    %sign3A_125 = arith.subi %sign3A_121, %sign3A_124 : i32
    %ne3A_126 = vector.broadcast %sign3A_125 : i32 to vector<16xi32>
    %ne3A_127 = arith.cmpi ne, %sign3A_118, %ne3A_126 : vector<16xi32>
    %rem3A_128 = vector.broadcast %jit3A_107 : i32 to vector<16xi32>
    %rem3A_129 = arith.remsi %add3A_106, %rem3A_128 : vector<16xi32>
    %ne3A_130 = arith.constant 0 : i32
    %ne3A_131 = vector.broadcast %ne3A_130 : i32 to vector<16xi32>
    %ne3A_132 = arith.cmpi ne, %rem3A_129, %ne3A_131 : vector<16xi32>
    %and3A_133 = arith.andi %ne3A_127, %ne3A_132 : vector<16xi1>
    %sub3A_134 = arith.constant 1 : i32
    %sub3A_135 = vector.broadcast %sub3A_134 : i32 to vector<16xi32>
    %sub3A_136 = arith.subi %div3A_109, %sub3A_135 : vector<16xi32>
    %select_n3A_137 = arith.select %and3A_133, %sub3A_136, %div3A_109 : vector<16xi1>, vector<16xi32>
    %jit3A_138 = arith.constant 8 : i32
    %eq3A_139 = arith.constant 0 : i32
    %eq3A_140 = arith.cmpi eq, %jit3A_138, %eq3A_139 : i32
    %jit3A_141 = arith.constant 1 : i32
    %select_n3A_142 = arith.select %eq3A_140, %jit3A_141, %jit3A_138 : i32
    %rem3A_143 = vector.broadcast %select_n3A_142 : i32 to vector<16xi32>
    %rem3A_144 = arith.remsi %add3A_106, %rem3A_143 : vector<16xi32>
    %ne3A_145 = arith.constant 0 : i32
    %ne3A_146 = vector.broadcast %ne3A_145 : i32 to vector<16xi32>
    %ne3A_147 = arith.cmpi ne, %rem3A_144, %ne3A_146 : vector<16xi32>
    %lt3A_148 = arith.constant 0 : i32
    %lt3A_149 = vector.broadcast %lt3A_148 : i32 to vector<16xi32>
    %lt3A_150 = arith.cmpi slt, %rem3A_144, %lt3A_149 : vector<16xi32>
    %lt3A_151 = arith.constant 0 : i32
    %lt3A_152 = arith.cmpi slt, %select_n3A_142, %lt3A_151 : i32
    %ne3A_153 = vector.broadcast %lt3A_152 : i1 to vector<16xi1>
    %ne3A_154 = vector.broadcast %ne3A_153 : vector<16xi1> to vector<16xi1>
    %ne3A_155 = arith.xori %lt3A_150, %ne3A_154 : vector<16xi1>
    %and3A_156 = arith.andi %ne3A_155, %ne3A_147 : vector<16xi1>
    %add3A_157 = vector.broadcast %select_n3A_142 : i32 to vector<16xi32>
    %add3A_158 = arith.addi %rem3A_144, %add3A_157 : vector<16xi32>
    %select_n3A_159 = arith.select %and3A_156, %add3A_158, %rem3A_144 : vector<16xi1>, vector<16xi32>
    %add3A_160 = arith.constant 48 : i32
    %add3A_161 = vector.broadcast %add3A_160 : i32 to vector<16xi32>
    %add3A_162 = arith.addi %iota3A, %add3A_161 : vector<16xi32>
    %jit3A_163 = arith.constant 8 : i32
    %div3A_164 = vector.broadcast %jit3A_163 : i32 to vector<16xi32>
    %div3A_165 = arith.divsi %add3A_162, %div3A_164 : vector<16xi32>
    %sign3A_166 = arith.constant 0 : i32
    %sign3A_167 = vector.broadcast %sign3A_166 : i32 to vector<16xi32>
    %sign3A_168 = arith.cmpi sgt, %add3A_162, %sign3A_167 : vector<16xi32>
    %sign3A_169 = arith.extui %sign3A_168 : vector<16xi1> to vector<16xi32>
    %sign3A_170 = arith.constant 0 : i32
    %sign3A_171 = vector.broadcast %sign3A_170 : i32 to vector<16xi32>
    %sign3A_172 = arith.cmpi slt, %add3A_162, %sign3A_171 : vector<16xi32>
    %sign3A_173 = arith.extui %sign3A_172 : vector<16xi1> to vector<16xi32>
    %sign3A_174 = arith.subi %sign3A_169, %sign3A_173 : vector<16xi32>
    %sign3A_175 = arith.constant 0 : i32
    %sign3A_176 = arith.cmpi sgt, %jit3A_163, %sign3A_175 : i32
    %sign3A_177 = arith.extui %sign3A_176 : i1 to i32
    %sign3A_178 = arith.constant 0 : i32
    %sign3A_179 = arith.cmpi slt, %jit3A_163, %sign3A_178 : i32
    %sign3A_180 = arith.extui %sign3A_179 : i1 to i32
    %sign3A_181 = arith.subi %sign3A_177, %sign3A_180 : i32
    %ne3A_182 = vector.broadcast %sign3A_181 : i32 to vector<16xi32>
    %ne3A_183 = arith.cmpi ne, %sign3A_174, %ne3A_182 : vector<16xi32>
    %rem3A_184 = vector.broadcast %jit3A_163 : i32 to vector<16xi32>
    %rem3A_185 = arith.remsi %add3A_162, %rem3A_184 : vector<16xi32>
    %ne3A_186 = arith.constant 0 : i32
    %ne3A_187 = vector.broadcast %ne3A_186 : i32 to vector<16xi32>
    %ne3A_188 = arith.cmpi ne, %rem3A_185, %ne3A_187 : vector<16xi32>
    %and3A_189 = arith.andi %ne3A_183, %ne3A_188 : vector<16xi1>
    %sub3A_190 = arith.constant 1 : i32
    %sub3A_191 = vector.broadcast %sub3A_190 : i32 to vector<16xi32>
    %sub3A_192 = arith.subi %div3A_165, %sub3A_191 : vector<16xi32>
    %select_n3A_193 = arith.select %and3A_189, %sub3A_192, %div3A_165 : vector<16xi1>, vector<16xi32>
    %jit3A_194 = arith.constant 8 : i32
    %eq3A_195 = arith.constant 0 : i32
    %eq3A_196 = arith.cmpi eq, %jit3A_194, %eq3A_195 : i32
    %jit3A_197 = arith.constant 1 : i32
    %select_n3A_198 = arith.select %eq3A_196, %jit3A_197, %jit3A_194 : i32
    %rem3A_199 = vector.broadcast %select_n3A_198 : i32 to vector<16xi32>
    %rem3A_200 = arith.remsi %add3A_162, %rem3A_199 : vector<16xi32>
    %ne3A_201 = arith.constant 0 : i32
    %ne3A_202 = vector.broadcast %ne3A_201 : i32 to vector<16xi32>
    %ne3A_203 = arith.cmpi ne, %rem3A_200, %ne3A_202 : vector<16xi32>
    %lt3A_204 = arith.constant 0 : i32
    %lt3A_205 = vector.broadcast %lt3A_204 : i32 to vector<16xi32>
    %lt3A_206 = arith.cmpi slt, %rem3A_200, %lt3A_205 : vector<16xi32>
    %lt3A_207 = arith.constant 0 : i32
    %lt3A_208 = arith.cmpi slt, %select_n3A_198, %lt3A_207 : i32
    %ne3A_209 = vector.broadcast %lt3A_208 : i1 to vector<16xi1>
    %ne3A_210 = vector.broadcast %ne3A_209 : vector<16xi1> to vector<16xi1>
    %ne3A_211 = arith.xori %lt3A_206, %ne3A_210 : vector<16xi1>
    %and3A_212 = arith.andi %ne3A_211, %ne3A_203 : vector<16xi1>
    %add3A_213 = vector.broadcast %select_n3A_198 : i32 to vector<16xi32>
    %add3A_214 = arith.addi %rem3A_200, %add3A_213 : vector<16xi32>
    %select_n3A_215 = arith.select %and3A_212, %add3A_214, %rem3A_200 : vector<16xi1>, vector<16xi32>
    %add3A_216 = arith.constant 0 : i32
    %add3A_217 = vector.broadcast %add3A_216 : i32 to vector<16xi32>
    %add3A_218 = arith.addi %iota3A, %add3A_217 : vector<16xi32>
    %jit3A_219 = arith.constant 8 : i32
    %div3A_220 = vector.broadcast %jit3A_219 : i32 to vector<16xi32>
    %div3A_221 = arith.divsi %add3A_218, %div3A_220 : vector<16xi32>
    %sign3A_222 = arith.constant 0 : i32
    %sign3A_223 = vector.broadcast %sign3A_222 : i32 to vector<16xi32>
    %sign3A_224 = arith.cmpi sgt, %add3A_218, %sign3A_223 : vector<16xi32>
    %sign3A_225 = arith.extui %sign3A_224 : vector<16xi1> to vector<16xi32>
    %sign3A_226 = arith.constant 0 : i32
    %sign3A_227 = vector.broadcast %sign3A_226 : i32 to vector<16xi32>
    %sign3A_228 = arith.cmpi slt, %add3A_218, %sign3A_227 : vector<16xi32>
    %sign3A_229 = arith.extui %sign3A_228 : vector<16xi1> to vector<16xi32>
    %sign3A_230 = arith.subi %sign3A_225, %sign3A_229 : vector<16xi32>
    %sign3A_231 = arith.constant 0 : i32
    %sign3A_232 = arith.cmpi sgt, %jit3A_219, %sign3A_231 : i32
    %sign3A_233 = arith.extui %sign3A_232 : i1 to i32
    %sign3A_234 = arith.constant 0 : i32
    %sign3A_235 = arith.cmpi slt, %jit3A_219, %sign3A_234 : i32
    %sign3A_236 = arith.extui %sign3A_235 : i1 to i32
    %sign3A_237 = arith.subi %sign3A_233, %sign3A_236 : i32
    %ne3A_238 = vector.broadcast %sign3A_237 : i32 to vector<16xi32>
    %ne3A_239 = arith.cmpi ne, %sign3A_230, %ne3A_238 : vector<16xi32>
    %rem3A_240 = vector.broadcast %jit3A_219 : i32 to vector<16xi32>
    %rem3A_241 = arith.remsi %add3A_218, %rem3A_240 : vector<16xi32>
    %ne3A_242 = arith.constant 0 : i32
    %ne3A_243 = vector.broadcast %ne3A_242 : i32 to vector<16xi32>
    %ne3A_244 = arith.cmpi ne, %rem3A_241, %ne3A_243 : vector<16xi32>
    %and3A_245 = arith.andi %ne3A_239, %ne3A_244 : vector<16xi1>
    %sub3A_246 = arith.constant 1 : i32
    %sub3A_247 = vector.broadcast %sub3A_246 : i32 to vector<16xi32>
    %sub3A_248 = arith.subi %div3A_221, %sub3A_247 : vector<16xi32>
    %select_n3A_249 = arith.select %and3A_245, %sub3A_248, %div3A_221 : vector<16xi1>, vector<16xi32>
    %jit3A_250 = arith.constant 8 : i32
    %eq3A_251 = arith.constant 0 : i32
    %eq3A_252 = arith.cmpi eq, %jit3A_250, %eq3A_251 : i32
    %jit3A_253 = arith.constant 1 : i32
    %select_n3A_254 = arith.select %eq3A_252, %jit3A_253, %jit3A_250 : i32
    %rem3A_255 = vector.broadcast %select_n3A_254 : i32 to vector<16xi32>
    %rem3A_256 = arith.remsi %add3A_218, %rem3A_255 : vector<16xi32>
    %ne3A_257 = arith.constant 0 : i32
    %ne3A_258 = vector.broadcast %ne3A_257 : i32 to vector<16xi32>
    %ne3A_259 = arith.cmpi ne, %rem3A_256, %ne3A_258 : vector<16xi32>
    %lt3A_260 = arith.constant 0 : i32
    %lt3A_261 = vector.broadcast %lt3A_260 : i32 to vector<16xi32>
    %lt3A_262 = arith.cmpi slt, %rem3A_256, %lt3A_261 : vector<16xi32>
    %lt3A_263 = arith.constant 0 : i32
    %lt3A_264 = arith.cmpi slt, %select_n3A_254, %lt3A_263 : i32
    %ne3A_265 = vector.broadcast %lt3A_264 : i1 to vector<16xi1>
    %ne3A_266 = vector.broadcast %ne3A_265 : vector<16xi1> to vector<16xi1>
    %ne3A_267 = arith.xori %lt3A_262, %ne3A_266 : vector<16xi1>
    %and3A_268 = arith.andi %ne3A_267, %ne3A_259 : vector<16xi1>
    %add3A_269 = vector.broadcast %select_n3A_254 : i32 to vector<16xi32>
    %add3A_270 = arith.addi %rem3A_256, %add3A_269 : vector<16xi32>
    %select_n3A_271 = arith.select %and3A_268, %add3A_270, %rem3A_256 : vector<16xi1>, vector<16xi32>
    %add3A_272 = arith.constant 16 : i32
    %add3A_273 = vector.broadcast %add3A_272 : i32 to vector<16xi32>
    %add3A_274 = arith.addi %iota3A, %add3A_273 : vector<16xi32>
    %jit3A_275 = arith.constant 8 : i32
    %div3A_276 = vector.broadcast %jit3A_275 : i32 to vector<16xi32>
    %div3A_277 = arith.divsi %add3A_274, %div3A_276 : vector<16xi32>
    %sign3A_278 = arith.constant 0 : i32
    %sign3A_279 = vector.broadcast %sign3A_278 : i32 to vector<16xi32>
    %sign3A_280 = arith.cmpi sgt, %add3A_274, %sign3A_279 : vector<16xi32>
    %sign3A_281 = arith.extui %sign3A_280 : vector<16xi1> to vector<16xi32>
    %sign3A_282 = arith.constant 0 : i32
    %sign3A_283 = vector.broadcast %sign3A_282 : i32 to vector<16xi32>
    %sign3A_284 = arith.cmpi slt, %add3A_274, %sign3A_283 : vector<16xi32>
    %sign3A_285 = arith.extui %sign3A_284 : vector<16xi1> to vector<16xi32>
    %sign3A_286 = arith.subi %sign3A_281, %sign3A_285 : vector<16xi32>
    %sign3A_287 = arith.constant 0 : i32
    %sign3A_288 = arith.cmpi sgt, %jit3A_275, %sign3A_287 : i32
    %sign3A_289 = arith.extui %sign3A_288 : i1 to i32
    %sign3A_290 = arith.constant 0 : i32
    %sign3A_291 = arith.cmpi slt, %jit3A_275, %sign3A_290 : i32
    %sign3A_292 = arith.extui %sign3A_291 : i1 to i32
    %sign3A_293 = arith.subi %sign3A_289, %sign3A_292 : i32
    %ne3A_294 = vector.broadcast %sign3A_293 : i32 to vector<16xi32>
    %ne3A_295 = arith.cmpi ne, %sign3A_286, %ne3A_294 : vector<16xi32>
    %rem3A_296 = vector.broadcast %jit3A_275 : i32 to vector<16xi32>
    %rem3A_297 = arith.remsi %add3A_274, %rem3A_296 : vector<16xi32>
    %ne3A_298 = arith.constant 0 : i32
    %ne3A_299 = vector.broadcast %ne3A_298 : i32 to vector<16xi32>
    %ne3A_300 = arith.cmpi ne, %rem3A_297, %ne3A_299 : vector<16xi32>
    %and3A_301 = arith.andi %ne3A_295, %ne3A_300 : vector<16xi1>
    %sub3A_302 = arith.constant 1 : i32
    %sub3A_303 = vector.broadcast %sub3A_302 : i32 to vector<16xi32>
    %sub3A_304 = arith.subi %div3A_277, %sub3A_303 : vector<16xi32>
    %select_n3A_305 = arith.select %and3A_301, %sub3A_304, %div3A_277 : vector<16xi1>, vector<16xi32>
    %jit3A_306 = arith.constant 8 : i32
    %eq3A_307 = arith.constant 0 : i32
    %eq3A_308 = arith.cmpi eq, %jit3A_306, %eq3A_307 : i32
    %jit3A_309 = arith.constant 1 : i32
    %select_n3A_310 = arith.select %eq3A_308, %jit3A_309, %jit3A_306 : i32
    %rem3A_311 = vector.broadcast %select_n3A_310 : i32 to vector<16xi32>
    %rem3A_312 = arith.remsi %add3A_274, %rem3A_311 : vector<16xi32>
    %ne3A_313 = arith.constant 0 : i32
    %ne3A_314 = vector.broadcast %ne3A_313 : i32 to vector<16xi32>
    %ne3A_315 = arith.cmpi ne, %rem3A_312, %ne3A_314 : vector<16xi32>
    %lt3A_316 = arith.constant 0 : i32
    %lt3A_317 = vector.broadcast %lt3A_316 : i32 to vector<16xi32>
    %lt3A_318 = arith.cmpi slt, %rem3A_312, %lt3A_317 : vector<16xi32>
    %lt3A_319 = arith.constant 0 : i32
    %lt3A_320 = arith.cmpi slt, %select_n3A_310, %lt3A_319 : i32
    %ne3A_321 = vector.broadcast %lt3A_320 : i1 to vector<16xi1>
    %ne3A_322 = vector.broadcast %ne3A_321 : vector<16xi1> to vector<16xi1>
    %ne3A_323 = arith.xori %lt3A_318, %ne3A_322 : vector<16xi1>
    %and3A_324 = arith.andi %ne3A_323, %ne3A_315 : vector<16xi1>
    %add3A_325 = vector.broadcast %select_n3A_310 : i32 to vector<16xi32>
    %add3A_326 = arith.addi %rem3A_312, %add3A_325 : vector<16xi32>
    %select_n3A_327 = arith.select %and3A_324, %add3A_326, %rem3A_312 : vector<16xi1>, vector<16xi32>
    %add3A_328 = arith.constant 32 : i32
    %add3A_329 = vector.broadcast %add3A_328 : i32 to vector<16xi32>
    %add3A_330 = arith.addi %iota3A, %add3A_329 : vector<16xi32>
    %jit3A_331 = arith.constant 8 : i32
    %div3A_332 = vector.broadcast %jit3A_331 : i32 to vector<16xi32>
    %div3A_333 = arith.divsi %add3A_330, %div3A_332 : vector<16xi32>
    %sign3A_334 = arith.constant 0 : i32
    %sign3A_335 = vector.broadcast %sign3A_334 : i32 to vector<16xi32>
    %sign3A_336 = arith.cmpi sgt, %add3A_330, %sign3A_335 : vector<16xi32>
    %sign3A_337 = arith.extui %sign3A_336 : vector<16xi1> to vector<16xi32>
    %sign3A_338 = arith.constant 0 : i32
    %sign3A_339 = vector.broadcast %sign3A_338 : i32 to vector<16xi32>
    %sign3A_340 = arith.cmpi slt, %add3A_330, %sign3A_339 : vector<16xi32>
    %sign3A_341 = arith.extui %sign3A_340 : vector<16xi1> to vector<16xi32>
    %sign3A_342 = arith.subi %sign3A_337, %sign3A_341 : vector<16xi32>
    %sign3A_343 = arith.constant 0 : i32
    %sign3A_344 = arith.cmpi sgt, %jit3A_331, %sign3A_343 : i32
    %sign3A_345 = arith.extui %sign3A_344 : i1 to i32
    %sign3A_346 = arith.constant 0 : i32
    %sign3A_347 = arith.cmpi slt, %jit3A_331, %sign3A_346 : i32
    %sign3A_348 = arith.extui %sign3A_347 : i1 to i32
    %sign3A_349 = arith.subi %sign3A_345, %sign3A_348 : i32
    %ne3A_350 = vector.broadcast %sign3A_349 : i32 to vector<16xi32>
    %ne3A_351 = arith.cmpi ne, %sign3A_342, %ne3A_350 : vector<16xi32>
    %rem3A_352 = vector.broadcast %jit3A_331 : i32 to vector<16xi32>
    %rem3A_353 = arith.remsi %add3A_330, %rem3A_352 : vector<16xi32>
    %ne3A_354 = arith.constant 0 : i32
    %ne3A_355 = vector.broadcast %ne3A_354 : i32 to vector<16xi32>
    %ne3A_356 = arith.cmpi ne, %rem3A_353, %ne3A_355 : vector<16xi32>
    %and3A_357 = arith.andi %ne3A_351, %ne3A_356 : vector<16xi1>
    %sub3A_358 = arith.constant 1 : i32
    %sub3A_359 = vector.broadcast %sub3A_358 : i32 to vector<16xi32>
    %sub3A_360 = arith.subi %div3A_333, %sub3A_359 : vector<16xi32>
    %select_n3A_361 = arith.select %and3A_357, %sub3A_360, %div3A_333 : vector<16xi1>, vector<16xi32>
    %jit3A_362 = arith.constant 8 : i32
    %eq3A_363 = arith.constant 0 : i32
    %eq3A_364 = arith.cmpi eq, %jit3A_362, %eq3A_363 : i32
    %jit3A_365 = arith.constant 1 : i32
    %select_n3A_366 = arith.select %eq3A_364, %jit3A_365, %jit3A_362 : i32
    %rem3A_367 = vector.broadcast %select_n3A_366 : i32 to vector<16xi32>
    %rem3A_368 = arith.remsi %add3A_330, %rem3A_367 : vector<16xi32>
    %ne3A_369 = arith.constant 0 : i32
    %ne3A_370 = vector.broadcast %ne3A_369 : i32 to vector<16xi32>
    %ne3A_371 = arith.cmpi ne, %rem3A_368, %ne3A_370 : vector<16xi32>
    %lt3A_372 = arith.constant 0 : i32
    %lt3A_373 = vector.broadcast %lt3A_372 : i32 to vector<16xi32>
    %lt3A_374 = arith.cmpi slt, %rem3A_368, %lt3A_373 : vector<16xi32>
    %lt3A_375 = arith.constant 0 : i32
    %lt3A_376 = arith.cmpi slt, %select_n3A_366, %lt3A_375 : i32
    %ne3A_377 = vector.broadcast %lt3A_376 : i1 to vector<16xi1>
    %ne3A_378 = vector.broadcast %ne3A_377 : vector<16xi1> to vector<16xi1>
    %ne3A_379 = arith.xori %lt3A_374, %ne3A_378 : vector<16xi1>
    %and3A_380 = arith.andi %ne3A_379, %ne3A_371 : vector<16xi1>
    %add3A_381 = vector.broadcast %select_n3A_366 : i32 to vector<16xi32>
    %add3A_382 = arith.addi %rem3A_368, %add3A_381 : vector<16xi32>
    %select_n3A_383 = arith.select %and3A_380, %add3A_382, %rem3A_368 : vector<16xi1>, vector<16xi32>
    %add3A_384 = arith.constant 48 : i32
    %add3A_385 = vector.broadcast %add3A_384 : i32 to vector<16xi32>
    %add3A_386 = arith.addi %iota3A, %add3A_385 : vector<16xi32>
    %jit3A_387 = arith.constant 8 : i32
    %div3A_388 = vector.broadcast %jit3A_387 : i32 to vector<16xi32>
    %div3A_389 = arith.divsi %add3A_386, %div3A_388 : vector<16xi32>
    %sign3A_390 = arith.constant 0 : i32
    %sign3A_391 = vector.broadcast %sign3A_390 : i32 to vector<16xi32>
    %sign3A_392 = arith.cmpi sgt, %add3A_386, %sign3A_391 : vector<16xi32>
    %sign3A_393 = arith.extui %sign3A_392 : vector<16xi1> to vector<16xi32>
    %sign3A_394 = arith.constant 0 : i32
    %sign3A_395 = vector.broadcast %sign3A_394 : i32 to vector<16xi32>
    %sign3A_396 = arith.cmpi slt, %add3A_386, %sign3A_395 : vector<16xi32>
    %sign3A_397 = arith.extui %sign3A_396 : vector<16xi1> to vector<16xi32>
    %sign3A_398 = arith.subi %sign3A_393, %sign3A_397 : vector<16xi32>
    %sign3A_399 = arith.constant 0 : i32
    %sign3A_400 = arith.cmpi sgt, %jit3A_387, %sign3A_399 : i32
    %sign3A_401 = arith.extui %sign3A_400 : i1 to i32
    %sign3A_402 = arith.constant 0 : i32
    %sign3A_403 = arith.cmpi slt, %jit3A_387, %sign3A_402 : i32
    %sign3A_404 = arith.extui %sign3A_403 : i1 to i32
    %sign3A_405 = arith.subi %sign3A_401, %sign3A_404 : i32
    %ne3A_406 = vector.broadcast %sign3A_405 : i32 to vector<16xi32>
    %ne3A_407 = arith.cmpi ne, %sign3A_398, %ne3A_406 : vector<16xi32>
    %rem3A_408 = vector.broadcast %jit3A_387 : i32 to vector<16xi32>
    %rem3A_409 = arith.remsi %add3A_386, %rem3A_408 : vector<16xi32>
    %ne3A_410 = arith.constant 0 : i32
    %ne3A_411 = vector.broadcast %ne3A_410 : i32 to vector<16xi32>
    %ne3A_412 = arith.cmpi ne, %rem3A_409, %ne3A_411 : vector<16xi32>
    %and3A_413 = arith.andi %ne3A_407, %ne3A_412 : vector<16xi1>
    %sub3A_414 = arith.constant 1 : i32
    %sub3A_415 = vector.broadcast %sub3A_414 : i32 to vector<16xi32>
    %sub3A_416 = arith.subi %div3A_389, %sub3A_415 : vector<16xi32>
    %select_n3A_417 = arith.select %and3A_413, %sub3A_416, %div3A_389 : vector<16xi1>, vector<16xi32>
    %jit3A_418 = arith.constant 8 : i32
    %eq3A_419 = arith.constant 0 : i32
    %eq3A_420 = arith.cmpi eq, %jit3A_418, %eq3A_419 : i32
    %jit3A_421 = arith.constant 1 : i32
    %select_n3A_422 = arith.select %eq3A_420, %jit3A_421, %jit3A_418 : i32
    %rem3A_423 = vector.broadcast %select_n3A_422 : i32 to vector<16xi32>
    %rem3A_424 = arith.remsi %add3A_386, %rem3A_423 : vector<16xi32>
    %ne3A_425 = arith.constant 0 : i32
    %ne3A_426 = vector.broadcast %ne3A_425 : i32 to vector<16xi32>
    %ne3A_427 = arith.cmpi ne, %rem3A_424, %ne3A_426 : vector<16xi32>
    %lt3A_428 = arith.constant 0 : i32
    %lt3A_429 = vector.broadcast %lt3A_428 : i32 to vector<16xi32>
    %lt3A_430 = arith.cmpi slt, %rem3A_424, %lt3A_429 : vector<16xi32>
    %lt3A_431 = arith.constant 0 : i32
    %lt3A_432 = arith.cmpi slt, %select_n3A_422, %lt3A_431 : i32
    %ne3A_433 = vector.broadcast %lt3A_432 : i1 to vector<16xi1>
    %ne3A_434 = vector.broadcast %ne3A_433 : vector<16xi1> to vector<16xi1>
    %ne3A_435 = arith.xori %lt3A_430, %ne3A_434 : vector<16xi1>
    %and3A_436 = arith.andi %ne3A_435, %ne3A_427 : vector<16xi1>
    %add3A_437 = vector.broadcast %select_n3A_422 : i32 to vector<16xi32>
    %add3A_438 = arith.addi %rem3A_424, %add3A_437 : vector<16xi32>
    %select_n3A_439 = arith.select %and3A_436, %add3A_438, %rem3A_424 : vector<16xi1>, vector<16xi32>
    %add3A_440 = arith.constant 0 : i32
    %add3A_441 = arith.addi %add3A, %add3A_440 : i32
    %mul3A_442 = arith.constant 128 : i32
    %mul3A_443 = arith.muli %add3A_441, %mul3A_442 : i32
    %dma_start3A = arith.constant 0 : i32
    %dma_start3A_444 = arith.constant 0 : i32
    %dma_start3A_445 = tpu.memref_slice %arg2[%dma_start3A, %dma_start3A_444, %mul3A_443] : memref<8x8x1000000xf32, #tpu.memory_space<hbm>> -> memref<8x8x128xf32, #tpu.memory_space<hbm>>
    %dma_start3A_446 = arith.constant 0 : i32
    %dma_start3A_447 = arith.constant 0 : i32
    %dma_start3A_448 = tpu.memref_slice %arg2[%dma_start3A_446, %dma_start3A_447, %mul3A_443] : memref<8x8x1000000xf32, #tpu.memory_space<hbm>> -> memref<8x8x128xf32, #tpu.memory_space<hbm>>
    tpu.enqueue_dma source(%dma_start3A_448 : memref<8x8x128xf32, #tpu.memory_space<hbm>>) target(%arg5 : memref<8x8x128xf32, #tpu.memory_space<vmem>>) target_semaphore(%arg9 : memref<!tpu.dma_semaphore, #tpu.memory_space<semaphore_mem>>)
    %add3A_449 = arith.constant 32 : i32
    %add3A_450 = arith.addi %add3A, %add3A_449 : i32
    %mul3A_451 = arith.constant 128 : i32
    %mul3A_452 = arith.muli %add3A_450, %mul3A_451 : i32
    %dma_start3A_453 = arith.constant 0 : i32
    %dma_start3A_454 = arith.constant 0 : i32
    %dma_start3A_455 = tpu.memref_slice %arg2[%dma_start3A_453, %dma_start3A_454, %mul3A_452] : memref<8x8x1000000xf32, #tpu.memory_space<hbm>> -> memref<8x8x128xf32, #tpu.memory_space<hbm>>
    %dma_start3A_456 = arith.constant 0 : i32
    %dma_start3A_457 = arith.constant 0 : i32
    %dma_start3A_458 = tpu.memref_slice %arg2[%dma_start3A_456, %dma_start3A_457, %mul3A_452] : memref<8x8x1000000xf32, #tpu.memory_space<hbm>> -> memref<8x8x128xf32, #tpu.memory_space<hbm>>
    tpu.enqueue_dma source(%dma_start3A_458 : memref<8x8x128xf32, #tpu.memory_space<hbm>>) target(%arg6 : memref<8x8x128xf32, #tpu.memory_space<vmem>>) target_semaphore(%arg10 : memref<!tpu.dma_semaphore, #tpu.memory_space<semaphore_mem>>)
    %add3A_459 = arith.constant 0 : i32
    %add3A_460 = arith.addi %add3A, %add3A_459 : i32
    %mul3A_461 = arith.constant 128 : i32
    %mul3A_462 = arith.muli %add3A_460, %mul3A_461 : i32
    %dma_wait3A = arith.constant 0 : i32
    %dma_wait3A_463 = arith.constant 0 : i32
    %dma_wait3A_464 = tpu.memref_slice %arg2[%dma_wait3A, %dma_wait3A_463, %mul3A_462] : memref<8x8x1000000xf32, #tpu.memory_space<hbm>> -> memref<8x8x128xf32, #tpu.memory_space<hbm>>
    %dma_wait3A_465 = arith.constant 0 : i32
    %dma_wait3A_466 = arith.constant 0 : i32
    %dma_wait3A_467 = tpu.memref_slice %arg2[%dma_wait3A_465, %dma_wait3A_466, %mul3A_462] : memref<8x8x1000000xf32, #tpu.memory_space<hbm>> -> memref<8x8x128xf32, #tpu.memory_space<hbm>>
    tpu.wait_dma2 semaphore(%arg9 : memref<!tpu.dma_semaphore, #tpu.memory_space<semaphore_mem>>) src(%dma_wait3A_467 : memref<8x8x128xf32, #tpu.memory_space<hbm>>) dst(%arg5 : memref<8x8x128xf32, #tpu.memory_space<vmem>>)
    %mul3A_468 = arith.constant 0 : i32
    %mul3A_469 = vector.broadcast %mul3A_468 : i32 to vector<16xi32>
    %mul3A_470 = arith.muli %iota3A, %mul3A_469 : vector<16xi32>
    %mul3A_471 = arith.constant 0 : i32
    %mul3A_472 = vector.broadcast %mul3A_471 : i32 to vector<16xi32>
    %mul3A_473 = arith.muli %iota3A, %mul3A_472 : vector<16xi32>
    %add3A_474 = arith.constant 1 : i32
    %add3A_475 = vector.broadcast %add3A_474 : i32 to vector<16xi32>
    %add3A_476 = arith.addi %mul3A_473, %add3A_475 : vector<16xi32>
    %scan3A = arith.constant 0 : i32
    %scan3A_477 = arith.constant 8 : i32
    %scan3A_478 = arith.addi %scan3A, %scan3A_477 : i32
    %scan3A_479 = arith.constant 1 : i32
    %scan3A_480:2 = scf.for %scan3A_581 = %scan3A to %scan3A_478 step %scan3A_479 iter_args(%scan3A_582 = %mul3A_470, %scan3A_583 = %add3A_476) -> (vector<16xi32>, vector<16xi32>)  : i32 {
      %gather3A = tpu.vector_load_idx %arg5[%select_n3A, %select_n3A_47, %scan3A_582] : memref<8x8x128xf32, #tpu.memory_space<vmem>>[vector<16xi32>, vector<16xi32>, vector<16xi32>], vector<16xf32>,
      %gather3A_584 = tpu.vector_load_idx %arg5[%select_n3A_81, %select_n3A_103, %scan3A_582] : memref<8x8x128xf32, #tpu.memory_space<vmem>>[vector<16xi32>, vector<16xi32>, vector<16xi32>], vector<16xf32>,
      %gather3A_585 = tpu.vector_load_idx %arg5[%select_n3A_137, %select_n3A_159, %scan3A_582] : memref<8x8x128xf32, #tpu.memory_space<vmem>>[vector<16xi32>, vector<16xi32>, vector<16xi32>], vector<16xf32>,
      %gather3A_586 = tpu.vector_load_idx %arg5[%select_n3A_193, %select_n3A_215, %scan3A_582] : memref<8x8x128xf32, #tpu.memory_space<vmem>>[vector<16xi32>, vector<16xi32>, vector<16xi32>], vector<16xf32>,
      %gather3A_587 = tpu.vector_load_idx %arg5[%select_n3A_249, %select_n3A_271, %scan3A_583] : memref<8x8x128xf32, #tpu.memory_space<vmem>>[vector<16xi32>, vector<16xi32>, vector<16xi32>], vector<16xf32>,
      %gather3A_588 = tpu.vector_load_idx %arg5[%select_n3A_305, %select_n3A_327, %scan3A_583] : memref<8x8x128xf32, #tpu.memory_space<vmem>>[vector<16xi32>, vector<16xi32>, vector<16xi32>], vector<16xf32>,
      %gather3A_589 = tpu.vector_load_idx %arg5[%select_n3A_361, %select_n3A_383, %scan3A_583] : memref<8x8x128xf32, #tpu.memory_space<vmem>>[vector<16xi32>, vector<16xi32>, vector<16xi32>], vector<16xf32>,
      %gather3A_590 = tpu.vector_load_idx %arg5[%select_n3A_417, %select_n3A_439, %scan3A_583] : memref<8x8x128xf32, #tpu.memory_space<vmem>>[vector<16xi32>, vector<16xi32>, vector<16xi32>], vector<16xf32>,
      %add3A_591 = arith.addi %scan3A_582, %broadcast_in_dim3A_1 : vector<16xi32>
      %add3A_592 = arith.addi %scan3A_583, %broadcast_in_dim3A_1 : vector<16xi32>
      %gather3A_593 = tpu.vector_load_idx %arg5[%select_n3A, %select_n3A_47, %add3A_591] : memref<8x8x128xf32, #tpu.memory_space<vmem>>[vector<16xi32>, vector<16xi32>, vector<16xi32>], vector<16xf32>,
      %gather3A_594 = tpu.vector_load_idx %arg5[%select_n3A_81, %select_n3A_103, %add3A_591] : memref<8x8x128xf32, #tpu.memory_space<vmem>>[vector<16xi32>, vector<16xi32>, vector<16xi32>], vector<16xf32>,
      %gather3A_595 = tpu.vector_load_idx %arg5[%select_n3A_137, %select_n3A_159, %add3A_591] : memref<8x8x128xf32, #tpu.memory_space<vmem>>[vector<16xi32>, vector<16xi32>, vector<16xi32>], vector<16xf32>,
      %gather3A_596 = tpu.vector_load_idx %arg5[%select_n3A_193, %select_n3A_215, %add3A_591] : memref<8x8x128xf32, #tpu.memory_space<vmem>>[vector<16xi32>, vector<16xi32>, vector<16xi32>], vector<16xf32>,
      %gather3A_597 = tpu.vector_load_idx %arg5[%select_n3A_249, %select_n3A_271, %add3A_592] : memref<8x8x128xf32, #tpu.memory_space<vmem>>[vector<16xi32>, vector<16xi32>, vector<16xi32>], vector<16xf32>,
      %gather3A_598 = tpu.vector_load_idx %arg5[%select_n3A_305, %select_n3A_327, %add3A_592] : memref<8x8x128xf32, #tpu.memory_space<vmem>>[vector<16xi32>, vector<16xi32>, vector<16xi32>], vector<16xf32>,
      %gather3A_599 = tpu.vector_load_idx %arg5[%select_n3A_361, %select_n3A_383, %add3A_592] : memref<8x8x128xf32, #tpu.memory_space<vmem>>[vector<16xi32>, vector<16xi32>, vector<16xi32>], vector<16xf32>,
      %gather3A_600 = tpu.vector_load_idx %arg5[%select_n3A_417, %select_n3A_439, %add3A_592] : memref<8x8x128xf32, #tpu.memory_space<vmem>>[vector<16xi32>, vector<16xi32>, vector<16xi32>], vector<16xf32>,
      %add3A_601 = arith.addi %add3A_591, %broadcast_in_dim3A_1 : vector<16xi32>
      %add3A_602 = arith.addi %add3A_592, %broadcast_in_dim3A_1 : vector<16xi32>
      %swap3A = arith.constant 0 : i32
      %swap3A_603 = arith.index_cast %scan3A_581 : i32 to index
      %swap3A_604 = arith.index_cast %swap3A : i32 to index
      %swap3A_605 = arith.constant 0 : index
      %swap3A_606 = tpu.vector_load %arg7[%swap3A_603, %swap3A_604, %swap3A_605] {strides = array<i32>} : memref<8x8x128xf32, #tpu.memory_space<vmem>>, vector<16xf32>,
      tpu.vector_store %arg7[%swap3A_603, %swap3A_604, %swap3A_605], %gather3A {strides = array<i32>} : memref<8x8x128xf32, #tpu.memory_space<vmem>>, vector<16xf32>,
      %swap3A_607 = arith.constant 0 : i32
      %swap3A_608 = arith.index_cast %scan3A_581 : i32 to index
      %swap3A_609 = arith.index_cast %swap3A_607 : i32 to index
      %swap3A_610 = arith.constant 16 : index
      %swap3A_611 = tpu.vector_load %arg7[%swap3A_608, %swap3A_609, %swap3A_610] {strides = array<i32>} : memref<8x8x128xf32, #tpu.memory_space<vmem>>, vector<16xf32>,
      tpu.vector_store %arg7[%swap3A_608, %swap3A_609, %swap3A_610], %gather3A_584 {strides = array<i32>} : memref<8x8x128xf32, #tpu.memory_space<vmem>>, vector<16xf32>,
      %swap3A_612 = arith.constant 0 : i32
      %swap3A_613 = arith.index_cast %scan3A_581 : i32 to index
      %swap3A_614 = arith.index_cast %swap3A_612 : i32 to index
      %swap3A_615 = arith.constant 32 : index
      %swap3A_616 = tpu.vector_load %arg7[%swap3A_613, %swap3A_614, %swap3A_615] {strides = array<i32>} : memref<8x8x128xf32, #tpu.memory_space<vmem>>, vector<16xf32>,
      tpu.vector_store %arg7[%swap3A_613, %swap3A_614, %swap3A_615], %gather3A_585 {strides = array<i32>} : memref<8x8x128xf32, #tpu.memory_space<vmem>>, vector<16xf32>,
      %swap3A_617 = arith.constant 0 : i32
      %swap3A_618 = arith.index_cast %scan3A_581 : i32 to index
      %swap3A_619 = arith.index_cast %swap3A_617 : i32 to index
      %swap3A_620 = arith.constant 48 : index
      %swap3A_621 = tpu.vector_load %arg7[%swap3A_618, %swap3A_619, %swap3A_620] {strides = array<i32>} : memref<8x8x128xf32, #tpu.memory_space<vmem>>, vector<16xf32>,
      tpu.vector_store %arg7[%swap3A_618, %swap3A_619, %swap3A_620], %gather3A_586 {strides = array<i32>} : memref<8x8x128xf32, #tpu.memory_space<vmem>>, vector<16xf32>,
      %swap3A_622 = arith.constant 0 : i32
      %swap3A_623 = arith.index_cast %scan3A_581 : i32 to index
      %swap3A_624 = arith.index_cast %swap3A_622 : i32 to index
      %swap3A_625 = arith.constant 64 : index
      %swap3A_626 = tpu.vector_load %arg7[%swap3A_623, %swap3A_624, %swap3A_625] {strides = array<i32>} : memref<8x8x128xf32, #tpu.memory_space<vmem>>, vector<16xf32>,
      tpu.vector_store %arg7[%swap3A_623, %swap3A_624, %swap3A_625], %gather3A_587 {strides = array<i32>} : memref<8x8x128xf32, #tpu.memory_space<vmem>>, vector<16xf32>,
      %swap3A_627 = arith.constant 0 : i32
      %swap3A_628 = arith.index_cast %scan3A_581 : i32 to index
      %swap3A_629 = arith.index_cast %swap3A_627 : i32 to index
      %swap3A_630 = arith.constant 80 : index
      %swap3A_631 = tpu.vector_load %arg7[%swap3A_628, %swap3A_629, %swap3A_630] {strides = array<i32>} : memref<8x8x128xf32, #tpu.memory_space<vmem>>, vector<16xf32>,
      tpu.vector_store %arg7[%swap3A_628, %swap3A_629, %swap3A_630], %gather3A_588 {strides = array<i32>} : memref<8x8x128xf32, #tpu.memory_space<vmem>>, vector<16xf32>,
      %swap3A_632 = arith.constant 0 : i32
      %swap3A_633 = arith.index_cast %scan3A_581 : i32 to index
      %swap3A_634 = arith.index_cast %swap3A_632 : i32 to index
      %swap3A_635 = arith.constant 96 : index
      %swap3A_636 = tpu.vector_load %arg7[%swap3A_633, %swap3A_634, %swap3A_635] {strides = array<i32>} : memref<8x8x128xf32, #tpu.memory_space<vmem>>, vector<16xf32>,
      tpu.vector_store %arg7[%swap3A_633, %swap3A_634, %swap3A_635], %gather3A_589 {strides = array<i32>} : memref<8x8x128xf32, #tpu.memory_space<vmem>>, vector<16xf32>,
      %swap3A_637 = arith.constant 0 : i32
      %swap3A_638 = arith.index_cast %scan3A_581 : i32 to index
      %swap3A_639 = arith.index_cast %swap3A_637 : i32 to index
      %swap3A_640 = arith.constant 112 : index
      %swap3A_641 = tpu.vector_load %arg7[%swap3A_638, %swap3A_639, %swap3A_640] {strides = array<i32>} : memref<8x8x128xf32, #tpu.memory_space<vmem>>, vector<16xf32>,
      tpu.vector_store %arg7[%swap3A_638, %swap3A_639, %swap3A_640], %gather3A_590 {strides = array<i32>} : memref<8x8x128xf32, #tpu.memory_space<vmem>>, vector<16xf32>,
      %swap3A_642 = arith.constant 1 : i32
      %swap3A_643 = arith.index_cast %scan3A_581 : i32 to index
      %swap3A_644 = arith.index_cast %swap3A_642 : i32 to index
      %swap3A_645 = arith.constant 0 : index
      %swap3A_646 = tpu.vector_load %arg7[%swap3A_643, %swap3A_644, %swap3A_645] {strides = array<i32>} : memref<8x8x128xf32, #tpu.memory_space<vmem>>, vector<16xf32>,
      tpu.vector_store %arg7[%swap3A_643, %swap3A_644, %swap3A_645], %gather3A_593 {strides = array<i32>} : memref<8x8x128xf32, #tpu.memory_space<vmem>>, vector<16xf32>,
      %swap3A_647 = arith.constant 1 : i32
      %swap3A_648 = arith.index_cast %scan3A_581 : i32 to index
      %swap3A_649 = arith.index_cast %swap3A_647 : i32 to index
      %swap3A_650 = arith.constant 16 : index
      %swap3A_651 = tpu.vector_load %arg7[%swap3A_648, %swap3A_649, %swap3A_650] {strides = array<i32>} : memref<8x8x128xf32, #tpu.memory_space<vmem>>, vector<16xf32>,
      tpu.vector_store %arg7[%swap3A_648, %swap3A_649, %swap3A_650], %gather3A_594 {strides = array<i32>} : memref<8x8x128xf32, #tpu.memory_space<vmem>>, vector<16xf32>,
      %swap3A_652 = arith.constant 1 : i32
      %swap3A_653 = arith.index_cast %scan3A_581 : i32 to index
      %swap3A_654 = arith.index_cast %swap3A_652 : i32 to index
      %swap3A_655 = arith.constant 32 : index
      %swap3A_656 = tpu.vector_load %arg7[%swap3A_653, %swap3A_654, %swap3A_655] {strides = array<i32>} : memref<8x8x128xf32, #tpu.memory_space<vmem>>, vector<16xf32>,
      tpu.vector_store %arg7[%swap3A_653, %swap3A_654, %swap3A_655], %gather3A_595 {strides = array<i32>} : memref<8x8x128xf32, #tpu.memory_space<vmem>>, vector<16xf32>,
      %swap3A_657 = arith.constant 1 : i32
      %swap3A_658 = arith.index_cast %scan3A_581 : i32 to index
      %swap3A_659 = arith.index_cast %swap3A_657 : i32 to index
      %swap3A_660 = arith.constant 48 : index
      %swap3A_661 = tpu.vector_load %arg7[%swap3A_658, %swap3A_659, %swap3A_660] {strides = array<i32>} : memref<8x8x128xf32, #tpu.memory_space<vmem>>, vector<16xf32>,
      tpu.vector_store %arg7[%swap3A_658, %swap3A_659, %swap3A_660], %gather3A_596 {strides = array<i32>} : memref<8x8x128xf32, #tpu.memory_space<vmem>>, vector<16xf32>,
      %swap3A_662 = arith.constant 1 : i32
      %swap3A_663 = arith.index_cast %scan3A_581 : i32 to index
      %swap3A_664 = arith.index_cast %swap3A_662 : i32 to index
      %swap3A_665 = arith.constant 64 : index
      %swap3A_666 = tpu.vector_load %arg7[%swap3A_663, %swap3A_664, %swap3A_665] {strides = array<i32>} : memref<8x8x128xf32, #tpu.memory_space<vmem>>, vector<16xf32>,
      tpu.vector_store %arg7[%swap3A_663, %swap3A_664, %swap3A_665], %gather3A_597 {strides = array<i32>} : memref<8x8x128xf32, #tpu.memory_space<vmem>>, vector<16xf32>,
      %swap3A_667 = arith.constant 1 : i32
      %swap3A_668 = arith.index_cast %scan3A_581 : i32 to index
      %swap3A_669 = arith.index_cast %swap3A_667 : i32 to index
      %swap3A_670 = arith.constant 80 : index
      %swap3A_671 = tpu.vector_load %arg7[%swap3A_668, %swap3A_669, %swap3A_670] {strides = array<i32>} : memref<8x8x128xf32, #tpu.memory_space<vmem>>, vector<16xf32>,
      tpu.vector_store %arg7[%swap3A_668, %swap3A_669, %swap3A_670], %gather3A_598 {strides = array<i32>} : memref<8x8x128xf32, #tpu.memory_space<vmem>>, vector<16xf32>,
      %swap3A_672 = arith.constant 1 : i32
      %swap3A_673 = arith.index_cast %scan3A_581 : i32 to index
      %swap3A_674 = arith.index_cast %swap3A_672 : i32 to index
      %swap3A_675 = arith.constant 96 : index
      %swap3A_676 = tpu.vector_load %arg7[%swap3A_673, %swap3A_674, %swap3A_675] {strides = array<i32>} : memref<8x8x128xf32, #tpu.memory_space<vmem>>, vector<16xf32>,
      tpu.vector_store %arg7[%swap3A_673, %swap3A_674, %swap3A_675], %gather3A_599 {strides = array<i32>} : memref<8x8x128xf32, #tpu.memory_space<vmem>>, vector<16xf32>,
      %swap3A_677 = arith.constant 1 : i32
      %swap3A_678 = arith.index_cast %scan3A_581 : i32 to index
      %swap3A_679 = arith.index_cast %swap3A_677 : i32 to index
      %swap3A_680 = arith.constant 112 : index
      %swap3A_681 = tpu.vector_load %arg7[%swap3A_678, %swap3A_679, %swap3A_680] {strides = array<i32>} : memref<8x8x128xf32, #tpu.memory_space<vmem>>, vector<16xf32>,
      tpu.vector_store %arg7[%swap3A_678, %swap3A_679, %swap3A_680], %gather3A_600 {strides = array<i32>} : memref<8x8x128xf32, #tpu.memory_space<vmem>>, vector<16xf32>,
      %gather3A_682 = tpu.vector_load_idx %arg5[%select_n3A, %select_n3A_47, %add3A_601] : memref<8x8x128xf32, #tpu.memory_space<vmem>>[vector<16xi32>, vector<16xi32>, vector<16xi32>], vector<16xf32>,
      %gather3A_683 = tpu.vector_load_idx %arg5[%select_n3A_81, %select_n3A_103, %add3A_601] : memref<8x8x128xf32, #tpu.memory_space<vmem>>[vector<16xi32>, vector<16xi32>, vector<16xi32>], vector<16xf32>,
      %gather3A_684 = tpu.vector_load_idx %arg5[%select_n3A_137, %select_n3A_159, %add3A_601] : memref<8x8x128xf32, #tpu.memory_space<vmem>>[vector<16xi32>, vector<16xi32>, vector<16xi32>], vector<16xf32>,
      %gather3A_685 = tpu.vector_load_idx %arg5[%select_n3A_193, %select_n3A_215, %add3A_601] : memref<8x8x128xf32, #tpu.memory_space<vmem>>[vector<16xi32>, vector<16xi32>, vector<16xi32>], vector<16xf32>,
      %gather3A_686 = tpu.vector_load_idx %arg5[%select_n3A_249, %select_n3A_271, %add3A_602] : memref<8x8x128xf32, #tpu.memory_space<vmem>>[vector<16xi32>, vector<16xi32>, vector<16xi32>], vector<16xf32>,
      %gather3A_687 = tpu.vector_load_idx %arg5[%select_n3A_305, %select_n3A_327, %add3A_602] : memref<8x8x128xf32, #tpu.memory_space<vmem>>[vector<16xi32>, vector<16xi32>, vector<16xi32>], vector<16xf32>,
      %gather3A_688 = tpu.vector_load_idx %arg5[%select_n3A_361, %select_n3A_383, %add3A_602] : memref<8x8x128xf32, #tpu.memory_space<vmem>>[vector<16xi32>, vector<16xi32>, vector<16xi32>], vector<16xf32>,
      %gather3A_689 = tpu.vector_load_idx %arg5[%select_n3A_417, %select_n3A_439, %add3A_602] : memref<8x8x128xf32, #tpu.memory_space<vmem>>[vector<16xi32>, vector<16xi32>, vector<16xi32>], vector<16xf32>,
      %add3A_690 = arith.addi %add3A_601, %broadcast_in_dim3A_1 : vector<16xi32>
      %add3A_691 = arith.addi %add3A_602, %broadcast_in_dim3A_1 : vector<16xi32>
      %gather3A_692 = tpu.vector_load_idx %arg5[%select_n3A, %select_n3A_47, %add3A_690] : memref<8x8x128xf32, #tpu.memory_space<vmem>>[vector<16xi32>, vector<16xi32>, vector<16xi32>], vector<16xf32>,
      %gather3A_693 = tpu.vector_load_idx %arg5[%select_n3A_81, %select_n3A_103, %add3A_690] : memref<8x8x128xf32, #tpu.memory_space<vmem>>[vector<16xi32>, vector<16xi32>, vector<16xi32>], vector<16xf32>,
      %gather3A_694 = tpu.vector_load_idx %arg5[%select_n3A_137, %select_n3A_159, %add3A_690] : memref<8x8x128xf32, #tpu.memory_space<vmem>>[vector<16xi32>, vector<16xi32>, vector<16xi32>], vector<16xf32>,
      %gather3A_695 = tpu.vector_load_idx %arg5[%select_n3A_193, %select_n3A_215, %add3A_690] : memref<8x8x128xf32, #tpu.memory_space<vmem>>[vector<16xi32>, vector<16xi32>, vector<16xi32>], vector<16xf32>,
      %gather3A_696 = tpu.vector_load_idx %arg5[%select_n3A_249, %select_n3A_271, %add3A_691] : memref<8x8x128xf32, #tpu.memory_space<vmem>>[vector<16xi32>, vector<16xi32>, vector<16xi32>], vector<16xf32>,
      %gather3A_697 = tpu.vector_load_idx %arg5[%select_n3A_305, %select_n3A_327, %add3A_691] : memref<8x8x128xf32, #tpu.memory_space<vmem>>[vector<16xi32>, vector<16xi32>, vector<16xi32>], vector<16xf32>,
      %gather3A_698 = tpu.vector_load_idx %arg5[%select_n3A_361, %select_n3A_383, %add3A_691] : memref<8x8x128xf32, #tpu.memory_space<vmem>>[vector<16xi32>, vector<16xi32>, vector<16xi32>], vector<16xf32>,
      %gather3A_699 = tpu.vector_load_idx %arg5[%select_n3A_417, %select_n3A_439, %add3A_691] : memref<8x8x128xf32, #tpu.memory_space<vmem>>[vector<16xi32>, vector<16xi32>, vector<16xi32>], vector<16xf32>,
      %add3A_700 = arith.addi %add3A_690, %broadcast_in_dim3A_1 : vector<16xi32>
      %add3A_701 = arith.addi %add3A_691, %broadcast_in_dim3A_1 : vector<16xi32>
      %swap3A_702 = arith.constant 2 : i32
      %swap3A_703 = arith.index_cast %scan3A_581 : i32 to index
      %swap3A_704 = arith.index_cast %swap3A_702 : i32 to index
      %swap3A_705 = arith.constant 0 : index
      %swap3A_706 = tpu.vector_load %arg7[%swap3A_703, %swap3A_704, %swap3A_705] {strides = array<i32>} : memref<8x8x128xf32, #tpu.memory_space<vmem>>, vector<16xf32>,
      tpu.vector_store %arg7[%swap3A_703, %swap3A_704, %swap3A_705], %gather3A_682 {strides = array<i32>} : memref<8x8x128xf32, #tpu.memory_space<vmem>>, vector<16xf32>,
      %swap3A_707 = arith.constant 2 : i32
      %swap3A_708 = arith.index_cast %scan3A_581 : i32 to index
      %swap3A_709 = arith.index_cast %swap3A_707 : i32 to index
      %swap3A_710 = arith.constant 16 : index
      %swap3A_711 = tpu.vector_load %arg7[%swap3A_708, %swap3A_709, %swap3A_710] {strides = array<i32>} : memref<8x8x128xf32, #tpu.memory_space<vmem>>, vector<16xf32>,
      tpu.vector_store %arg7[%swap3A_708, %swap3A_709, %swap3A_710], %gather3A_683 {strides = array<i32>} : memref<8x8x128xf32, #tpu.memory_space<vmem>>, vector<16xf32>,
      %swap3A_712 = arith.constant 2 : i32
      %swap3A_713 = arith.index_cast %scan3A_581 : i32 to index
      %swap3A_714 = arith.index_cast %swap3A_712 : i32 to index
      %swap3A_715 = arith.constant 32 : index
      %swap3A_716 = tpu.vector_load %arg7[%swap3A_713, %swap3A_714, %swap3A_715] {strides = array<i32>} : memref<8x8x128xf32, #tpu.memory_space<vmem>>, vector<16xf32>,
      tpu.vector_store %arg7[%swap3A_713, %swap3A_714, %swap3A_715], %gather3A_684 {strides = array<i32>} : memref<8x8x128xf32, #tpu.memory_space<vmem>>, vector<16xf32>,
      %swap3A_717 = arith.constant 2 : i32
      %swap3A_718 = arith.index_cast %scan3A_581 : i32 to index
      %swap3A_719 = arith.index_cast %swap3A_717 : i32 to index
      %swap3A_720 = arith.constant 48 : index
      %swap3A_721 = tpu.vector_load %arg7[%swap3A_718, %swap3A_719, %swap3A_720] {strides = array<i32>} : memref<8x8x128xf32, #tpu.memory_space<vmem>>, vector<16xf32>,
      tpu.vector_store %arg7[%swap3A_718, %swap3A_719, %swap3A_720], %gather3A_685 {strides = array<i32>} : memref<8x8x128xf32, #tpu.memory_space<vmem>>, vector<16xf32>,
      %swap3A_722 = arith.constant 2 : i32
      %swap3A_723 = arith.index_cast %scan3A_581 : i32 to index
      %swap3A_724 = arith.index_cast %swap3A_722 : i32 to index
      %swap3A_725 = arith.constant 64 : index
      %swap3A_726 = tpu.vector_load %arg7[%swap3A_723, %swap3A_724, %swap3A_725] {strides = array<i32>} : memref<8x8x128xf32, #tpu.memory_space<vmem>>, vector<16xf32>,
      tpu.vector_store %arg7[%swap3A_723, %swap3A_724, %swap3A_725], %gather3A_686 {strides = array<i32>} : memref<8x8x128xf32, #tpu.memory_space<vmem>>, vector<16xf32>,
      %swap3A_727 = arith.constant 2 : i32
      %swap3A_728 = arith.index_cast %scan3A_581 : i32 to index
      %swap3A_729 = arith.index_cast %swap3A_727 : i32 to index
      %swap3A_730 = arith.constant 80 : index
      %swap3A_731 = tpu.vector_load %arg7[%swap3A_728, %swap3A_729, %swap3A_730] {strides = array<i32>} : memref<8x8x128xf32, #tpu.memory_space<vmem>>, vector<16xf32>,
      tpu.vector_store %arg7[%swap3A_728, %swap3A_729, %swap3A_730], %gather3A_687 {strides = array<i32>} : memref<8x8x128xf32, #tpu.memory_space<vmem>>, vector<16xf32>,
      %swap3A_732 = arith.constant 2 : i32
      %swap3A_733 = arith.index_cast %scan3A_581 : i32 to index
      %swap3A_734 = arith.index_cast %swap3A_732 : i32 to index
      %swap3A_735 = arith.constant 96 : index
      %swap3A_736 = tpu.vector_load %arg7[%swap3A_733, %swap3A_734, %swap3A_735] {strides = array<i32>} : memref<8x8x128xf32, #tpu.memory_space<vmem>>, vector<16xf32>,
      tpu.vector_store %arg7[%swap3A_733, %swap3A_734, %swap3A_735], %gather3A_688 {strides = array<i32>} : memref<8x8x128xf32, #tpu.memory_space<vmem>>, vector<16xf32>,
      %swap3A_737 = arith.constant 2 : i32
      %swap3A_738 = arith.index_cast %scan3A_581 : i32 to index
      %swap3A_739 = arith.index_cast %swap3A_737 : i32 to index
      %swap3A_740 = arith.constant 112 : index
      %swap3A_741 = tpu.vector_load %arg7[%swap3A_738, %swap3A_739, %swap3A_740] {strides = array<i32>} : memref<8x8x128xf32, #tpu.memory_space<vmem>>, vector<16xf32>,
      tpu.vector_store %arg7[%swap3A_738, %swap3A_739, %swap3A_740], %gather3A_689 {strides = array<i32>} : memref<8x8x128xf32, #tpu.memory_space<vmem>>, vector<16xf32>,
      %swap3A_742 = arith.constant 3 : i32
      %swap3A_743 = arith.index_cast %scan3A_581 : i32 to index
      %swap3A_744 = arith.index_cast %swap3A_742 : i32 to index
      %swap3A_745 = arith.constant 0 : index
      %swap3A_746 = tpu.vector_load %arg7[%swap3A_743, %swap3A_744, %swap3A_745] {strides = array<i32>} : memref<8x8x128xf32, #tpu.memory_space<vmem>>, vector<16xf32>,
      tpu.vector_store %arg7[%swap3A_743, %swap3A_744, %swap3A_745], %gather3A_692 {strides = array<i32>} : memref<8x8x128xf32, #tpu.memory_space<vmem>>, vector<16xf32>,
      %swap3A_747 = arith.constant 3 : i32
      %swap3A_748 = arith.index_cast %scan3A_581 : i32 to index
      %swap3A_749 = arith.index_cast %swap3A_747 : i32 to index
      %swap3A_750 = arith.constant 16 : index
      %swap3A_751 = tpu.vector_load %arg7[%swap3A_748, %swap3A_749, %swap3A_750] {strides = array<i32>} : memref<8x8x128xf32, #tpu.memory_space<vmem>>, vector<16xf32>,
      tpu.vector_store %arg7[%swap3A_748, %swap3A_749, %swap3A_750], %gather3A_693 {strides = array<i32>} : memref<8x8x128xf32, #tpu.memory_space<vmem>>, vector<16xf32>,
      %swap3A_752 = arith.constant 3 : i32
      %swap3A_753 = arith.index_cast %scan3A_581 : i32 to index
      %swap3A_754 = arith.index_cast %swap3A_752 : i32 to index
      %swap3A_755 = arith.constant 32 : index
      %swap3A_756 = tpu.vector_load %arg7[%swap3A_753, %swap3A_754, %swap3A_755] {strides = array<i32>} : memref<8x8x128xf32, #tpu.memory_space<vmem>>, vector<16xf32>,
      tpu.vector_store %arg7[%swap3A_753, %swap3A_754, %swap3A_755], %gather3A_694 {strides = array<i32>} : memref<8x8x128xf32, #tpu.memory_space<vmem>>, vector<16xf32>,
      %swap3A_757 = arith.constant 3 : i32
      %swap3A_758 = arith.index_cast %scan3A_581 : i32 to index
      %swap3A_759 = arith.index_cast %swap3A_757 : i32 to index
      %swap3A_760 = arith.constant 48 : index
      %swap3A_761 = tpu.vector_load %arg7[%swap3A_758, %swap3A_759, %swap3A_760] {strides = array<i32>} : memref<8x8x128xf32, #tpu.memory_space<vmem>>, vector<16xf32>,
      tpu.vector_store %arg7[%swap3A_758, %swap3A_759, %swap3A_760], %gather3A_695 {strides = array<i32>} : memref<8x8x128xf32, #tpu.memory_space<vmem>>, vector<16xf32>,
      %swap3A_762 = arith.constant 3 : i32
      %swap3A_763 = arith.index_cast %scan3A_581 : i32 to index
      %swap3A_764 = arith.index_cast %swap3A_762 : i32 to index
      %swap3A_765 = arith.constant 64 : index
      %swap3A_766 = tpu.vector_load %arg7[%swap3A_763, %swap3A_764, %swap3A_765] {strides = array<i32>} : memref<8x8x128xf32, #tpu.memory_space<vmem>>, vector<16xf32>,
      tpu.vector_store %arg7[%swap3A_763, %swap3A_764, %swap3A_765], %gather3A_696 {strides = array<i32>} : memref<8x8x128xf32, #tpu.memory_space<vmem>>, vector<16xf32>,
      %swap3A_767 = arith.constant 3 : i32
      %swap3A_768 = arith.index_cast %scan3A_581 : i32 to index
      %swap3A_769 = arith.index_cast %swap3A_767 : i32 to index
      %swap3A_770 = arith.constant 80 : index
      %swap3A_771 = tpu.vector_load %arg7[%swap3A_768, %swap3A_769, %swap3A_770] {strides = array<i32>} : memref<8x8x128xf32, #tpu.memory_space<vmem>>, vector<16xf32>,
      tpu.vector_store %arg7[%swap3A_768, %swap3A_769, %swap3A_770], %gather3A_697 {strides = array<i32>} : memref<8x8x128xf32, #tpu.memory_space<vmem>>, vector<16xf32>,
      %swap3A_772 = arith.constant 3 : i32
      %swap3A_773 = arith.index_cast %scan3A_581 : i32 to index
      %swap3A_774 = arith.index_cast %swap3A_772 : i32 to index
      %swap3A_775 = arith.constant 96 : index
      %swap3A_776 = tpu.vector_load %arg7[%swap3A_773, %swap3A_774, %swap3A_775] {strides = array<i32>} : memref<8x8x128xf32, #tpu.memory_space<vmem>>, vector<16xf32>,
      tpu.vector_store %arg7[%swap3A_773, %swap3A_774, %swap3A_775], %gather3A_698 {strides = array<i32>} : memref<8x8x128xf32, #tpu.memory_space<vmem>>, vector<16xf32>,
      %swap3A_777 = arith.constant 3 : i32
      %swap3A_778 = arith.index_cast %scan3A_581 : i32 to index
      %swap3A_779 = arith.index_cast %swap3A_777 : i32 to index
      %swap3A_780 = arith.constant 112 : index
      %swap3A_781 = tpu.vector_load %arg7[%swap3A_778, %swap3A_779, %swap3A_780] {strides = array<i32>} : memref<8x8x128xf32, #tpu.memory_space<vmem>>, vector<16xf32>,
      tpu.vector_store %arg7[%swap3A_778, %swap3A_779, %swap3A_780], %gather3A_699 {strides = array<i32>} : memref<8x8x128xf32, #tpu.memory_space<vmem>>, vector<16xf32>,
      %gather3A_782 = tpu.vector_load_idx %arg5[%select_n3A, %select_n3A_47, %add3A_700] : memref<8x8x128xf32, #tpu.memory_space<vmem>>[vector<16xi32>, vector<16xi32>, vector<16xi32>], vector<16xf32>,
      %gather3A_783 = tpu.vector_load_idx %arg5[%select_n3A_81, %select_n3A_103, %add3A_700] : memref<8x8x128xf32, #tpu.memory_space<vmem>>[vector<16xi32>, vector<16xi32>, vector<16xi32>], vector<16xf32>,
      %gather3A_784 = tpu.vector_load_idx %arg5[%select_n3A_137, %select_n3A_159, %add3A_700] : memref<8x8x128xf32, #tpu.memory_space<vmem>>[vector<16xi32>, vector<16xi32>, vector<16xi32>], vector<16xf32>,
      %gather3A_785 = tpu.vector_load_idx %arg5[%select_n3A_193, %select_n3A_215, %add3A_700] : memref<8x8x128xf32, #tpu.memory_space<vmem>>[vector<16xi32>, vector<16xi32>, vector<16xi32>], vector<16xf32>,
      %gather3A_786 = tpu.vector_load_idx %arg5[%select_n3A_249, %select_n3A_271, %add3A_701] : memref<8x8x128xf32, #tpu.memory_space<vmem>>[vector<16xi32>, vector<16xi32>, vector<16xi32>], vector<16xf32>,
      %gather3A_787 = tpu.vector_load_idx %arg5[%select_n3A_305, %select_n3A_327, %add3A_701] : memref<8x8x128xf32, #tpu.memory_space<vmem>>[vector<16xi32>, vector<16xi32>, vector<16xi32>], vector<16xf32>,
      %gather3A_788 = tpu.vector_load_idx %arg5[%select_n3A_361, %select_n3A_383, %add3A_701] : memref<8x8x128xf32, #tpu.memory_space<vmem>>[vector<16xi32>, vector<16xi32>, vector<16xi32>], vector<16xf32>,
      %gather3A_789 = tpu.vector_load_idx %arg5[%select_n3A_417, %select_n3A_439, %add3A_701] : memref<8x8x128xf32, #tpu.memory_space<vmem>>[vector<16xi32>, vector<16xi32>, vector<16xi32>], vector<16xf32>,
      %add3A_790 = arith.addi %add3A_700, %broadcast_in_dim3A_1 : vector<16xi32>
      %add3A_791 = arith.addi %add3A_701, %broadcast_in_dim3A_1 : vector<16xi32>
      %gather3A_792 = tpu.vector_load_idx %arg5[%select_n3A, %select_n3A_47, %add3A_790] : memref<8x8x128xf32, #tpu.memory_space<vmem>>[vector<16xi32>, vector<16xi32>, vector<16xi32>], vector<16xf32>,
      %gather3A_793 = tpu.vector_load_idx %arg5[%select_n3A_81, %select_n3A_103, %add3A_790] : memref<8x8x128xf32, #tpu.memory_space<vmem>>[vector<16xi32>, vector<16xi32>, vector<16xi32>], vector<16xf32>,
      %gather3A_794 = tpu.vector_load_idx %arg5[%select_n3A_137, %select_n3A_159, %add3A_790] : memref<8x8x128xf32, #tpu.memory_space<vmem>>[vector<16xi32>, vector<16xi32>, vector<16xi32>], vector<16xf32>,
      %gather3A_795 = tpu.vector_load_idx %arg5[%select_n3A_193, %select_n3A_215, %add3A_790] : memref<8x8x128xf32, #tpu.memory_space<vmem>>[vector<16xi32>, vector<16xi32>, vector<16xi32>], vector<16xf32>,
      %gather3A_796 = tpu.vector_load_idx %arg5[%select_n3A_249, %select_n3A_271, %add3A_791] : memref<8x8x128xf32, #tpu.memory_space<vmem>>[vector<16xi32>, vector<16xi32>, vector<16xi32>], vector<16xf32>,
      %gather3A_797 = tpu.vector_load_idx %arg5[%select_n3A_305, %select_n3A_327, %add3A_791] : memref<8x8x128xf32, #tpu.memory_space<vmem>>[vector<16xi32>, vector<16xi32>, vector<16xi32>], vector<16xf32>,
      %gather3A_798 = tpu.vector_load_idx %arg5[%select_n3A_361, %select_n3A_383, %add3A_791] : memref<8x8x128xf32, #tpu.memory_space<vmem>>[vector<16xi32>, vector<16xi32>, vector<16xi32>], vector<16xf32>,
      %gather3A_799 = tpu.vector_load_idx %arg5[%select_n3A_417, %select_n3A_439, %add3A_791] : memref<8x8x128xf32, #tpu.memory_space<vmem>>[vector<16xi32>, vector<16xi32>, vector<16xi32>], vector<16xf32>,
      %add3A_800 = arith.addi %add3A_790, %broadcast_in_dim3A_1 : vector<16xi32>
      %add3A_801 = arith.addi %add3A_791, %broadcast_in_dim3A_1 : vector<16xi32>
      %swap3A_802 = arith.constant 4 : i32
      %swap3A_803 = arith.index_cast %scan3A_581 : i32 to index
      %swap3A_804 = arith.index_cast %swap3A_802 : i32 to index
      %swap3A_805 = arith.constant 0 : index
      %swap3A_806 = tpu.vector_load %arg7[%swap3A_803, %swap3A_804, %swap3A_805] {strides = array<i32>} : memref<8x8x128xf32, #tpu.memory_space<vmem>>, vector<16xf32>,
      tpu.vector_store %arg7[%swap3A_803, %swap3A_804, %swap3A_805], %gather3A_782 {strides = array<i32>} : memref<8x8x128xf32, #tpu.memory_space<vmem>>, vector<16xf32>,
      %swap3A_807 = arith.constant 4 : i32
      %swap3A_808 = arith.index_cast %scan3A_581 : i32 to index
      %swap3A_809 = arith.index_cast %swap3A_807 : i32 to index
      %swap3A_810 = arith.constant 16 : index
      %swap3A_811 = tpu.vector_load %arg7[%swap3A_808, %swap3A_809, %swap3A_810] {strides = array<i32>} : memref<8x8x128xf32, #tpu.memory_space<vmem>>, vector<16xf32>,
      tpu.vector_store %arg7[%swap3A_808, %swap3A_809, %swap3A_810], %gather3A_783 {strides = array<i32>} : memref<8x8x128xf32, #tpu.memory_space<vmem>>, vector<16xf32>,
      %swap3A_812 = arith.constant 4 : i32
      %swap3A_813 = arith.index_cast %scan3A_581 : i32 to index
      %swap3A_814 = arith.index_cast %swap3A_812 : i32 to index
      %swap3A_815 = arith.constant 32 : index
      %swap3A_816 = tpu.vector_load %arg7[%swap3A_813, %swap3A_814, %swap3A_815] {strides = array<i32>} : memref<8x8x128xf32, #tpu.memory_space<vmem>>, vector<16xf32>,
      tpu.vector_store %arg7[%swap3A_813, %swap3A_814, %swap3A_815], %gather3A_784 {strides = array<i32>} : memref<8x8x128xf32, #tpu.memory_space<vmem>>, vector<16xf32>,
      %swap3A_817 = arith.constant 4 : i32
      %swap3A_818 = arith.index_cast %scan3A_581 : i32 to index
      %swap3A_819 = arith.index_cast %swap3A_817 : i32 to index
      %swap3A_820 = arith.constant 48 : index
      %swap3A_821 = tpu.vector_load %arg7[%swap3A_818, %swap3A_819, %swap3A_820] {strides = array<i32>} : memref<8x8x128xf32, #tpu.memory_space<vmem>>, vector<16xf32>,
      tpu.vector_store %arg7[%swap3A_818, %swap3A_819, %swap3A_820], %gather3A_785 {strides = array<i32>} : memref<8x8x128xf32, #tpu.memory_space<vmem>>, vector<16xf32>,
      %swap3A_822 = arith.constant 4 : i32
      %swap3A_823 = arith.index_cast %scan3A_581 : i32 to index
      %swap3A_824 = arith.index_cast %swap3A_822 : i32 to index
      %swap3A_825 = arith.constant 64 : index
      %swap3A_826 = tpu.vector_load %arg7[%swap3A_823, %swap3A_824, %swap3A_825] {strides = array<i32>} : memref<8x8x128xf32, #tpu.memory_space<vmem>>, vector<16xf32>,
      tpu.vector_store %arg7[%swap3A_823, %swap3A_824, %swap3A_825], %gather3A_786 {strides = array<i32>} : memref<8x8x128xf32, #tpu.memory_space<vmem>>, vector<16xf32>,
      %swap3A_827 = arith.constant 4 : i32
      %swap3A_828 = arith.index_cast %scan3A_581 : i32 to index
      %swap3A_829 = arith.index_cast %swap3A_827 : i32 to index
      %swap3A_830 = arith.constant 80 : index
      %swap3A_831 = tpu.vector_load %arg7[%swap3A_828, %swap3A_829, %swap3A_830] {strides = array<i32>} : memref<8x8x128xf32, #tpu.memory_space<vmem>>, vector<16xf32>,
      tpu.vector_store %arg7[%swap3A_828, %swap3A_829, %swap3A_830], %gather3A_787 {strides = array<i32>} : memref<8x8x128xf32, #tpu.memory_space<vmem>>, vector<16xf32>,
      %swap3A_832 = arith.constant 4 : i32
      %swap3A_833 = arith.index_cast %scan3A_581 : i32 to index
      %swap3A_834 = arith.index_cast %swap3A_832 : i32 to index
      %swap3A_835 = arith.constant 96 : index
      %swap3A_836 = tpu.vector_load %arg7[%swap3A_833, %swap3A_834, %swap3A_835] {strides = array<i32>} : memref<8x8x128xf32, #tpu.memory_space<vmem>>, vector<16xf32>,
      tpu.vector_store %arg7[%swap3A_833, %swap3A_834, %swap3A_835], %gather3A_788 {strides = array<i32>} : memref<8x8x128xf32, #tpu.memory_space<vmem>>, vector<16xf32>,
      %swap3A_837 = arith.constant 4 : i32
      %swap3A_838 = arith.index_cast %scan3A_581 : i32 to index
      %swap3A_839 = arith.index_cast %swap3A_837 : i32 to index
      %swap3A_840 = arith.constant 112 : index
      %swap3A_841 = tpu.vector_load %arg7[%swap3A_838, %swap3A_839, %swap3A_840] {strides = array<i32>} : memref<8x8x128xf32, #tpu.memory_space<vmem>>, vector<16xf32>,
      tpu.vector_store %arg7[%swap3A_838, %swap3A_839, %swap3A_840], %gather3A_789 {strides = array<i32>} : memref<8x8x128xf32, #tpu.memory_space<vmem>>, vector<16xf32>,
      %swap3A_842 = arith.constant 5 : i32
      %swap3A_843 = arith.index_cast %scan3A_581 : i32 to index
      %swap3A_844 = arith.index_cast %swap3A_842 : i32 to index
      %swap3A_845 = arith.constant 0 : index
      %swap3A_846 = tpu.vector_load %arg7[%swap3A_843, %swap3A_844, %swap3A_845] {strides = array<i32>} : memref<8x8x128xf32, #tpu.memory_space<vmem>>, vector<16xf32>,
      tpu.vector_store %arg7[%swap3A_843, %swap3A_844, %swap3A_845], %gather3A_792 {strides = array<i32>} : memref<8x8x128xf32, #tpu.memory_space<vmem>>, vector<16xf32>,
      %swap3A_847 = arith.constant 5 : i32
      %swap3A_848 = arith.index_cast %scan3A_581 : i32 to index
      %swap3A_849 = arith.index_cast %swap3A_847 : i32 to index
      %swap3A_850 = arith.constant 16 : index
      %swap3A_851 = tpu.vector_load %arg7[%swap3A_848, %swap3A_849, %swap3A_850] {strides = array<i32>} : memref<8x8x128xf32, #tpu.memory_space<vmem>>, vector<16xf32>,
      tpu.vector_store %arg7[%swap3A_848, %swap3A_849, %swap3A_850], %gather3A_793 {strides = array<i32>} : memref<8x8x128xf32, #tpu.memory_space<vmem>>, vector<16xf32>,
      %swap3A_852 = arith.constant 5 : i32
      %swap3A_853 = arith.index_cast %scan3A_581 : i32 to index
      %swap3A_854 = arith.index_cast %swap3A_852 : i32 to index
      %swap3A_855 = arith.constant 32 : index
      %swap3A_856 = tpu.vector_load %arg7[%swap3A_853, %swap3A_854, %swap3A_855] {strides = array<i32>} : memref<8x8x128xf32, #tpu.memory_space<vmem>>, vector<16xf32>,
      tpu.vector_store %arg7[%swap3A_853, %swap3A_854, %swap3A_855], %gather3A_794 {strides = array<i32>} : memref<8x8x128xf32, #tpu.memory_space<vmem>>, vector<16xf32>,
      %swap3A_857 = arith.constant 5 : i32
      %swap3A_858 = arith.index_cast %scan3A_581 : i32 to index
      %swap3A_859 = arith.index_cast %swap3A_857 : i32 to index
      %swap3A_860 = arith.constant 48 : index
      %swap3A_861 = tpu.vector_load %arg7[%swap3A_858, %swap3A_859, %swap3A_860] {strides = array<i32>} : memref<8x8x128xf32, #tpu.memory_space<vmem>>, vector<16xf32>,
      tpu.vector_store %arg7[%swap3A_858, %swap3A_859, %swap3A_860], %gather3A_795 {strides = array<i32>} : memref<8x8x128xf32, #tpu.memory_space<vmem>>, vector<16xf32>,
      %swap3A_862 = arith.constant 5 : i32
      %swap3A_863 = arith.index_cast %scan3A_581 : i32 to index
      %swap3A_864 = arith.index_cast %swap3A_862 : i32 to index
      %swap3A_865 = arith.constant 64 : index
      %swap3A_866 = tpu.vector_load %arg7[%swap3A_863, %swap3A_864, %swap3A_865] {strides = array<i32>} : memref<8x8x128xf32, #tpu.memory_space<vmem>>, vector<16xf32>,
      tpu.vector_store %arg7[%swap3A_863, %swap3A_864, %swap3A_865], %gather3A_796 {strides = array<i32>} : memref<8x8x128xf32, #tpu.memory_space<vmem>>, vector<16xf32>,
      %swap3A_867 = arith.constant 5 : i32
      %swap3A_868 = arith.index_cast %scan3A_581 : i32 to index
      %swap3A_869 = arith.index_cast %swap3A_867 : i32 to index
      %swap3A_870 = arith.constant 80 : index
      %swap3A_871 = tpu.vector_load %arg7[%swap3A_868, %swap3A_869, %swap3A_870] {strides = array<i32>} : memref<8x8x128xf32, #tpu.memory_space<vmem>>, vector<16xf32>,
      tpu.vector_store %arg7[%swap3A_868, %swap3A_869, %swap3A_870], %gather3A_797 {strides = array<i32>} : memref<8x8x128xf32, #tpu.memory_space<vmem>>, vector<16xf32>,
      %swap3A_872 = arith.constant 5 : i32
      %swap3A_873 = arith.index_cast %scan3A_581 : i32 to index
      %swap3A_874 = arith.index_cast %swap3A_872 : i32 to index
      %swap3A_875 = arith.constant 96 : index
      %swap3A_876 = tpu.vector_load %arg7[%swap3A_873, %swap3A_874, %swap3A_875] {strides = array<i32>} : memref<8x8x128xf32, #tpu.memory_space<vmem>>, vector<16xf32>,
      tpu.vector_store %arg7[%swap3A_873, %swap3A_874, %swap3A_875], %gather3A_798 {strides = array<i32>} : memref<8x8x128xf32, #tpu.memory_space<vmem>>, vector<16xf32>,
      %swap3A_877 = arith.constant 5 : i32
      %swap3A_878 = arith.index_cast %scan3A_581 : i32 to index
      %swap3A_879 = arith.index_cast %swap3A_877 : i32 to index
      %swap3A_880 = arith.constant 112 : index
      %swap3A_881 = tpu.vector_load %arg7[%swap3A_878, %swap3A_879, %swap3A_880] {strides = array<i32>} : memref<8x8x128xf32, #tpu.memory_space<vmem>>, vector<16xf32>,
      tpu.vector_store %arg7[%swap3A_878, %swap3A_879, %swap3A_880], %gather3A_799 {strides = array<i32>} : memref<8x8x128xf32, #tpu.memory_space<vmem>>, vector<16xf32>,
      %gather3A_882 = tpu.vector_load_idx %arg5[%select_n3A, %select_n3A_47, %add3A_800] : memref<8x8x128xf32, #tpu.memory_space<vmem>>[vector<16xi32>, vector<16xi32>, vector<16xi32>], vector<16xf32>,
      %gather3A_883 = tpu.vector_load_idx %arg5[%select_n3A_81, %select_n3A_103, %add3A_800] : memref<8x8x128xf32, #tpu.memory_space<vmem>>[vector<16xi32>, vector<16xi32>, vector<16xi32>], vector<16xf32>,
      %gather3A_884 = tpu.vector_load_idx %arg5[%select_n3A_137, %select_n3A_159, %add3A_800] : memref<8x8x128xf32, #tpu.memory_space<vmem>>[vector<16xi32>, vector<16xi32>, vector<16xi32>], vector<16xf32>,
      %gather3A_885 = tpu.vector_load_idx %arg5[%select_n3A_193, %select_n3A_215, %add3A_800] : memref<8x8x128xf32, #tpu.memory_space<vmem>>[vector<16xi32>, vector<16xi32>, vector<16xi32>], vector<16xf32>,
      %gather3A_886 = tpu.vector_load_idx %arg5[%select_n3A_249, %select_n3A_271, %add3A_801] : memref<8x8x128xf32, #tpu.memory_space<vmem>>[vector<16xi32>, vector<16xi32>, vector<16xi32>], vector<16xf32>,
      %gather3A_887 = tpu.vector_load_idx %arg5[%select_n3A_305, %select_n3A_327, %add3A_801] : memref<8x8x128xf32, #tpu.memory_space<vmem>>[vector<16xi32>, vector<16xi32>, vector<16xi32>], vector<16xf32>,
      %gather3A_888 = tpu.vector_load_idx %arg5[%select_n3A_361, %select_n3A_383, %add3A_801] : memref<8x8x128xf32, #tpu.memory_space<vmem>>[vector<16xi32>, vector<16xi32>, vector<16xi32>], vector<16xf32>,
      %gather3A_889 = tpu.vector_load_idx %arg5[%select_n3A_417, %select_n3A_439, %add3A_801] : memref<8x8x128xf32, #tpu.memory_space<vmem>>[vector<16xi32>, vector<16xi32>, vector<16xi32>], vector<16xf32>,
      %add3A_890 = arith.addi %add3A_800, %broadcast_in_dim3A_1 : vector<16xi32>
      %add3A_891 = arith.addi %add3A_801, %broadcast_in_dim3A_1 : vector<16xi32>
      %gather3A_892 = tpu.vector_load_idx %arg5[%select_n3A, %select_n3A_47, %add3A_890] : memref<8x8x128xf32, #tpu.memory_space<vmem>>[vector<16xi32>, vector<16xi32>, vector<16xi32>], vector<16xf32>,
      %gather3A_893 = tpu.vector_load_idx %arg5[%select_n3A_81, %select_n3A_103, %add3A_890] : memref<8x8x128xf32, #tpu.memory_space<vmem>>[vector<16xi32>, vector<16xi32>, vector<16xi32>], vector<16xf32>,
      %gather3A_894 = tpu.vector_load_idx %arg5[%select_n3A_137, %select_n3A_159, %add3A_890] : memref<8x8x128xf32, #tpu.memory_space<vmem>>[vector<16xi32>, vector<16xi32>, vector<16xi32>], vector<16xf32>,
      %gather3A_895 = tpu.vector_load_idx %arg5[%select_n3A_193, %select_n3A_215, %add3A_890] : memref<8x8x128xf32, #tpu.memory_space<vmem>>[vector<16xi32>, vector<16xi32>, vector<16xi32>], vector<16xf32>,
      %gather3A_896 = tpu.vector_load_idx %arg5[%select_n3A_249, %select_n3A_271, %add3A_891] : memref<8x8x128xf32, #tpu.memory_space<vmem>>[vector<16xi32>, vector<16xi32>, vector<16xi32>], vector<16xf32>,
      %gather3A_897 = tpu.vector_load_idx %arg5[%select_n3A_305, %select_n3A_327, %add3A_891] : memref<8x8x128xf32, #tpu.memory_space<vmem>>[vector<16xi32>, vector<16xi32>, vector<16xi32>], vector<16xf32>,
      %gather3A_898 = tpu.vector_load_idx %arg5[%select_n3A_361, %select_n3A_383, %add3A_891] : memref<8x8x128xf32, #tpu.memory_space<vmem>>[vector<16xi32>, vector<16xi32>, vector<16xi32>], vector<16xf32>,
      %gather3A_899 = tpu.vector_load_idx %arg5[%select_n3A_417, %select_n3A_439, %add3A_891] : memref<8x8x128xf32, #tpu.memory_space<vmem>>[vector<16xi32>, vector<16xi32>, vector<16xi32>], vector<16xf32>,
      %add3A_900 = arith.addi %add3A_890, %broadcast_in_dim3A_1 : vector<16xi32>
      %add3A_901 = arith.addi %add3A_891, %broadcast_in_dim3A_1 : vector<16xi32>
      %swap3A_902 = arith.constant 6 : i32
      %swap3A_903 = arith.index_cast %scan3A_581 : i32 to index
      %swap3A_904 = arith.index_cast %swap3A_902 : i32 to index
      %swap3A_905 = arith.constant 0 : index
      %swap3A_906 = tpu.vector_load %arg7[%swap3A_903, %swap3A_904, %swap3A_905] {strides = array<i32>} : memref<8x8x128xf32, #tpu.memory_space<vmem>>, vector<16xf32>,
      tpu.vector_store %arg7[%swap3A_903, %swap3A_904, %swap3A_905], %gather3A_882 {strides = array<i32>} : memref<8x8x128xf32, #tpu.memory_space<vmem>>, vector<16xf32>,
      %swap3A_907 = arith.constant 6 : i32
      %swap3A_908 = arith.index_cast %scan3A_581 : i32 to index
      %swap3A_909 = arith.index_cast %swap3A_907 : i32 to index
      %swap3A_910 = arith.constant 16 : index
      %swap3A_911 = tpu.vector_load %arg7[%swap3A_908, %swap3A_909, %swap3A_910] {strides = array<i32>} : memref<8x8x128xf32, #tpu.memory_space<vmem>>, vector<16xf32>,
      tpu.vector_store %arg7[%swap3A_908, %swap3A_909, %swap3A_910], %gather3A_883 {strides = array<i32>} : memref<8x8x128xf32, #tpu.memory_space<vmem>>, vector<16xf32>,
      %swap3A_912 = arith.constant 6 : i32
      %swap3A_913 = arith.index_cast %scan3A_581 : i32 to index
      %swap3A_914 = arith.index_cast %swap3A_912 : i32 to index
      %swap3A_915 = arith.constant 32 : index
      %swap3A_916 = tpu.vector_load %arg7[%swap3A_913, %swap3A_914, %swap3A_915] {strides = array<i32>} : memref<8x8x128xf32, #tpu.memory_space<vmem>>, vector<16xf32>,
      tpu.vector_store %arg7[%swap3A_913, %swap3A_914, %swap3A_915], %gather3A_884 {strides = array<i32>} : memref<8x8x128xf32, #tpu.memory_space<vmem>>, vector<16xf32>,
      %swap3A_917 = arith.constant 6 : i32
      %swap3A_918 = arith.index_cast %scan3A_581 : i32 to index
      %swap3A_919 = arith.index_cast %swap3A_917 : i32 to index
      %swap3A_920 = arith.constant 48 : index
      %swap3A_921 = tpu.vector_load %arg7[%swap3A_918, %swap3A_919, %swap3A_920] {strides = array<i32>} : memref<8x8x128xf32, #tpu.memory_space<vmem>>, vector<16xf32>,
      tpu.vector_store %arg7[%swap3A_918, %swap3A_919, %swap3A_920], %gather3A_885 {strides = array<i32>} : memref<8x8x128xf32, #tpu.memory_space<vmem>>, vector<16xf32>,
      %swap3A_922 = arith.constant 6 : i32
      %swap3A_923 = arith.index_cast %scan3A_581 : i32 to index
      %swap3A_924 = arith.index_cast %swap3A_922 : i32 to index
      %swap3A_925 = arith.constant 64 : index
      %swap3A_926 = tpu.vector_load %arg7[%swap3A_923, %swap3A_924, %swap3A_925] {strides = array<i32>} : memref<8x8x128xf32, #tpu.memory_space<vmem>>, vector<16xf32>,
      tpu.vector_store %arg7[%swap3A_923, %swap3A_924, %swap3A_925], %gather3A_886 {strides = array<i32>} : memref<8x8x128xf32, #tpu.memory_space<vmem>>, vector<16xf32>,
      %swap3A_927 = arith.constant 6 : i32
      %swap3A_928 = arith.index_cast %scan3A_581 : i32 to index
      %swap3A_929 = arith.index_cast %swap3A_927 : i32 to index
      %swap3A_930 = arith.constant 80 : index
      %swap3A_931 = tpu.vector_load %arg7[%swap3A_928, %swap3A_929, %swap3A_930] {strides = array<i32>} : memref<8x8x128xf32, #tpu.memory_space<vmem>>, vector<16xf32>,
      tpu.vector_store %arg7[%swap3A_928, %swap3A_929, %swap3A_930], %gather3A_887 {strides = array<i32>} : memref<8x8x128xf32, #tpu.memory_space<vmem>>, vector<16xf32>,
      %swap3A_932 = arith.constant 6 : i32
      %swap3A_933 = arith.index_cast %scan3A_581 : i32 to index
      %swap3A_934 = arith.index_cast %swap3A_932 : i32 to index
      %swap3A_935 = arith.constant 96 : index
      %swap3A_936 = tpu.vector_load %arg7[%swap3A_933, %swap3A_934, %swap3A_935] {strides = array<i32>} : memref<8x8x128xf32, #tpu.memory_space<vmem>>, vector<16xf32>,
      tpu.vector_store %arg7[%swap3A_933, %swap3A_934, %swap3A_935], %gather3A_888 {strides = array<i32>} : memref<8x8x128xf32, #tpu.memory_space<vmem>>, vector<16xf32>,
      %swap3A_937 = arith.constant 6 : i32
      %swap3A_938 = arith.index_cast %scan3A_581 : i32 to index
      %swap3A_939 = arith.index_cast %swap3A_937 : i32 to index
      %swap3A_940 = arith.constant 112 : index
      %swap3A_941 = tpu.vector_load %arg7[%swap3A_938, %swap3A_939, %swap3A_940] {strides = array<i32>} : memref<8x8x128xf32, #tpu.memory_space<vmem>>, vector<16xf32>,
      tpu.vector_store %arg7[%swap3A_938, %swap3A_939, %swap3A_940], %gather3A_889 {strides = array<i32>} : memref<8x8x128xf32, #tpu.memory_space<vmem>>, vector<16xf32>,
      %swap3A_942 = arith.constant 7 : i32
      %swap3A_943 = arith.index_cast %scan3A_581 : i32 to index
      %swap3A_944 = arith.index_cast %swap3A_942 : i32 to index
      %swap3A_945 = arith.constant 0 : index
      %swap3A_946 = tpu.vector_load %arg7[%swap3A_943, %swap3A_944, %swap3A_945] {strides = array<i32>} : memref<8x8x128xf32, #tpu.memory_space<vmem>>, vector<16xf32>,
      tpu.vector_store %arg7[%swap3A_943, %swap3A_944, %swap3A_945], %gather3A_892 {strides = array<i32>} : memref<8x8x128xf32, #tpu.memory_space<vmem>>, vector<16xf32>,
      %swap3A_947 = arith.constant 7 : i32
      %swap3A_948 = arith.index_cast %scan3A_581 : i32 to index
      %swap3A_949 = arith.index_cast %swap3A_947 : i32 to index
      %swap3A_950 = arith.constant 16 : index
      %swap3A_951 = tpu.vector_load %arg7[%swap3A_948, %swap3A_949, %swap3A_950] {strides = array<i32>} : memref<8x8x128xf32, #tpu.memory_space<vmem>>, vector<16xf32>,
      tpu.vector_store %arg7[%swap3A_948, %swap3A_949, %swap3A_950], %gather3A_893 {strides = array<i32>} : memref<8x8x128xf32, #tpu.memory_space<vmem>>, vector<16xf32>,
      %swap3A_952 = arith.constant 7 : i32
      %swap3A_953 = arith.index_cast %scan3A_581 : i32 to index
      %swap3A_954 = arith.index_cast %swap3A_952 : i32 to index
      %swap3A_955 = arith.constant 32 : index
      %swap3A_956 = tpu.vector_load %arg7[%swap3A_953, %swap3A_954, %swap3A_955] {strides = array<i32>} : memref<8x8x128xf32, #tpu.memory_space<vmem>>, vector<16xf32>,
      tpu.vector_store %arg7[%swap3A_953, %swap3A_954, %swap3A_955], %gather3A_894 {strides = array<i32>} : memref<8x8x128xf32, #tpu.memory_space<vmem>>, vector<16xf32>,
      %swap3A_957 = arith.constant 7 : i32
      %swap3A_958 = arith.index_cast %scan3A_581 : i32 to index
      %swap3A_959 = arith.index_cast %swap3A_957 : i32 to index
      %swap3A_960 = arith.constant 48 : index
      %swap3A_961 = tpu.vector_load %arg7[%swap3A_958, %swap3A_959, %swap3A_960] {strides = array<i32>} : memref<8x8x128xf32, #tpu.memory_space<vmem>>, vector<16xf32>,
      tpu.vector_store %arg7[%swap3A_958, %swap3A_959, %swap3A_960], %gather3A_895 {strides = array<i32>} : memref<8x8x128xf32, #tpu.memory_space<vmem>>, vector<16xf32>,
      %swap3A_962 = arith.constant 7 : i32
      %swap3A_963 = arith.index_cast %scan3A_581 : i32 to index
      %swap3A_964 = arith.index_cast %swap3A_962 : i32 to index
      %swap3A_965 = arith.constant 64 : index
      %swap3A_966 = tpu.vector_load %arg7[%swap3A_963, %swap3A_964, %swap3A_965] {strides = array<i32>} : memref<8x8x128xf32, #tpu.memory_space<vmem>>, vector<16xf32>,
      tpu.vector_store %arg7[%swap3A_963, %swap3A_964, %swap3A_965], %gather3A_896 {strides = array<i32>} : memref<8x8x128xf32, #tpu.memory_space<vmem>>, vector<16xf32>,
      %swap3A_967 = arith.constant 7 : i32
      %swap3A_968 = arith.index_cast %scan3A_581 : i32 to index
      %swap3A_969 = arith.index_cast %swap3A_967 : i32 to index
      %swap3A_970 = arith.constant 80 : index
      %swap3A_971 = tpu.vector_load %arg7[%swap3A_968, %swap3A_969, %swap3A_970] {strides = array<i32>} : memref<8x8x128xf32, #tpu.memory_space<vmem>>, vector<16xf32>,
      tpu.vector_store %arg7[%swap3A_968, %swap3A_969, %swap3A_970], %gather3A_897 {strides = array<i32>} : memref<8x8x128xf32, #tpu.memory_space<vmem>>, vector<16xf32>,
      %swap3A_972 = arith.constant 7 : i32
      %swap3A_973 = arith.index_cast %scan3A_581 : i32 to index
      %swap3A_974 = arith.index_cast %swap3A_972 : i32 to index
      %swap3A_975 = arith.constant 96 : index
      %swap3A_976 = tpu.vector_load %arg7[%swap3A_973, %swap3A_974, %swap3A_975] {strides = array<i32>} : memref<8x8x128xf32, #tpu.memory_space<vmem>>, vector<16xf32>,
      tpu.vector_store %arg7[%swap3A_973, %swap3A_974, %swap3A_975], %gather3A_898 {strides = array<i32>} : memref<8x8x128xf32, #tpu.memory_space<vmem>>, vector<16xf32>,
      %swap3A_977 = arith.constant 7 : i32
      %swap3A_978 = arith.index_cast %scan3A_581 : i32 to index
      %swap3A_979 = arith.index_cast %swap3A_977 : i32 to index
      %swap3A_980 = arith.constant 112 : index
      %swap3A_981 = tpu.vector_load %arg7[%swap3A_978, %swap3A_979, %swap3A_980] {strides = array<i32>} : memref<8x8x128xf32, #tpu.memory_space<vmem>>, vector<16xf32>,
      tpu.vector_store %arg7[%swap3A_978, %swap3A_979, %swap3A_980], %gather3A_899 {strides = array<i32>} : memref<8x8x128xf32, #tpu.memory_space<vmem>>, vector<16xf32>,
      scf.yield %add3A_900, %add3A_901 : vector<16xi32>, vector<16xi32>
    }
    %scan3A_481 = arith.constant 8 : i32
    %add3A_482 = arith.constant 0 : i32
    %add3A_483 = arith.addi %add3A, %add3A_482 : i32
    %mul3A_484 = arith.constant 8 : i32
    %mul3A_485 = arith.muli %add3A_483, %mul3A_484 : i32
    %dma_start3A_486 = arith.constant 0 : i32
    %dma_start3A_487 = arith.constant 0 : i32
    %dma_start3A_488 = tpu.memref_slice %arg4[%mul3A_485, %dma_start3A_486, %dma_start3A_487] : memref<62500x8x128xf32, #tpu.memory_space<hbm>> -> memref<8x8x128xf32, #tpu.memory_space<hbm>>
    %dma_start3A_489 = arith.constant 0 : i32
    %dma_start3A_490 = arith.constant 0 : i32
    %dma_start3A_491 = tpu.memref_slice %arg4[%mul3A_485, %dma_start3A_489, %dma_start3A_490] : memref<62500x8x128xf32, #tpu.memory_space<hbm>> -> memref<8x8x128xf32, #tpu.memory_space<hbm>>
    tpu.enqueue_dma source(%arg7 : memref<8x8x128xf32, #tpu.memory_space<vmem>>) target(%dma_start3A_491 : memref<8x8x128xf32, #tpu.memory_space<hbm>>) target_semaphore(%arg11 : memref<!tpu.dma_semaphore, #tpu.memory_space<semaphore_mem>>)
    %add3A_492 = arith.constant 64 : i32
    %add3A_493 = arith.addi %add3A, %add3A_492 : i32
    %mul3A_494 = arith.constant 128 : i32
    %mul3A_495 = arith.muli %add3A_493, %mul3A_494 : i32
    %dma_start3A_496 = arith.constant 0 : i32
    %dma_start3A_497 = arith.constant 0 : i32
    %dma_start3A_498 = tpu.memref_slice %arg2[%dma_start3A_496, %dma_start3A_497, %mul3A_495] : memref<8x8x1000000xf32, #tpu.memory_space<hbm>> -> memref<8x8x128xf32, #tpu.memory_space<hbm>>
    %dma_start3A_499 = arith.constant 0 : i32
    %dma_start3A_500 = arith.constant 0 : i32
    %dma_start3A_501 = tpu.memref_slice %arg2[%dma_start3A_499, %dma_start3A_500, %mul3A_495] : memref<8x8x1000000xf32, #tpu.memory_space<hbm>> -> memref<8x8x128xf32, #tpu.memory_space<hbm>>
    tpu.enqueue_dma source(%dma_start3A_501 : memref<8x8x128xf32, #tpu.memory_space<hbm>>) target(%arg5 : memref<8x8x128xf32, #tpu.memory_space<vmem>>) target_semaphore(%arg9 : memref<!tpu.dma_semaphore, #tpu.memory_space<semaphore_mem>>)
    %add3A_502 = arith.constant 32 : i32
    %add3A_503 = arith.addi %add3A, %add3A_502 : i32
    %mul3A_504 = arith.constant 128 : i32
    %mul3A_505 = arith.muli %add3A_503, %mul3A_504 : i32
    %dma_wait3A_506 = arith.constant 0 : i32
    %dma_wait3A_507 = arith.constant 0 : i32
    %dma_wait3A_508 = tpu.memref_slice %arg2[%dma_wait3A_506, %dma_wait3A_507, %mul3A_505] : memref<8x8x1000000xf32, #tpu.memory_space<hbm>> -> memref<8x8x128xf32, #tpu.memory_space<hbm>>
    %dma_wait3A_509 = arith.constant 0 : i32
    %dma_wait3A_510 = arith.constant 0 : i32
    %dma_wait3A_511 = tpu.memref_slice %arg2[%dma_wait3A_509, %dma_wait3A_510, %mul3A_505] : memref<8x8x1000000xf32, #tpu.memory_space<hbm>> -> memref<8x8x128xf32, #tpu.memory_space<hbm>>
    tpu.wait_dma2 semaphore(%arg10 : memref<!tpu.dma_semaphore, #tpu.memory_space<semaphore_mem>>) src(%dma_wait3A_511 : memref<8x8x128xf32, #tpu.memory_space<hbm>>) dst(%arg6 : memref<8x8x128xf32, #tpu.memory_space<vmem>>)
    %mul3A_512 = arith.constant 0 : i32
    %mul3A_513 = vector.broadcast %mul3A_512 : i32 to vector<16xi32>
    %mul3A_514 = arith.muli %iota3A, %mul3A_513 : vector<16xi32>
    %mul3A_515 = arith.constant 0 : i32
    %mul3A_516 = vector.broadcast %mul3A_515 : i32 to vector<16xi32>
    %mul3A_517 = arith.muli %iota3A, %mul3A_516 : vector<16xi32>
    %add3A_518 = arith.constant 1 : i32
    %add3A_519 = vector.broadcast %add3A_518 : i32 to vector<16xi32>
    %add3A_520 = arith.addi %mul3A_517, %add3A_519 : vector<16xi32>
    %scan3A_521 = arith.constant 0 : i32
    %scan3A_522 = arith.constant 8 : i32
    %scan3A_523 = arith.addi %scan3A_521, %scan3A_522 : i32
    %scan3A_524 = arith.constant 1 : i32
    %scan3A_525:2 = scf.for %scan3A_581 = %scan3A_521 to %scan3A_523 step %scan3A_524 iter_args(%scan3A_582 = %mul3A_514, %scan3A_583 = %add3A_520) -> (vector<16xi32>, vector<16xi32>)  : i32 {
      %gather3A = tpu.vector_load_idx %arg6[%select_n3A, %select_n3A_47, %scan3A_582] : memref<8x8x128xf32, #tpu.memory_space<vmem>>[vector<16xi32>, vector<16xi32>, vector<16xi32>], vector<16xf32>,
      %gather3A_584 = tpu.vector_load_idx %arg6[%select_n3A_81, %select_n3A_103, %scan3A_582] : memref<8x8x128xf32, #tpu.memory_space<vmem>>[vector<16xi32>, vector<16xi32>, vector<16xi32>], vector<16xf32>,
      %gather3A_585 = tpu.vector_load_idx %arg6[%select_n3A_137, %select_n3A_159, %scan3A_582] : memref<8x8x128xf32, #tpu.memory_space<vmem>>[vector<16xi32>, vector<16xi32>, vector<16xi32>], vector<16xf32>,
      %gather3A_586 = tpu.vector_load_idx %arg6[%select_n3A_193, %select_n3A_215, %scan3A_582] : memref<8x8x128xf32, #tpu.memory_space<vmem>>[vector<16xi32>, vector<16xi32>, vector<16xi32>], vector<16xf32>,
      %gather3A_587 = tpu.vector_load_idx %arg6[%select_n3A_249, %select_n3A_271, %scan3A_583] : memref<8x8x128xf32, #tpu.memory_space<vmem>>[vector<16xi32>, vector<16xi32>, vector<16xi32>], vector<16xf32>,
      %gather3A_588 = tpu.vector_load_idx %arg6[%select_n3A_305, %select_n3A_327, %scan3A_583] : memref<8x8x128xf32, #tpu.memory_space<vmem>>[vector<16xi32>, vector<16xi32>, vector<16xi32>], vector<16xf32>,
      %gather3A_589 = tpu.vector_load_idx %arg6[%select_n3A_361, %select_n3A_383, %scan3A_583] : memref<8x8x128xf32, #tpu.memory_space<vmem>>[vector<16xi32>, vector<16xi32>, vector<16xi32>], vector<16xf32>,
      %gather3A_590 = tpu.vector_load_idx %arg6[%select_n3A_417, %select_n3A_439, %scan3A_583] : memref<8x8x128xf32, #tpu.memory_space<vmem>>[vector<16xi32>, vector<16xi32>, vector<16xi32>], vector<16xf32>,
      %add3A_591 = arith.addi %scan3A_582, %broadcast_in_dim3A_1 : vector<16xi32>
      %add3A_592 = arith.addi %scan3A_583, %broadcast_in_dim3A_1 : vector<16xi32>
      %gather3A_593 = tpu.vector_load_idx %arg6[%select_n3A, %select_n3A_47, %add3A_591] : memref<8x8x128xf32, #tpu.memory_space<vmem>>[vector<16xi32>, vector<16xi32>, vector<16xi32>], vector<16xf32>,
      %gather3A_594 = tpu.vector_load_idx %arg6[%select_n3A_81, %select_n3A_103, %add3A_591] : memref<8x8x128xf32, #tpu.memory_space<vmem>>[vector<16xi32>, vector<16xi32>, vector<16xi32>], vector<16xf32>,
      %gather3A_595 = tpu.vector_load_idx %arg6[%select_n3A_137, %select_n3A_159, %add3A_591] : memref<8x8x128xf32, #tpu.memory_space<vmem>>[vector<16xi32>, vector<16xi32>, vector<16xi32>], vector<16xf32>,
      %gather3A_596 = tpu.vector_load_idx %arg6[%select_n3A_193, %select_n3A_215, %add3A_591] : memref<8x8x128xf32, #tpu.memory_space<vmem>>[vector<16xi32>, vector<16xi32>, vector<16xi32>], vector<16xf32>,
      %gather3A_597 = tpu.vector_load_idx %arg6[%select_n3A_249, %select_n3A_271, %add3A_592] : memref<8x8x128xf32, #tpu.memory_space<vmem>>[vector<16xi32>, vector<16xi32>, vector<16xi32>], vector<16xf32>,
      %gather3A_598 = tpu.vector_load_idx %arg6[%select_n3A_305, %select_n3A_327, %add3A_592] : memref<8x8x128xf32, #tpu.memory_space<vmem>>[vector<16xi32>, vector<16xi32>, vector<16xi32>], vector<16xf32>,
      %gather3A_599 = tpu.vector_load_idx %arg6[%select_n3A_361, %select_n3A_383, %add3A_592] : memref<8x8x128xf32, #tpu.memory_space<vmem>>[vector<16xi32>, vector<16xi32>, vector<16xi32>], vector<16xf32>,
      %gather3A_600 = tpu.vector_load_idx %arg6[%select_n3A_417, %select_n3A_439, %add3A_592] : memref<8x8x128xf32, #tpu.memory_space<vmem>>[vector<16xi32>, vector<16xi32>, vector<16xi32>], vector<16xf32>,
      %add3A_601 = arith.addi %add3A_591, %broadcast_in_dim3A_1 : vector<16xi32>
      %add3A_602 = arith.addi %add3A_592, %broadcast_in_dim3A_1 : vector<16xi32>
      %swap3A = arith.constant 0 : i32
      %swap3A_603 = arith.index_cast %scan3A_581 : i32 to index
      %swap3A_604 = arith.index_cast %swap3A : i32 to index
      %swap3A_605 = arith.constant 0 : index
      %swap3A_606 = tpu.vector_load %arg8[%swap3A_603, %swap3A_604, %swap3A_605] {strides = array<i32>} : memref<8x8x128xf32, #tpu.memory_space<vmem>>, vector<16xf32>,
      tpu.vector_store %arg8[%swap3A_603, %swap3A_604, %swap3A_605], %gather3A {strides = array<i32>} : memref<8x8x128xf32, #tpu.memory_space<vmem>>, vector<16xf32>,
      %swap3A_607 = arith.constant 0 : i32
      %swap3A_608 = arith.index_cast %scan3A_581 : i32 to index
      %swap3A_609 = arith.index_cast %swap3A_607 : i32 to index
      %swap3A_610 = arith.constant 16 : index
      %swap3A_611 = tpu.vector_load %arg8[%swap3A_608, %swap3A_609, %swap3A_610] {strides = array<i32>} : memref<8x8x128xf32, #tpu.memory_space<vmem>>, vector<16xf32>,
      tpu.vector_store %arg8[%swap3A_608, %swap3A_609, %swap3A_610], %gather3A_584 {strides = array<i32>} : memref<8x8x128xf32, #tpu.memory_space<vmem>>, vector<16xf32>,
      %swap3A_612 = arith.constant 0 : i32
      %swap3A_613 = arith.index_cast %scan3A_581 : i32 to index
      %swap3A_614 = arith.index_cast %swap3A_612 : i32 to index
      %swap3A_615 = arith.constant 32 : index
      %swap3A_616 = tpu.vector_load %arg8[%swap3A_613, %swap3A_614, %swap3A_615] {strides = array<i32>} : memref<8x8x128xf32, #tpu.memory_space<vmem>>, vector<16xf32>,
      tpu.vector_store %arg8[%swap3A_613, %swap3A_614, %swap3A_615], %gather3A_585 {strides = array<i32>} : memref<8x8x128xf32, #tpu.memory_space<vmem>>, vector<16xf32>,
      %swap3A_617 = arith.constant 0 : i32
      %swap3A_618 = arith.index_cast %scan3A_581 : i32 to index
      %swap3A_619 = arith.index_cast %swap3A_617 : i32 to index
      %swap3A_620 = arith.constant 48 : index
      %swap3A_621 = tpu.vector_load %arg8[%swap3A_618, %swap3A_619, %swap3A_620] {strides = array<i32>} : memref<8x8x128xf32, #tpu.memory_space<vmem>>, vector<16xf32>,
      tpu.vector_store %arg8[%swap3A_618, %swap3A_619, %swap3A_620], %gather3A_586 {strides = array<i32>} : memref<8x8x128xf32, #tpu.memory_space<vmem>>, vector<16xf32>,
      %swap3A_622 = arith.constant 0 : i32
      %swap3A_623 = arith.index_cast %scan3A_581 : i32 to index
      %swap3A_624 = arith.index_cast %swap3A_622 : i32 to index
      %swap3A_625 = arith.constant 64 : index
      %swap3A_626 = tpu.vector_load %arg8[%swap3A_623, %swap3A_624, %swap3A_625] {strides = array<i32>} : memref<8x8x128xf32, #tpu.memory_space<vmem>>, vector<16xf32>,
      tpu.vector_store %arg8[%swap3A_623, %swap3A_624, %swap3A_625], %gather3A_587 {strides = array<i32>} : memref<8x8x128xf32, #tpu.memory_space<vmem>>, vector<16xf32>,
      %swap3A_627 = arith.constant 0 : i32
      %swap3A_628 = arith.index_cast %scan3A_581 : i32 to index
      %swap3A_629 = arith.index_cast %swap3A_627 : i32 to index
      %swap3A_630 = arith.constant 80 : index
      %swap3A_631 = tpu.vector_load %arg8[%swap3A_628, %swap3A_629, %swap3A_630] {strides = array<i32>} : memref<8x8x128xf32, #tpu.memory_space<vmem>>, vector<16xf32>,
      tpu.vector_store %arg8[%swap3A_628, %swap3A_629, %swap3A_630], %gather3A_588 {strides = array<i32>} : memref<8x8x128xf32, #tpu.memory_space<vmem>>, vector<16xf32>,
      %swap3A_632 = arith.constant 0 : i32
      %swap3A_633 = arith.index_cast %scan3A_581 : i32 to index
      %swap3A_634 = arith.index_cast %swap3A_632 : i32 to index
      %swap3A_635 = arith.constant 96 : index
      %swap3A_636 = tpu.vector_load %arg8[%swap3A_633, %swap3A_634, %swap3A_635] {strides = array<i32>} : memref<8x8x128xf32, #tpu.memory_space<vmem>>, vector<16xf32>,
      tpu.vector_store %arg8[%swap3A_633, %swap3A_634, %swap3A_635], %gather3A_589 {strides = array<i32>} : memref<8x8x128xf32, #tpu.memory_space<vmem>>, vector<16xf32>,
      %swap3A_637 = arith.constant 0 : i32
      %swap3A_638 = arith.index_cast %scan3A_581 : i32 to index
      %swap3A_639 = arith.index_cast %swap3A_637 : i32 to index
      %swap3A_640 = arith.constant 112 : index
      %swap3A_641 = tpu.vector_load %arg8[%swap3A_638, %swap3A_639, %swap3A_640] {strides = array<i32>} : memref<8x8x128xf32, #tpu.memory_space<vmem>>, vector<16xf32>,
      tpu.vector_store %arg8[%swap3A_638, %swap3A_639, %swap3A_640], %gather3A_590 {strides = array<i32>} : memref<8x8x128xf32, #tpu.memory_space<vmem>>, vector<16xf32>,
      %swap3A_642 = arith.constant 1 : i32
      %swap3A_643 = arith.index_cast %scan3A_581 : i32 to index
      %swap3A_644 = arith.index_cast %swap3A_642 : i32 to index
      %swap3A_645 = arith.constant 0 : index
      %swap3A_646 = tpu.vector_load %arg8[%swap3A_643, %swap3A_644, %swap3A_645] {strides = array<i32>} : memref<8x8x128xf32, #tpu.memory_space<vmem>>, vector<16xf32>,
      tpu.vector_store %arg8[%swap3A_643, %swap3A_644, %swap3A_645], %gather3A_593 {strides = array<i32>} : memref<8x8x128xf32, #tpu.memory_space<vmem>>, vector<16xf32>,
      %swap3A_647 = arith.constant 1 : i32
      %swap3A_648 = arith.index_cast %scan3A_581 : i32 to index
      %swap3A_649 = arith.index_cast %swap3A_647 : i32 to index
      %swap3A_650 = arith.constant 16 : index
      %swap3A_651 = tpu.vector_load %arg8[%swap3A_648, %swap3A_649, %swap3A_650] {strides = array<i32>} : memref<8x8x128xf32, #tpu.memory_space<vmem>>, vector<16xf32>,
      tpu.vector_store %arg8[%swap3A_648, %swap3A_649, %swap3A_650], %gather3A_594 {strides = array<i32>} : memref<8x8x128xf32, #tpu.memory_space<vmem>>, vector<16xf32>,
      %swap3A_652 = arith.constant 1 : i32
      %swap3A_653 = arith.index_cast %scan3A_581 : i32 to index
      %swap3A_654 = arith.index_cast %swap3A_652 : i32 to index
      %swap3A_655 = arith.constant 32 : index
      %swap3A_656 = tpu.vector_load %arg8[%swap3A_653, %swap3A_654, %swap3A_655] {strides = array<i32>} : memref<8x8x128xf32, #tpu.memory_space<vmem>>, vector<16xf32>,
      tpu.vector_store %arg8[%swap3A_653, %swap3A_654, %swap3A_655], %gather3A_595 {strides = array<i32>} : memref<8x8x128xf32, #tpu.memory_space<vmem>>, vector<16xf32>,
      %swap3A_657 = arith.constant 1 : i32
      %swap3A_658 = arith.index_cast %scan3A_581 : i32 to index
      %swap3A_659 = arith.index_cast %swap3A_657 : i32 to index
      %swap3A_660 = arith.constant 48 : index
      %swap3A_661 = tpu.vector_load %arg8[%swap3A_658, %swap3A_659, %swap3A_660] {strides = array<i32>} : memref<8x8x128xf32, #tpu.memory_space<vmem>>, vector<16xf32>,
      tpu.vector_store %arg8[%swap3A_658, %swap3A_659, %swap3A_660], %gather3A_596 {strides = array<i32>} : memref<8x8x128xf32, #tpu.memory_space<vmem>>, vector<16xf32>,
      %swap3A_662 = arith.constant 1 : i32
      %swap3A_663 = arith.index_cast %scan3A_581 : i32 to index
      %swap3A_664 = arith.index_cast %swap3A_662 : i32 to index
      %swap3A_665 = arith.constant 64 : index
      %swap3A_666 = tpu.vector_load %arg8[%swap3A_663, %swap3A_664, %swap3A_665] {strides = array<i32>} : memref<8x8x128xf32, #tpu.memory_space<vmem>>, vector<16xf32>,
      tpu.vector_store %arg8[%swap3A_663, %swap3A_664, %swap3A_665], %gather3A_597 {strides = array<i32>} : memref<8x8x128xf32, #tpu.memory_space<vmem>>, vector<16xf32>,
      %swap3A_667 = arith.constant 1 : i32
      %swap3A_668 = arith.index_cast %scan3A_581 : i32 to index
      %swap3A_669 = arith.index_cast %swap3A_667 : i32 to index
      %swap3A_670 = arith.constant 80 : index
      %swap3A_671 = tpu.vector_load %arg8[%swap3A_668, %swap3A_669, %swap3A_670] {strides = array<i32>} : memref<8x8x128xf32, #tpu.memory_space<vmem>>, vector<16xf32>,
      tpu.vector_store %arg8[%swap3A_668, %swap3A_669, %swap3A_670], %gather3A_598 {strides = array<i32>} : memref<8x8x128xf32, #tpu.memory_space<vmem>>, vector<16xf32>,
      %swap3A_672 = arith.constant 1 : i32
      %swap3A_673 = arith.index_cast %scan3A_581 : i32 to index
      %swap3A_674 = arith.index_cast %swap3A_672 : i32 to index
      %swap3A_675 = arith.constant 96 : index
      %swap3A_676 = tpu.vector_load %arg8[%swap3A_673, %swap3A_674, %swap3A_675] {strides = array<i32>} : memref<8x8x128xf32, #tpu.memory_space<vmem>>, vector<16xf32>,
      tpu.vector_store %arg8[%swap3A_673, %swap3A_674, %swap3A_675], %gather3A_599 {strides = array<i32>} : memref<8x8x128xf32, #tpu.memory_space<vmem>>, vector<16xf32>,
      %swap3A_677 = arith.constant 1 : i32
      %swap3A_678 = arith.index_cast %scan3A_581 : i32 to index
      %swap3A_679 = arith.index_cast %swap3A_677 : i32 to index
      %swap3A_680 = arith.constant 112 : index
      %swap3A_681 = tpu.vector_load %arg8[%swap3A_678, %swap3A_679, %swap3A_680] {strides = array<i32>} : memref<8x8x128xf32, #tpu.memory_space<vmem>>, vector<16xf32>,
      tpu.vector_store %arg8[%swap3A_678, %swap3A_679, %swap3A_680], %gather3A_600 {strides = array<i32>} : memref<8x8x128xf32, #tpu.memory_space<vmem>>, vector<16xf32>,
      %gather3A_682 = tpu.vector_load_idx %arg6[%select_n3A, %select_n3A_47, %add3A_601] : memref<8x8x128xf32, #tpu.memory_space<vmem>>[vector<16xi32>, vector<16xi32>, vector<16xi32>], vector<16xf32>,
      %gather3A_683 = tpu.vector_load_idx %arg6[%select_n3A_81, %select_n3A_103, %add3A_601] : memref<8x8x128xf32, #tpu.memory_space<vmem>>[vector<16xi32>, vector<16xi32>, vector<16xi32>], vector<16xf32>,
      %gather3A_684 = tpu.vector_load_idx %arg6[%select_n3A_137, %select_n3A_159, %add3A_601] : memref<8x8x128xf32, #tpu.memory_space<vmem>>[vector<16xi32>, vector<16xi32>, vector<16xi32>], vector<16xf32>,
      %gather3A_685 = tpu.vector_load_idx %arg6[%select_n3A_193, %select_n3A_215, %add3A_601] : memref<8x8x128xf32, #tpu.memory_space<vmem>>[vector<16xi32>, vector<16xi32>, vector<16xi32>], vector<16xf32>,
      %gather3A_686 = tpu.vector_load_idx %arg6[%select_n3A_249, %select_n3A_271, %add3A_602] : memref<8x8x128xf32, #tpu.memory_space<vmem>>[vector<16xi32>, vector<16xi32>, vector<16xi32>], vector<16xf32>,
      %gather3A_687 = tpu.vector_load_idx %arg6[%select_n3A_305, %select_n3A_327, %add3A_602] : memref<8x8x128xf32, #tpu.memory_space<vmem>>[vector<16xi32>, vector<16xi32>, vector<16xi32>], vector<16xf32>,
      %gather3A_688 = tpu.vector_load_idx %arg6[%select_n3A_361, %select_n3A_383, %add3A_602] : memref<8x8x128xf32, #tpu.memory_space<vmem>>[vector<16xi32>, vector<16xi32>, vector<16xi32>], vector<16xf32>,
      %gather3A_689 = tpu.vector_load_idx %arg6[%select_n3A_417, %select_n3A_439, %add3A_602] : memref<8x8x128xf32, #tpu.memory_space<vmem>>[vector<16xi32>, vector<16xi32>, vector<16xi32>], vector<16xf32>,
      %add3A_690 = arith.addi %add3A_601, %broadcast_in_dim3A_1 : vector<16xi32>
      %add3A_691 = arith.addi %add3A_602, %broadcast_in_dim3A_1 : vector<16xi32>
      %gather3A_692 = tpu.vector_load_idx %arg6[%select_n3A, %select_n3A_47, %add3A_690] : memref<8x8x128xf32, #tpu.memory_space<vmem>>[vector<16xi32>, vector<16xi32>, vector<16xi32>], vector<16xf32>,
      %gather3A_693 = tpu.vector_load_idx %arg6[%select_n3A_81, %select_n3A_103, %add3A_690] : memref<8x8x128xf32, #tpu.memory_space<vmem>>[vector<16xi32>, vector<16xi32>, vector<16xi32>], vector<16xf32>,
      %gather3A_694 = tpu.vector_load_idx %arg6[%select_n3A_137, %select_n3A_159, %add3A_690] : memref<8x8x128xf32, #tpu.memory_space<vmem>>[vector<16xi32>, vector<16xi32>, vector<16xi32>], vector<16xf32>,
      %gather3A_695 = tpu.vector_load_idx %arg6[%select_n3A_193, %select_n3A_215, %add3A_690] : memref<8x8x128xf32, #tpu.memory_space<vmem>>[vector<16xi32>, vector<16xi32>, vector<16xi32>], vector<16xf32>,
      %gather3A_696 = tpu.vector_load_idx %arg6[%select_n3A_249, %select_n3A_271, %add3A_691] : memref<8x8x128xf32, #tpu.memory_space<vmem>>[vector<16xi32>, vector<16xi32>, vector<16xi32>], vector<16xf32>,
      %gather3A_697 = tpu.vector_load_idx %arg6[%select_n3A_305, %select_n3A_327, %add3A_691] : memref<8x8x128xf32, #tpu.memory_space<vmem>>[vector<16xi32>, vector<16xi32>, vector<16xi32>], vector<16xf32>,
      %gather3A_698 = tpu.vector_load_idx %arg6[%select_n3A_361, %select_n3A_383, %add3A_691] : memref<8x8x128xf32, #tpu.memory_space<vmem>>[vector<16xi32>, vector<16xi32>, vector<16xi32>], vector<16xf32>,
      %gather3A_699 = tpu.vector_load_idx %arg6[%select_n3A_417, %select_n3A_439, %add3A_691] : memref<8x8x128xf32, #tpu.memory_space<vmem>>[vector<16xi32>, vector<16xi32>, vector<16xi32>], vector<16xf32>,
      %add3A_700 = arith.addi %add3A_690, %broadcast_in_dim3A_1 : vector<16xi32>
      %add3A_701 = arith.addi %add3A_691, %broadcast_in_dim3A_1 : vector<16xi32>
      %swap3A_702 = arith.constant 2 : i32
      %swap3A_703 = arith.index_cast %scan3A_581 : i32 to index
      %swap3A_704 = arith.index_cast %swap3A_702 : i32 to index
      %swap3A_705 = arith.constant 0 : index
      %swap3A_706 = tpu.vector_load %arg8[%swap3A_703, %swap3A_704, %swap3A_705] {strides = array<i32>} : memref<8x8x128xf32, #tpu.memory_space<vmem>>, vector<16xf32>,
      tpu.vector_store %arg8[%swap3A_703, %swap3A_704, %swap3A_705], %gather3A_682 {strides = array<i32>} : memref<8x8x128xf32, #tpu.memory_space<vmem>>, vector<16xf32>,
      %swap3A_707 = arith.constant 2 : i32
      %swap3A_708 = arith.index_cast %scan3A_581 : i32 to index
      %swap3A_709 = arith.index_cast %swap3A_707 : i32 to index
      %swap3A_710 = arith.constant 16 : index
      %swap3A_711 = tpu.vector_load %arg8[%swap3A_708, %swap3A_709, %swap3A_710] {strides = array<i32>} : memref<8x8x128xf32, #tpu.memory_space<vmem>>, vector<16xf32>,
      tpu.vector_store %arg8[%swap3A_708, %swap3A_709, %swap3A_710], %gather3A_683 {strides = array<i32>} : memref<8x8x128xf32, #tpu.memory_space<vmem>>, vector<16xf32>,
      %swap3A_712 = arith.constant 2 : i32
      %swap3A_713 = arith.index_cast %scan3A_581 : i32 to index
      %swap3A_714 = arith.index_cast %swap3A_712 : i32 to index
      %swap3A_715 = arith.constant 32 : index
      %swap3A_716 = tpu.vector_load %arg8[%swap3A_713, %swap3A_714, %swap3A_715] {strides = array<i32>} : memref<8x8x128xf32, #tpu.memory_space<vmem>>, vector<16xf32>,
      tpu.vector_store %arg8[%swap3A_713, %swap3A_714, %swap3A_715], %gather3A_684 {strides = array<i32>} : memref<8x8x128xf32, #tpu.memory_space<vmem>>, vector<16xf32>,
      %swap3A_717 = arith.constant 2 : i32
      %swap3A_718 = arith.index_cast %scan3A_581 : i32 to index
      %swap3A_719 = arith.index_cast %swap3A_717 : i32 to index
      %swap3A_720 = arith.constant 48 : index
      %swap3A_721 = tpu.vector_load %arg8[%swap3A_718, %swap3A_719, %swap3A_720] {strides = array<i32>} : memref<8x8x128xf32, #tpu.memory_space<vmem>>, vector<16xf32>,
      tpu.vector_store %arg8[%swap3A_718, %swap3A_719, %swap3A_720], %gather3A_685 {strides = array<i32>} : memref<8x8x128xf32, #tpu.memory_space<vmem>>, vector<16xf32>,
      %swap3A_722 = arith.constant 2 : i32
      %swap3A_723 = arith.index_cast %scan3A_581 : i32 to index
      %swap3A_724 = arith.index_cast %swap3A_722 : i32 to index
      %swap3A_725 = arith.constant 64 : index
      %swap3A_726 = tpu.vector_load %arg8[%swap3A_723, %swap3A_724, %swap3A_725] {strides = array<i32>} : memref<8x8x128xf32, #tpu.memory_space<vmem>>, vector<16xf32>,
      tpu.vector_store %arg8[%swap3A_723, %swap3A_724, %swap3A_725], %gather3A_686 {strides = array<i32>} : memref<8x8x128xf32, #tpu.memory_space<vmem>>, vector<16xf32>,
      %swap3A_727 = arith.constant 2 : i32
      %swap3A_728 = arith.index_cast %scan3A_581 : i32 to index
      %swap3A_729 = arith.index_cast %swap3A_727 : i32 to index
      %swap3A_730 = arith.constant 80 : index
      %swap3A_731 = tpu.vector_load %arg8[%swap3A_728, %swap3A_729, %swap3A_730] {strides = array<i32>} : memref<8x8x128xf32, #tpu.memory_space<vmem>>, vector<16xf32>,
      tpu.vector_store %arg8[%swap3A_728, %swap3A_729, %swap3A_730], %gather3A_687 {strides = array<i32>} : memref<8x8x128xf32, #tpu.memory_space<vmem>>, vector<16xf32>,
      %swap3A_732 = arith.constant 2 : i32
      %swap3A_733 = arith.index_cast %scan3A_581 : i32 to index
      %swap3A_734 = arith.index_cast %swap3A_732 : i32 to index
      %swap3A_735 = arith.constant 96 : index
      %swap3A_736 = tpu.vector_load %arg8[%swap3A_733, %swap3A_734, %swap3A_735] {strides = array<i32>} : memref<8x8x128xf32, #tpu.memory_space<vmem>>, vector<16xf32>,
      tpu.vector_store %arg8[%swap3A_733, %swap3A_734, %swap3A_735], %gather3A_688 {strides = array<i32>} : memref<8x8x128xf32, #tpu.memory_space<vmem>>, vector<16xf32>,
      %swap3A_737 = arith.constant 2 : i32
      %swap3A_738 = arith.index_cast %scan3A_581 : i32 to index
      %swap3A_739 = arith.index_cast %swap3A_737 : i32 to index
      %swap3A_740 = arith.constant 112 : index
      %swap3A_741 = tpu.vector_load %arg8[%swap3A_738, %swap3A_739, %swap3A_740] {strides = array<i32>} : memref<8x8x128xf32, #tpu.memory_space<vmem>>, vector<16xf32>,
      tpu.vector_store %arg8[%swap3A_738, %swap3A_739, %swap3A_740], %gather3A_689 {strides = array<i32>} : memref<8x8x128xf32, #tpu.memory_space<vmem>>, vector<16xf32>,
      %swap3A_742 = arith.constant 3 : i32
      %swap3A_743 = arith.index_cast %scan3A_581 : i32 to index
      %swap3A_744 = arith.index_cast %swap3A_742 : i32 to index
      %swap3A_745 = arith.constant 0 : index
      %swap3A_746 = tpu.vector_load %arg8[%swap3A_743, %swap3A_744, %swap3A_745] {strides = array<i32>} : memref<8x8x128xf32, #tpu.memory_space<vmem>>, vector<16xf32>,
      tpu.vector_store %arg8[%swap3A_743, %swap3A_744, %swap3A_745], %gather3A_692 {strides = array<i32>} : memref<8x8x128xf32, #tpu.memory_space<vmem>>, vector<16xf32>,
      %swap3A_747 = arith.constant 3 : i32
      %swap3A_748 = arith.index_cast %scan3A_581 : i32 to index
      %swap3A_749 = arith.index_cast %swap3A_747 : i32 to index
      %swap3A_750 = arith.constant 16 : index
      %swap3A_751 = tpu.vector_load %arg8[%swap3A_748, %swap3A_749, %swap3A_750] {strides = array<i32>} : memref<8x8x128xf32, #tpu.memory_space<vmem>>, vector<16xf32>,
      tpu.vector_store %arg8[%swap3A_748, %swap3A_749, %swap3A_750], %gather3A_693 {strides = array<i32>} : memref<8x8x128xf32, #tpu.memory_space<vmem>>, vector<16xf32>,
      %swap3A_752 = arith.constant 3 : i32
      %swap3A_753 = arith.index_cast %scan3A_581 : i32 to index
      %swap3A_754 = arith.index_cast %swap3A_752 : i32 to index
      %swap3A_755 = arith.constant 32 : index
      %swap3A_756 = tpu.vector_load %arg8[%swap3A_753, %swap3A_754, %swap3A_755] {strides = array<i32>} : memref<8x8x128xf32, #tpu.memory_space<vmem>>, vector<16xf32>,
      tpu.vector_store %arg8[%swap3A_753, %swap3A_754, %swap3A_755], %gather3A_694 {strides = array<i32>} : memref<8x8x128xf32, #tpu.memory_space<vmem>>, vector<16xf32>,
      %swap3A_757 = arith.constant 3 : i32
      %swap3A_758 = arith.index_cast %scan3A_581 : i32 to index
      %swap3A_759 = arith.index_cast %swap3A_757 : i32 to index
      %swap3A_760 = arith.constant 48 : index
      %swap3A_761 = tpu.vector_load %arg8[%swap3A_758, %swap3A_759, %swap3A_760] {strides = array<i32>} : memref<8x8x128xf32, #tpu.memory_space<vmem>>, vector<16xf32>,
      tpu.vector_store %arg8[%swap3A_758, %swap3A_759, %swap3A_760], %gather3A_695 {strides = array<i32>} : memref<8x8x128xf32, #tpu.memory_space<vmem>>, vector<16xf32>,
      %swap3A_762 = arith.constant 3 : i32
      %swap3A_763 = arith.index_cast %scan3A_581 : i32 to index
      %swap3A_764 = arith.index_cast %swap3A_762 : i32 to index
      %swap3A_765 = arith.constant 64 : index
      %swap3A_766 = tpu.vector_load %arg8[%swap3A_763, %swap3A_764, %swap3A_765] {strides = array<i32>} : memref<8x8x128xf32, #tpu.memory_space<vmem>>, vector<16xf32>,
      tpu.vector_store %arg8[%swap3A_763, %swap3A_764, %swap3A_765], %gather3A_696 {strides = array<i32>} : memref<8x8x128xf32, #tpu.memory_space<vmem>>, vector<16xf32>,
      %swap3A_767 = arith.constant 3 : i32
      %swap3A_768 = arith.index_cast %scan3A_581 : i32 to index
      %swap3A_769 = arith.index_cast %swap3A_767 : i32 to index
      %swap3A_770 = arith.constant 80 : index
      %swap3A_771 = tpu.vector_load %arg8[%swap3A_768, %swap3A_769, %swap3A_770] {strides = array<i32>} : memref<8x8x128xf32, #tpu.memory_space<vmem>>, vector<16xf32>,
      tpu.vector_store %arg8[%swap3A_768, %swap3A_769, %swap3A_770], %gather3A_697 {strides = array<i32>} : memref<8x8x128xf32, #tpu.memory_space<vmem>>, vector<16xf32>,
      %swap3A_772 = arith.constant 3 : i32
      %swap3A_773 = arith.index_cast %scan3A_581 : i32 to index
      %swap3A_774 = arith.index_cast %swap3A_772 : i32 to index
      %swap3A_775 = arith.constant 96 : index
      %swap3A_776 = tpu.vector_load %arg8[%swap3A_773, %swap3A_774, %swap3A_775] {strides = array<i32>} : memref<8x8x128xf32, #tpu.memory_space<vmem>>, vector<16xf32>,
      tpu.vector_store %arg8[%swap3A_773, %swap3A_774, %swap3A_775], %gather3A_698 {strides = array<i32>} : memref<8x8x128xf32, #tpu.memory_space<vmem>>, vector<16xf32>,
      %swap3A_777 = arith.constant 3 : i32
      %swap3A_778 = arith.index_cast %scan3A_581 : i32 to index
      %swap3A_779 = arith.index_cast %swap3A_777 : i32 to index
      %swap3A_780 = arith.constant 112 : index
      %swap3A_781 = tpu.vector_load %arg8[%swap3A_778, %swap3A_779, %swap3A_780] {strides = array<i32>} : memref<8x8x128xf32, #tpu.memory_space<vmem>>, vector<16xf32>,
      tpu.vector_store %arg8[%swap3A_778, %swap3A_779, %swap3A_780], %gather3A_699 {strides = array<i32>} : memref<8x8x128xf32, #tpu.memory_space<vmem>>, vector<16xf32>,
      %gather3A_782 = tpu.vector_load_idx %arg6[%select_n3A, %select_n3A_47, %add3A_700] : memref<8x8x128xf32, #tpu.memory_space<vmem>>[vector<16xi32>, vector<16xi32>, vector<16xi32>], vector<16xf32>,
      %gather3A_783 = tpu.vector_load_idx %arg6[%select_n3A_81, %select_n3A_103, %add3A_700] : memref<8x8x128xf32, #tpu.memory_space<vmem>>[vector<16xi32>, vector<16xi32>, vector<16xi32>], vector<16xf32>,
      %gather3A_784 = tpu.vector_load_idx %arg6[%select_n3A_137, %select_n3A_159, %add3A_700] : memref<8x8x128xf32, #tpu.memory_space<vmem>>[vector<16xi32>, vector<16xi32>, vector<16xi32>], vector<16xf32>,
      %gather3A_785 = tpu.vector_load_idx %arg6[%select_n3A_193, %select_n3A_215, %add3A_700] : memref<8x8x128xf32, #tpu.memory_space<vmem>>[vector<16xi32>, vector<16xi32>, vector<16xi32>], vector<16xf32>,
      %gather3A_786 = tpu.vector_load_idx %arg6[%select_n3A_249, %select_n3A_271, %add3A_701] : memref<8x8x128xf32, #tpu.memory_space<vmem>>[vector<16xi32>, vector<16xi32>, vector<16xi32>], vector<16xf32>,
      %gather3A_787 = tpu.vector_load_idx %arg6[%select_n3A_305, %select_n3A_327, %add3A_701] : memref<8x8x128xf32, #tpu.memory_space<vmem>>[vector<16xi32>, vector<16xi32>, vector<16xi32>], vector<16xf32>,
      %gather3A_788 = tpu.vector_load_idx %arg6[%select_n3A_361, %select_n3A_383, %add3A_701] : memref<8x8x128xf32, #tpu.memory_space<vmem>>[vector<16xi32>, vector<16xi32>, vector<16xi32>], vector<16xf32>,
      %gather3A_789 = tpu.vector_load_idx %arg6[%select_n3A_417, %select_n3A_439, %add3A_701] : memref<8x8x128xf32, #tpu.memory_space<vmem>>[vector<16xi32>, vector<16xi32>, vector<16xi32>], vector<16xf32>,
      %add3A_790 = arith.addi %add3A_700, %broadcast_in_dim3A_1 : vector<16xi32>
      %add3A_791 = arith.addi %add3A_701, %broadcast_in_dim3A_1 : vector<16xi32>
      %gather3A_792 = tpu.vector_load_idx %arg6[%select_n3A, %select_n3A_47, %add3A_790] : memref<8x8x128xf32, #tpu.memory_space<vmem>>[vector<16xi32>, vector<16xi32>, vector<16xi32>], vector<16xf32>,
      %gather3A_793 = tpu.vector_load_idx %arg6[%select_n3A_81, %select_n3A_103, %add3A_790] : memref<8x8x128xf32, #tpu.memory_space<vmem>>[vector<16xi32>, vector<16xi32>, vector<16xi32>], vector<16xf32>,
      %gather3A_794 = tpu.vector_load_idx %arg6[%select_n3A_137, %select_n3A_159, %add3A_790] : memref<8x8x128xf32, #tpu.memory_space<vmem>>[vector<16xi32>, vector<16xi32>, vector<16xi32>], vector<16xf32>,
      %gather3A_795 = tpu.vector_load_idx %arg6[%select_n3A_193, %select_n3A_215, %add3A_790] : memref<8x8x128xf32, #tpu.memory_space<vmem>>[vector<16xi32>, vector<16xi32>, vector<16xi32>], vector<16xf32>,
      %gather3A_796 = tpu.vector_load_idx %arg6[%select_n3A_249, %select_n3A_271, %add3A_791] : memref<8x8x128xf32, #tpu.memory_space<vmem>>[vector<16xi32>, vector<16xi32>, vector<16xi32>], vector<16xf32>,
      %gather3A_797 = tpu.vector_load_idx %arg6[%select_n3A_305, %select_n3A_327, %add3A_791] : memref<8x8x128xf32, #tpu.memory_space<vmem>>[vector<16xi32>, vector<16xi32>, vector<16xi32>], vector<16xf32>,
      %gather3A_798 = tpu.vector_load_idx %arg6[%select_n3A_361, %select_n3A_383, %add3A_791] : memref<8x8x128xf32, #tpu.memory_space<vmem>>[vector<16xi32>, vector<16xi32>, vector<16xi32>], vector<16xf32>,
      %gather3A_799 = tpu.vector_load_idx %arg6[%select_n3A_417, %select_n3A_439, %add3A_791] : memref<8x8x128xf32, #tpu.memory_space<vmem>>[vector<16xi32>, vector<16xi32>, vector<16xi32>], vector<16xf32>,
      %add3A_800 = arith.addi %add3A_790, %broadcast_in_dim3A_1 : vector<16xi32>
      %add3A_801 = arith.addi %add3A_791, %broadcast_in_dim3A_1 : vector<16xi32>
      %swap3A_802 = arith.constant 4 : i32
      %swap3A_803 = arith.index_cast %scan3A_581 : i32 to index
      %swap3A_804 = arith.index_cast %swap3A_802 : i32 to index
      %swap3A_805 = arith.constant 0 : index
      %swap3A_806 = tpu.vector_load %arg8[%swap3A_803, %swap3A_804, %swap3A_805] {strides = array<i32>} : memref<8x8x128xf32, #tpu.memory_space<vmem>>, vector<16xf32>,
      tpu.vector_store %arg8[%swap3A_803, %swap3A_804, %swap3A_805], %gather3A_782 {strides = array<i32>} : memref<8x8x128xf32, #tpu.memory_space<vmem>>, vector<16xf32>,
      %swap3A_807 = arith.constant 4 : i32
      %swap3A_808 = arith.index_cast %scan3A_581 : i32 to index
      %swap3A_809 = arith.index_cast %swap3A_807 : i32 to index
      %swap3A_810 = arith.constant 16 : index
      %swap3A_811 = tpu.vector_load %arg8[%swap3A_808, %swap3A_809, %swap3A_810] {strides = array<i32>} : memref<8x8x128xf32, #tpu.memory_space<vmem>>, vector<16xf32>,
      tpu.vector_store %arg8[%swap3A_808, %swap3A_809, %swap3A_810], %gather3A_783 {strides = array<i32>} : memref<8x8x128xf32, #tpu.memory_space<vmem>>, vector<16xf32>,
      %swap3A_812 = arith.constant 4 : i32
      %swap3A_813 = arith.index_cast %scan3A_581 : i32 to index
      %swap3A_814 = arith.index_cast %swap3A_812 : i32 to index
      %swap3A_815 = arith.constant 32 : index
      %swap3A_816 = tpu.vector_load %arg8[%swap3A_813, %swap3A_814, %swap3A_815] {strides = array<i32>} : memref<8x8x128xf32, #tpu.memory_space<vmem>>, vector<16xf32>,
      tpu.vector_store %arg8[%swap3A_813, %swap3A_814, %swap3A_815], %gather3A_784 {strides = array<i32>} : memref<8x8x128xf32, #tpu.memory_space<vmem>>, vector<16xf32>,
      %swap3A_817 = arith.constant 4 : i32
      %swap3A_818 = arith.index_cast %scan3A_581 : i32 to index
      %swap3A_819 = arith.index_cast %swap3A_817 : i32 to index
      %swap3A_820 = arith.constant 48 : index
      %swap3A_821 = tpu.vector_load %arg8[%swap3A_818, %swap3A_819, %swap3A_820] {strides = array<i32>} : memref<8x8x128xf32, #tpu.memory_space<vmem>>, vector<16xf32>,
      tpu.vector_store %arg8[%swap3A_818, %swap3A_819, %swap3A_820], %gather3A_785 {strides = array<i32>} : memref<8x8x128xf32, #tpu.memory_space<vmem>>, vector<16xf32>,
      %swap3A_822 = arith.constant 4 : i32
      %swap3A_823 = arith.index_cast %scan3A_581 : i32 to index
      %swap3A_824 = arith.index_cast %swap3A_822 : i32 to index
      %swap3A_825 = arith.constant 64 : index
      %swap3A_826 = tpu.vector_load %arg8[%swap3A_823, %swap3A_824, %swap3A_825] {strides = array<i32>} : memref<8x8x128xf32, #tpu.memory_space<vmem>>, vector<16xf32>,
      tpu.vector_store %arg8[%swap3A_823, %swap3A_824, %swap3A_825], %gather3A_786 {strides = array<i32>} : memref<8x8x128xf32, #tpu.memory_space<vmem>>, vector<16xf32>,
      %swap3A_827 = arith.constant 4 : i32
      %swap3A_828 = arith.index_cast %scan3A_581 : i32 to index
      %swap3A_829 = arith.index_cast %swap3A_827 : i32 to index
      %swap3A_830 = arith.constant 80 : index
      %swap3A_831 = tpu.vector_load %arg8[%swap3A_828, %swap3A_829, %swap3A_830] {strides = array<i32>} : memref<8x8x128xf32, #tpu.memory_space<vmem>>, vector<16xf32>,
      tpu.vector_store %arg8[%swap3A_828, %swap3A_829, %swap3A_830], %gather3A_787 {strides = array<i32>} : memref<8x8x128xf32, #tpu.memory_space<vmem>>, vector<16xf32>,
      %swap3A_832 = arith.constant 4 : i32
      %swap3A_833 = arith.index_cast %scan3A_581 : i32 to index
      %swap3A_834 = arith.index_cast %swap3A_832 : i32 to index
      %swap3A_835 = arith.constant 96 : index
      %swap3A_836 = tpu.vector_load %arg8[%swap3A_833, %swap3A_834, %swap3A_835] {strides = array<i32>} : memref<8x8x128xf32, #tpu.memory_space<vmem>>, vector<16xf32>,
      tpu.vector_store %arg8[%swap3A_833, %swap3A_834, %swap3A_835], %gather3A_788 {strides = array<i32>} : memref<8x8x128xf32, #tpu.memory_space<vmem>>, vector<16xf32>,
      %swap3A_837 = arith.constant 4 : i32
      %swap3A_838 = arith.index_cast %scan3A_581 : i32 to index
      %swap3A_839 = arith.index_cast %swap3A_837 : i32 to index
      %swap3A_840 = arith.constant 112 : index
      %swap3A_841 = tpu.vector_load %arg8[%swap3A_838, %swap3A_839, %swap3A_840] {strides = array<i32>} : memref<8x8x128xf32, #tpu.memory_space<vmem>>, vector<16xf32>,
      tpu.vector_store %arg8[%swap3A_838, %swap3A_839, %swap3A_840], %gather3A_789 {strides = array<i32>} : memref<8x8x128xf32, #tpu.memory_space<vmem>>, vector<16xf32>,
      %swap3A_842 = arith.constant 5 : i32
      %swap3A_843 = arith.index_cast %scan3A_581 : i32 to index
      %swap3A_844 = arith.index_cast %swap3A_842 : i32 to index
      %swap3A_845 = arith.constant 0 : index
      %swap3A_846 = tpu.vector_load %arg8[%swap3A_843, %swap3A_844, %swap3A_845] {strides = array<i32>} : memref<8x8x128xf32, #tpu.memory_space<vmem>>, vector<16xf32>,
      tpu.vector_store %arg8[%swap3A_843, %swap3A_844, %swap3A_845], %gather3A_792 {strides = array<i32>} : memref<8x8x128xf32, #tpu.memory_space<vmem>>, vector<16xf32>,
      %swap3A_847 = arith.constant 5 : i32
      %swap3A_848 = arith.index_cast %scan3A_581 : i32 to index
      %swap3A_849 = arith.index_cast %swap3A_847 : i32 to index
      %swap3A_850 = arith.constant 16 : index
      %swap3A_851 = tpu.vector_load %arg8[%swap3A_848, %swap3A_849, %swap3A_850] {strides = array<i32>} : memref<8x8x128xf32, #tpu.memory_space<vmem>>, vector<16xf32>,
      tpu.vector_store %arg8[%swap3A_848, %swap3A_849, %swap3A_850], %gather3A_793 {strides = array<i32>} : memref<8x8x128xf32, #tpu.memory_space<vmem>>, vector<16xf32>,
      %swap3A_852 = arith.constant 5 : i32
      %swap3A_853 = arith.index_cast %scan3A_581 : i32 to index
      %swap3A_854 = arith.index_cast %swap3A_852 : i32 to index
      %swap3A_855 = arith.constant 32 : index
      %swap3A_856 = tpu.vector_load %arg8[%swap3A_853, %swap3A_854, %swap3A_855] {strides = array<i32>} : memref<8x8x128xf32, #tpu.memory_space<vmem>>, vector<16xf32>,
      tpu.vector_store %arg8[%swap3A_853, %swap3A_854, %swap3A_855], %gather3A_794 {strides = array<i32>} : memref<8x8x128xf32, #tpu.memory_space<vmem>>, vector<16xf32>,
      %swap3A_857 = arith.constant 5 : i32
      %swap3A_858 = arith.index_cast %scan3A_581 : i32 to index
      %swap3A_859 = arith.index_cast %swap3A_857 : i32 to index
      %swap3A_860 = arith.constant 48 : index
      %swap3A_861 = tpu.vector_load %arg8[%swap3A_858, %swap3A_859, %swap3A_860] {strides = array<i32>} : memref<8x8x128xf32, #tpu.memory_space<vmem>>, vector<16xf32>,
      tpu.vector_store %arg8[%swap3A_858, %swap3A_859, %swap3A_860], %gather3A_795 {strides = array<i32>} : memref<8x8x128xf32, #tpu.memory_space<vmem>>, vector<16xf32>,
      %swap3A_862 = arith.constant 5 : i32
      %swap3A_863 = arith.index_cast %scan3A_581 : i32 to index
      %swap3A_864 = arith.index_cast %swap3A_862 : i32 to index
      %swap3A_865 = arith.constant 64 : index
      %swap3A_866 = tpu.vector_load %arg8[%swap3A_863, %swap3A_864, %swap3A_865] {strides = array<i32>} : memref<8x8x128xf32, #tpu.memory_space<vmem>>, vector<16xf32>,
      tpu.vector_store %arg8[%swap3A_863, %swap3A_864, %swap3A_865], %gather3A_796 {strides = array<i32>} : memref<8x8x128xf32, #tpu.memory_space<vmem>>, vector<16xf32>,
      %swap3A_867 = arith.constant 5 : i32
      %swap3A_868 = arith.index_cast %scan3A_581 : i32 to index
      %swap3A_869 = arith.index_cast %swap3A_867 : i32 to index
      %swap3A_870 = arith.constant 80 : index
      %swap3A_871 = tpu.vector_load %arg8[%swap3A_868, %swap3A_869, %swap3A_870] {strides = array<i32>} : memref<8x8x128xf32, #tpu.memory_space<vmem>>, vector<16xf32>,
      tpu.vector_store %arg8[%swap3A_868, %swap3A_869, %swap3A_870], %gather3A_797 {strides = array<i32>} : memref<8x8x128xf32, #tpu.memory_space<vmem>>, vector<16xf32>,
      %swap3A_872 = arith.constant 5 : i32
      %swap3A_873 = arith.index_cast %scan3A_581 : i32 to index
      %swap3A_874 = arith.index_cast %swap3A_872 : i32 to index
      %swap3A_875 = arith.constant 96 : index
      %swap3A_876 = tpu.vector_load %arg8[%swap3A_873, %swap3A_874, %swap3A_875] {strides = array<i32>} : memref<8x8x128xf32, #tpu.memory_space<vmem>>, vector<16xf32>,
      tpu.vector_store %arg8[%swap3A_873, %swap3A_874, %swap3A_875], %gather3A_798 {strides = array<i32>} : memref<8x8x128xf32, #tpu.memory_space<vmem>>, vector<16xf32>,
      %swap3A_877 = arith.constant 5 : i32
      %swap3A_878 = arith.index_cast %scan3A_581 : i32 to index
      %swap3A_879 = arith.index_cast %swap3A_877 : i32 to index
      %swap3A_880 = arith.constant 112 : index
      %swap3A_881 = tpu.vector_load %arg8[%swap3A_878, %swap3A_879, %swap3A_880] {strides = array<i32>} : memref<8x8x128xf32, #tpu.memory_space<vmem>>, vector<16xf32>,
      tpu.vector_store %arg8[%swap3A_878, %swap3A_879, %swap3A_880], %gather3A_799 {strides = array<i32>} : memref<8x8x128xf32, #tpu.memory_space<vmem>>, vector<16xf32>,
      %gather3A_882 = tpu.vector_load_idx %arg6[%select_n3A, %select_n3A_47, %add3A_800] : memref<8x8x128xf32, #tpu.memory_space<vmem>>[vector<16xi32>, vector<16xi32>, vector<16xi32>], vector<16xf32>,
      %gather3A_883 = tpu.vector_load_idx %arg6[%select_n3A_81, %select_n3A_103, %add3A_800] : memref<8x8x128xf32, #tpu.memory_space<vmem>>[vector<16xi32>, vector<16xi32>, vector<16xi32>], vector<16xf32>,
      %gather3A_884 = tpu.vector_load_idx %arg6[%select_n3A_137, %select_n3A_159, %add3A_800] : memref<8x8x128xf32, #tpu.memory_space<vmem>>[vector<16xi32>, vector<16xi32>, vector<16xi32>], vector<16xf32>,
      %gather3A_885 = tpu.vector_load_idx %arg6[%select_n3A_193, %select_n3A_215, %add3A_800] : memref<8x8x128xf32, #tpu.memory_space<vmem>>[vector<16xi32>, vector<16xi32>, vector<16xi32>], vector<16xf32>,
      %gather3A_886 = tpu.vector_load_idx %arg6[%select_n3A_249, %select_n3A_271, %add3A_801] : memref<8x8x128xf32, #tpu.memory_space<vmem>>[vector<16xi32>, vector<16xi32>, vector<16xi32>], vector<16xf32>,
      %gather3A_887 = tpu.vector_load_idx %arg6[%select_n3A_305, %select_n3A_327, %add3A_801] : memref<8x8x128xf32, #tpu.memory_space<vmem>>[vector<16xi32>, vector<16xi32>, vector<16xi32>], vector<16xf32>,
      %gather3A_888 = tpu.vector_load_idx %arg6[%select_n3A_361, %select_n3A_383, %add3A_801] : memref<8x8x128xf32, #tpu.memory_space<vmem>>[vector<16xi32>, vector<16xi32>, vector<16xi32>], vector<16xf32>,
      %gather3A_889 = tpu.vector_load_idx %arg6[%select_n3A_417, %select_n3A_439, %add3A_801] : memref<8x8x128xf32, #tpu.memory_space<vmem>>[vector<16xi32>, vector<16xi32>, vector<16xi32>], vector<16xf32>,
      %add3A_890 = arith.addi %add3A_800, %broadcast_in_dim3A_1 : vector<16xi32>
      %add3A_891 = arith.addi %add3A_801, %broadcast_in_dim3A_1 : vector<16xi32>
      %gather3A_892 = tpu.vector_load_idx %arg6[%select_n3A, %select_n3A_47, %add3A_890] : memref<8x8x128xf32, #tpu.memory_space<vmem>>[vector<16xi32>, vector<16xi32>, vector<16xi32>], vector<16xf32>,
      %gather3A_893 = tpu.vector_load_idx %arg6[%select_n3A_81, %select_n3A_103, %add3A_890] : memref<8x8x128xf32, #tpu.memory_space<vmem>>[vector<16xi32>, vector<16xi32>, vector<16xi32>], vector<16xf32>,
      %gather3A_894 = tpu.vector_load_idx %arg6[%select_n3A_137, %select_n3A_159, %add3A_890] : memref<8x8x128xf32, #tpu.memory_space<vmem>>[vector<16xi32>, vector<16xi32>, vector<16xi32>], vector<16xf32>,
      %gather3A_895 = tpu.vector_load_idx %arg6[%select_n3A_193, %select_n3A_215, %add3A_890] : memref<8x8x128xf32, #tpu.memory_space<vmem>>[vector<16xi32>, vector<16xi32>, vector<16xi32>], vector<16xf32>,
      %gather3A_896 = tpu.vector_load_idx %arg6[%select_n3A_249, %select_n3A_271, %add3A_891] : memref<8x8x128xf32, #tpu.memory_space<vmem>>[vector<16xi32>, vector<16xi32>, vector<16xi32>], vector<16xf32>,
      %gather3A_897 = tpu.vector_load_idx %arg6[%select_n3A_305, %select_n3A_327, %add3A_891] : memref<8x8x128xf32, #tpu.memory_space<vmem>>[vector<16xi32>, vector<16xi32>, vector<16xi32>], vector<16xf32>,
      %gather3A_898 = tpu.vector_load_idx %arg6[%select_n3A_361, %select_n3A_383, %add3A_891] : memref<8x8x128xf32, #tpu.memory_space<vmem>>[vector<16xi32>, vector<16xi32>, vector<16xi32>], vector<16xf32>,
      %gather3A_899 = tpu.vector_load_idx %arg6[%select_n3A_417, %select_n3A_439, %add3A_891] : memref<8x8x128xf32, #tpu.memory_space<vmem>>[vector<16xi32>, vector<16xi32>, vector<16xi32>], vector<16xf32>,
      %add3A_900 = arith.addi %add3A_890, %broadcast_in_dim3A_1 : vector<16xi32>
      %add3A_901 = arith.addi %add3A_891, %broadcast_in_dim3A_1 : vector<16xi32>
      %swap3A_902 = arith.constant 6 : i32
      %swap3A_903 = arith.index_cast %scan3A_581 : i32 to index
      %swap3A_904 = arith.index_cast %swap3A_902 : i32 to index
      %swap3A_905 = arith.constant 0 : index
      %swap3A_906 = tpu.vector_load %arg8[%swap3A_903, %swap3A_904, %swap3A_905] {strides = array<i32>} : memref<8x8x128xf32, #tpu.memory_space<vmem>>, vector<16xf32>,
      tpu.vector_store %arg8[%swap3A_903, %swap3A_904, %swap3A_905], %gather3A_882 {strides = array<i32>} : memref<8x8x128xf32, #tpu.memory_space<vmem>>, vector<16xf32>,
      %swap3A_907 = arith.constant 6 : i32
      %swap3A_908 = arith.index_cast %scan3A_581 : i32 to index
      %swap3A_909 = arith.index_cast %swap3A_907 : i32 to index
      %swap3A_910 = arith.constant 16 : index
      %swap3A_911 = tpu.vector_load %arg8[%swap3A_908, %swap3A_909, %swap3A_910] {strides = array<i32>} : memref<8x8x128xf32, #tpu.memory_space<vmem>>, vector<16xf32>,
      tpu.vector_store %arg8[%swap3A_908, %swap3A_909, %swap3A_910], %gather3A_883 {strides = array<i32>} : memref<8x8x128xf32, #tpu.memory_space<vmem>>, vector<16xf32>,
      %swap3A_912 = arith.constant 6 : i32
      %swap3A_913 = arith.index_cast %scan3A_581 : i32 to index
      %swap3A_914 = arith.index_cast %swap3A_912 : i32 to index
      %swap3A_915 = arith.constant 32 : index
      %swap3A_916 = tpu.vector_load %arg8[%swap3A_913, %swap3A_914, %swap3A_915] {strides = array<i32>} : memref<8x8x128xf32, #tpu.memory_space<vmem>>, vector<16xf32>,
      tpu.vector_store %arg8[%swap3A_913, %swap3A_914, %swap3A_915], %gather3A_884 {strides = array<i32>} : memref<8x8x128xf32, #tpu.memory_space<vmem>>, vector<16xf32>,
      %swap3A_917 = arith.constant 6 : i32
      %swap3A_918 = arith.index_cast %scan3A_581 : i32 to index
      %swap3A_919 = arith.index_cast %swap3A_917 : i32 to index
      %swap3A_920 = arith.constant 48 : index
      %swap3A_921 = tpu.vector_load %arg8[%swap3A_918, %swap3A_919, %swap3A_920] {strides = array<i32>} : memref<8x8x128xf32, #tpu.memory_space<vmem>>, vector<16xf32>,
      tpu.vector_store %arg8[%swap3A_918, %swap3A_919, %swap3A_920], %gather3A_885 {strides = array<i32>} : memref<8x8x128xf32, #tpu.memory_space<vmem>>, vector<16xf32>,
      %swap3A_922 = arith.constant 6 : i32
      %swap3A_923 = arith.index_cast %scan3A_581 : i32 to index
      %swap3A_924 = arith.index_cast %swap3A_922 : i32 to index
      %swap3A_925 = arith.constant 64 : index
      %swap3A_926 = tpu.vector_load %arg8[%swap3A_923, %swap3A_924, %swap3A_925] {strides = array<i32>} : memref<8x8x128xf32, #tpu.memory_space<vmem>>, vector<16xf32>,
      tpu.vector_store %arg8[%swap3A_923, %swap3A_924, %swap3A_925], %gather3A_886 {strides = array<i32>} : memref<8x8x128xf32, #tpu.memory_space<vmem>>, vector<16xf32>,
      %swap3A_927 = arith.constant 6 : i32
      %swap3A_928 = arith.index_cast %scan3A_581 : i32 to index
      %swap3A_929 = arith.index_cast %swap3A_927 : i32 to index
      %swap3A_930 = arith.constant 80 : index
      %swap3A_931 = tpu.vector_load %arg8[%swap3A_928, %swap3A_929, %swap3A_930] {strides = array<i32>} : memref<8x8x128xf32, #tpu.memory_space<vmem>>, vector<16xf32>,
      tpu.vector_store %arg8[%swap3A_928, %swap3A_929, %swap3A_930], %gather3A_887 {strides = array<i32>} : memref<8x8x128xf32, #tpu.memory_space<vmem>>, vector<16xf32>,
      %swap3A_932 = arith.constant 6 : i32
      %swap3A_933 = arith.index_cast %scan3A_581 : i32 to index
      %swap3A_934 = arith.index_cast %swap3A_932 : i32 to index
      %swap3A_935 = arith.constant 96 : index
      %swap3A_936 = tpu.vector_load %arg8[%swap3A_933, %swap3A_934, %swap3A_935] {strides = array<i32>} : memref<8x8x128xf32, #tpu.memory_space<vmem>>, vector<16xf32>,
      tpu.vector_store %arg8[%swap3A_933, %swap3A_934, %swap3A_935], %gather3A_888 {strides = array<i32>} : memref<8x8x128xf32, #tpu.memory_space<vmem>>, vector<16xf32>,
      %swap3A_937 = arith.constant 6 : i32
      %swap3A_938 = arith.index_cast %scan3A_581 : i32 to index
      %swap3A_939 = arith.index_cast %swap3A_937 : i32 to index
      %swap3A_940 = arith.constant 112 : index
      %swap3A_941 = tpu.vector_load %arg8[%swap3A_938, %swap3A_939, %swap3A_940] {strides = array<i32>} : memref<8x8x128xf32, #tpu.memory_space<vmem>>, vector<16xf32>,
      tpu.vector_store %arg8[%swap3A_938, %swap3A_939, %swap3A_940], %gather3A_889 {strides = array<i32>} : memref<8x8x128xf32, #tpu.memory_space<vmem>>, vector<16xf32>,
      %swap3A_942 = arith.constant 7 : i32
      %swap3A_943 = arith.index_cast %scan3A_581 : i32 to index
      %swap3A_944 = arith.index_cast %swap3A_942 : i32 to index
      %swap3A_945 = arith.constant 0 : index
      %swap3A_946 = tpu.vector_load %arg8[%swap3A_943, %swap3A_944, %swap3A_945] {strides = array<i32>} : memref<8x8x128xf32, #tpu.memory_space<vmem>>, vector<16xf32>,
      tpu.vector_store %arg8[%swap3A_943, %swap3A_944, %swap3A_945], %gather3A_892 {strides = array<i32>} : memref<8x8x128xf32, #tpu.memory_space<vmem>>, vector<16xf32>,
      %swap3A_947 = arith.constant 7 : i32
      %swap3A_948 = arith.index_cast %scan3A_581 : i32 to index
      %swap3A_949 = arith.index_cast %swap3A_947 : i32 to index
      %swap3A_950 = arith.constant 16 : index
      %swap3A_951 = tpu.vector_load %arg8[%swap3A_948, %swap3A_949, %swap3A_950] {strides = array<i32>} : memref<8x8x128xf32, #tpu.memory_space<vmem>>, vector<16xf32>,
      tpu.vector_store %arg8[%swap3A_948, %swap3A_949, %swap3A_950], %gather3A_893 {strides = array<i32>} : memref<8x8x128xf32, #tpu.memory_space<vmem>>, vector<16xf32>,
      %swap3A_952 = arith.constant 7 : i32
      %swap3A_953 = arith.index_cast %scan3A_581 : i32 to index
      %swap3A_954 = arith.index_cast %swap3A_952 : i32 to index
      %swap3A_955 = arith.constant 32 : index
      %swap3A_956 = tpu.vector_load %arg8[%swap3A_953, %swap3A_954, %swap3A_955] {strides = array<i32>} : memref<8x8x128xf32, #tpu.memory_space<vmem>>, vector<16xf32>,
      tpu.vector_store %arg8[%swap3A_953, %swap3A_954, %swap3A_955], %gather3A_894 {strides = array<i32>} : memref<8x8x128xf32, #tpu.memory_space<vmem>>, vector<16xf32>,
      %swap3A_957 = arith.constant 7 : i32
      %swap3A_958 = arith.index_cast %scan3A_581 : i32 to index
      %swap3A_959 = arith.index_cast %swap3A_957 : i32 to index
      %swap3A_960 = arith.constant 48 : index
      %swap3A_961 = tpu.vector_load %arg8[%swap3A_958, %swap3A_959, %swap3A_960] {strides = array<i32>} : memref<8x8x128xf32, #tpu.memory_space<vmem>>, vector<16xf32>,
      tpu.vector_store %arg8[%swap3A_958, %swap3A_959, %swap3A_960], %gather3A_895 {strides = array<i32>} : memref<8x8x128xf32, #tpu.memory_space<vmem>>, vector<16xf32>,
      %swap3A_962 = arith.constant 7 : i32
      %swap3A_963 = arith.index_cast %scan3A_581 : i32 to index
      %swap3A_964 = arith.index_cast %swap3A_962 : i32 to index
      %swap3A_965 = arith.constant 64 : index
      %swap3A_966 = tpu.vector_load %arg8[%swap3A_963, %swap3A_964, %swap3A_965] {strides = array<i32>} : memref<8x8x128xf32, #tpu.memory_space<vmem>>, vector<16xf32>,
      tpu.vector_store %arg8[%swap3A_963, %swap3A_964, %swap3A_965], %gather3A_896 {strides = array<i32>} : memref<8x8x128xf32, #tpu.memory_space<vmem>>, vector<16xf32>,
      %swap3A_967 = arith.constant 7 : i32
      %swap3A_968 = arith.index_cast %scan3A_581 : i32 to index
      %swap3A_969 = arith.index_cast %swap3A_967 : i32 to index
      %swap3A_970 = arith.constant 80 : index
      %swap3A_971 = tpu.vector_load %arg8[%swap3A_968, %swap3A_969, %swap3A_970] {strides = array<i32>} : memref<8x8x128xf32, #tpu.memory_space<vmem>>, vector<16xf32>,
      tpu.vector_store %arg8[%swap3A_968, %swap3A_969, %swap3A_970], %gather3A_897 {strides = array<i32>} : memref<8x8x128xf32, #tpu.memory_space<vmem>>, vector<16xf32>,
      %swap3A_972 = arith.constant 7 : i32
      %swap3A_973 = arith.index_cast %scan3A_581 : i32 to index
      %swap3A_974 = arith.index_cast %swap3A_972 : i32 to index
      %swap3A_975 = arith.constant 96 : index
      %swap3A_976 = tpu.vector_load %arg8[%swap3A_973, %swap3A_974, %swap3A_975] {strides = array<i32>} : memref<8x8x128xf32, #tpu.memory_space<vmem>>, vector<16xf32>,
      tpu.vector_store %arg8[%swap3A_973, %swap3A_974, %swap3A_975], %gather3A_898 {strides = array<i32>} : memref<8x8x128xf32, #tpu.memory_space<vmem>>, vector<16xf32>,
      %swap3A_977 = arith.constant 7 : i32
      %swap3A_978 = arith.index_cast %scan3A_581 : i32 to index
      %swap3A_979 = arith.index_cast %swap3A_977 : i32 to index
      %swap3A_980 = arith.constant 112 : index
      %swap3A_981 = tpu.vector_load %arg8[%swap3A_978, %swap3A_979, %swap3A_980] {strides = array<i32>} : memref<8x8x128xf32, #tpu.memory_space<vmem>>, vector<16xf32>,
      tpu.vector_store %arg8[%swap3A_978, %swap3A_979, %swap3A_980], %gather3A_899 {strides = array<i32>} : memref<8x8x128xf32, #tpu.memory_space<vmem>>, vector<16xf32>,
      scf.yield %add3A_900, %add3A_901 : vector<16xi32>, vector<16xi32>
    }
    %scan3A_526 = arith.constant 8 : i32
    %add3A_527 = arith.constant 32 : i32
    %add3A_528 = arith.addi %add3A, %add3A_527 : i32
    %mul3A_529 = arith.constant 8 : i32
    %mul3A_530 = arith.muli %add3A_528, %mul3A_529 : i32
    %dma_start3A_531 = arith.constant 0 : i32
    %dma_start3A_532 = arith.constant 0 : i32
    %dma_start3A_533 = tpu.memref_slice %arg4[%mul3A_530, %dma_start3A_531, %dma_start3A_532] : memref<62500x8x128xf32, #tpu.memory_space<hbm>> -> memref<8x8x128xf32, #tpu.memory_space<hbm>>
    %dma_start3A_534 = arith.constant 0 : i32
    %dma_start3A_535 = arith.constant 0 : i32
    %dma_start3A_536 = tpu.memref_slice %arg4[%mul3A_530, %dma_start3A_534, %dma_start3A_535] : memref<62500x8x128xf32, #tpu.memory_space<hbm>> -> memref<8x8x128xf32, #tpu.memory_space<hbm>>
    tpu.enqueue_dma source(%arg8 : memref<8x8x128xf32, #tpu.memory_space<vmem>>) target(%dma_start3A_536 : memref<8x8x128xf32, #tpu.memory_space<hbm>>) target_semaphore(%arg12 : memref<!tpu.dma_semaphore, #tpu.memory_space<semaphore_mem>>)
    %add3A_537 = arith.constant 96 : i32
    %add3A_538 = arith.addi %add3A, %add3A_537 : i32
    %mul3A_539 = arith.constant 128 : i32
    %mul3A_540 = arith.muli %add3A_538, %mul3A_539 : i32
    %dma_start3A_541 = arith.constant 0 : i32
    %dma_start3A_542 = arith.constant 0 : i32
    %dma_start3A_543 = tpu.memref_slice %arg2[%dma_start3A_541, %dma_start3A_542, %mul3A_540] : memref<8x8x1000000xf32, #tpu.memory_space<hbm>> -> memref<8x8x128xf32, #tpu.memory_space<hbm>>
    %dma_start3A_544 = arith.constant 0 : i32
    %dma_start3A_545 = arith.constant 0 : i32
    %dma_start3A_546 = tpu.memref_slice %arg2[%dma_start3A_544, %dma_start3A_545, %mul3A_540] : memref<8x8x1000000xf32, #tpu.memory_space<hbm>> -> memref<8x8x128xf32, #tpu.memory_space<hbm>>
    tpu.enqueue_dma source(%dma_start3A_546 : memref<8x8x128xf32, #tpu.memory_space<hbm>>) target(%arg6 : memref<8x8x128xf32, #tpu.memory_space<vmem>>) target_semaphore(%arg10 : memref<!tpu.dma_semaphore, #tpu.memory_space<semaphore_mem>>)
    %scan3A_547 = arith.constant 0 : i32
    %scan3A_548 = arith.constant 0 : i32
    %scan3A_549 = arith.constant 121 : i32
    %scan3A_550 = arith.addi %scan3A_548, %scan3A_549 : i32
    %scan3A_551 = arith.constant 1 : i32
    scf.for %scan3A_581 = %scan3A_548 to %scan3A_550 step %scan3A_551  : i32 {
      %mul3A_582 = arith.constant 2 : i32
      %mul3A_583 = arith.muli %mul3A_582, %scan3A_581 : i32
      %add3A_584 = arith.constant 2 : i32
      %add3A_585 = arith.addi %mul3A_583, %add3A_584 : i32
      %add3A_586 = arith.constant 0 : i32
      %add3A_587 = arith.addi %add3A_585, %add3A_586 : i32
      %mul3A_588 = arith.constant 32 : i32
      %mul3A_589 = arith.muli %mul3A_588, %add3A_587 : i32
      %add3A_590 = arith.addi %add3A, %mul3A_589 : i32
      %mul3A_591 = arith.constant 128 : i32
      %mul3A_592 = arith.muli %add3A_590, %mul3A_591 : i32
      %dma_wait3A_593 = arith.constant 0 : i32
      %dma_wait3A_594 = arith.constant 0 : i32
      %dma_wait3A_595 = tpu.memref_slice %arg2[%dma_wait3A_593, %dma_wait3A_594, %mul3A_592] : memref<8x8x1000000xf32, #tpu.memory_space<hbm>> -> memref<8x8x128xf32, #tpu.memory_space<hbm>>
      %dma_wait3A_596 = arith.constant 0 : i32
      %dma_wait3A_597 = arith.constant 0 : i32
      %dma_wait3A_598 = tpu.memref_slice %arg2[%dma_wait3A_596, %dma_wait3A_597, %mul3A_592] : memref<8x8x1000000xf32, #tpu.memory_space<hbm>> -> memref<8x8x128xf32, #tpu.memory_space<hbm>>
      tpu.wait_dma2 semaphore(%arg9 : memref<!tpu.dma_semaphore, #tpu.memory_space<semaphore_mem>>) src(%dma_wait3A_598 : memref<8x8x128xf32, #tpu.memory_space<hbm>>) dst(%arg5 : memref<8x8x128xf32, #tpu.memory_space<vmem>>)
      %sub3A_599 = arith.constant 2 : i32
      %sub3A_600 = arith.subi %add3A_587, %sub3A_599 : i32
      %mul3A_601 = arith.constant 32 : i32
      %mul3A_602 = arith.muli %mul3A_601, %sub3A_600 : i32
      %add3A_603 = arith.addi %add3A, %mul3A_602 : i32
      %mul3A_604 = arith.constant 8 : i32
      %mul3A_605 = arith.muli %add3A_603, %mul3A_604 : i32
      %dma_wait3A_606 = arith.constant 0 : i32
      %dma_wait3A_607 = arith.constant 0 : i32
      %dma_wait3A_608 = tpu.memref_slice %arg4[%mul3A_605, %dma_wait3A_606, %dma_wait3A_607] : memref<62500x8x128xf32, #tpu.memory_space<hbm>> -> memref<8x8x128xf32, #tpu.memory_space<hbm>>
      %dma_wait3A_609 = arith.constant 0 : i32
      %dma_wait3A_610 = arith.constant 0 : i32
      %dma_wait3A_611 = tpu.memref_slice %arg4[%mul3A_605, %dma_wait3A_609, %dma_wait3A_610] : memref<62500x8x128xf32, #tpu.memory_space<hbm>> -> memref<8x8x128xf32, #tpu.memory_space<hbm>>
      tpu.wait_dma2 semaphore(%arg11 : memref<!tpu.dma_semaphore, #tpu.memory_space<semaphore_mem>>) src(%arg7 : memref<8x8x128xf32, #tpu.memory_space<vmem>>) dst(%dma_wait3A_611 : memref<8x8x128xf32, #tpu.memory_space<hbm>>)
      %mul3A_612 = arith.constant 0 : i32
      %mul3A_613 = vector.broadcast %mul3A_612 : i32 to vector<16xi32>
      %mul3A_614 = arith.muli %iota3A, %mul3A_613 : vector<16xi32>
      %mul3A_615 = arith.constant 0 : i32
      %mul3A_616 = vector.broadcast %mul3A_615 : i32 to vector<16xi32>
      %mul3A_617 = arith.muli %iota3A, %mul3A_616 : vector<16xi32>
      %add3A_618 = arith.constant 1 : i32
      %add3A_619 = vector.broadcast %add3A_618 : i32 to vector<16xi32>
      %add3A_620 = arith.addi %mul3A_617, %add3A_619 : vector<16xi32>
      %scan3A_621 = arith.constant 0 : i32
      %scan3A_622 = arith.constant 8 : i32
      %scan3A_623 = arith.addi %scan3A_621, %scan3A_622 : i32
      %scan3A_624 = arith.constant 1 : i32
      %scan3A_625:2 = scf.for %scan3A_708 = %scan3A_621 to %scan3A_623 step %scan3A_624 iter_args(%scan3A_709 = %mul3A_614, %scan3A_710 = %add3A_620) -> (vector<16xi32>, vector<16xi32>)  : i32 {
        %gather3A = tpu.vector_load_idx %arg5[%select_n3A, %select_n3A_47, %scan3A_709] : memref<8x8x128xf32, #tpu.memory_space<vmem>>[vector<16xi32>, vector<16xi32>, vector<16xi32>], vector<16xf32>,
        %gather3A_711 = tpu.vector_load_idx %arg5[%select_n3A_81, %select_n3A_103, %scan3A_709] : memref<8x8x128xf32, #tpu.memory_space<vmem>>[vector<16xi32>, vector<16xi32>, vector<16xi32>], vector<16xf32>,
        %gather3A_712 = tpu.vector_load_idx %arg5[%select_n3A_137, %select_n3A_159, %scan3A_709] : memref<8x8x128xf32, #tpu.memory_space<vmem>>[vector<16xi32>, vector<16xi32>, vector<16xi32>], vector<16xf32>,
        %gather3A_713 = tpu.vector_load_idx %arg5[%select_n3A_193, %select_n3A_215, %scan3A_709] : memref<8x8x128xf32, #tpu.memory_space<vmem>>[vector<16xi32>, vector<16xi32>, vector<16xi32>], vector<16xf32>,
        %gather3A_714 = tpu.vector_load_idx %arg5[%select_n3A_249, %select_n3A_271, %scan3A_710] : memref<8x8x128xf32, #tpu.memory_space<vmem>>[vector<16xi32>, vector<16xi32>, vector<16xi32>], vector<16xf32>,
        %gather3A_715 = tpu.vector_load_idx %arg5[%select_n3A_305, %select_n3A_327, %scan3A_710] : memref<8x8x128xf32, #tpu.memory_space<vmem>>[vector<16xi32>, vector<16xi32>, vector<16xi32>], vector<16xf32>,
        %gather3A_716 = tpu.vector_load_idx %arg5[%select_n3A_361, %select_n3A_383, %scan3A_710] : memref<8x8x128xf32, #tpu.memory_space<vmem>>[vector<16xi32>, vector<16xi32>, vector<16xi32>], vector<16xf32>,
        %gather3A_717 = tpu.vector_load_idx %arg5[%select_n3A_417, %select_n3A_439, %scan3A_710] : memref<8x8x128xf32, #tpu.memory_space<vmem>>[vector<16xi32>, vector<16xi32>, vector<16xi32>], vector<16xf32>,
        %add3A_718 = arith.addi %scan3A_709, %broadcast_in_dim3A_1 : vector<16xi32>
        %add3A_719 = arith.addi %scan3A_710, %broadcast_in_dim3A_1 : vector<16xi32>
        %gather3A_720 = tpu.vector_load_idx %arg5[%select_n3A, %select_n3A_47, %add3A_718] : memref<8x8x128xf32, #tpu.memory_space<vmem>>[vector<16xi32>, vector<16xi32>, vector<16xi32>], vector<16xf32>,
        %gather3A_721 = tpu.vector_load_idx %arg5[%select_n3A_81, %select_n3A_103, %add3A_718] : memref<8x8x128xf32, #tpu.memory_space<vmem>>[vector<16xi32>, vector<16xi32>, vector<16xi32>], vector<16xf32>,
        %gather3A_722 = tpu.vector_load_idx %arg5[%select_n3A_137, %select_n3A_159, %add3A_718] : memref<8x8x128xf32, #tpu.memory_space<vmem>>[vector<16xi32>, vector<16xi32>, vector<16xi32>], vector<16xf32>,
        %gather3A_723 = tpu.vector_load_idx %arg5[%select_n3A_193, %select_n3A_215, %add3A_718] : memref<8x8x128xf32, #tpu.memory_space<vmem>>[vector<16xi32>, vector<16xi32>, vector<16xi32>], vector<16xf32>,
        %gather3A_724 = tpu.vector_load_idx %arg5[%select_n3A_249, %select_n3A_271, %add3A_719] : memref<8x8x128xf32, #tpu.memory_space<vmem>>[vector<16xi32>, vector<16xi32>, vector<16xi32>], vector<16xf32>,
        %gather3A_725 = tpu.vector_load_idx %arg5[%select_n3A_305, %select_n3A_327, %add3A_719] : memref<8x8x128xf32, #tpu.memory_space<vmem>>[vector<16xi32>, vector<16xi32>, vector<16xi32>], vector<16xf32>,
        %gather3A_726 = tpu.vector_load_idx %arg5[%select_n3A_361, %select_n3A_383, %add3A_719] : memref<8x8x128xf32, #tpu.memory_space<vmem>>[vector<16xi32>, vector<16xi32>, vector<16xi32>], vector<16xf32>,
        %gather3A_727 = tpu.vector_load_idx %arg5[%select_n3A_417, %select_n3A_439, %add3A_719] : memref<8x8x128xf32, #tpu.memory_space<vmem>>[vector<16xi32>, vector<16xi32>, vector<16xi32>], vector<16xf32>,
        %add3A_728 = arith.addi %add3A_718, %broadcast_in_dim3A_1 : vector<16xi32>
        %add3A_729 = arith.addi %add3A_719, %broadcast_in_dim3A_1 : vector<16xi32>
        %swap3A = arith.constant 0 : i32
        %swap3A_730 = arith.index_cast %scan3A_708 : i32 to index
        %swap3A_731 = arith.index_cast %swap3A : i32 to index
        %swap3A_732 = arith.constant 0 : index
        %swap3A_733 = tpu.vector_load %arg7[%swap3A_730, %swap3A_731, %swap3A_732] {strides = array<i32>} : memref<8x8x128xf32, #tpu.memory_space<vmem>>, vector<16xf32>,
        tpu.vector_store %arg7[%swap3A_730, %swap3A_731, %swap3A_732], %gather3A {strides = array<i32>} : memref<8x8x128xf32, #tpu.memory_space<vmem>>, vector<16xf32>,
        %swap3A_734 = arith.constant 0 : i32
        %swap3A_735 = arith.index_cast %scan3A_708 : i32 to index
        %swap3A_736 = arith.index_cast %swap3A_734 : i32 to index
        %swap3A_737 = arith.constant 16 : index
        %swap3A_738 = tpu.vector_load %arg7[%swap3A_735, %swap3A_736, %swap3A_737] {strides = array<i32>} : memref<8x8x128xf32, #tpu.memory_space<vmem>>, vector<16xf32>,
        tpu.vector_store %arg7[%swap3A_735, %swap3A_736, %swap3A_737], %gather3A_711 {strides = array<i32>} : memref<8x8x128xf32, #tpu.memory_space<vmem>>, vector<16xf32>,
        %swap3A_739 = arith.constant 0 : i32
        %swap3A_740 = arith.index_cast %scan3A_708 : i32 to index
        %swap3A_741 = arith.index_cast %swap3A_739 : i32 to index
        %swap3A_742 = arith.constant 32 : index
        %swap3A_743 = tpu.vector_load %arg7[%swap3A_740, %swap3A_741, %swap3A_742] {strides = array<i32>} : memref<8x8x128xf32, #tpu.memory_space<vmem>>, vector<16xf32>,
        tpu.vector_store %arg7[%swap3A_740, %swap3A_741, %swap3A_742], %gather3A_712 {strides = array<i32>} : memref<8x8x128xf32, #tpu.memory_space<vmem>>, vector<16xf32>,
        %swap3A_744 = arith.constant 0 : i32
        %swap3A_745 = arith.index_cast %scan3A_708 : i32 to index
        %swap3A_746 = arith.index_cast %swap3A_744 : i32 to index
        %swap3A_747 = arith.constant 48 : index
        %swap3A_748 = tpu.vector_load %arg7[%swap3A_745, %swap3A_746, %swap3A_747] {strides = array<i32>} : memref<8x8x128xf32, #tpu.memory_space<vmem>>, vector<16xf32>,
        tpu.vector_store %arg7[%swap3A_745, %swap3A_746, %swap3A_747], %gather3A_713 {strides = array<i32>} : memref<8x8x128xf32, #tpu.memory_space<vmem>>, vector<16xf32>,
        %swap3A_749 = arith.constant 0 : i32
        %swap3A_750 = arith.index_cast %scan3A_708 : i32 to index
        %swap3A_751 = arith.index_cast %swap3A_749 : i32 to index
        %swap3A_752 = arith.constant 64 : index
        %swap3A_753 = tpu.vector_load %arg7[%swap3A_750, %swap3A_751, %swap3A_752] {strides = array<i32>} : memref<8x8x128xf32, #tpu.memory_space<vmem>>, vector<16xf32>,
        tpu.vector_store %arg7[%swap3A_750, %swap3A_751, %swap3A_752], %gather3A_714 {strides = array<i32>} : memref<8x8x128xf32, #tpu.memory_space<vmem>>, vector<16xf32>,
        %swap3A_754 = arith.constant 0 : i32
        %swap3A_755 = arith.index_cast %scan3A_708 : i32 to index
        %swap3A_756 = arith.index_cast %swap3A_754 : i32 to index
        %swap3A_757 = arith.constant 80 : index
        %swap3A_758 = tpu.vector_load %arg7[%swap3A_755, %swap3A_756, %swap3A_757] {strides = array<i32>} : memref<8x8x128xf32, #tpu.memory_space<vmem>>, vector<16xf32>,
        tpu.vector_store %arg7[%swap3A_755, %swap3A_756, %swap3A_757], %gather3A_715 {strides = array<i32>} : memref<8x8x128xf32, #tpu.memory_space<vmem>>, vector<16xf32>,
        %swap3A_759 = arith.constant 0 : i32
        %swap3A_760 = arith.index_cast %scan3A_708 : i32 to index
        %swap3A_761 = arith.index_cast %swap3A_759 : i32 to index
        %swap3A_762 = arith.constant 96 : index
        %swap3A_763 = tpu.vector_load %arg7[%swap3A_760, %swap3A_761, %swap3A_762] {strides = array<i32>} : memref<8x8x128xf32, #tpu.memory_space<vmem>>, vector<16xf32>,
        tpu.vector_store %arg7[%swap3A_760, %swap3A_761, %swap3A_762], %gather3A_716 {strides = array<i32>} : memref<8x8x128xf32, #tpu.memory_space<vmem>>, vector<16xf32>,
        %swap3A_764 = arith.constant 0 : i32
        %swap3A_765 = arith.index_cast %scan3A_708 : i32 to index
        %swap3A_766 = arith.index_cast %swap3A_764 : i32 to index
        %swap3A_767 = arith.constant 112 : index
        %swap3A_768 = tpu.vector_load %arg7[%swap3A_765, %swap3A_766, %swap3A_767] {strides = array<i32>} : memref<8x8x128xf32, #tpu.memory_space<vmem>>, vector<16xf32>,
        tpu.vector_store %arg7[%swap3A_765, %swap3A_766, %swap3A_767], %gather3A_717 {strides = array<i32>} : memref<8x8x128xf32, #tpu.memory_space<vmem>>, vector<16xf32>,
        %swap3A_769 = arith.constant 1 : i32
        %swap3A_770 = arith.index_cast %scan3A_708 : i32 to index
        %swap3A_771 = arith.index_cast %swap3A_769 : i32 to index
        %swap3A_772 = arith.constant 0 : index
        %swap3A_773 = tpu.vector_load %arg7[%swap3A_770, %swap3A_771, %swap3A_772] {strides = array<i32>} : memref<8x8x128xf32, #tpu.memory_space<vmem>>, vector<16xf32>,
        tpu.vector_store %arg7[%swap3A_770, %swap3A_771, %swap3A_772], %gather3A_720 {strides = array<i32>} : memref<8x8x128xf32, #tpu.memory_space<vmem>>, vector<16xf32>,
        %swap3A_774 = arith.constant 1 : i32
        %swap3A_775 = arith.index_cast %scan3A_708 : i32 to index
        %swap3A_776 = arith.index_cast %swap3A_774 : i32 to index
        %swap3A_777 = arith.constant 16 : index
        %swap3A_778 = tpu.vector_load %arg7[%swap3A_775, %swap3A_776, %swap3A_777] {strides = array<i32>} : memref<8x8x128xf32, #tpu.memory_space<vmem>>, vector<16xf32>,
        tpu.vector_store %arg7[%swap3A_775, %swap3A_776, %swap3A_777], %gather3A_721 {strides = array<i32>} : memref<8x8x128xf32, #tpu.memory_space<vmem>>, vector<16xf32>,
        %swap3A_779 = arith.constant 1 : i32
        %swap3A_780 = arith.index_cast %scan3A_708 : i32 to index
        %swap3A_781 = arith.index_cast %swap3A_779 : i32 to index
        %swap3A_782 = arith.constant 32 : index
        %swap3A_783 = tpu.vector_load %arg7[%swap3A_780, %swap3A_781, %swap3A_782] {strides = array<i32>} : memref<8x8x128xf32, #tpu.memory_space<vmem>>, vector<16xf32>,
        tpu.vector_store %arg7[%swap3A_780, %swap3A_781, %swap3A_782], %gather3A_722 {strides = array<i32>} : memref<8x8x128xf32, #tpu.memory_space<vmem>>, vector<16xf32>,
        %swap3A_784 = arith.constant 1 : i32
        %swap3A_785 = arith.index_cast %scan3A_708 : i32 to index
        %swap3A_786 = arith.index_cast %swap3A_784 : i32 to index
        %swap3A_787 = arith.constant 48 : index
        %swap3A_788 = tpu.vector_load %arg7[%swap3A_785, %swap3A_786, %swap3A_787] {strides = array<i32>} : memref<8x8x128xf32, #tpu.memory_space<vmem>>, vector<16xf32>,
        tpu.vector_store %arg7[%swap3A_785, %swap3A_786, %swap3A_787], %gather3A_723 {strides = array<i32>} : memref<8x8x128xf32, #tpu.memory_space<vmem>>, vector<16xf32>,
        %swap3A_789 = arith.constant 1 : i32
        %swap3A_790 = arith.index_cast %scan3A_708 : i32 to index
        %swap3A_791 = arith.index_cast %swap3A_789 : i32 to index
        %swap3A_792 = arith.constant 64 : index
        %swap3A_793 = tpu.vector_load %arg7[%swap3A_790, %swap3A_791, %swap3A_792] {strides = array<i32>} : memref<8x8x128xf32, #tpu.memory_space<vmem>>, vector<16xf32>,
        tpu.vector_store %arg7[%swap3A_790, %swap3A_791, %swap3A_792], %gather3A_724 {strides = array<i32>} : memref<8x8x128xf32, #tpu.memory_space<vmem>>, vector<16xf32>,
        %swap3A_794 = arith.constant 1 : i32
        %swap3A_795 = arith.index_cast %scan3A_708 : i32 to index
        %swap3A_796 = arith.index_cast %swap3A_794 : i32 to index
        %swap3A_797 = arith.constant 80 : index
        %swap3A_798 = tpu.vector_load %arg7[%swap3A_795, %swap3A_796, %swap3A_797] {strides = array<i32>} : memref<8x8x128xf32, #tpu.memory_space<vmem>>, vector<16xf32>,
        tpu.vector_store %arg7[%swap3A_795, %swap3A_796, %swap3A_797], %gather3A_725 {strides = array<i32>} : memref<8x8x128xf32, #tpu.memory_space<vmem>>, vector<16xf32>,
        %swap3A_799 = arith.constant 1 : i32
        %swap3A_800 = arith.index_cast %scan3A_708 : i32 to index
        %swap3A_801 = arith.index_cast %swap3A_799 : i32 to index
        %swap3A_802 = arith.constant 96 : index
        %swap3A_803 = tpu.vector_load %arg7[%swap3A_800, %swap3A_801, %swap3A_802] {strides = array<i32>} : memref<8x8x128xf32, #tpu.memory_space<vmem>>, vector<16xf32>,
        tpu.vector_store %arg7[%swap3A_800, %swap3A_801, %swap3A_802], %gather3A_726 {strides = array<i32>} : memref<8x8x128xf32, #tpu.memory_space<vmem>>, vector<16xf32>,
        %swap3A_804 = arith.constant 1 : i32
        %swap3A_805 = arith.index_cast %scan3A_708 : i32 to index
        %swap3A_806 = arith.index_cast %swap3A_804 : i32 to index
        %swap3A_807 = arith.constant 112 : index
        %swap3A_808 = tpu.vector_load %arg7[%swap3A_805, %swap3A_806, %swap3A_807] {strides = array<i32>} : memref<8x8x128xf32, #tpu.memory_space<vmem>>, vector<16xf32>,
        tpu.vector_store %arg7[%swap3A_805, %swap3A_806, %swap3A_807], %gather3A_727 {strides = array<i32>} : memref<8x8x128xf32, #tpu.memory_space<vmem>>, vector<16xf32>,
        %gather3A_809 = tpu.vector_load_idx %arg5[%select_n3A, %select_n3A_47, %add3A_728] : memref<8x8x128xf32, #tpu.memory_space<vmem>>[vector<16xi32>, vector<16xi32>, vector<16xi32>], vector<16xf32>,
        %gather3A_810 = tpu.vector_load_idx %arg5[%select_n3A_81, %select_n3A_103, %add3A_728] : memref<8x8x128xf32, #tpu.memory_space<vmem>>[vector<16xi32>, vector<16xi32>, vector<16xi32>], vector<16xf32>,
        %gather3A_811 = tpu.vector_load_idx %arg5[%select_n3A_137, %select_n3A_159, %add3A_728] : memref<8x8x128xf32, #tpu.memory_space<vmem>>[vector<16xi32>, vector<16xi32>, vector<16xi32>], vector<16xf32>,
        %gather3A_812 = tpu.vector_load_idx %arg5[%select_n3A_193, %select_n3A_215, %add3A_728] : memref<8x8x128xf32, #tpu.memory_space<vmem>>[vector<16xi32>, vector<16xi32>, vector<16xi32>], vector<16xf32>,
        %gather3A_813 = tpu.vector_load_idx %arg5[%select_n3A_249, %select_n3A_271, %add3A_729] : memref<8x8x128xf32, #tpu.memory_space<vmem>>[vector<16xi32>, vector<16xi32>, vector<16xi32>], vector<16xf32>,
        %gather3A_814 = tpu.vector_load_idx %arg5[%select_n3A_305, %select_n3A_327, %add3A_729] : memref<8x8x128xf32, #tpu.memory_space<vmem>>[vector<16xi32>, vector<16xi32>, vector<16xi32>], vector<16xf32>,
        %gather3A_815 = tpu.vector_load_idx %arg5[%select_n3A_361, %select_n3A_383, %add3A_729] : memref<8x8x128xf32, #tpu.memory_space<vmem>>[vector<16xi32>, vector<16xi32>, vector<16xi32>], vector<16xf32>,
        %gather3A_816 = tpu.vector_load_idx %arg5[%select_n3A_417, %select_n3A_439, %add3A_729] : memref<8x8x128xf32, #tpu.memory_space<vmem>>[vector<16xi32>, vector<16xi32>, vector<16xi32>], vector<16xf32>,
        %add3A_817 = arith.addi %add3A_728, %broadcast_in_dim3A_1 : vector<16xi32>
        %add3A_818 = arith.addi %add3A_729, %broadcast_in_dim3A_1 : vector<16xi32>
        %gather3A_819 = tpu.vector_load_idx %arg5[%select_n3A, %select_n3A_47, %add3A_817] : memref<8x8x128xf32, #tpu.memory_space<vmem>>[vector<16xi32>, vector<16xi32>, vector<16xi32>], vector<16xf32>,
        %gather3A_820 = tpu.vector_load_idx %arg5[%select_n3A_81, %select_n3A_103, %add3A_817] : memref<8x8x128xf32, #tpu.memory_space<vmem>>[vector<16xi32>, vector<16xi32>, vector<16xi32>], vector<16xf32>,
        %gather3A_821 = tpu.vector_load_idx %arg5[%select_n3A_137, %select_n3A_159, %add3A_817] : memref<8x8x128xf32, #tpu.memory_space<vmem>>[vector<16xi32>, vector<16xi32>, vector<16xi32>], vector<16xf32>,
        %gather3A_822 = tpu.vector_load_idx %arg5[%select_n3A_193, %select_n3A_215, %add3A_817] : memref<8x8x128xf32, #tpu.memory_space<vmem>>[vector<16xi32>, vector<16xi32>, vector<16xi32>], vector<16xf32>,
        %gather3A_823 = tpu.vector_load_idx %arg5[%select_n3A_249, %select_n3A_271, %add3A_818] : memref<8x8x128xf32, #tpu.memory_space<vmem>>[vector<16xi32>, vector<16xi32>, vector<16xi32>], vector<16xf32>,
        %gather3A_824 = tpu.vector_load_idx %arg5[%select_n3A_305, %select_n3A_327, %add3A_818] : memref<8x8x128xf32, #tpu.memory_space<vmem>>[vector<16xi32>, vector<16xi32>, vector<16xi32>], vector<16xf32>,
        %gather3A_825 = tpu.vector_load_idx %arg5[%select_n3A_361, %select_n3A_383, %add3A_818] : memref<8x8x128xf32, #tpu.memory_space<vmem>>[vector<16xi32>, vector<16xi32>, vector<16xi32>], vector<16xf32>,
        %gather3A_826 = tpu.vector_load_idx %arg5[%select_n3A_417, %select_n3A_439, %add3A_818] : memref<8x8x128xf32, #tpu.memory_space<vmem>>[vector<16xi32>, vector<16xi32>, vector<16xi32>], vector<16xf32>,
        %add3A_827 = arith.addi %add3A_817, %broadcast_in_dim3A_1 : vector<16xi32>
        %add3A_828 = arith.addi %add3A_818, %broadcast_in_dim3A_1 : vector<16xi32>
        %swap3A_829 = arith.constant 2 : i32
        %swap3A_830 = arith.index_cast %scan3A_708 : i32 to index
        %swap3A_831 = arith.index_cast %swap3A_829 : i32 to index
        %swap3A_832 = arith.constant 0 : index
        %swap3A_833 = tpu.vector_load %arg7[%swap3A_830, %swap3A_831, %swap3A_832] {strides = array<i32>} : memref<8x8x128xf32, #tpu.memory_space<vmem>>, vector<16xf32>,
        tpu.vector_store %arg7[%swap3A_830, %swap3A_831, %swap3A_832], %gather3A_809 {strides = array<i32>} : memref<8x8x128xf32, #tpu.memory_space<vmem>>, vector<16xf32>,
        %swap3A_834 = arith.constant 2 : i32
        %swap3A_835 = arith.index_cast %scan3A_708 : i32 to index
        %swap3A_836 = arith.index_cast %swap3A_834 : i32 to index
        %swap3A_837 = arith.constant 16 : index
        %swap3A_838 = tpu.vector_load %arg7[%swap3A_835, %swap3A_836, %swap3A_837] {strides = array<i32>} : memref<8x8x128xf32, #tpu.memory_space<vmem>>, vector<16xf32>,
        tpu.vector_store %arg7[%swap3A_835, %swap3A_836, %swap3A_837], %gather3A_810 {strides = array<i32>} : memref<8x8x128xf32, #tpu.memory_space<vmem>>, vector<16xf32>,
        %swap3A_839 = arith.constant 2 : i32
        %swap3A_840 = arith.index_cast %scan3A_708 : i32 to index
        %swap3A_841 = arith.index_cast %swap3A_839 : i32 to index
        %swap3A_842 = arith.constant 32 : index
        %swap3A_843 = tpu.vector_load %arg7[%swap3A_840, %swap3A_841, %swap3A_842] {strides = array<i32>} : memref<8x8x128xf32, #tpu.memory_space<vmem>>, vector<16xf32>,
        tpu.vector_store %arg7[%swap3A_840, %swap3A_841, %swap3A_842], %gather3A_811 {strides = array<i32>} : memref<8x8x128xf32, #tpu.memory_space<vmem>>, vector<16xf32>,
        %swap3A_844 = arith.constant 2 : i32
        %swap3A_845 = arith.index_cast %scan3A_708 : i32 to index
        %swap3A_846 = arith.index_cast %swap3A_844 : i32 to index
        %swap3A_847 = arith.constant 48 : index
        %swap3A_848 = tpu.vector_load %arg7[%swap3A_845, %swap3A_846, %swap3A_847] {strides = array<i32>} : memref<8x8x128xf32, #tpu.memory_space<vmem>>, vector<16xf32>,
        tpu.vector_store %arg7[%swap3A_845, %swap3A_846, %swap3A_847], %gather3A_812 {strides = array<i32>} : memref<8x8x128xf32, #tpu.memory_space<vmem>>, vector<16xf32>,
        %swap3A_849 = arith.constant 2 : i32
        %swap3A_850 = arith.index_cast %scan3A_708 : i32 to index
        %swap3A_851 = arith.index_cast %swap3A_849 : i32 to index
        %swap3A_852 = arith.constant 64 : index
        %swap3A_853 = tpu.vector_load %arg7[%swap3A_850, %swap3A_851, %swap3A_852] {strides = array<i32>} : memref<8x8x128xf32, #tpu.memory_space<vmem>>, vector<16xf32>,
        tpu.vector_store %arg7[%swap3A_850, %swap3A_851, %swap3A_852], %gather3A_813 {strides = array<i32>} : memref<8x8x128xf32, #tpu.memory_space<vmem>>, vector<16xf32>,
        %swap3A_854 = arith.constant 2 : i32
        %swap3A_855 = arith.index_cast %scan3A_708 : i32 to index
        %swap3A_856 = arith.index_cast %swap3A_854 : i32 to index
        %swap3A_857 = arith.constant 80 : index
        %swap3A_858 = tpu.vector_load %arg7[%swap3A_855, %swap3A_856, %swap3A_857] {strides = array<i32>} : memref<8x8x128xf32, #tpu.memory_space<vmem>>, vector<16xf32>,
        tpu.vector_store %arg7[%swap3A_855, %swap3A_856, %swap3A_857], %gather3A_814 {strides = array<i32>} : memref<8x8x128xf32, #tpu.memory_space<vmem>>, vector<16xf32>,
        %swap3A_859 = arith.constant 2 : i32
        %swap3A_860 = arith.index_cast %scan3A_708 : i32 to index
        %swap3A_861 = arith.index_cast %swap3A_859 : i32 to index
        %swap3A_862 = arith.constant 96 : index
        %swap3A_863 = tpu.vector_load %arg7[%swap3A_860, %swap3A_861, %swap3A_862] {strides = array<i32>} : memref<8x8x128xf32, #tpu.memory_space<vmem>>, vector<16xf32>,
        tpu.vector_store %arg7[%swap3A_860, %swap3A_861, %swap3A_862], %gather3A_815 {strides = array<i32>} : memref<8x8x128xf32, #tpu.memory_space<vmem>>, vector<16xf32>,
        %swap3A_864 = arith.constant 2 : i32
        %swap3A_865 = arith.index_cast %scan3A_708 : i32 to index
        %swap3A_866 = arith.index_cast %swap3A_864 : i32 to index
        %swap3A_867 = arith.constant 112 : index
        %swap3A_868 = tpu.vector_load %arg7[%swap3A_865, %swap3A_866, %swap3A_867] {strides = array<i32>} : memref<8x8x128xf32, #tpu.memory_space<vmem>>, vector<16xf32>,
        tpu.vector_store %arg7[%swap3A_865, %swap3A_866, %swap3A_867], %gather3A_816 {strides = array<i32>} : memref<8x8x128xf32, #tpu.memory_space<vmem>>, vector<16xf32>,
        %swap3A_869 = arith.constant 3 : i32
        %swap3A_870 = arith.index_cast %scan3A_708 : i32 to index
        %swap3A_871 = arith.index_cast %swap3A_869 : i32 to index
        %swap3A_872 = arith.constant 0 : index
        %swap3A_873 = tpu.vector_load %arg7[%swap3A_870, %swap3A_871, %swap3A_872] {strides = array<i32>} : memref<8x8x128xf32, #tpu.memory_space<vmem>>, vector<16xf32>,
        tpu.vector_store %arg7[%swap3A_870, %swap3A_871, %swap3A_872], %gather3A_819 {strides = array<i32>} : memref<8x8x128xf32, #tpu.memory_space<vmem>>, vector<16xf32>,
        %swap3A_874 = arith.constant 3 : i32
        %swap3A_875 = arith.index_cast %scan3A_708 : i32 to index
        %swap3A_876 = arith.index_cast %swap3A_874 : i32 to index
        %swap3A_877 = arith.constant 16 : index
        %swap3A_878 = tpu.vector_load %arg7[%swap3A_875, %swap3A_876, %swap3A_877] {strides = array<i32>} : memref<8x8x128xf32, #tpu.memory_space<vmem>>, vector<16xf32>,
        tpu.vector_store %arg7[%swap3A_875, %swap3A_876, %swap3A_877], %gather3A_820 {strides = array<i32>} : memref<8x8x128xf32, #tpu.memory_space<vmem>>, vector<16xf32>,
        %swap3A_879 = arith.constant 3 : i32
        %swap3A_880 = arith.index_cast %scan3A_708 : i32 to index
        %swap3A_881 = arith.index_cast %swap3A_879 : i32 to index
        %swap3A_882 = arith.constant 32 : index
        %swap3A_883 = tpu.vector_load %arg7[%swap3A_880, %swap3A_881, %swap3A_882] {strides = array<i32>} : memref<8x8x128xf32, #tpu.memory_space<vmem>>, vector<16xf32>,
        tpu.vector_store %arg7[%swap3A_880, %swap3A_881, %swap3A_882], %gather3A_821 {strides = array<i32>} : memref<8x8x128xf32, #tpu.memory_space<vmem>>, vector<16xf32>,
        %swap3A_884 = arith.constant 3 : i32
        %swap3A_885 = arith.index_cast %scan3A_708 : i32 to index
        %swap3A_886 = arith.index_cast %swap3A_884 : i32 to index
        %swap3A_887 = arith.constant 48 : index
        %swap3A_888 = tpu.vector_load %arg7[%swap3A_885, %swap3A_886, %swap3A_887] {strides = array<i32>} : memref<8x8x128xf32, #tpu.memory_space<vmem>>, vector<16xf32>,
        tpu.vector_store %arg7[%swap3A_885, %swap3A_886, %swap3A_887], %gather3A_822 {strides = array<i32>} : memref<8x8x128xf32, #tpu.memory_space<vmem>>, vector<16xf32>,
        %swap3A_889 = arith.constant 3 : i32
        %swap3A_890 = arith.index_cast %scan3A_708 : i32 to index
        %swap3A_891 = arith.index_cast %swap3A_889 : i32 to index
        %swap3A_892 = arith.constant 64 : index
        %swap3A_893 = tpu.vector_load %arg7[%swap3A_890, %swap3A_891, %swap3A_892] {strides = array<i32>} : memref<8x8x128xf32, #tpu.memory_space<vmem>>, vector<16xf32>,
        tpu.vector_store %arg7[%swap3A_890, %swap3A_891, %swap3A_892], %gather3A_823 {strides = array<i32>} : memref<8x8x128xf32, #tpu.memory_space<vmem>>, vector<16xf32>,
        %swap3A_894 = arith.constant 3 : i32
        %swap3A_895 = arith.index_cast %scan3A_708 : i32 to index
        %swap3A_896 = arith.index_cast %swap3A_894 : i32 to index
        %swap3A_897 = arith.constant 80 : index
        %swap3A_898 = tpu.vector_load %arg7[%swap3A_895, %swap3A_896, %swap3A_897] {strides = array<i32>} : memref<8x8x128xf32, #tpu.memory_space<vmem>>, vector<16xf32>,
        tpu.vector_store %arg7[%swap3A_895, %swap3A_896, %swap3A_897], %gather3A_824 {strides = array<i32>} : memref<8x8x128xf32, #tpu.memory_space<vmem>>, vector<16xf32>,
        %swap3A_899 = arith.constant 3 : i32
        %swap3A_900 = arith.index_cast %scan3A_708 : i32 to index
        %swap3A_901 = arith.index_cast %swap3A_899 : i32 to index
        %swap3A_902 = arith.constant 96 : index
        %swap3A_903 = tpu.vector_load %arg7[%swap3A_900, %swap3A_901, %swap3A_902] {strides = array<i32>} : memref<8x8x128xf32, #tpu.memory_space<vmem>>, vector<16xf32>,
        tpu.vector_store %arg7[%swap3A_900, %swap3A_901, %swap3A_902], %gather3A_825 {strides = array<i32>} : memref<8x8x128xf32, #tpu.memory_space<vmem>>, vector<16xf32>,
        %swap3A_904 = arith.constant 3 : i32
        %swap3A_905 = arith.index_cast %scan3A_708 : i32 to index
        %swap3A_906 = arith.index_cast %swap3A_904 : i32 to index
        %swap3A_907 = arith.constant 112 : index
        %swap3A_908 = tpu.vector_load %arg7[%swap3A_905, %swap3A_906, %swap3A_907] {strides = array<i32>} : memref<8x8x128xf32, #tpu.memory_space<vmem>>, vector<16xf32>,
        tpu.vector_store %arg7[%swap3A_905, %swap3A_906, %swap3A_907], %gather3A_826 {strides = array<i32>} : memref<8x8x128xf32, #tpu.memory_space<vmem>>, vector<16xf32>,
        %gather3A_909 = tpu.vector_load_idx %arg5[%select_n3A, %select_n3A_47, %add3A_827] : memref<8x8x128xf32, #tpu.memory_space<vmem>>[vector<16xi32>, vector<16xi32>, vector<16xi32>], vector<16xf32>,
        %gather3A_910 = tpu.vector_load_idx %arg5[%select_n3A_81, %select_n3A_103, %add3A_827] : memref<8x8x128xf32, #tpu.memory_space<vmem>>[vector<16xi32>, vector<16xi32>, vector<16xi32>], vector<16xf32>,
        %gather3A_911 = tpu.vector_load_idx %arg5[%select_n3A_137, %select_n3A_159, %add3A_827] : memref<8x8x128xf32, #tpu.memory_space<vmem>>[vector<16xi32>, vector<16xi32>, vector<16xi32>], vector<16xf32>,
        %gather3A_912 = tpu.vector_load_idx %arg5[%select_n3A_193, %select_n3A_215, %add3A_827] : memref<8x8x128xf32, #tpu.memory_space<vmem>>[vector<16xi32>, vector<16xi32>, vector<16xi32>], vector<16xf32>,
        %gather3A_913 = tpu.vector_load_idx %arg5[%select_n3A_249, %select_n3A_271, %add3A_828] : memref<8x8x128xf32, #tpu.memory_space<vmem>>[vector<16xi32>, vector<16xi32>, vector<16xi32>], vector<16xf32>,
        %gather3A_914 = tpu.vector_load_idx %arg5[%select_n3A_305, %select_n3A_327, %add3A_828] : memref<8x8x128xf32, #tpu.memory_space<vmem>>[vector<16xi32>, vector<16xi32>, vector<16xi32>], vector<16xf32>,
        %gather3A_915 = tpu.vector_load_idx %arg5[%select_n3A_361, %select_n3A_383, %add3A_828] : memref<8x8x128xf32, #tpu.memory_space<vmem>>[vector<16xi32>, vector<16xi32>, vector<16xi32>], vector<16xf32>,
        %gather3A_916 = tpu.vector_load_idx %arg5[%select_n3A_417, %select_n3A_439, %add3A_828] : memref<8x8x128xf32, #tpu.memory_space<vmem>>[vector<16xi32>, vector<16xi32>, vector<16xi32>], vector<16xf32>,
        %add3A_917 = arith.addi %add3A_827, %broadcast_in_dim3A_1 : vector<16xi32>
        %add3A_918 = arith.addi %add3A_828, %broadcast_in_dim3A_1 : vector<16xi32>
        %gather3A_919 = tpu.vector_load_idx %arg5[%select_n3A, %select_n3A_47, %add3A_917] : memref<8x8x128xf32, #tpu.memory_space<vmem>>[vector<16xi32>, vector<16xi32>, vector<16xi32>], vector<16xf32>,
        %gather3A_920 = tpu.vector_load_idx %arg5[%select_n3A_81, %select_n3A_103, %add3A_917] : memref<8x8x128xf32, #tpu.memory_space<vmem>>[vector<16xi32>, vector<16xi32>, vector<16xi32>], vector<16xf32>,
        %gather3A_921 = tpu.vector_load_idx %arg5[%select_n3A_137, %select_n3A_159, %add3A_917] : memref<8x8x128xf32, #tpu.memory_space<vmem>>[vector<16xi32>, vector<16xi32>, vector<16xi32>], vector<16xf32>,
        %gather3A_922 = tpu.vector_load_idx %arg5[%select_n3A_193, %select_n3A_215, %add3A_917] : memref<8x8x128xf32, #tpu.memory_space<vmem>>[vector<16xi32>, vector<16xi32>, vector<16xi32>], vector<16xf32>,
        %gather3A_923 = tpu.vector_load_idx %arg5[%select_n3A_249, %select_n3A_271, %add3A_918] : memref<8x8x128xf32, #tpu.memory_space<vmem>>[vector<16xi32>, vector<16xi32>, vector<16xi32>], vector<16xf32>,
        %gather3A_924 = tpu.vector_load_idx %arg5[%select_n3A_305, %select_n3A_327, %add3A_918] : memref<8x8x128xf32, #tpu.memory_space<vmem>>[vector<16xi32>, vector<16xi32>, vector<16xi32>], vector<16xf32>,
        %gather3A_925 = tpu.vector_load_idx %arg5[%select_n3A_361, %select_n3A_383, %add3A_918] : memref<8x8x128xf32, #tpu.memory_space<vmem>>[vector<16xi32>, vector<16xi32>, vector<16xi32>], vector<16xf32>,
        %gather3A_926 = tpu.vector_load_idx %arg5[%select_n3A_417, %select_n3A_439, %add3A_918] : memref<8x8x128xf32, #tpu.memory_space<vmem>>[vector<16xi32>, vector<16xi32>, vector<16xi32>], vector<16xf32>,
        %add3A_927 = arith.addi %add3A_917, %broadcast_in_dim3A_1 : vector<16xi32>
        %add3A_928 = arith.addi %add3A_918, %broadcast_in_dim3A_1 : vector<16xi32>
        %swap3A_929 = arith.constant 4 : i32
        %swap3A_930 = arith.index_cast %scan3A_708 : i32 to index
        %swap3A_931 = arith.index_cast %swap3A_929 : i32 to index
        %swap3A_932 = arith.constant 0 : index
        %swap3A_933 = tpu.vector_load %arg7[%swap3A_930, %swap3A_931, %swap3A_932] {strides = array<i32>} : memref<8x8x128xf32, #tpu.memory_space<vmem>>, vector<16xf32>,
        tpu.vector_store %arg7[%swap3A_930, %swap3A_931, %swap3A_932], %gather3A_909 {strides = array<i32>} : memref<8x8x128xf32, #tpu.memory_space<vmem>>, vector<16xf32>,
        %swap3A_934 = arith.constant 4 : i32
        %swap3A_935 = arith.index_cast %scan3A_708 : i32 to index
        %swap3A_936 = arith.index_cast %swap3A_934 : i32 to index
        %swap3A_937 = arith.constant 16 : index
        %swap3A_938 = tpu.vector_load %arg7[%swap3A_935, %swap3A_936, %swap3A_937] {strides = array<i32>} : memref<8x8x128xf32, #tpu.memory_space<vmem>>, vector<16xf32>,
        tpu.vector_store %arg7[%swap3A_935, %swap3A_936, %swap3A_937], %gather3A_910 {strides = array<i32>} : memref<8x8x128xf32, #tpu.memory_space<vmem>>, vector<16xf32>,
        %swap3A_939 = arith.constant 4 : i32
        %swap3A_940 = arith.index_cast %scan3A_708 : i32 to index
        %swap3A_941 = arith.index_cast %swap3A_939 : i32 to index
        %swap3A_942 = arith.constant 32 : index
        %swap3A_943 = tpu.vector_load %arg7[%swap3A_940, %swap3A_941, %swap3A_942] {strides = array<i32>} : memref<8x8x128xf32, #tpu.memory_space<vmem>>, vector<16xf32>,
        tpu.vector_store %arg7[%swap3A_940, %swap3A_941, %swap3A_942], %gather3A_911 {strides = array<i32>} : memref<8x8x128xf32, #tpu.memory_space<vmem>>, vector<16xf32>,
        %swap3A_944 = arith.constant 4 : i32
        %swap3A_945 = arith.index_cast %scan3A_708 : i32 to index
        %swap3A_946 = arith.index_cast %swap3A_944 : i32 to index
        %swap3A_947 = arith.constant 48 : index
        %swap3A_948 = tpu.vector_load %arg7[%swap3A_945, %swap3A_946, %swap3A_947] {strides = array<i32>} : memref<8x8x128xf32, #tpu.memory_space<vmem>>, vector<16xf32>,
        tpu.vector_store %arg7[%swap3A_945, %swap3A_946, %swap3A_947], %gather3A_912 {strides = array<i32>} : memref<8x8x128xf32, #tpu.memory_space<vmem>>, vector<16xf32>,
        %swap3A_949 = arith.constant 4 : i32
        %swap3A_950 = arith.index_cast %scan3A_708 : i32 to index
        %swap3A_951 = arith.index_cast %swap3A_949 : i32 to index
        %swap3A_952 = arith.constant 64 : index
        %swap3A_953 = tpu.vector_load %arg7[%swap3A_950, %swap3A_951, %swap3A_952] {strides = array<i32>} : memref<8x8x128xf32, #tpu.memory_space<vmem>>, vector<16xf32>,
        tpu.vector_store %arg7[%swap3A_950, %swap3A_951, %swap3A_952], %gather3A_913 {strides = array<i32>} : memref<8x8x128xf32, #tpu.memory_space<vmem>>, vector<16xf32>,
        %swap3A_954 = arith.constant 4 : i32
        %swap3A_955 = arith.index_cast %scan3A_708 : i32 to index
        %swap3A_956 = arith.index_cast %swap3A_954 : i32 to index
        %swap3A_957 = arith.constant 80 : index
        %swap3A_958 = tpu.vector_load %arg7[%swap3A_955, %swap3A_956, %swap3A_957] {strides = array<i32>} : memref<8x8x128xf32, #tpu.memory_space<vmem>>, vector<16xf32>,
        tpu.vector_store %arg7[%swap3A_955, %swap3A_956, %swap3A_957], %gather3A_914 {strides = array<i32>} : memref<8x8x128xf32, #tpu.memory_space<vmem>>, vector<16xf32>,
        %swap3A_959 = arith.constant 4 : i32
        %swap3A_960 = arith.index_cast %scan3A_708 : i32 to index
        %swap3A_961 = arith.index_cast %swap3A_959 : i32 to index
        %swap3A_962 = arith.constant 96 : index
        %swap3A_963 = tpu.vector_load %arg7[%swap3A_960, %swap3A_961, %swap3A_962] {strides = array<i32>} : memref<8x8x128xf32, #tpu.memory_space<vmem>>, vector<16xf32>,
        tpu.vector_store %arg7[%swap3A_960, %swap3A_961, %swap3A_962], %gather3A_915 {strides = array<i32>} : memref<8x8x128xf32, #tpu.memory_space<vmem>>, vector<16xf32>,
        %swap3A_964 = arith.constant 4 : i32
        %swap3A_965 = arith.index_cast %scan3A_708 : i32 to index
        %swap3A_966 = arith.index_cast %swap3A_964 : i32 to index
        %swap3A_967 = arith.constant 112 : index
        %swap3A_968 = tpu.vector_load %arg7[%swap3A_965, %swap3A_966, %swap3A_967] {strides = array<i32>} : memref<8x8x128xf32, #tpu.memory_space<vmem>>, vector<16xf32>,
        tpu.vector_store %arg7[%swap3A_965, %swap3A_966, %swap3A_967], %gather3A_916 {strides = array<i32>} : memref<8x8x128xf32, #tpu.memory_space<vmem>>, vector<16xf32>,
        %swap3A_969 = arith.constant 5 : i32
        %swap3A_970 = arith.index_cast %scan3A_708 : i32 to index
        %swap3A_971 = arith.index_cast %swap3A_969 : i32 to index
        %swap3A_972 = arith.constant 0 : index
        %swap3A_973 = tpu.vector_load %arg7[%swap3A_970, %swap3A_971, %swap3A_972] {strides = array<i32>} : memref<8x8x128xf32, #tpu.memory_space<vmem>>, vector<16xf32>,
        tpu.vector_store %arg7[%swap3A_970, %swap3A_971, %swap3A_972], %gather3A_919 {strides = array<i32>} : memref<8x8x128xf32, #tpu.memory_space<vmem>>, vector<16xf32>,
        %swap3A_974 = arith.constant 5 : i32
        %swap3A_975 = arith.index_cast %scan3A_708 : i32 to index
        %swap3A_976 = arith.index_cast %swap3A_974 : i32 to index
        %swap3A_977 = arith.constant 16 : index
        %swap3A_978 = tpu.vector_load %arg7[%swap3A_975, %swap3A_976, %swap3A_977] {strides = array<i32>} : memref<8x8x128xf32, #tpu.memory_space<vmem>>, vector<16xf32>,
        tpu.vector_store %arg7[%swap3A_975, %swap3A_976, %swap3A_977], %gather3A_920 {strides = array<i32>} : memref<8x8x128xf32, #tpu.memory_space<vmem>>, vector<16xf32>,
        %swap3A_979 = arith.constant 5 : i32
        %swap3A_980 = arith.index_cast %scan3A_708 : i32 to index
        %swap3A_981 = arith.index_cast %swap3A_979 : i32 to index
        %swap3A_982 = arith.constant 32 : index
        %swap3A_983 = tpu.vector_load %arg7[%swap3A_980, %swap3A_981, %swap3A_982] {strides = array<i32>} : memref<8x8x128xf32, #tpu.memory_space<vmem>>, vector<16xf32>,
        tpu.vector_store %arg7[%swap3A_980, %swap3A_981, %swap3A_982], %gather3A_921 {strides = array<i32>} : memref<8x8x128xf32, #tpu.memory_space<vmem>>, vector<16xf32>,
        %swap3A_984 = arith.constant 5 : i32
        %swap3A_985 = arith.index_cast %scan3A_708 : i32 to index
        %swap3A_986 = arith.index_cast %swap3A_984 : i32 to index
        %swap3A_987 = arith.constant 48 : index
        %swap3A_988 = tpu.vector_load %arg7[%swap3A_985, %swap3A_986, %swap3A_987] {strides = array<i32>} : memref<8x8x128xf32, #tpu.memory_space<vmem>>, vector<16xf32>,
        tpu.vector_store %arg7[%swap3A_985, %swap3A_986, %swap3A_987], %gather3A_922 {strides = array<i32>} : memref<8x8x128xf32, #tpu.memory_space<vmem>>, vector<16xf32>,
        %swap3A_989 = arith.constant 5 : i32
        %swap3A_990 = arith.index_cast %scan3A_708 : i32 to index
        %swap3A_991 = arith.index_cast %swap3A_989 : i32 to index
        %swap3A_992 = arith.constant 64 : index
        %swap3A_993 = tpu.vector_load %arg7[%swap3A_990, %swap3A_991, %swap3A_992] {strides = array<i32>} : memref<8x8x128xf32, #tpu.memory_space<vmem>>, vector<16xf32>,
        tpu.vector_store %arg7[%swap3A_990, %swap3A_991, %swap3A_992], %gather3A_923 {strides = array<i32>} : memref<8x8x128xf32, #tpu.memory_space<vmem>>, vector<16xf32>,
        %swap3A_994 = arith.constant 5 : i32
        %swap3A_995 = arith.index_cast %scan3A_708 : i32 to index
        %swap3A_996 = arith.index_cast %swap3A_994 : i32 to index
        %swap3A_997 = arith.constant 80 : index
        %swap3A_998 = tpu.vector_load %arg7[%swap3A_995, %swap3A_996, %swap3A_997] {strides = array<i32>} : memref<8x8x128xf32, #tpu.memory_space<vmem>>, vector<16xf32>,
        tpu.vector_store %arg7[%swap3A_995, %swap3A_996, %swap3A_997], %gather3A_924 {strides = array<i32>} : memref<8x8x128xf32, #tpu.memory_space<vmem>>, vector<16xf32>,
        %swap3A_999 = arith.constant 5 : i32
        %swap3A_1000 = arith.index_cast %scan3A_708 : i32 to index
        %swap3A_1001 = arith.index_cast %swap3A_999 : i32 to index
        %swap3A_1002 = arith.constant 96 : index
        %swap3A_1003 = tpu.vector_load %arg7[%swap3A_1000, %swap3A_1001, %swap3A_1002] {strides = array<i32>} : memref<8x8x128xf32, #tpu.memory_space<vmem>>, vector<16xf32>,
        tpu.vector_store %arg7[%swap3A_1000, %swap3A_1001, %swap3A_1002], %gather3A_925 {strides = array<i32>} : memref<8x8x128xf32, #tpu.memory_space<vmem>>, vector<16xf32>,
        %swap3A_1004 = arith.constant 5 : i32
        %swap3A_1005 = arith.index_cast %scan3A_708 : i32 to index
        %swap3A_1006 = arith.index_cast %swap3A_1004 : i32 to index
        %swap3A_1007 = arith.constant 112 : index
        %swap3A_1008 = tpu.vector_load %arg7[%swap3A_1005, %swap3A_1006, %swap3A_1007] {strides = array<i32>} : memref<8x8x128xf32, #tpu.memory_space<vmem>>, vector<16xf32>,
        tpu.vector_store %arg7[%swap3A_1005, %swap3A_1006, %swap3A_1007], %gather3A_926 {strides = array<i32>} : memref<8x8x128xf32, #tpu.memory_space<vmem>>, vector<16xf32>,
        %gather3A_1009 = tpu.vector_load_idx %arg5[%select_n3A, %select_n3A_47, %add3A_927] : memref<8x8x128xf32, #tpu.memory_space<vmem>>[vector<16xi32>, vector<16xi32>, vector<16xi32>], vector<16xf32>,
        %gather3A_1010 = tpu.vector_load_idx %arg5[%select_n3A_81, %select_n3A_103, %add3A_927] : memref<8x8x128xf32, #tpu.memory_space<vmem>>[vector<16xi32>, vector<16xi32>, vector<16xi32>], vector<16xf32>,
        %gather3A_1011 = tpu.vector_load_idx %arg5[%select_n3A_137, %select_n3A_159, %add3A_927] : memref<8x8x128xf32, #tpu.memory_space<vmem>>[vector<16xi32>, vector<16xi32>, vector<16xi32>], vector<16xf32>,
        %gather3A_1012 = tpu.vector_load_idx %arg5[%select_n3A_193, %select_n3A_215, %add3A_927] : memref<8x8x128xf32, #tpu.memory_space<vmem>>[vector<16xi32>, vector<16xi32>, vector<16xi32>], vector<16xf32>,
        %gather3A_1013 = tpu.vector_load_idx %arg5[%select_n3A_249, %select_n3A_271, %add3A_928] : memref<8x8x128xf32, #tpu.memory_space<vmem>>[vector<16xi32>, vector<16xi32>, vector<16xi32>], vector<16xf32>,
        %gather3A_1014 = tpu.vector_load_idx %arg5[%select_n3A_305, %select_n3A_327, %add3A_928] : memref<8x8x128xf32, #tpu.memory_space<vmem>>[vector<16xi32>, vector<16xi32>, vector<16xi32>], vector<16xf32>,
        %gather3A_1015 = tpu.vector_load_idx %arg5[%select_n3A_361, %select_n3A_383, %add3A_928] : memref<8x8x128xf32, #tpu.memory_space<vmem>>[vector<16xi32>, vector<16xi32>, vector<16xi32>], vector<16xf32>,
        %gather3A_1016 = tpu.vector_load_idx %arg5[%select_n3A_417, %select_n3A_439, %add3A_928] : memref<8x8x128xf32, #tpu.memory_space<vmem>>[vector<16xi32>, vector<16xi32>, vector<16xi32>], vector<16xf32>,
        %add3A_1017 = arith.addi %add3A_927, %broadcast_in_dim3A_1 : vector<16xi32>
        %add3A_1018 = arith.addi %add3A_928, %broadcast_in_dim3A_1 : vector<16xi32>
        %gather3A_1019 = tpu.vector_load_idx %arg5[%select_n3A, %select_n3A_47, %add3A_1017] : memref<8x8x128xf32, #tpu.memory_space<vmem>>[vector<16xi32>, vector<16xi32>, vector<16xi32>], vector<16xf32>,
        %gather3A_1020 = tpu.vector_load_idx %arg5[%select_n3A_81, %select_n3A_103, %add3A_1017] : memref<8x8x128xf32, #tpu.memory_space<vmem>>[vector<16xi32>, vector<16xi32>, vector<16xi32>], vector<16xf32>,
        %gather3A_1021 = tpu.vector_load_idx %arg5[%select_n3A_137, %select_n3A_159, %add3A_1017] : memref<8x8x128xf32, #tpu.memory_space<vmem>>[vector<16xi32>, vector<16xi32>, vector<16xi32>], vector<16xf32>,
        %gather3A_1022 = tpu.vector_load_idx %arg5[%select_n3A_193, %select_n3A_215, %add3A_1017] : memref<8x8x128xf32, #tpu.memory_space<vmem>>[vector<16xi32>, vector<16xi32>, vector<16xi32>], vector<16xf32>,
        %gather3A_1023 = tpu.vector_load_idx %arg5[%select_n3A_249, %select_n3A_271, %add3A_1018] : memref<8x8x128xf32, #tpu.memory_space<vmem>>[vector<16xi32>, vector<16xi32>, vector<16xi32>], vector<16xf32>,
        %gather3A_1024 = tpu.vector_load_idx %arg5[%select_n3A_305, %select_n3A_327, %add3A_1018] : memref<8x8x128xf32, #tpu.memory_space<vmem>>[vector<16xi32>, vector<16xi32>, vector<16xi32>], vector<16xf32>,
        %gather3A_1025 = tpu.vector_load_idx %arg5[%select_n3A_361, %select_n3A_383, %add3A_1018] : memref<8x8x128xf32, #tpu.memory_space<vmem>>[vector<16xi32>, vector<16xi32>, vector<16xi32>], vector<16xf32>,
        %gather3A_1026 = tpu.vector_load_idx %arg5[%select_n3A_417, %select_n3A_439, %add3A_1018] : memref<8x8x128xf32, #tpu.memory_space<vmem>>[vector<16xi32>, vector<16xi32>, vector<16xi32>], vector<16xf32>,
        %add3A_1027 = arith.addi %add3A_1017, %broadcast_in_dim3A_1 : vector<16xi32>
        %add3A_1028 = arith.addi %add3A_1018, %broadcast_in_dim3A_1 : vector<16xi32>
        %swap3A_1029 = arith.constant 6 : i32
        %swap3A_1030 = arith.index_cast %scan3A_708 : i32 to index
        %swap3A_1031 = arith.index_cast %swap3A_1029 : i32 to index
        %swap3A_1032 = arith.constant 0 : index
        %swap3A_1033 = tpu.vector_load %arg7[%swap3A_1030, %swap3A_1031, %swap3A_1032] {strides = array<i32>} : memref<8x8x128xf32, #tpu.memory_space<vmem>>, vector<16xf32>,
        tpu.vector_store %arg7[%swap3A_1030, %swap3A_1031, %swap3A_1032], %gather3A_1009 {strides = array<i32>} : memref<8x8x128xf32, #tpu.memory_space<vmem>>, vector<16xf32>,
        %swap3A_1034 = arith.constant 6 : i32
        %swap3A_1035 = arith.index_cast %scan3A_708 : i32 to index
        %swap3A_1036 = arith.index_cast %swap3A_1034 : i32 to index
        %swap3A_1037 = arith.constant 16 : index
        %swap3A_1038 = tpu.vector_load %arg7[%swap3A_1035, %swap3A_1036, %swap3A_1037] {strides = array<i32>} : memref<8x8x128xf32, #tpu.memory_space<vmem>>, vector<16xf32>,
        tpu.vector_store %arg7[%swap3A_1035, %swap3A_1036, %swap3A_1037], %gather3A_1010 {strides = array<i32>} : memref<8x8x128xf32, #tpu.memory_space<vmem>>, vector<16xf32>,
        %swap3A_1039 = arith.constant 6 : i32
        %swap3A_1040 = arith.index_cast %scan3A_708 : i32 to index
        %swap3A_1041 = arith.index_cast %swap3A_1039 : i32 to index
        %swap3A_1042 = arith.constant 32 : index
        %swap3A_1043 = tpu.vector_load %arg7[%swap3A_1040, %swap3A_1041, %swap3A_1042] {strides = array<i32>} : memref<8x8x128xf32, #tpu.memory_space<vmem>>, vector<16xf32>,
        tpu.vector_store %arg7[%swap3A_1040, %swap3A_1041, %swap3A_1042], %gather3A_1011 {strides = array<i32>} : memref<8x8x128xf32, #tpu.memory_space<vmem>>, vector<16xf32>,
        %swap3A_1044 = arith.constant 6 : i32
        %swap3A_1045 = arith.index_cast %scan3A_708 : i32 to index
        %swap3A_1046 = arith.index_cast %swap3A_1044 : i32 to index
        %swap3A_1047 = arith.constant 48 : index
        %swap3A_1048 = tpu.vector_load %arg7[%swap3A_1045, %swap3A_1046, %swap3A_1047] {strides = array<i32>} : memref<8x8x128xf32, #tpu.memory_space<vmem>>, vector<16xf32>,
        tpu.vector_store %arg7[%swap3A_1045, %swap3A_1046, %swap3A_1047], %gather3A_1012 {strides = array<i32>} : memref<8x8x128xf32, #tpu.memory_space<vmem>>, vector<16xf32>,
        %swap3A_1049 = arith.constant 6 : i32
        %swap3A_1050 = arith.index_cast %scan3A_708 : i32 to index
        %swap3A_1051 = arith.index_cast %swap3A_1049 : i32 to index
        %swap3A_1052 = arith.constant 64 : index
        %swap3A_1053 = tpu.vector_load %arg7[%swap3A_1050, %swap3A_1051, %swap3A_1052] {strides = array<i32>} : memref<8x8x128xf32, #tpu.memory_space<vmem>>, vector<16xf32>,
        tpu.vector_store %arg7[%swap3A_1050, %swap3A_1051, %swap3A_1052], %gather3A_1013 {strides = array<i32>} : memref<8x8x128xf32, #tpu.memory_space<vmem>>, vector<16xf32>,
        %swap3A_1054 = arith.constant 6 : i32
        %swap3A_1055 = arith.index_cast %scan3A_708 : i32 to index
        %swap3A_1056 = arith.index_cast %swap3A_1054 : i32 to index
        %swap3A_1057 = arith.constant 80 : index
        %swap3A_1058 = tpu.vector_load %arg7[%swap3A_1055, %swap3A_1056, %swap3A_1057] {strides = array<i32>} : memref<8x8x128xf32, #tpu.memory_space<vmem>>, vector<16xf32>,
        tpu.vector_store %arg7[%swap3A_1055, %swap3A_1056, %swap3A_1057], %gather3A_1014 {strides = array<i32>} : memref<8x8x128xf32, #tpu.memory_space<vmem>>, vector<16xf32>,
        %swap3A_1059 = arith.constant 6 : i32
        %swap3A_1060 = arith.index_cast %scan3A_708 : i32 to index
        %swap3A_1061 = arith.index_cast %swap3A_1059 : i32 to index
        %swap3A_1062 = arith.constant 96 : index
        %swap3A_1063 = tpu.vector_load %arg7[%swap3A_1060, %swap3A_1061, %swap3A_1062] {strides = array<i32>} : memref<8x8x128xf32, #tpu.memory_space<vmem>>, vector<16xf32>,
        tpu.vector_store %arg7[%swap3A_1060, %swap3A_1061, %swap3A_1062], %gather3A_1015 {strides = array<i32>} : memref<8x8x128xf32, #tpu.memory_space<vmem>>, vector<16xf32>,
        %swap3A_1064 = arith.constant 6 : i32
        %swap3A_1065 = arith.index_cast %scan3A_708 : i32 to index
        %swap3A_1066 = arith.index_cast %swap3A_1064 : i32 to index
        %swap3A_1067 = arith.constant 112 : index
        %swap3A_1068 = tpu.vector_load %arg7[%swap3A_1065, %swap3A_1066, %swap3A_1067] {strides = array<i32>} : memref<8x8x128xf32, #tpu.memory_space<vmem>>, vector<16xf32>,
        tpu.vector_store %arg7[%swap3A_1065, %swap3A_1066, %swap3A_1067], %gather3A_1016 {strides = array<i32>} : memref<8x8x128xf32, #tpu.memory_space<vmem>>, vector<16xf32>,
        %swap3A_1069 = arith.constant 7 : i32
        %swap3A_1070 = arith.index_cast %scan3A_708 : i32 to index
        %swap3A_1071 = arith.index_cast %swap3A_1069 : i32 to index
        %swap3A_1072 = arith.constant 0 : index
        %swap3A_1073 = tpu.vector_load %arg7[%swap3A_1070, %swap3A_1071, %swap3A_1072] {strides = array<i32>} : memref<8x8x128xf32, #tpu.memory_space<vmem>>, vector<16xf32>,
        tpu.vector_store %arg7[%swap3A_1070, %swap3A_1071, %swap3A_1072], %gather3A_1019 {strides = array<i32>} : memref<8x8x128xf32, #tpu.memory_space<vmem>>, vector<16xf32>,
        %swap3A_1074 = arith.constant 7 : i32
        %swap3A_1075 = arith.index_cast %scan3A_708 : i32 to index
        %swap3A_1076 = arith.index_cast %swap3A_1074 : i32 to index
        %swap3A_1077 = arith.constant 16 : index
        %swap3A_1078 = tpu.vector_load %arg7[%swap3A_1075, %swap3A_1076, %swap3A_1077] {strides = array<i32>} : memref<8x8x128xf32, #tpu.memory_space<vmem>>, vector<16xf32>,
        tpu.vector_store %arg7[%swap3A_1075, %swap3A_1076, %swap3A_1077], %gather3A_1020 {strides = array<i32>} : memref<8x8x128xf32, #tpu.memory_space<vmem>>, vector<16xf32>,
        %swap3A_1079 = arith.constant 7 : i32
        %swap3A_1080 = arith.index_cast %scan3A_708 : i32 to index
        %swap3A_1081 = arith.index_cast %swap3A_1079 : i32 to index
        %swap3A_1082 = arith.constant 32 : index
        %swap3A_1083 = tpu.vector_load %arg7[%swap3A_1080, %swap3A_1081, %swap3A_1082] {strides = array<i32>} : memref<8x8x128xf32, #tpu.memory_space<vmem>>, vector<16xf32>,
        tpu.vector_store %arg7[%swap3A_1080, %swap3A_1081, %swap3A_1082], %gather3A_1021 {strides = array<i32>} : memref<8x8x128xf32, #tpu.memory_space<vmem>>, vector<16xf32>,
        %swap3A_1084 = arith.constant 7 : i32
        %swap3A_1085 = arith.index_cast %scan3A_708 : i32 to index
        %swap3A_1086 = arith.index_cast %swap3A_1084 : i32 to index
        %swap3A_1087 = arith.constant 48 : index
        %swap3A_1088 = tpu.vector_load %arg7[%swap3A_1085, %swap3A_1086, %swap3A_1087] {strides = array<i32>} : memref<8x8x128xf32, #tpu.memory_space<vmem>>, vector<16xf32>,
        tpu.vector_store %arg7[%swap3A_1085, %swap3A_1086, %swap3A_1087], %gather3A_1022 {strides = array<i32>} : memref<8x8x128xf32, #tpu.memory_space<vmem>>, vector<16xf32>,
        %swap3A_1089 = arith.constant 7 : i32
        %swap3A_1090 = arith.index_cast %scan3A_708 : i32 to index
        %swap3A_1091 = arith.index_cast %swap3A_1089 : i32 to index
        %swap3A_1092 = arith.constant 64 : index
        %swap3A_1093 = tpu.vector_load %arg7[%swap3A_1090, %swap3A_1091, %swap3A_1092] {strides = array<i32>} : memref<8x8x128xf32, #tpu.memory_space<vmem>>, vector<16xf32>,
        tpu.vector_store %arg7[%swap3A_1090, %swap3A_1091, %swap3A_1092], %gather3A_1023 {strides = array<i32>} : memref<8x8x128xf32, #tpu.memory_space<vmem>>, vector<16xf32>,
        %swap3A_1094 = arith.constant 7 : i32
        %swap3A_1095 = arith.index_cast %scan3A_708 : i32 to index
        %swap3A_1096 = arith.index_cast %swap3A_1094 : i32 to index
        %swap3A_1097 = arith.constant 80 : index
        %swap3A_1098 = tpu.vector_load %arg7[%swap3A_1095, %swap3A_1096, %swap3A_1097] {strides = array<i32>} : memref<8x8x128xf32, #tpu.memory_space<vmem>>, vector<16xf32>,
        tpu.vector_store %arg7[%swap3A_1095, %swap3A_1096, %swap3A_1097], %gather3A_1024 {strides = array<i32>} : memref<8x8x128xf32, #tpu.memory_space<vmem>>, vector<16xf32>,
        %swap3A_1099 = arith.constant 7 : i32
        %swap3A_1100 = arith.index_cast %scan3A_708 : i32 to index
        %swap3A_1101 = arith.index_cast %swap3A_1099 : i32 to index
        %swap3A_1102 = arith.constant 96 : index
        %swap3A_1103 = tpu.vector_load %arg7[%swap3A_1100, %swap3A_1101, %swap3A_1102] {strides = array<i32>} : memref<8x8x128xf32, #tpu.memory_space<vmem>>, vector<16xf32>,
        tpu.vector_store %arg7[%swap3A_1100, %swap3A_1101, %swap3A_1102], %gather3A_1025 {strides = array<i32>} : memref<8x8x128xf32, #tpu.memory_space<vmem>>, vector<16xf32>,
        %swap3A_1104 = arith.constant 7 : i32
        %swap3A_1105 = arith.index_cast %scan3A_708 : i32 to index
        %swap3A_1106 = arith.index_cast %swap3A_1104 : i32 to index
        %swap3A_1107 = arith.constant 112 : index
        %swap3A_1108 = tpu.vector_load %arg7[%swap3A_1105, %swap3A_1106, %swap3A_1107] {strides = array<i32>} : memref<8x8x128xf32, #tpu.memory_space<vmem>>, vector<16xf32>,
        tpu.vector_store %arg7[%swap3A_1105, %swap3A_1106, %swap3A_1107], %gather3A_1026 {strides = array<i32>} : memref<8x8x128xf32, #tpu.memory_space<vmem>>, vector<16xf32>,
        scf.yield %add3A_1027, %add3A_1028 : vector<16xi32>, vector<16xi32>
      }
      %scan3A_626 = arith.constant 8 : i32
      %mul3A_627 = arith.constant 32 : i32
      %mul3A_628 = arith.muli %mul3A_627, %add3A_587 : i32
      %add3A_629 = arith.addi %add3A, %mul3A_628 : i32
      %mul3A_630 = arith.constant 8 : i32
      %mul3A_631 = arith.muli %add3A_629, %mul3A_630 : i32
      %dma_start3A_632 = arith.constant 0 : i32
      %dma_start3A_633 = arith.constant 0 : i32
      %dma_start3A_634 = tpu.memref_slice %arg4[%mul3A_631, %dma_start3A_632, %dma_start3A_633] : memref<62500x8x128xf32, #tpu.memory_space<hbm>> -> memref<8x8x128xf32, #tpu.memory_space<hbm>>
      %dma_start3A_635 = arith.constant 0 : i32
      %dma_start3A_636 = arith.constant 0 : i32
      %dma_start3A_637 = tpu.memref_slice %arg4[%mul3A_631, %dma_start3A_635, %dma_start3A_636] : memref<62500x8x128xf32, #tpu.memory_space<hbm>> -> memref<8x8x128xf32, #tpu.memory_space<hbm>>
      tpu.enqueue_dma source(%arg7 : memref<8x8x128xf32, #tpu.memory_space<vmem>>) target(%dma_start3A_637 : memref<8x8x128xf32, #tpu.memory_space<hbm>>) target_semaphore(%arg11 : memref<!tpu.dma_semaphore, #tpu.memory_space<semaphore_mem>>)
      %add3A_638 = arith.constant 2 : i32
      %add3A_639 = arith.addi %add3A_587, %add3A_638 : i32
      %lt3A_640 = arith.constant 244 : i32
      %lt3A_641 = arith.cmpi slt, %add3A_639, %lt3A_640 : i32
      %convert_element_type3A_642 = arith.extui %lt3A_641 : i1 to i32
      %cond3A_643 = arith.constant 0 : i32
      %cond3A_644 = arith.cmpi ne, %convert_element_type3A_642, %cond3A_643 : i32
      scf.if %cond3A_644 {
        %add3A_708 = arith.constant 2 : i32
        %add3A_709 = arith.addi %add3A_587, %add3A_708 : i32
        %mul3A_710 = arith.constant 32 : i32
        %mul3A_711 = arith.muli %mul3A_710, %add3A_709 : i32
        %add3A_712 = arith.addi %add3A, %mul3A_711 : i32
        %mul3A_713 = arith.constant 128 : i32
        %mul3A_714 = arith.muli %add3A_712, %mul3A_713 : i32
        %dma_start3A_715 = arith.constant 0 : i32
        %dma_start3A_716 = arith.constant 0 : i32
        %dma_start3A_717 = tpu.memref_slice %arg2[%dma_start3A_715, %dma_start3A_716, %mul3A_714] : memref<8x8x1000000xf32, #tpu.memory_space<hbm>> -> memref<8x8x128xf32, #tpu.memory_space<hbm>>
        %dma_start3A_718 = arith.constant 0 : i32
        %dma_start3A_719 = arith.constant 0 : i32
        %dma_start3A_720 = tpu.memref_slice %arg2[%dma_start3A_718, %dma_start3A_719, %mul3A_714] : memref<8x8x1000000xf32, #tpu.memory_space<hbm>> -> memref<8x8x128xf32, #tpu.memory_space<hbm>>
        tpu.enqueue_dma source(%dma_start3A_720 : memref<8x8x128xf32, #tpu.memory_space<hbm>>) target(%arg5 : memref<8x8x128xf32, #tpu.memory_space<vmem>>) target_semaphore(%arg9 : memref<!tpu.dma_semaphore, #tpu.memory_space<semaphore_mem>>)
      } else {
      }
      %mul3A_645 = arith.constant 2 : i32
      %mul3A_646 = arith.muli %mul3A_645, %scan3A_581 : i32
      %add3A_647 = arith.constant 2 : i32
      %add3A_648 = arith.addi %mul3A_646, %add3A_647 : i32
      %add3A_649 = arith.constant 1 : i32
      %add3A_650 = arith.addi %add3A_648, %add3A_649 : i32
      %mul3A_651 = arith.constant 32 : i32
      %mul3A_652 = arith.muli %mul3A_651, %add3A_650 : i32
      %add3A_653 = arith.addi %add3A, %mul3A_652 : i32
      %mul3A_654 = arith.constant 128 : i32
      %mul3A_655 = arith.muli %add3A_653, %mul3A_654 : i32
      %dma_wait3A_656 = arith.constant 0 : i32
      %dma_wait3A_657 = arith.constant 0 : i32
      %dma_wait3A_658 = tpu.memref_slice %arg2[%dma_wait3A_656, %dma_wait3A_657, %mul3A_655] : memref<8x8x1000000xf32, #tpu.memory_space<hbm>> -> memref<8x8x128xf32, #tpu.memory_space<hbm>>
      %dma_wait3A_659 = arith.constant 0 : i32
      %dma_wait3A_660 = arith.constant 0 : i32
      %dma_wait3A_661 = tpu.memref_slice %arg2[%dma_wait3A_659, %dma_wait3A_660, %mul3A_655] : memref<8x8x1000000xf32, #tpu.memory_space<hbm>> -> memref<8x8x128xf32, #tpu.memory_space<hbm>>
      tpu.wait_dma2 semaphore(%arg10 : memref<!tpu.dma_semaphore, #tpu.memory_space<semaphore_mem>>) src(%dma_wait3A_661 : memref<8x8x128xf32, #tpu.memory_space<hbm>>) dst(%arg6 : memref<8x8x128xf32, #tpu.memory_space<vmem>>)
      %sub3A_662 = arith.constant 2 : i32
      %sub3A_663 = arith.subi %add3A_650, %sub3A_662 : i32
      %mul3A_664 = arith.constant 32 : i32
      %mul3A_665 = arith.muli %mul3A_664, %sub3A_663 : i32
      %add3A_666 = arith.addi %add3A, %mul3A_665 : i32
      %mul3A_667 = arith.constant 8 : i32
      %mul3A_668 = arith.muli %add3A_666, %mul3A_667 : i32
      %dma_wait3A_669 = arith.constant 0 : i32
      %dma_wait3A_670 = arith.constant 0 : i32
      %dma_wait3A_671 = tpu.memref_slice %arg4[%mul3A_668, %dma_wait3A_669, %dma_wait3A_670] : memref<62500x8x128xf32, #tpu.memory_space<hbm>> -> memref<8x8x128xf32, #tpu.memory_space<hbm>>
      %dma_wait3A_672 = arith.constant 0 : i32
      %dma_wait3A_673 = arith.constant 0 : i32
      %dma_wait3A_674 = tpu.memref_slice %arg4[%mul3A_668, %dma_wait3A_672, %dma_wait3A_673] : memref<62500x8x128xf32, #tpu.memory_space<hbm>> -> memref<8x8x128xf32, #tpu.memory_space<hbm>>
      tpu.wait_dma2 semaphore(%arg12 : memref<!tpu.dma_semaphore, #tpu.memory_space<semaphore_mem>>) src(%arg8 : memref<8x8x128xf32, #tpu.memory_space<vmem>>) dst(%dma_wait3A_674 : memref<8x8x128xf32, #tpu.memory_space<hbm>>)
      %mul3A_675 = arith.constant 0 : i32
      %mul3A_676 = vector.broadcast %mul3A_675 : i32 to vector<16xi32>
      %mul3A_677 = arith.muli %iota3A, %mul3A_676 : vector<16xi32>
      %mul3A_678 = arith.constant 0 : i32
      %mul3A_679 = vector.broadcast %mul3A_678 : i32 to vector<16xi32>
      %mul3A_680 = arith.muli %iota3A, %mul3A_679 : vector<16xi32>
      %add3A_681 = arith.constant 1 : i32
      %add3A_682 = vector.broadcast %add3A_681 : i32 to vector<16xi32>
      %add3A_683 = arith.addi %mul3A_680, %add3A_682 : vector<16xi32>
      %scan3A_684 = arith.constant 0 : i32
      %scan3A_685 = arith.constant 8 : i32
      %scan3A_686 = arith.addi %scan3A_684, %scan3A_685 : i32
      %scan3A_687 = arith.constant 1 : i32
      %scan3A_688:2 = scf.for %scan3A_708 = %scan3A_684 to %scan3A_686 step %scan3A_687 iter_args(%scan3A_709 = %mul3A_677, %scan3A_710 = %add3A_683) -> (vector<16xi32>, vector<16xi32>)  : i32 {
        %gather3A = tpu.vector_load_idx %arg6[%select_n3A, %select_n3A_47, %scan3A_709] : memref<8x8x128xf32, #tpu.memory_space<vmem>>[vector<16xi32>, vector<16xi32>, vector<16xi32>], vector<16xf32>,
        %gather3A_711 = tpu.vector_load_idx %arg6[%select_n3A_81, %select_n3A_103, %scan3A_709] : memref<8x8x128xf32, #tpu.memory_space<vmem>>[vector<16xi32>, vector<16xi32>, vector<16xi32>], vector<16xf32>,
        %gather3A_712 = tpu.vector_load_idx %arg6[%select_n3A_137, %select_n3A_159, %scan3A_709] : memref<8x8x128xf32, #tpu.memory_space<vmem>>[vector<16xi32>, vector<16xi32>, vector<16xi32>], vector<16xf32>,
        %gather3A_713 = tpu.vector_load_idx %arg6[%select_n3A_193, %select_n3A_215, %scan3A_709] : memref<8x8x128xf32, #tpu.memory_space<vmem>>[vector<16xi32>, vector<16xi32>, vector<16xi32>], vector<16xf32>,
        %gather3A_714 = tpu.vector_load_idx %arg6[%select_n3A_249, %select_n3A_271, %scan3A_710] : memref<8x8x128xf32, #tpu.memory_space<vmem>>[vector<16xi32>, vector<16xi32>, vector<16xi32>], vector<16xf32>,
        %gather3A_715 = tpu.vector_load_idx %arg6[%select_n3A_305, %select_n3A_327, %scan3A_710] : memref<8x8x128xf32, #tpu.memory_space<vmem>>[vector<16xi32>, vector<16xi32>, vector<16xi32>], vector<16xf32>,
        %gather3A_716 = tpu.vector_load_idx %arg6[%select_n3A_361, %select_n3A_383, %scan3A_710] : memref<8x8x128xf32, #tpu.memory_space<vmem>>[vector<16xi32>, vector<16xi32>, vector<16xi32>], vector<16xf32>,
        %gather3A_717 = tpu.vector_load_idx %arg6[%select_n3A_417, %select_n3A_439, %scan3A_710] : memref<8x8x128xf32, #tpu.memory_space<vmem>>[vector<16xi32>, vector<16xi32>, vector<16xi32>], vector<16xf32>,
        %add3A_718 = arith.addi %scan3A_709, %broadcast_in_dim3A_1 : vector<16xi32>
        %add3A_719 = arith.addi %scan3A_710, %broadcast_in_dim3A_1 : vector<16xi32>
        %gather3A_720 = tpu.vector_load_idx %arg6[%select_n3A, %select_n3A_47, %add3A_718] : memref<8x8x128xf32, #tpu.memory_space<vmem>>[vector<16xi32>, vector<16xi32>, vector<16xi32>], vector<16xf32>,
        %gather3A_721 = tpu.vector_load_idx %arg6[%select_n3A_81, %select_n3A_103, %add3A_718] : memref<8x8x128xf32, #tpu.memory_space<vmem>>[vector<16xi32>, vector<16xi32>, vector<16xi32>], vector<16xf32>,
        %gather3A_722 = tpu.vector_load_idx %arg6[%select_n3A_137, %select_n3A_159, %add3A_718] : memref<8x8x128xf32, #tpu.memory_space<vmem>>[vector<16xi32>, vector<16xi32>, vector<16xi32>], vector<16xf32>,
        %gather3A_723 = tpu.vector_load_idx %arg6[%select_n3A_193, %select_n3A_215, %add3A_718] : memref<8x8x128xf32, #tpu.memory_space<vmem>>[vector<16xi32>, vector<16xi32>, vector<16xi32>], vector<16xf32>,
        %gather3A_724 = tpu.vector_load_idx %arg6[%select_n3A_249, %select_n3A_271, %add3A_719] : memref<8x8x128xf32, #tpu.memory_space<vmem>>[vector<16xi32>, vector<16xi32>, vector<16xi32>], vector<16xf32>,
        %gather3A_725 = tpu.vector_load_idx %arg6[%select_n3A_305, %select_n3A_327, %add3A_719] : memref<8x8x128xf32, #tpu.memory_space<vmem>>[vector<16xi32>, vector<16xi32>, vector<16xi32>], vector<16xf32>,
        %gather3A_726 = tpu.vector_load_idx %arg6[%select_n3A_361, %select_n3A_383, %add3A_719] : memref<8x8x128xf32, #tpu.memory_space<vmem>>[vector<16xi32>, vector<16xi32>, vector<16xi32>], vector<16xf32>,
        %gather3A_727 = tpu.vector_load_idx %arg6[%select_n3A_417, %select_n3A_439, %add3A_719] : memref<8x8x128xf32, #tpu.memory_space<vmem>>[vector<16xi32>, vector<16xi32>, vector<16xi32>], vector<16xf32>,
        %add3A_728 = arith.addi %add3A_718, %broadcast_in_dim3A_1 : vector<16xi32>
        %add3A_729 = arith.addi %add3A_719, %broadcast_in_dim3A_1 : vector<16xi32>
        %swap3A = arith.constant 0 : i32
        %swap3A_730 = arith.index_cast %scan3A_708 : i32 to index
        %swap3A_731 = arith.index_cast %swap3A : i32 to index
        %swap3A_732 = arith.constant 0 : index
        %swap3A_733 = tpu.vector_load %arg8[%swap3A_730, %swap3A_731, %swap3A_732] {strides = array<i32>} : memref<8x8x128xf32, #tpu.memory_space<vmem>>, vector<16xf32>,
        tpu.vector_store %arg8[%swap3A_730, %swap3A_731, %swap3A_732], %gather3A {strides = array<i32>} : memref<8x8x128xf32, #tpu.memory_space<vmem>>, vector<16xf32>,
        %swap3A_734 = arith.constant 0 : i32
        %swap3A_735 = arith.index_cast %scan3A_708 : i32 to index
        %swap3A_736 = arith.index_cast %swap3A_734 : i32 to index
        %swap3A_737 = arith.constant 16 : index
        %swap3A_738 = tpu.vector_load %arg8[%swap3A_735, %swap3A_736, %swap3A_737] {strides = array<i32>} : memref<8x8x128xf32, #tpu.memory_space<vmem>>, vector<16xf32>,
        tpu.vector_store %arg8[%swap3A_735, %swap3A_736, %swap3A_737], %gather3A_711 {strides = array<i32>} : memref<8x8x128xf32, #tpu.memory_space<vmem>>, vector<16xf32>,
        %swap3A_739 = arith.constant 0 : i32
        %swap3A_740 = arith.index_cast %scan3A_708 : i32 to index
        %swap3A_741 = arith.index_cast %swap3A_739 : i32 to index
        %swap3A_742 = arith.constant 32 : index
        %swap3A_743 = tpu.vector_load %arg8[%swap3A_740, %swap3A_741, %swap3A_742] {strides = array<i32>} : memref<8x8x128xf32, #tpu.memory_space<vmem>>, vector<16xf32>,
        tpu.vector_store %arg8[%swap3A_740, %swap3A_741, %swap3A_742], %gather3A_712 {strides = array<i32>} : memref<8x8x128xf32, #tpu.memory_space<vmem>>, vector<16xf32>,
        %swap3A_744 = arith.constant 0 : i32
        %swap3A_745 = arith.index_cast %scan3A_708 : i32 to index
        %swap3A_746 = arith.index_cast %swap3A_744 : i32 to index
        %swap3A_747 = arith.constant 48 : index
        %swap3A_748 = tpu.vector_load %arg8[%swap3A_745, %swap3A_746, %swap3A_747] {strides = array<i32>} : memref<8x8x128xf32, #tpu.memory_space<vmem>>, vector<16xf32>,
        tpu.vector_store %arg8[%swap3A_745, %swap3A_746, %swap3A_747], %gather3A_713 {strides = array<i32>} : memref<8x8x128xf32, #tpu.memory_space<vmem>>, vector<16xf32>,
        %swap3A_749 = arith.constant 0 : i32
        %swap3A_750 = arith.index_cast %scan3A_708 : i32 to index
        %swap3A_751 = arith.index_cast %swap3A_749 : i32 to index
        %swap3A_752 = arith.constant 64 : index
        %swap3A_753 = tpu.vector_load %arg8[%swap3A_750, %swap3A_751, %swap3A_752] {strides = array<i32>} : memref<8x8x128xf32, #tpu.memory_space<vmem>>, vector<16xf32>,
        tpu.vector_store %arg8[%swap3A_750, %swap3A_751, %swap3A_752], %gather3A_714 {strides = array<i32>} : memref<8x8x128xf32, #tpu.memory_space<vmem>>, vector<16xf32>,
        %swap3A_754 = arith.constant 0 : i32
        %swap3A_755 = arith.index_cast %scan3A_708 : i32 to index
        %swap3A_756 = arith.index_cast %swap3A_754 : i32 to index
        %swap3A_757 = arith.constant 80 : index
        %swap3A_758 = tpu.vector_load %arg8[%swap3A_755, %swap3A_756, %swap3A_757] {strides = array<i32>} : memref<8x8x128xf32, #tpu.memory_space<vmem>>, vector<16xf32>,
        tpu.vector_store %arg8[%swap3A_755, %swap3A_756, %swap3A_757], %gather3A_715 {strides = array<i32>} : memref<8x8x128xf32, #tpu.memory_space<vmem>>, vector<16xf32>,
        %swap3A_759 = arith.constant 0 : i32
        %swap3A_760 = arith.index_cast %scan3A_708 : i32 to index
        %swap3A_761 = arith.index_cast %swap3A_759 : i32 to index
        %swap3A_762 = arith.constant 96 : index
        %swap3A_763 = tpu.vector_load %arg8[%swap3A_760, %swap3A_761, %swap3A_762] {strides = array<i32>} : memref<8x8x128xf32, #tpu.memory_space<vmem>>, vector<16xf32>,
        tpu.vector_store %arg8[%swap3A_760, %swap3A_761, %swap3A_762], %gather3A_716 {strides = array<i32>} : memref<8x8x128xf32, #tpu.memory_space<vmem>>, vector<16xf32>,
        %swap3A_764 = arith.constant 0 : i32
        %swap3A_765 = arith.index_cast %scan3A_708 : i32 to index
        %swap3A_766 = arith.index_cast %swap3A_764 : i32 to index
        %swap3A_767 = arith.constant 112 : index
        %swap3A_768 = tpu.vector_load %arg8[%swap3A_765, %swap3A_766, %swap3A_767] {strides = array<i32>} : memref<8x8x128xf32, #tpu.memory_space<vmem>>, vector<16xf32>,
        tpu.vector_store %arg8[%swap3A_765, %swap3A_766, %swap3A_767], %gather3A_717 {strides = array<i32>} : memref<8x8x128xf32, #tpu.memory_space<vmem>>, vector<16xf32>,
        %swap3A_769 = arith.constant 1 : i32
        %swap3A_770 = arith.index_cast %scan3A_708 : i32 to index
        %swap3A_771 = arith.index_cast %swap3A_769 : i32 to index
        %swap3A_772 = arith.constant 0 : index
        %swap3A_773 = tpu.vector_load %arg8[%swap3A_770, %swap3A_771, %swap3A_772] {strides = array<i32>} : memref<8x8x128xf32, #tpu.memory_space<vmem>>, vector<16xf32>,
        tpu.vector_store %arg8[%swap3A_770, %swap3A_771, %swap3A_772], %gather3A_720 {strides = array<i32>} : memref<8x8x128xf32, #tpu.memory_space<vmem>>, vector<16xf32>,
        %swap3A_774 = arith.constant 1 : i32
        %swap3A_775 = arith.index_cast %scan3A_708 : i32 to index
        %swap3A_776 = arith.index_cast %swap3A_774 : i32 to index
        %swap3A_777 = arith.constant 16 : index
        %swap3A_778 = tpu.vector_load %arg8[%swap3A_775, %swap3A_776, %swap3A_777] {strides = array<i32>} : memref<8x8x128xf32, #tpu.memory_space<vmem>>, vector<16xf32>,
        tpu.vector_store %arg8[%swap3A_775, %swap3A_776, %swap3A_777], %gather3A_721 {strides = array<i32>} : memref<8x8x128xf32, #tpu.memory_space<vmem>>, vector<16xf32>,
        %swap3A_779 = arith.constant 1 : i32
        %swap3A_780 = arith.index_cast %scan3A_708 : i32 to index
        %swap3A_781 = arith.index_cast %swap3A_779 : i32 to index
        %swap3A_782 = arith.constant 32 : index
        %swap3A_783 = tpu.vector_load %arg8[%swap3A_780, %swap3A_781, %swap3A_782] {strides = array<i32>} : memref<8x8x128xf32, #tpu.memory_space<vmem>>, vector<16xf32>,
        tpu.vector_store %arg8[%swap3A_780, %swap3A_781, %swap3A_782], %gather3A_722 {strides = array<i32>} : memref<8x8x128xf32, #tpu.memory_space<vmem>>, vector<16xf32>,
        %swap3A_784 = arith.constant 1 : i32
        %swap3A_785 = arith.index_cast %scan3A_708 : i32 to index
        %swap3A_786 = arith.index_cast %swap3A_784 : i32 to index
        %swap3A_787 = arith.constant 48 : index
        %swap3A_788 = tpu.vector_load %arg8[%swap3A_785, %swap3A_786, %swap3A_787] {strides = array<i32>} : memref<8x8x128xf32, #tpu.memory_space<vmem>>, vector<16xf32>,
        tpu.vector_store %arg8[%swap3A_785, %swap3A_786, %swap3A_787], %gather3A_723 {strides = array<i32>} : memref<8x8x128xf32, #tpu.memory_space<vmem>>, vector<16xf32>,
        %swap3A_789 = arith.constant 1 : i32
        %swap3A_790 = arith.index_cast %scan3A_708 : i32 to index
        %swap3A_791 = arith.index_cast %swap3A_789 : i32 to index
        %swap3A_792 = arith.constant 64 : index
        %swap3A_793 = tpu.vector_load %arg8[%swap3A_790, %swap3A_791, %swap3A_792] {strides = array<i32>} : memref<8x8x128xf32, #tpu.memory_space<vmem>>, vector<16xf32>,
        tpu.vector_store %arg8[%swap3A_790, %swap3A_791, %swap3A_792], %gather3A_724 {strides = array<i32>} : memref<8x8x128xf32, #tpu.memory_space<vmem>>, vector<16xf32>,
        %swap3A_794 = arith.constant 1 : i32
        %swap3A_795 = arith.index_cast %scan3A_708 : i32 to index
        %swap3A_796 = arith.index_cast %swap3A_794 : i32 to index
        %swap3A_797 = arith.constant 80 : index
        %swap3A_798 = tpu.vector_load %arg8[%swap3A_795, %swap3A_796, %swap3A_797] {strides = array<i32>} : memref<8x8x128xf32, #tpu.memory_space<vmem>>, vector<16xf32>,
        tpu.vector_store %arg8[%swap3A_795, %swap3A_796, %swap3A_797], %gather3A_725 {strides = array<i32>} : memref<8x8x128xf32, #tpu.memory_space<vmem>>, vector<16xf32>,
        %swap3A_799 = arith.constant 1 : i32
        %swap3A_800 = arith.index_cast %scan3A_708 : i32 to index
        %swap3A_801 = arith.index_cast %swap3A_799 : i32 to index
        %swap3A_802 = arith.constant 96 : index
        %swap3A_803 = tpu.vector_load %arg8[%swap3A_800, %swap3A_801, %swap3A_802] {strides = array<i32>} : memref<8x8x128xf32, #tpu.memory_space<vmem>>, vector<16xf32>,
        tpu.vector_store %arg8[%swap3A_800, %swap3A_801, %swap3A_802], %gather3A_726 {strides = array<i32>} : memref<8x8x128xf32, #tpu.memory_space<vmem>>, vector<16xf32>,
        %swap3A_804 = arith.constant 1 : i32
        %swap3A_805 = arith.index_cast %scan3A_708 : i32 to index
        %swap3A_806 = arith.index_cast %swap3A_804 : i32 to index
        %swap3A_807 = arith.constant 112 : index
        %swap3A_808 = tpu.vector_load %arg8[%swap3A_805, %swap3A_806, %swap3A_807] {strides = array<i32>} : memref<8x8x128xf32, #tpu.memory_space<vmem>>, vector<16xf32>,
        tpu.vector_store %arg8[%swap3A_805, %swap3A_806, %swap3A_807], %gather3A_727 {strides = array<i32>} : memref<8x8x128xf32, #tpu.memory_space<vmem>>, vector<16xf32>,
        %gather3A_809 = tpu.vector_load_idx %arg6[%select_n3A, %select_n3A_47, %add3A_728] : memref<8x8x128xf32, #tpu.memory_space<vmem>>[vector<16xi32>, vector<16xi32>, vector<16xi32>], vector<16xf32>,
        %gather3A_810 = tpu.vector_load_idx %arg6[%select_n3A_81, %select_n3A_103, %add3A_728] : memref<8x8x128xf32, #tpu.memory_space<vmem>>[vector<16xi32>, vector<16xi32>, vector<16xi32>], vector<16xf32>,
        %gather3A_811 = tpu.vector_load_idx %arg6[%select_n3A_137, %select_n3A_159, %add3A_728] : memref<8x8x128xf32, #tpu.memory_space<vmem>>[vector<16xi32>, vector<16xi32>, vector<16xi32>], vector<16xf32>,
        %gather3A_812 = tpu.vector_load_idx %arg6[%select_n3A_193, %select_n3A_215, %add3A_728] : memref<8x8x128xf32, #tpu.memory_space<vmem>>[vector<16xi32>, vector<16xi32>, vector<16xi32>], vector<16xf32>,
        %gather3A_813 = tpu.vector_load_idx %arg6[%select_n3A_249, %select_n3A_271, %add3A_729] : memref<8x8x128xf32, #tpu.memory_space<vmem>>[vector<16xi32>, vector<16xi32>, vector<16xi32>], vector<16xf32>,
        %gather3A_814 = tpu.vector_load_idx %arg6[%select_n3A_305, %select_n3A_327, %add3A_729] : memref<8x8x128xf32, #tpu.memory_space<vmem>>[vector<16xi32>, vector<16xi32>, vector<16xi32>], vector<16xf32>,
        %gather3A_815 = tpu.vector_load_idx %arg6[%select_n3A_361, %select_n3A_383, %add3A_729] : memref<8x8x128xf32, #tpu.memory_space<vmem>>[vector<16xi32>, vector<16xi32>, vector<16xi32>], vector<16xf32>,
        %gather3A_816 = tpu.vector_load_idx %arg6[%select_n3A_417, %select_n3A_439, %add3A_729] : memref<8x8x128xf32, #tpu.memory_space<vmem>>[vector<16xi32>, vector<16xi32>, vector<16xi32>], vector<16xf32>,
        %add3A_817 = arith.addi %add3A_728, %broadcast_in_dim3A_1 : vector<16xi32>
        %add3A_818 = arith.addi %add3A_729, %broadcast_in_dim3A_1 : vector<16xi32>
        %gather3A_819 = tpu.vector_load_idx %arg6[%select_n3A, %select_n3A_47, %add3A_817] : memref<8x8x128xf32, #tpu.memory_space<vmem>>[vector<16xi32>, vector<16xi32>, vector<16xi32>], vector<16xf32>,
        %gather3A_820 = tpu.vector_load_idx %arg6[%select_n3A_81, %select_n3A_103, %add3A_817] : memref<8x8x128xf32, #tpu.memory_space<vmem>>[vector<16xi32>, vector<16xi32>, vector<16xi32>], vector<16xf32>,
        %gather3A_821 = tpu.vector_load_idx %arg6[%select_n3A_137, %select_n3A_159, %add3A_817] : memref<8x8x128xf32, #tpu.memory_space<vmem>>[vector<16xi32>, vector<16xi32>, vector<16xi32>], vector<16xf32>,
        %gather3A_822 = tpu.vector_load_idx %arg6[%select_n3A_193, %select_n3A_215, %add3A_817] : memref<8x8x128xf32, #tpu.memory_space<vmem>>[vector<16xi32>, vector<16xi32>, vector<16xi32>], vector<16xf32>,
        %gather3A_823 = tpu.vector_load_idx %arg6[%select_n3A_249, %select_n3A_271, %add3A_818] : memref<8x8x128xf32, #tpu.memory_space<vmem>>[vector<16xi32>, vector<16xi32>, vector<16xi32>], vector<16xf32>,
        %gather3A_824 = tpu.vector_load_idx %arg6[%select_n3A_305, %select_n3A_327, %add3A_818] : memref<8x8x128xf32, #tpu.memory_space<vmem>>[vector<16xi32>, vector<16xi32>, vector<16xi32>], vector<16xf32>,
        %gather3A_825 = tpu.vector_load_idx %arg6[%select_n3A_361, %select_n3A_383, %add3A_818] : memref<8x8x128xf32, #tpu.memory_space<vmem>>[vector<16xi32>, vector<16xi32>, vector<16xi32>], vector<16xf32>,
        %gather3A_826 = tpu.vector_load_idx %arg6[%select_n3A_417, %select_n3A_439, %add3A_818] : memref<8x8x128xf32, #tpu.memory_space<vmem>>[vector<16xi32>, vector<16xi32>, vector<16xi32>], vector<16xf32>,
        %add3A_827 = arith.addi %add3A_817, %broadcast_in_dim3A_1 : vector<16xi32>
        %add3A_828 = arith.addi %add3A_818, %broadcast_in_dim3A_1 : vector<16xi32>
        %swap3A_829 = arith.constant 2 : i32
        %swap3A_830 = arith.index_cast %scan3A_708 : i32 to index
        %swap3A_831 = arith.index_cast %swap3A_829 : i32 to index
        %swap3A_832 = arith.constant 0 : index
        %swap3A_833 = tpu.vector_load %arg8[%swap3A_830, %swap3A_831, %swap3A_832] {strides = array<i32>} : memref<8x8x128xf32, #tpu.memory_space<vmem>>, vector<16xf32>,
        tpu.vector_store %arg8[%swap3A_830, %swap3A_831, %swap3A_832], %gather3A_809 {strides = array<i32>} : memref<8x8x128xf32, #tpu.memory_space<vmem>>, vector<16xf32>,
        %swap3A_834 = arith.constant 2 : i32
        %swap3A_835 = arith.index_cast %scan3A_708 : i32 to index
        %swap3A_836 = arith.index_cast %swap3A_834 : i32 to index
        %swap3A_837 = arith.constant 16 : index
        %swap3A_838 = tpu.vector_load %arg8[%swap3A_835, %swap3A_836, %swap3A_837] {strides = array<i32>} : memref<8x8x128xf32, #tpu.memory_space<vmem>>, vector<16xf32>,
        tpu.vector_store %arg8[%swap3A_835, %swap3A_836, %swap3A_837], %gather3A_810 {strides = array<i32>} : memref<8x8x128xf32, #tpu.memory_space<vmem>>, vector<16xf32>,
        %swap3A_839 = arith.constant 2 : i32
        %swap3A_840 = arith.index_cast %scan3A_708 : i32 to index
        %swap3A_841 = arith.index_cast %swap3A_839 : i32 to index
        %swap3A_842 = arith.constant 32 : index
        %swap3A_843 = tpu.vector_load %arg8[%swap3A_840, %swap3A_841, %swap3A_842] {strides = array<i32>} : memref<8x8x128xf32, #tpu.memory_space<vmem>>, vector<16xf32>,
        tpu.vector_store %arg8[%swap3A_840, %swap3A_841, %swap3A_842], %gather3A_811 {strides = array<i32>} : memref<8x8x128xf32, #tpu.memory_space<vmem>>, vector<16xf32>,
        %swap3A_844 = arith.constant 2 : i32
        %swap3A_845 = arith.index_cast %scan3A_708 : i32 to index
        %swap3A_846 = arith.index_cast %swap3A_844 : i32 to index
        %swap3A_847 = arith.constant 48 : index
        %swap3A_848 = tpu.vector_load %arg8[%swap3A_845, %swap3A_846, %swap3A_847] {strides = array<i32>} : memref<8x8x128xf32, #tpu.memory_space<vmem>>, vector<16xf32>,
        tpu.vector_store %arg8[%swap3A_845, %swap3A_846, %swap3A_847], %gather3A_812 {strides = array<i32>} : memref<8x8x128xf32, #tpu.memory_space<vmem>>, vector<16xf32>,
        %swap3A_849 = arith.constant 2 : i32
        %swap3A_850 = arith.index_cast %scan3A_708 : i32 to index
        %swap3A_851 = arith.index_cast %swap3A_849 : i32 to index
        %swap3A_852 = arith.constant 64 : index
        %swap3A_853 = tpu.vector_load %arg8[%swap3A_850, %swap3A_851, %swap3A_852] {strides = array<i32>} : memref<8x8x128xf32, #tpu.memory_space<vmem>>, vector<16xf32>,
        tpu.vector_store %arg8[%swap3A_850, %swap3A_851, %swap3A_852], %gather3A_813 {strides = array<i32>} : memref<8x8x128xf32, #tpu.memory_space<vmem>>, vector<16xf32>,
        %swap3A_854 = arith.constant 2 : i32
        %swap3A_855 = arith.index_cast %scan3A_708 : i32 to index
        %swap3A_856 = arith.index_cast %swap3A_854 : i32 to index
        %swap3A_857 = arith.constant 80 : index
        %swap3A_858 = tpu.vector_load %arg8[%swap3A_855, %swap3A_856, %swap3A_857] {strides = array<i32>} : memref<8x8x128xf32, #tpu.memory_space<vmem>>, vector<16xf32>,
        tpu.vector_store %arg8[%swap3A_855, %swap3A_856, %swap3A_857], %gather3A_814 {strides = array<i32>} : memref<8x8x128xf32, #tpu.memory_space<vmem>>, vector<16xf32>,
        %swap3A_859 = arith.constant 2 : i32
        %swap3A_860 = arith.index_cast %scan3A_708 : i32 to index
        %swap3A_861 = arith.index_cast %swap3A_859 : i32 to index
        %swap3A_862 = arith.constant 96 : index
        %swap3A_863 = tpu.vector_load %arg8[%swap3A_860, %swap3A_861, %swap3A_862] {strides = array<i32>} : memref<8x8x128xf32, #tpu.memory_space<vmem>>, vector<16xf32>,
        tpu.vector_store %arg8[%swap3A_860, %swap3A_861, %swap3A_862], %gather3A_815 {strides = array<i32>} : memref<8x8x128xf32, #tpu.memory_space<vmem>>, vector<16xf32>,
        %swap3A_864 = arith.constant 2 : i32
        %swap3A_865 = arith.index_cast %scan3A_708 : i32 to index
        %swap3A_866 = arith.index_cast %swap3A_864 : i32 to index
        %swap3A_867 = arith.constant 112 : index
        %swap3A_868 = tpu.vector_load %arg8[%swap3A_865, %swap3A_866, %swap3A_867] {strides = array<i32>} : memref<8x8x128xf32, #tpu.memory_space<vmem>>, vector<16xf32>,
        tpu.vector_store %arg8[%swap3A_865, %swap3A_866, %swap3A_867], %gather3A_816 {strides = array<i32>} : memref<8x8x128xf32, #tpu.memory_space<vmem>>, vector<16xf32>,
        %swap3A_869 = arith.constant 3 : i32
        %swap3A_870 = arith.index_cast %scan3A_708 : i32 to index
        %swap3A_871 = arith.index_cast %swap3A_869 : i32 to index
        %swap3A_872 = arith.constant 0 : index
        %swap3A_873 = tpu.vector_load %arg8[%swap3A_870, %swap3A_871, %swap3A_872] {strides = array<i32>} : memref<8x8x128xf32, #tpu.memory_space<vmem>>, vector<16xf32>,
        tpu.vector_store %arg8[%swap3A_870, %swap3A_871, %swap3A_872], %gather3A_819 {strides = array<i32>} : memref<8x8x128xf32, #tpu.memory_space<vmem>>, vector<16xf32>,
        %swap3A_874 = arith.constant 3 : i32
        %swap3A_875 = arith.index_cast %scan3A_708 : i32 to index
        %swap3A_876 = arith.index_cast %swap3A_874 : i32 to index
        %swap3A_877 = arith.constant 16 : index
        %swap3A_878 = tpu.vector_load %arg8[%swap3A_875, %swap3A_876, %swap3A_877] {strides = array<i32>} : memref<8x8x128xf32, #tpu.memory_space<vmem>>, vector<16xf32>,
        tpu.vector_store %arg8[%swap3A_875, %swap3A_876, %swap3A_877], %gather3A_820 {strides = array<i32>} : memref<8x8x128xf32, #tpu.memory_space<vmem>>, vector<16xf32>,
        %swap3A_879 = arith.constant 3 : i32
        %swap3A_880 = arith.index_cast %scan3A_708 : i32 to index
        %swap3A_881 = arith.index_cast %swap3A_879 : i32 to index
        %swap3A_882 = arith.constant 32 : index
        %swap3A_883 = tpu.vector_load %arg8[%swap3A_880, %swap3A_881, %swap3A_882] {strides = array<i32>} : memref<8x8x128xf32, #tpu.memory_space<vmem>>, vector<16xf32>,
        tpu.vector_store %arg8[%swap3A_880, %swap3A_881, %swap3A_882], %gather3A_821 {strides = array<i32>} : memref<8x8x128xf32, #tpu.memory_space<vmem>>, vector<16xf32>,
        %swap3A_884 = arith.constant 3 : i32
        %swap3A_885 = arith.index_cast %scan3A_708 : i32 to index
        %swap3A_886 = arith.index_cast %swap3A_884 : i32 to index
        %swap3A_887 = arith.constant 48 : index
        %swap3A_888 = tpu.vector_load %arg8[%swap3A_885, %swap3A_886, %swap3A_887] {strides = array<i32>} : memref<8x8x128xf32, #tpu.memory_space<vmem>>, vector<16xf32>,
        tpu.vector_store %arg8[%swap3A_885, %swap3A_886, %swap3A_887], %gather3A_822 {strides = array<i32>} : memref<8x8x128xf32, #tpu.memory_space<vmem>>, vector<16xf32>,
        %swap3A_889 = arith.constant 3 : i32
        %swap3A_890 = arith.index_cast %scan3A_708 : i32 to index
        %swap3A_891 = arith.index_cast %swap3A_889 : i32 to index
        %swap3A_892 = arith.constant 64 : index
        %swap3A_893 = tpu.vector_load %arg8[%swap3A_890, %swap3A_891, %swap3A_892] {strides = array<i32>} : memref<8x8x128xf32, #tpu.memory_space<vmem>>, vector<16xf32>,
        tpu.vector_store %arg8[%swap3A_890, %swap3A_891, %swap3A_892], %gather3A_823 {strides = array<i32>} : memref<8x8x128xf32, #tpu.memory_space<vmem>>, vector<16xf32>,
        %swap3A_894 = arith.constant 3 : i32
        %swap3A_895 = arith.index_cast %scan3A_708 : i32 to index
        %swap3A_896 = arith.index_cast %swap3A_894 : i32 to index
        %swap3A_897 = arith.constant 80 : index
        %swap3A_898 = tpu.vector_load %arg8[%swap3A_895, %swap3A_896, %swap3A_897] {strides = array<i32>} : memref<8x8x128xf32, #tpu.memory_space<vmem>>, vector<16xf32>,
        tpu.vector_store %arg8[%swap3A_895, %swap3A_896, %swap3A_897], %gather3A_824 {strides = array<i32>} : memref<8x8x128xf32, #tpu.memory_space<vmem>>, vector<16xf32>,
        %swap3A_899 = arith.constant 3 : i32
        %swap3A_900 = arith.index_cast %scan3A_708 : i32 to index
        %swap3A_901 = arith.index_cast %swap3A_899 : i32 to index
        %swap3A_902 = arith.constant 96 : index
        %swap3A_903 = tpu.vector_load %arg8[%swap3A_900, %swap3A_901, %swap3A_902] {strides = array<i32>} : memref<8x8x128xf32, #tpu.memory_space<vmem>>, vector<16xf32>,
        tpu.vector_store %arg8[%swap3A_900, %swap3A_901, %swap3A_902], %gather3A_825 {strides = array<i32>} : memref<8x8x128xf32, #tpu.memory_space<vmem>>, vector<16xf32>,
        %swap3A_904 = arith.constant 3 : i32
        %swap3A_905 = arith.index_cast %scan3A_708 : i32 to index
        %swap3A_906 = arith.index_cast %swap3A_904 : i32 to index
        %swap3A_907 = arith.constant 112 : index
        %swap3A_908 = tpu.vector_load %arg8[%swap3A_905, %swap3A_906, %swap3A_907] {strides = array<i32>} : memref<8x8x128xf32, #tpu.memory_space<vmem>>, vector<16xf32>,
        tpu.vector_store %arg8[%swap3A_905, %swap3A_906, %swap3A_907], %gather3A_826 {strides = array<i32>} : memref<8x8x128xf32, #tpu.memory_space<vmem>>, vector<16xf32>,
        %gather3A_909 = tpu.vector_load_idx %arg6[%select_n3A, %select_n3A_47, %add3A_827] : memref<8x8x128xf32, #tpu.memory_space<vmem>>[vector<16xi32>, vector<16xi32>, vector<16xi32>], vector<16xf32>,
        %gather3A_910 = tpu.vector_load_idx %arg6[%select_n3A_81, %select_n3A_103, %add3A_827] : memref<8x8x128xf32, #tpu.memory_space<vmem>>[vector<16xi32>, vector<16xi32>, vector<16xi32>], vector<16xf32>,
        %gather3A_911 = tpu.vector_load_idx %arg6[%select_n3A_137, %select_n3A_159, %add3A_827] : memref<8x8x128xf32, #tpu.memory_space<vmem>>[vector<16xi32>, vector<16xi32>, vector<16xi32>], vector<16xf32>,
        %gather3A_912 = tpu.vector_load_idx %arg6[%select_n3A_193, %select_n3A_215, %add3A_827] : memref<8x8x128xf32, #tpu.memory_space<vmem>>[vector<16xi32>, vector<16xi32>, vector<16xi32>], vector<16xf32>,
        %gather3A_913 = tpu.vector_load_idx %arg6[%select_n3A_249, %select_n3A_271, %add3A_828] : memref<8x8x128xf32, #tpu.memory_space<vmem>>[vector<16xi32>, vector<16xi32>, vector<16xi32>], vector<16xf32>,
        %gather3A_914 = tpu.vector_load_idx %arg6[%select_n3A_305, %select_n3A_327, %add3A_828] : memref<8x8x128xf32, #tpu.memory_space<vmem>>[vector<16xi32>, vector<16xi32>, vector<16xi32>], vector<16xf32>,
        %gather3A_915 = tpu.vector_load_idx %arg6[%select_n3A_361, %select_n3A_383, %add3A_828] : memref<8x8x128xf32, #tpu.memory_space<vmem>>[vector<16xi32>, vector<16xi32>, vector<16xi32>], vector<16xf32>,
        %gather3A_916 = tpu.vector_load_idx %arg6[%select_n3A_417, %select_n3A_439, %add3A_828] : memref<8x8x128xf32, #tpu.memory_space<vmem>>[vector<16xi32>, vector<16xi32>, vector<16xi32>], vector<16xf32>,
        %add3A_917 = arith.addi %add3A_827, %broadcast_in_dim3A_1 : vector<16xi32>
        %add3A_918 = arith.addi %add3A_828, %broadcast_in_dim3A_1 : vector<16xi32>
        %gather3A_919 = tpu.vector_load_idx %arg6[%select_n3A, %select_n3A_47, %add3A_917] : memref<8x8x128xf32, #tpu.memory_space<vmem>>[vector<16xi32>, vector<16xi32>, vector<16xi32>], vector<16xf32>,
        %gather3A_920 = tpu.vector_load_idx %arg6[%select_n3A_81, %select_n3A_103, %add3A_917] : memref<8x8x128xf32, #tpu.memory_space<vmem>>[vector<16xi32>, vector<16xi32>, vector<16xi32>], vector<16xf32>,
        %gather3A_921 = tpu.vector_load_idx %arg6[%select_n3A_137, %select_n3A_159, %add3A_917] : memref<8x8x128xf32, #tpu.memory_space<vmem>>[vector<16xi32>, vector<16xi32>, vector<16xi32>], vector<16xf32>,
        %gather3A_922 = tpu.vector_load_idx %arg6[%select_n3A_193, %select_n3A_215, %add3A_917] : memref<8x8x128xf32, #tpu.memory_space<vmem>>[vector<16xi32>, vector<16xi32>, vector<16xi32>], vector<16xf32>,
        %gather3A_923 = tpu.vector_load_idx %arg6[%select_n3A_249, %select_n3A_271, %add3A_918] : memref<8x8x128xf32, #tpu.memory_space<vmem>>[vector<16xi32>, vector<16xi32>, vector<16xi32>], vector<16xf32>,
        %gather3A_924 = tpu.vector_load_idx %arg6[%select_n3A_305, %select_n3A_327, %add3A_918] : memref<8x8x128xf32, #tpu.memory_space<vmem>>[vector<16xi32>, vector<16xi32>, vector<16xi32>], vector<16xf32>,
        %gather3A_925 = tpu.vector_load_idx %arg6[%select_n3A_361, %select_n3A_383, %add3A_918] : memref<8x8x128xf32, #tpu.memory_space<vmem>>[vector<16xi32>, vector<16xi32>, vector<16xi32>], vector<16xf32>,
        %gather3A_926 = tpu.vector_load_idx %arg6[%select_n3A_417, %select_n3A_439, %add3A_918] : memref<8x8x128xf32, #tpu.memory_space<vmem>>[vector<16xi32>, vector<16xi32>, vector<16xi32>], vector<16xf32>,
        %add3A_927 = arith.addi %add3A_917, %broadcast_in_dim3A_1 : vector<16xi32>
        %add3A_928 = arith.addi %add3A_918, %broadcast_in_dim3A_1 : vector<16xi32>
        %swap3A_929 = arith.constant 4 : i32
        %swap3A_930 = arith.index_cast %scan3A_708 : i32 to index
        %swap3A_931 = arith.index_cast %swap3A_929 : i32 to index
        %swap3A_932 = arith.constant 0 : index
        %swap3A_933 = tpu.vector_load %arg8[%swap3A_930, %swap3A_931, %swap3A_932] {strides = array<i32>} : memref<8x8x128xf32, #tpu.memory_space<vmem>>, vector<16xf32>,
        tpu.vector_store %arg8[%swap3A_930, %swap3A_931, %swap3A_932], %gather3A_909 {strides = array<i32>} : memref<8x8x128xf32, #tpu.memory_space<vmem>>, vector<16xf32>,
        %swap3A_934 = arith.constant 4 : i32
        %swap3A_935 = arith.index_cast %scan3A_708 : i32 to index
        %swap3A_936 = arith.index_cast %swap3A_934 : i32 to index
        %swap3A_937 = arith.constant 16 : index
        %swap3A_938 = tpu.vector_load %arg8[%swap3A_935, %swap3A_936, %swap3A_937] {strides = array<i32>} : memref<8x8x128xf32, #tpu.memory_space<vmem>>, vector<16xf32>,
        tpu.vector_store %arg8[%swap3A_935, %swap3A_936, %swap3A_937], %gather3A_910 {strides = array<i32>} : memref<8x8x128xf32, #tpu.memory_space<vmem>>, vector<16xf32>,
        %swap3A_939 = arith.constant 4 : i32
        %swap3A_940 = arith.index_cast %scan3A_708 : i32 to index
        %swap3A_941 = arith.index_cast %swap3A_939 : i32 to index
        %swap3A_942 = arith.constant 32 : index
        %swap3A_943 = tpu.vector_load %arg8[%swap3A_940, %swap3A_941, %swap3A_942] {strides = array<i32>} : memref<8x8x128xf32, #tpu.memory_space<vmem>>, vector<16xf32>,
        tpu.vector_store %arg8[%swap3A_940, %swap3A_941, %swap3A_942], %gather3A_911 {strides = array<i32>} : memref<8x8x128xf32, #tpu.memory_space<vmem>>, vector<16xf32>,
        %swap3A_944 = arith.constant 4 : i32
        %swap3A_945 = arith.index_cast %scan3A_708 : i32 to index
        %swap3A_946 = arith.index_cast %swap3A_944 : i32 to index
        %swap3A_947 = arith.constant 48 : index
        %swap3A_948 = tpu.vector_load %arg8[%swap3A_945, %swap3A_946, %swap3A_947] {strides = array<i32>} : memref<8x8x128xf32, #tpu.memory_space<vmem>>, vector<16xf32>,
        tpu.vector_store %arg8[%swap3A_945, %swap3A_946, %swap3A_947], %gather3A_912 {strides = array<i32>} : memref<8x8x128xf32, #tpu.memory_space<vmem>>, vector<16xf32>,
        %swap3A_949 = arith.constant 4 : i32
        %swap3A_950 = arith.index_cast %scan3A_708 : i32 to index
        %swap3A_951 = arith.index_cast %swap3A_949 : i32 to index
        %swap3A_952 = arith.constant 64 : index
        %swap3A_953 = tpu.vector_load %arg8[%swap3A_950, %swap3A_951, %swap3A_952] {strides = array<i32>} : memref<8x8x128xf32, #tpu.memory_space<vmem>>, vector<16xf32>,
        tpu.vector_store %arg8[%swap3A_950, %swap3A_951, %swap3A_952], %gather3A_913 {strides = array<i32>} : memref<8x8x128xf32, #tpu.memory_space<vmem>>, vector<16xf32>,
        %swap3A_954 = arith.constant 4 : i32
        %swap3A_955 = arith.index_cast %scan3A_708 : i32 to index
        %swap3A_956 = arith.index_cast %swap3A_954 : i32 to index
        %swap3A_957 = arith.constant 80 : index
        %swap3A_958 = tpu.vector_load %arg8[%swap3A_955, %swap3A_956, %swap3A_957] {strides = array<i32>} : memref<8x8x128xf32, #tpu.memory_space<vmem>>, vector<16xf32>,
        tpu.vector_store %arg8[%swap3A_955, %swap3A_956, %swap3A_957], %gather3A_914 {strides = array<i32>} : memref<8x8x128xf32, #tpu.memory_space<vmem>>, vector<16xf32>,
        %swap3A_959 = arith.constant 4 : i32
        %swap3A_960 = arith.index_cast %scan3A_708 : i32 to index
        %swap3A_961 = arith.index_cast %swap3A_959 : i32 to index
        %swap3A_962 = arith.constant 96 : index
        %swap3A_963 = tpu.vector_load %arg8[%swap3A_960, %swap3A_961, %swap3A_962] {strides = array<i32>} : memref<8x8x128xf32, #tpu.memory_space<vmem>>, vector<16xf32>,
        tpu.vector_store %arg8[%swap3A_960, %swap3A_961, %swap3A_962], %gather3A_915 {strides = array<i32>} : memref<8x8x128xf32, #tpu.memory_space<vmem>>, vector<16xf32>,
        %swap3A_964 = arith.constant 4 : i32
        %swap3A_965 = arith.index_cast %scan3A_708 : i32 to index
        %swap3A_966 = arith.index_cast %swap3A_964 : i32 to index
        %swap3A_967 = arith.constant 112 : index
        %swap3A_968 = tpu.vector_load %arg8[%swap3A_965, %swap3A_966, %swap3A_967] {strides = array<i32>} : memref<8x8x128xf32, #tpu.memory_space<vmem>>, vector<16xf32>,
        tpu.vector_store %arg8[%swap3A_965, %swap3A_966, %swap3A_967], %gather3A_916 {strides = array<i32>} : memref<8x8x128xf32, #tpu.memory_space<vmem>>, vector<16xf32>,
        %swap3A_969 = arith.constant 5 : i32
        %swap3A_970 = arith.index_cast %scan3A_708 : i32 to index
        %swap3A_971 = arith.index_cast %swap3A_969 : i32 to index
        %swap3A_972 = arith.constant 0 : index
        %swap3A_973 = tpu.vector_load %arg8[%swap3A_970, %swap3A_971, %swap3A_972] {strides = array<i32>} : memref<8x8x128xf32, #tpu.memory_space<vmem>>, vector<16xf32>,
        tpu.vector_store %arg8[%swap3A_970, %swap3A_971, %swap3A_972], %gather3A_919 {strides = array<i32>} : memref<8x8x128xf32, #tpu.memory_space<vmem>>, vector<16xf32>,
        %swap3A_974 = arith.constant 5 : i32
        %swap3A_975 = arith.index_cast %scan3A_708 : i32 to index
        %swap3A_976 = arith.index_cast %swap3A_974 : i32 to index
        %swap3A_977 = arith.constant 16 : index
        %swap3A_978 = tpu.vector_load %arg8[%swap3A_975, %swap3A_976, %swap3A_977] {strides = array<i32>} : memref<8x8x128xf32, #tpu.memory_space<vmem>>, vector<16xf32>,
        tpu.vector_store %arg8[%swap3A_975, %swap3A_976, %swap3A_977], %gather3A_920 {strides = array<i32>} : memref<8x8x128xf32, #tpu.memory_space<vmem>>, vector<16xf32>,
        %swap3A_979 = arith.constant 5 : i32
        %swap3A_980 = arith.index_cast %scan3A_708 : i32 to index
        %swap3A_981 = arith.index_cast %swap3A_979 : i32 to index
        %swap3A_982 = arith.constant 32 : index
        %swap3A_983 = tpu.vector_load %arg8[%swap3A_980, %swap3A_981, %swap3A_982] {strides = array<i32>} : memref<8x8x128xf32, #tpu.memory_space<vmem>>, vector<16xf32>,
        tpu.vector_store %arg8[%swap3A_980, %swap3A_981, %swap3A_982], %gather3A_921 {strides = array<i32>} : memref<8x8x128xf32, #tpu.memory_space<vmem>>, vector<16xf32>,
        %swap3A_984 = arith.constant 5 : i32
        %swap3A_985 = arith.index_cast %scan3A_708 : i32 to index
        %swap3A_986 = arith.index_cast %swap3A_984 : i32 to index
        %swap3A_987 = arith.constant 48 : index
        %swap3A_988 = tpu.vector_load %arg8[%swap3A_985, %swap3A_986, %swap3A_987] {strides = array<i32>} : memref<8x8x128xf32, #tpu.memory_space<vmem>>, vector<16xf32>,
        tpu.vector_store %arg8[%swap3A_985, %swap3A_986, %swap3A_987], %gather3A_922 {strides = array<i32>} : memref<8x8x128xf32, #tpu.memory_space<vmem>>, vector<16xf32>,
        %swap3A_989 = arith.constant 5 : i32
        %swap3A_990 = arith.index_cast %scan3A_708 : i32 to index
        %swap3A_991 = arith.index_cast %swap3A_989 : i32 to index
        %swap3A_992 = arith.constant 64 : index
        %swap3A_993 = tpu.vector_load %arg8[%swap3A_990, %swap3A_991, %swap3A_992] {strides = array<i32>} : memref<8x8x128xf32, #tpu.memory_space<vmem>>, vector<16xf32>,
        tpu.vector_store %arg8[%swap3A_990, %swap3A_991, %swap3A_992], %gather3A_923 {strides = array<i32>} : memref<8x8x128xf32, #tpu.memory_space<vmem>>, vector<16xf32>,
        %swap3A_994 = arith.constant 5 : i32
        %swap3A_995 = arith.index_cast %scan3A_708 : i32 to index
        %swap3A_996 = arith.index_cast %swap3A_994 : i32 to index
        %swap3A_997 = arith.constant 80 : index
        %swap3A_998 = tpu.vector_load %arg8[%swap3A_995, %swap3A_996, %swap3A_997] {strides = array<i32>} : memref<8x8x128xf32, #tpu.memory_space<vmem>>, vector<16xf32>,
        tpu.vector_store %arg8[%swap3A_995, %swap3A_996, %swap3A_997], %gather3A_924 {strides = array<i32>} : memref<8x8x128xf32, #tpu.memory_space<vmem>>, vector<16xf32>,
        %swap3A_999 = arith.constant 5 : i32
        %swap3A_1000 = arith.index_cast %scan3A_708 : i32 to index
        %swap3A_1001 = arith.index_cast %swap3A_999 : i32 to index
        %swap3A_1002 = arith.constant 96 : index
        %swap3A_1003 = tpu.vector_load %arg8[%swap3A_1000, %swap3A_1001, %swap3A_1002] {strides = array<i32>} : memref<8x8x128xf32, #tpu.memory_space<vmem>>, vector<16xf32>,
        tpu.vector_store %arg8[%swap3A_1000, %swap3A_1001, %swap3A_1002], %gather3A_925 {strides = array<i32>} : memref<8x8x128xf32, #tpu.memory_space<vmem>>, vector<16xf32>,
        %swap3A_1004 = arith.constant 5 : i32
        %swap3A_1005 = arith.index_cast %scan3A_708 : i32 to index
        %swap3A_1006 = arith.index_cast %swap3A_1004 : i32 to index
        %swap3A_1007 = arith.constant 112 : index
        %swap3A_1008 = tpu.vector_load %arg8[%swap3A_1005, %swap3A_1006, %swap3A_1007] {strides = array<i32>} : memref<8x8x128xf32, #tpu.memory_space<vmem>>, vector<16xf32>,
        tpu.vector_store %arg8[%swap3A_1005, %swap3A_1006, %swap3A_1007], %gather3A_926 {strides = array<i32>} : memref<8x8x128xf32, #tpu.memory_space<vmem>>, vector<16xf32>,
        %gather3A_1009 = tpu.vector_load_idx %arg6[%select_n3A, %select_n3A_47, %add3A_927] : memref<8x8x128xf32, #tpu.memory_space<vmem>>[vector<16xi32>, vector<16xi32>, vector<16xi32>], vector<16xf32>,
        %gather3A_1010 = tpu.vector_load_idx %arg6[%select_n3A_81, %select_n3A_103, %add3A_927] : memref<8x8x128xf32, #tpu.memory_space<vmem>>[vector<16xi32>, vector<16xi32>, vector<16xi32>], vector<16xf32>,
        %gather3A_1011 = tpu.vector_load_idx %arg6[%select_n3A_137, %select_n3A_159, %add3A_927] : memref<8x8x128xf32, #tpu.memory_space<vmem>>[vector<16xi32>, vector<16xi32>, vector<16xi32>], vector<16xf32>,
        %gather3A_1012 = tpu.vector_load_idx %arg6[%select_n3A_193, %select_n3A_215, %add3A_927] : memref<8x8x128xf32, #tpu.memory_space<vmem>>[vector<16xi32>, vector<16xi32>, vector<16xi32>], vector<16xf32>,
        %gather3A_1013 = tpu.vector_load_idx %arg6[%select_n3A_249, %select_n3A_271, %add3A_928] : memref<8x8x128xf32, #tpu.memory_space<vmem>>[vector<16xi32>, vector<16xi32>, vector<16xi32>], vector<16xf32>,
        %gather3A_1014 = tpu.vector_load_idx %arg6[%select_n3A_305, %select_n3A_327, %add3A_928] : memref<8x8x128xf32, #tpu.memory_space<vmem>>[vector<16xi32>, vector<16xi32>, vector<16xi32>], vector<16xf32>,
        %gather3A_1015 = tpu.vector_load_idx %arg6[%select_n3A_361, %select_n3A_383, %add3A_928] : memref<8x8x128xf32, #tpu.memory_space<vmem>>[vector<16xi32>, vector<16xi32>, vector<16xi32>], vector<16xf32>,
        %gather3A_1016 = tpu.vector_load_idx %arg6[%select_n3A_417, %select_n3A_439, %add3A_928] : memref<8x8x128xf32, #tpu.memory_space<vmem>>[vector<16xi32>, vector<16xi32>, vector<16xi32>], vector<16xf32>,
        %add3A_1017 = arith.addi %add3A_927, %broadcast_in_dim3A_1 : vector<16xi32>
        %add3A_1018 = arith.addi %add3A_928, %broadcast_in_dim3A_1 : vector<16xi32>
        %gather3A_1019 = tpu.vector_load_idx %arg6[%select_n3A, %select_n3A_47, %add3A_1017] : memref<8x8x128xf32, #tpu.memory_space<vmem>>[vector<16xi32>, vector<16xi32>, vector<16xi32>], vector<16xf32>,
        %gather3A_1020 = tpu.vector_load_idx %arg6[%select_n3A_81, %select_n3A_103, %add3A_1017] : memref<8x8x128xf32, #tpu.memory_space<vmem>>[vector<16xi32>, vector<16xi32>, vector<16xi32>], vector<16xf32>,
        %gather3A_1021 = tpu.vector_load_idx %arg6[%select_n3A_137, %select_n3A_159, %add3A_1017] : memref<8x8x128xf32, #tpu.memory_space<vmem>>[vector<16xi32>, vector<16xi32>, vector<16xi32>], vector<16xf32>,
        %gather3A_1022 = tpu.vector_load_idx %arg6[%select_n3A_193, %select_n3A_215, %add3A_1017] : memref<8x8x128xf32, #tpu.memory_space<vmem>>[vector<16xi32>, vector<16xi32>, vector<16xi32>], vector<16xf32>,
        %gather3A_1023 = tpu.vector_load_idx %arg6[%select_n3A_249, %select_n3A_271, %add3A_1018] : memref<8x8x128xf32, #tpu.memory_space<vmem>>[vector<16xi32>, vector<16xi32>, vector<16xi32>], vector<16xf32>,
        %gather3A_1024 = tpu.vector_load_idx %arg6[%select_n3A_305, %select_n3A_327, %add3A_1018] : memref<8x8x128xf32, #tpu.memory_space<vmem>>[vector<16xi32>, vector<16xi32>, vector<16xi32>], vector<16xf32>,
        %gather3A_1025 = tpu.vector_load_idx %arg6[%select_n3A_361, %select_n3A_383, %add3A_1018] : memref<8x8x128xf32, #tpu.memory_space<vmem>>[vector<16xi32>, vector<16xi32>, vector<16xi32>], vector<16xf32>,
        %gather3A_1026 = tpu.vector_load_idx %arg6[%select_n3A_417, %select_n3A_439, %add3A_1018] : memref<8x8x128xf32, #tpu.memory_space<vmem>>[vector<16xi32>, vector<16xi32>, vector<16xi32>], vector<16xf32>,
        %add3A_1027 = arith.addi %add3A_1017, %broadcast_in_dim3A_1 : vector<16xi32>
        %add3A_1028 = arith.addi %add3A_1018, %broadcast_in_dim3A_1 : vector<16xi32>
        %swap3A_1029 = arith.constant 6 : i32
        %swap3A_1030 = arith.index_cast %scan3A_708 : i32 to index
        %swap3A_1031 = arith.index_cast %swap3A_1029 : i32 to index
        %swap3A_1032 = arith.constant 0 : index
        %swap3A_1033 = tpu.vector_load %arg8[%swap3A_1030, %swap3A_1031, %swap3A_1032] {strides = array<i32>} : memref<8x8x128xf32, #tpu.memory_space<vmem>>, vector<16xf32>,
        tpu.vector_store %arg8[%swap3A_1030, %swap3A_1031, %swap3A_1032], %gather3A_1009 {strides = array<i32>} : memref<8x8x128xf32, #tpu.memory_space<vmem>>, vector<16xf32>,
        %swap3A_1034 = arith.constant 6 : i32
        %swap3A_1035 = arith.index_cast %scan3A_708 : i32 to index
        %swap3A_1036 = arith.index_cast %swap3A_1034 : i32 to index
        %swap3A_1037 = arith.constant 16 : index
        %swap3A_1038 = tpu.vector_load %arg8[%swap3A_1035, %swap3A_1036, %swap3A_1037] {strides = array<i32>} : memref<8x8x128xf32, #tpu.memory_space<vmem>>, vector<16xf32>,
        tpu.vector_store %arg8[%swap3A_1035, %swap3A_1036, %swap3A_1037], %gather3A_1010 {strides = array<i32>} : memref<8x8x128xf32, #tpu.memory_space<vmem>>, vector<16xf32>,
        %swap3A_1039 = arith.constant 6 : i32
        %swap3A_1040 = arith.index_cast %scan3A_708 : i32 to index
        %swap3A_1041 = arith.index_cast %swap3A_1039 : i32 to index
        %swap3A_1042 = arith.constant 32 : index
        %swap3A_1043 = tpu.vector_load %arg8[%swap3A_1040, %swap3A_1041, %swap3A_1042] {strides = array<i32>} : memref<8x8x128xf32, #tpu.memory_space<vmem>>, vector<16xf32>,
        tpu.vector_store %arg8[%swap3A_1040, %swap3A_1041, %swap3A_1042], %gather3A_1011 {strides = array<i32>} : memref<8x8x128xf32, #tpu.memory_space<vmem>>, vector<16xf32>,
        %swap3A_1044 = arith.constant 6 : i32
        %swap3A_1045 = arith.index_cast %scan3A_708 : i32 to index
        %swap3A_1046 = arith.index_cast %swap3A_1044 : i32 to index
        %swap3A_1047 = arith.constant 48 : index
        %swap3A_1048 = tpu.vector_load %arg8[%swap3A_1045, %swap3A_1046, %swap3A_1047] {strides = array<i32>} : memref<8x8x128xf32, #tpu.memory_space<vmem>>, vector<16xf32>,
        tpu.vector_store %arg8[%swap3A_1045, %swap3A_1046, %swap3A_1047], %gather3A_1012 {strides = array<i32>} : memref<8x8x128xf32, #tpu.memory_space<vmem>>, vector<16xf32>,
        %swap3A_1049 = arith.constant 6 : i32
        %swap3A_1050 = arith.index_cast %scan3A_708 : i32 to index
        %swap3A_1051 = arith.index_cast %swap3A_1049 : i32 to index
        %swap3A_1052 = arith.constant 64 : index
        %swap3A_1053 = tpu.vector_load %arg8[%swap3A_1050, %swap3A_1051, %swap3A_1052] {strides = array<i32>} : memref<8x8x128xf32, #tpu.memory_space<vmem>>, vector<16xf32>,
        tpu.vector_store %arg8[%swap3A_1050, %swap3A_1051, %swap3A_1052], %gather3A_1013 {strides = array<i32>} : memref<8x8x128xf32, #tpu.memory_space<vmem>>, vector<16xf32>,
        %swap3A_1054 = arith.constant 6 : i32
        %swap3A_1055 = arith.index_cast %scan3A_708 : i32 to index
        %swap3A_1056 = arith.index_cast %swap3A_1054 : i32 to index
        %swap3A_1057 = arith.constant 80 : index
        %swap3A_1058 = tpu.vector_load %arg8[%swap3A_1055, %swap3A_1056, %swap3A_1057] {strides = array<i32>} : memref<8x8x128xf32, #tpu.memory_space<vmem>>, vector<16xf32>,
        tpu.vector_store %arg8[%swap3A_1055, %swap3A_1056, %swap3A_1057], %gather3A_1014 {strides = array<i32>} : memref<8x8x128xf32, #tpu.memory_space<vmem>>, vector<16xf32>,
        %swap3A_1059 = arith.constant 6 : i32
        %swap3A_1060 = arith.index_cast %scan3A_708 : i32 to index
        %swap3A_1061 = arith.index_cast %swap3A_1059 : i32 to index
        %swap3A_1062 = arith.constant 96 : index
        %swap3A_1063 = tpu.vector_load %arg8[%swap3A_1060, %swap3A_1061, %swap3A_1062] {strides = array<i32>} : memref<8x8x128xf32, #tpu.memory_space<vmem>>, vector<16xf32>,
        tpu.vector_store %arg8[%swap3A_1060, %swap3A_1061, %swap3A_1062], %gather3A_1015 {strides = array<i32>} : memref<8x8x128xf32, #tpu.memory_space<vmem>>, vector<16xf32>,
        %swap3A_1064 = arith.constant 6 : i32
        %swap3A_1065 = arith.index_cast %scan3A_708 : i32 to index
        %swap3A_1066 = arith.index_cast %swap3A_1064 : i32 to index
        %swap3A_1067 = arith.constant 112 : index
        %swap3A_1068 = tpu.vector_load %arg8[%swap3A_1065, %swap3A_1066, %swap3A_1067] {strides = array<i32>} : memref<8x8x128xf32, #tpu.memory_space<vmem>>, vector<16xf32>,
        tpu.vector_store %arg8[%swap3A_1065, %swap3A_1066, %swap3A_1067], %gather3A_1016 {strides = array<i32>} : memref<8x8x128xf32, #tpu.memory_space<vmem>>, vector<16xf32>,
        %swap3A_1069 = arith.constant 7 : i32
        %swap3A_1070 = arith.index_cast %scan3A_708 : i32 to index
        %swap3A_1071 = arith.index_cast %swap3A_1069 : i32 to index
        %swap3A_1072 = arith.constant 0 : index
        %swap3A_1073 = tpu.vector_load %arg8[%swap3A_1070, %swap3A_1071, %swap3A_1072] {strides = array<i32>} : memref<8x8x128xf32, #tpu.memory_space<vmem>>, vector<16xf32>,
        tpu.vector_store %arg8[%swap3A_1070, %swap3A_1071, %swap3A_1072], %gather3A_1019 {strides = array<i32>} : memref<8x8x128xf32, #tpu.memory_space<vmem>>, vector<16xf32>,
        %swap3A_1074 = arith.constant 7 : i32
        %swap3A_1075 = arith.index_cast %scan3A_708 : i32 to index
        %swap3A_1076 = arith.index_cast %swap3A_1074 : i32 to index
        %swap3A_1077 = arith.constant 16 : index
        %swap3A_1078 = tpu.vector_load %arg8[%swap3A_1075, %swap3A_1076, %swap3A_1077] {strides = array<i32>} : memref<8x8x128xf32, #tpu.memory_space<vmem>>, vector<16xf32>,
        tpu.vector_store %arg8[%swap3A_1075, %swap3A_1076, %swap3A_1077], %gather3A_1020 {strides = array<i32>} : memref<8x8x128xf32, #tpu.memory_space<vmem>>, vector<16xf32>,
        %swap3A_1079 = arith.constant 7 : i32
        %swap3A_1080 = arith.index_cast %scan3A_708 : i32 to index
        %swap3A_1081 = arith.index_cast %swap3A_1079 : i32 to index
        %swap3A_1082 = arith.constant 32 : index
        %swap3A_1083 = tpu.vector_load %arg8[%swap3A_1080, %swap3A_1081, %swap3A_1082] {strides = array<i32>} : memref<8x8x128xf32, #tpu.memory_space<vmem>>, vector<16xf32>,
        tpu.vector_store %arg8[%swap3A_1080, %swap3A_1081, %swap3A_1082], %gather3A_1021 {strides = array<i32>} : memref<8x8x128xf32, #tpu.memory_space<vmem>>, vector<16xf32>,
        %swap3A_1084 = arith.constant 7 : i32
        %swap3A_1085 = arith.index_cast %scan3A_708 : i32 to index
        %swap3A_1086 = arith.index_cast %swap3A_1084 : i32 to index
        %swap3A_1087 = arith.constant 48 : index
        %swap3A_1088 = tpu.vector_load %arg8[%swap3A_1085, %swap3A_1086, %swap3A_1087] {strides = array<i32>} : memref<8x8x128xf32, #tpu.memory_space<vmem>>, vector<16xf32>,
        tpu.vector_store %arg8[%swap3A_1085, %swap3A_1086, %swap3A_1087], %gather3A_1022 {strides = array<i32>} : memref<8x8x128xf32, #tpu.memory_space<vmem>>, vector<16xf32>,
        %swap3A_1089 = arith.constant 7 : i32
        %swap3A_1090 = arith.index_cast %scan3A_708 : i32 to index
        %swap3A_1091 = arith.index_cast %swap3A_1089 : i32 to index
        %swap3A_1092 = arith.constant 64 : index
        %swap3A_1093 = tpu.vector_load %arg8[%swap3A_1090, %swap3A_1091, %swap3A_1092] {strides = array<i32>} : memref<8x8x128xf32, #tpu.memory_space<vmem>>, vector<16xf32>,
        tpu.vector_store %arg8[%swap3A_1090, %swap3A_1091, %swap3A_1092], %gather3A_1023 {strides = array<i32>} : memref<8x8x128xf32, #tpu.memory_space<vmem>>, vector<16xf32>,
        %swap3A_1094 = arith.constant 7 : i32
        %swap3A_1095 = arith.index_cast %scan3A_708 : i32 to index
        %swap3A_1096 = arith.index_cast %swap3A_1094 : i32 to index
        %swap3A_1097 = arith.constant 80 : index
        %swap3A_1098 = tpu.vector_load %arg8[%swap3A_1095, %swap3A_1096, %swap3A_1097] {strides = array<i32>} : memref<8x8x128xf32, #tpu.memory_space<vmem>>, vector<16xf32>,
        tpu.vector_store %arg8[%swap3A_1095, %swap3A_1096, %swap3A_1097], %gather3A_1024 {strides = array<i32>} : memref<8x8x128xf32, #tpu.memory_space<vmem>>, vector<16xf32>,
        %swap3A_1099 = arith.constant 7 : i32
        %swap3A_1100 = arith.index_cast %scan3A_708 : i32 to index
        %swap3A_1101 = arith.index_cast %swap3A_1099 : i32 to index
        %swap3A_1102 = arith.constant 96 : index
        %swap3A_1103 = tpu.vector_load %arg8[%swap3A_1100, %swap3A_1101, %swap3A_1102] {strides = array<i32>} : memref<8x8x128xf32, #tpu.memory_space<vmem>>, vector<16xf32>,
        tpu.vector_store %arg8[%swap3A_1100, %swap3A_1101, %swap3A_1102], %gather3A_1025 {strides = array<i32>} : memref<8x8x128xf32, #tpu.memory_space<vmem>>, vector<16xf32>,
        %swap3A_1104 = arith.constant 7 : i32
        %swap3A_1105 = arith.index_cast %scan3A_708 : i32 to index
        %swap3A_1106 = arith.index_cast %swap3A_1104 : i32 to index
        %swap3A_1107 = arith.constant 112 : index
        %swap3A_1108 = tpu.vector_load %arg8[%swap3A_1105, %swap3A_1106, %swap3A_1107] {strides = array<i32>} : memref<8x8x128xf32, #tpu.memory_space<vmem>>, vector<16xf32>,
        tpu.vector_store %arg8[%swap3A_1105, %swap3A_1106, %swap3A_1107], %gather3A_1026 {strides = array<i32>} : memref<8x8x128xf32, #tpu.memory_space<vmem>>, vector<16xf32>,
        scf.yield %add3A_1027, %add3A_1028 : vector<16xi32>, vector<16xi32>
      }
      %scan3A_689 = arith.constant 8 : i32
      %mul3A_690 = arith.constant 32 : i32
      %mul3A_691 = arith.muli %mul3A_690, %add3A_650 : i32
      %add3A_692 = arith.addi %add3A, %mul3A_691 : i32
      %mul3A_693 = arith.constant 8 : i32
      %mul3A_694 = arith.muli %add3A_692, %mul3A_693 : i32
      %dma_start3A_695 = arith.constant 0 : i32
      %dma_start3A_696 = arith.constant 0 : i32
      %dma_start3A_697 = tpu.memref_slice %arg4[%mul3A_694, %dma_start3A_695, %dma_start3A_696] : memref<62500x8x128xf32, #tpu.memory_space<hbm>> -> memref<8x8x128xf32, #tpu.memory_space<hbm>>
      %dma_start3A_698 = arith.constant 0 : i32
      %dma_start3A_699 = arith.constant 0 : i32
      %dma_start3A_700 = tpu.memref_slice %arg4[%mul3A_694, %dma_start3A_698, %dma_start3A_699] : memref<62500x8x128xf32, #tpu.memory_space<hbm>> -> memref<8x8x128xf32, #tpu.memory_space<hbm>>
      tpu.enqueue_dma source(%arg8 : memref<8x8x128xf32, #tpu.memory_space<vmem>>) target(%dma_start3A_700 : memref<8x8x128xf32, #tpu.memory_space<hbm>>) target_semaphore(%arg12 : memref<!tpu.dma_semaphore, #tpu.memory_space<semaphore_mem>>)
      %add3A_701 = arith.constant 2 : i32
      %add3A_702 = arith.addi %add3A_650, %add3A_701 : i32
      %lt3A_703 = arith.constant 244 : i32
      %lt3A_704 = arith.cmpi slt, %add3A_702, %lt3A_703 : i32
      %convert_element_type3A_705 = arith.extui %lt3A_704 : i1 to i32
      %cond3A_706 = arith.constant 0 : i32
      %cond3A_707 = arith.cmpi ne, %convert_element_type3A_705, %cond3A_706 : i32
      scf.if %cond3A_707 {
        %add3A_708 = arith.constant 2 : i32
        %add3A_709 = arith.addi %add3A_650, %add3A_708 : i32
        %mul3A_710 = arith.constant 32 : i32
        %mul3A_711 = arith.muli %mul3A_710, %add3A_709 : i32
        %add3A_712 = arith.addi %add3A, %mul3A_711 : i32
        %mul3A_713 = arith.constant 128 : i32
        %mul3A_714 = arith.muli %add3A_712, %mul3A_713 : i32
        %dma_start3A_715 = arith.constant 0 : i32
        %dma_start3A_716 = arith.constant 0 : i32
        %dma_start3A_717 = tpu.memref_slice %arg2[%dma_start3A_715, %dma_start3A_716, %mul3A_714] : memref<8x8x1000000xf32, #tpu.memory_space<hbm>> -> memref<8x8x128xf32, #tpu.memory_space<hbm>>
        %dma_start3A_718 = arith.constant 0 : i32
        %dma_start3A_719 = arith.constant 0 : i32
        %dma_start3A_720 = tpu.memref_slice %arg2[%dma_start3A_718, %dma_start3A_719, %mul3A_714] : memref<8x8x1000000xf32, #tpu.memory_space<hbm>> -> memref<8x8x128xf32, #tpu.memory_space<hbm>>
        tpu.enqueue_dma source(%dma_start3A_720 : memref<8x8x128xf32, #tpu.memory_space<hbm>>) target(%arg6 : memref<8x8x128xf32, #tpu.memory_space<vmem>>) target_semaphore(%arg10 : memref<!tpu.dma_semaphore, #tpu.memory_space<semaphore_mem>>)
      } else {
      }
    }
    %scan3A_552 = arith.constant 121 : i32
    %add3A_553 = arith.constant 7744 : i32
    %add3A_554 = arith.addi %add3A, %add3A_553 : i32
    %mul3A_555 = arith.constant 8 : i32
    %mul3A_556 = arith.muli %add3A_554, %mul3A_555 : i32
    %dma_wait3A_557 = arith.constant 0 : i32
    %dma_wait3A_558 = arith.constant 0 : i32
    %dma_wait3A_559 = tpu.memref_slice %arg4[%mul3A_556, %dma_wait3A_557, %dma_wait3A_558] : memref<62500x8x128xf32, #tpu.memory_space<hbm>> -> memref<8x8x128xf32, #tpu.memory_space<hbm>>
    %dma_wait3A_560 = arith.constant 0 : i32
    %dma_wait3A_561 = arith.constant 0 : i32
    %dma_wait3A_562 = tpu.memref_slice %arg4[%mul3A_556, %dma_wait3A_560, %dma_wait3A_561] : memref<62500x8x128xf32, #tpu.memory_space<hbm>> -> memref<8x8x128xf32, #tpu.memory_space<hbm>>
    tpu.wait_dma2 semaphore(%arg11 : memref<!tpu.dma_semaphore, #tpu.memory_space<semaphore_mem>>) src(%arg7 : memref<8x8x128xf32, #tpu.memory_space<vmem>>) dst(%dma_wait3A_562 : memref<8x8x128xf32, #tpu.memory_space<hbm>>)
    %add3A_563 = arith.constant 7776 : i32
    %add3A_564 = arith.addi %add3A, %add3A_563 : i32
    %mul3A_565 = arith.constant 8 : i32
    %mul3A_566 = arith.muli %add3A_564, %mul3A_565 : i32
    %dma_wait3A_567 = arith.constant 0 : i32
    %dma_wait3A_568 = arith.constant 0 : i32
    %dma_wait3A_569 = tpu.memref_slice %arg4[%mul3A_566, %dma_wait3A_567, %dma_wait3A_568] : memref<62500x8x128xf32, #tpu.memory_space<hbm>> -> memref<8x8x128xf32, #tpu.memory_space<hbm>>
    %dma_wait3A_570 = arith.constant 0 : i32
    %dma_wait3A_571 = arith.constant 0 : i32
    %dma_wait3A_572 = tpu.memref_slice %arg4[%mul3A_566, %dma_wait3A_570, %dma_wait3A_571] : memref<62500x8x128xf32, #tpu.memory_space<hbm>> -> memref<8x8x128xf32, #tpu.memory_space<hbm>>
    tpu.wait_dma2 semaphore(%arg12 : memref<!tpu.dma_semaphore, #tpu.memory_space<semaphore_mem>>) src(%arg8 : memref<8x8x128xf32, #tpu.memory_space<vmem>>) dst(%dma_wait3A_572 : memref<8x8x128xf32, #tpu.memory_space<hbm>>)
    %lt3A_573 = arith.constant 4 : i32
    %lt3A_574 = arith.cmpi slt, %add3A, %lt3A_573 : i32
    %convert_element_type3A = arith.extui %lt3A_574 : i1 to i32
    %cond3A = arith.constant 0 : i32
    %cond3A_575 = arith.cmpi ne, %convert_element_type3A, %cond3A : i32
    scf.if %cond3A_575 {
      %add3A_581 = arith.constant 7808 : i32
      %add3A_582 = arith.addi %add3A_581, %add3A : i32
      %mul3A_583 = arith.constant 128 : i32
      %mul3A_584 = arith.muli %add3A_582, %mul3A_583 : i32
      "tpu.region"() ({
        %run_scoped3A = tpu.sem_alloc : memref<!tpu.dma_semaphore, #tpu.memory_space<semaphore_mem>>
        %dma_start3A_602 = arith.constant 0 : i32
        %dma_start3A_603 = arith.constant 0 : i32
        %dma_start3A_604 = tpu.memref_slice %arg2[%dma_start3A_602, %dma_start3A_603, %mul3A_584] : memref<8x8x1000000xf32, #tpu.memory_space<hbm>> -> memref<8x8x128xf32, #tpu.memory_space<hbm>>
        %dma_start3A_605 = arith.constant 0 : i32
        %dma_start3A_606 = arith.constant 0 : i32
        %dma_start3A_607 = tpu.memref_slice %arg2[%dma_start3A_605, %dma_start3A_606, %mul3A_584] : memref<8x8x1000000xf32, #tpu.memory_space<hbm>> -> memref<8x8x128xf32, #tpu.memory_space<hbm>>
        tpu.enqueue_dma source(%dma_start3A_607 : memref<8x8x128xf32, #tpu.memory_space<hbm>>) target(%arg5 : memref<8x8x128xf32, #tpu.memory_space<vmem>>) target_semaphore(%run_scoped3A : memref<!tpu.dma_semaphore, #tpu.memory_space<semaphore_mem>>)
        %dma_wait3A_608 = arith.constant 0 : i32
        %dma_wait3A_609 = arith.constant 0 : i32
        %dma_wait3A_610 = tpu.memref_slice %arg2[%dma_wait3A_608, %dma_wait3A_609, %mul3A_584] : memref<8x8x1000000xf32, #tpu.memory_space<hbm>> -> memref<8x8x128xf32, #tpu.memory_space<hbm>>
        %dma_wait3A_611 = arith.constant 0 : i32
        %dma_wait3A_612 = arith.constant 0 : i32
        %dma_wait3A_613 = tpu.memref_slice %arg2[%dma_wait3A_611, %dma_wait3A_612, %mul3A_584] : memref<8x8x1000000xf32, #tpu.memory_space<hbm>> -> memref<8x8x128xf32, #tpu.memory_space<hbm>>
        tpu.wait_dma2 semaphore(%run_scoped3A : memref<!tpu.dma_semaphore, #tpu.memory_space<semaphore_mem>>) src(%dma_wait3A_613 : memref<8x8x128xf32, #tpu.memory_space<hbm>>) dst(%arg5 : memref<8x8x128xf32, #tpu.memory_space<vmem>>)
        tpu.yield
      }) : () -> ()
      %mul3A_585 = arith.constant 0 : i32
      %mul3A_586 = vector.broadcast %mul3A_585 : i32 to vector<16xi32>
      %mul3A_587 = arith.muli %iota3A, %mul3A_586 : vector<16xi32>
      %mul3A_588 = arith.constant 0 : i32
      %mul3A_589 = vector.broadcast %mul3A_588 : i32 to vector<16xi32>
      %mul3A_590 = arith.muli %iota3A, %mul3A_589 : vector<16xi32>
      %add3A_591 = arith.constant 1 : i32
      %add3A_592 = vector.broadcast %add3A_591 : i32 to vector<16xi32>
      %add3A_593 = arith.addi %mul3A_590, %add3A_592 : vector<16xi32>
      %scan3A_594 = arith.constant 0 : i32
      %scan3A_595 = arith.constant 8 : i32
      %scan3A_596 = arith.addi %scan3A_594, %scan3A_595 : i32
      %scan3A_597 = arith.constant 1 : i32
      %scan3A_598:2 = scf.for %scan3A_602 = %scan3A_594 to %scan3A_596 step %scan3A_597 iter_args(%scan3A_603 = %mul3A_587, %scan3A_604 = %add3A_593) -> (vector<16xi32>, vector<16xi32>)  : i32 {
        %gather3A = tpu.vector_load_idx %arg5[%select_n3A, %select_n3A_47, %scan3A_603] : memref<8x8x128xf32, #tpu.memory_space<vmem>>[vector<16xi32>, vector<16xi32>, vector<16xi32>], vector<16xf32>,
        %gather3A_605 = tpu.vector_load_idx %arg5[%select_n3A_81, %select_n3A_103, %scan3A_603] : memref<8x8x128xf32, #tpu.memory_space<vmem>>[vector<16xi32>, vector<16xi32>, vector<16xi32>], vector<16xf32>,
        %gather3A_606 = tpu.vector_load_idx %arg5[%select_n3A_137, %select_n3A_159, %scan3A_603] : memref<8x8x128xf32, #tpu.memory_space<vmem>>[vector<16xi32>, vector<16xi32>, vector<16xi32>], vector<16xf32>,
        %gather3A_607 = tpu.vector_load_idx %arg5[%select_n3A_193, %select_n3A_215, %scan3A_603] : memref<8x8x128xf32, #tpu.memory_space<vmem>>[vector<16xi32>, vector<16xi32>, vector<16xi32>], vector<16xf32>,
        %gather3A_608 = tpu.vector_load_idx %arg5[%select_n3A_249, %select_n3A_271, %scan3A_604] : memref<8x8x128xf32, #tpu.memory_space<vmem>>[vector<16xi32>, vector<16xi32>, vector<16xi32>], vector<16xf32>,
        %gather3A_609 = tpu.vector_load_idx %arg5[%select_n3A_305, %select_n3A_327, %scan3A_604] : memref<8x8x128xf32, #tpu.memory_space<vmem>>[vector<16xi32>, vector<16xi32>, vector<16xi32>], vector<16xf32>,
        %gather3A_610 = tpu.vector_load_idx %arg5[%select_n3A_361, %select_n3A_383, %scan3A_604] : memref<8x8x128xf32, #tpu.memory_space<vmem>>[vector<16xi32>, vector<16xi32>, vector<16xi32>], vector<16xf32>,
        %gather3A_611 = tpu.vector_load_idx %arg5[%select_n3A_417, %select_n3A_439, %scan3A_604] : memref<8x8x128xf32, #tpu.memory_space<vmem>>[vector<16xi32>, vector<16xi32>, vector<16xi32>], vector<16xf32>,
        %add3A_612 = arith.addi %scan3A_603, %broadcast_in_dim3A_1 : vector<16xi32>
        %add3A_613 = arith.addi %scan3A_604, %broadcast_in_dim3A_1 : vector<16xi32>
        %gather3A_614 = tpu.vector_load_idx %arg5[%select_n3A, %select_n3A_47, %add3A_612] : memref<8x8x128xf32, #tpu.memory_space<vmem>>[vector<16xi32>, vector<16xi32>, vector<16xi32>], vector<16xf32>,
        %gather3A_615 = tpu.vector_load_idx %arg5[%select_n3A_81, %select_n3A_103, %add3A_612] : memref<8x8x128xf32, #tpu.memory_space<vmem>>[vector<16xi32>, vector<16xi32>, vector<16xi32>], vector<16xf32>,
        %gather3A_616 = tpu.vector_load_idx %arg5[%select_n3A_137, %select_n3A_159, %add3A_612] : memref<8x8x128xf32, #tpu.memory_space<vmem>>[vector<16xi32>, vector<16xi32>, vector<16xi32>], vector<16xf32>,
        %gather3A_617 = tpu.vector_load_idx %arg5[%select_n3A_193, %select_n3A_215, %add3A_612] : memref<8x8x128xf32, #tpu.memory_space<vmem>>[vector<16xi32>, vector<16xi32>, vector<16xi32>], vector<16xf32>,
        %gather3A_618 = tpu.vector_load_idx %arg5[%select_n3A_249, %select_n3A_271, %add3A_613] : memref<8x8x128xf32, #tpu.memory_space<vmem>>[vector<16xi32>, vector<16xi32>, vector<16xi32>], vector<16xf32>,
        %gather3A_619 = tpu.vector_load_idx %arg5[%select_n3A_305, %select_n3A_327, %add3A_613] : memref<8x8x128xf32, #tpu.memory_space<vmem>>[vector<16xi32>, vector<16xi32>, vector<16xi32>], vector<16xf32>,
        %gather3A_620 = tpu.vector_load_idx %arg5[%select_n3A_361, %select_n3A_383, %add3A_613] : memref<8x8x128xf32, #tpu.memory_space<vmem>>[vector<16xi32>, vector<16xi32>, vector<16xi32>], vector<16xf32>,
        %gather3A_621 = tpu.vector_load_idx %arg5[%select_n3A_417, %select_n3A_439, %add3A_613] : memref<8x8x128xf32, #tpu.memory_space<vmem>>[vector<16xi32>, vector<16xi32>, vector<16xi32>], vector<16xf32>,
        %add3A_622 = arith.addi %add3A_612, %broadcast_in_dim3A_1 : vector<16xi32>
        %add3A_623 = arith.addi %add3A_613, %broadcast_in_dim3A_1 : vector<16xi32>
        %swap3A = arith.constant 0 : i32
        %swap3A_624 = arith.index_cast %scan3A_602 : i32 to index
        %swap3A_625 = arith.index_cast %swap3A : i32 to index
        %swap3A_626 = arith.constant 0 : index
        %swap3A_627 = tpu.vector_load %arg7[%swap3A_624, %swap3A_625, %swap3A_626] {strides = array<i32>} : memref<8x8x128xf32, #tpu.memory_space<vmem>>, vector<16xf32>,
        tpu.vector_store %arg7[%swap3A_624, %swap3A_625, %swap3A_626], %gather3A {strides = array<i32>} : memref<8x8x128xf32, #tpu.memory_space<vmem>>, vector<16xf32>,
        %swap3A_628 = arith.constant 0 : i32
        %swap3A_629 = arith.index_cast %scan3A_602 : i32 to index
        %swap3A_630 = arith.index_cast %swap3A_628 : i32 to index
        %swap3A_631 = arith.constant 16 : index
        %swap3A_632 = tpu.vector_load %arg7[%swap3A_629, %swap3A_630, %swap3A_631] {strides = array<i32>} : memref<8x8x128xf32, #tpu.memory_space<vmem>>, vector<16xf32>,
        tpu.vector_store %arg7[%swap3A_629, %swap3A_630, %swap3A_631], %gather3A_605 {strides = array<i32>} : memref<8x8x128xf32, #tpu.memory_space<vmem>>, vector<16xf32>,
        %swap3A_633 = arith.constant 0 : i32
        %swap3A_634 = arith.index_cast %scan3A_602 : i32 to index
        %swap3A_635 = arith.index_cast %swap3A_633 : i32 to index
        %swap3A_636 = arith.constant 32 : index
        %swap3A_637 = tpu.vector_load %arg7[%swap3A_634, %swap3A_635, %swap3A_636] {strides = array<i32>} : memref<8x8x128xf32, #tpu.memory_space<vmem>>, vector<16xf32>,
        tpu.vector_store %arg7[%swap3A_634, %swap3A_635, %swap3A_636], %gather3A_606 {strides = array<i32>} : memref<8x8x128xf32, #tpu.memory_space<vmem>>, vector<16xf32>,
        %swap3A_638 = arith.constant 0 : i32
        %swap3A_639 = arith.index_cast %scan3A_602 : i32 to index
        %swap3A_640 = arith.index_cast %swap3A_638 : i32 to index
        %swap3A_641 = arith.constant 48 : index
        %swap3A_642 = tpu.vector_load %arg7[%swap3A_639, %swap3A_640, %swap3A_641] {strides = array<i32>} : memref<8x8x128xf32, #tpu.memory_space<vmem>>, vector<16xf32>,
        tpu.vector_store %arg7[%swap3A_639, %swap3A_640, %swap3A_641], %gather3A_607 {strides = array<i32>} : memref<8x8x128xf32, #tpu.memory_space<vmem>>, vector<16xf32>,
        %swap3A_643 = arith.constant 0 : i32
        %swap3A_644 = arith.index_cast %scan3A_602 : i32 to index
        %swap3A_645 = arith.index_cast %swap3A_643 : i32 to index
        %swap3A_646 = arith.constant 64 : index
        %swap3A_647 = tpu.vector_load %arg7[%swap3A_644, %swap3A_645, %swap3A_646] {strides = array<i32>} : memref<8x8x128xf32, #tpu.memory_space<vmem>>, vector<16xf32>,
        tpu.vector_store %arg7[%swap3A_644, %swap3A_645, %swap3A_646], %gather3A_608 {strides = array<i32>} : memref<8x8x128xf32, #tpu.memory_space<vmem>>, vector<16xf32>,
        %swap3A_648 = arith.constant 0 : i32
        %swap3A_649 = arith.index_cast %scan3A_602 : i32 to index
        %swap3A_650 = arith.index_cast %swap3A_648 : i32 to index
        %swap3A_651 = arith.constant 80 : index
        %swap3A_652 = tpu.vector_load %arg7[%swap3A_649, %swap3A_650, %swap3A_651] {strides = array<i32>} : memref<8x8x128xf32, #tpu.memory_space<vmem>>, vector<16xf32>,
        tpu.vector_store %arg7[%swap3A_649, %swap3A_650, %swap3A_651], %gather3A_609 {strides = array<i32>} : memref<8x8x128xf32, #tpu.memory_space<vmem>>, vector<16xf32>,
        %swap3A_653 = arith.constant 0 : i32
        %swap3A_654 = arith.index_cast %scan3A_602 : i32 to index
        %swap3A_655 = arith.index_cast %swap3A_653 : i32 to index
        %swap3A_656 = arith.constant 96 : index
        %swap3A_657 = tpu.vector_load %arg7[%swap3A_654, %swap3A_655, %swap3A_656] {strides = array<i32>} : memref<8x8x128xf32, #tpu.memory_space<vmem>>, vector<16xf32>,
        tpu.vector_store %arg7[%swap3A_654, %swap3A_655, %swap3A_656], %gather3A_610 {strides = array<i32>} : memref<8x8x128xf32, #tpu.memory_space<vmem>>, vector<16xf32>,
        %swap3A_658 = arith.constant 0 : i32
        %swap3A_659 = arith.index_cast %scan3A_602 : i32 to index
        %swap3A_660 = arith.index_cast %swap3A_658 : i32 to index
        %swap3A_661 = arith.constant 112 : index
        %swap3A_662 = tpu.vector_load %arg7[%swap3A_659, %swap3A_660, %swap3A_661] {strides = array<i32>} : memref<8x8x128xf32, #tpu.memory_space<vmem>>, vector<16xf32>,
        tpu.vector_store %arg7[%swap3A_659, %swap3A_660, %swap3A_661], %gather3A_611 {strides = array<i32>} : memref<8x8x128xf32, #tpu.memory_space<vmem>>, vector<16xf32>,
        %swap3A_663 = arith.constant 1 : i32
        %swap3A_664 = arith.index_cast %scan3A_602 : i32 to index
        %swap3A_665 = arith.index_cast %swap3A_663 : i32 to index
        %swap3A_666 = arith.constant 0 : index
        %swap3A_667 = tpu.vector_load %arg7[%swap3A_664, %swap3A_665, %swap3A_666] {strides = array<i32>} : memref<8x8x128xf32, #tpu.memory_space<vmem>>, vector<16xf32>,
        tpu.vector_store %arg7[%swap3A_664, %swap3A_665, %swap3A_666], %gather3A_614 {strides = array<i32>} : memref<8x8x128xf32, #tpu.memory_space<vmem>>, vector<16xf32>,
        %swap3A_668 = arith.constant 1 : i32
        %swap3A_669 = arith.index_cast %scan3A_602 : i32 to index
        %swap3A_670 = arith.index_cast %swap3A_668 : i32 to index
        %swap3A_671 = arith.constant 16 : index
        %swap3A_672 = tpu.vector_load %arg7[%swap3A_669, %swap3A_670, %swap3A_671] {strides = array<i32>} : memref<8x8x128xf32, #tpu.memory_space<vmem>>, vector<16xf32>,
        tpu.vector_store %arg7[%swap3A_669, %swap3A_670, %swap3A_671], %gather3A_615 {strides = array<i32>} : memref<8x8x128xf32, #tpu.memory_space<vmem>>, vector<16xf32>,
        %swap3A_673 = arith.constant 1 : i32
        %swap3A_674 = arith.index_cast %scan3A_602 : i32 to index
        %swap3A_675 = arith.index_cast %swap3A_673 : i32 to index
        %swap3A_676 = arith.constant 32 : index
        %swap3A_677 = tpu.vector_load %arg7[%swap3A_674, %swap3A_675, %swap3A_676] {strides = array<i32>} : memref<8x8x128xf32, #tpu.memory_space<vmem>>, vector<16xf32>,
        tpu.vector_store %arg7[%swap3A_674, %swap3A_675, %swap3A_676], %gather3A_616 {strides = array<i32>} : memref<8x8x128xf32, #tpu.memory_space<vmem>>, vector<16xf32>,
        %swap3A_678 = arith.constant 1 : i32
        %swap3A_679 = arith.index_cast %scan3A_602 : i32 to index
        %swap3A_680 = arith.index_cast %swap3A_678 : i32 to index
        %swap3A_681 = arith.constant 48 : index
        %swap3A_682 = tpu.vector_load %arg7[%swap3A_679, %swap3A_680, %swap3A_681] {strides = array<i32>} : memref<8x8x128xf32, #tpu.memory_space<vmem>>, vector<16xf32>,
        tpu.vector_store %arg7[%swap3A_679, %swap3A_680, %swap3A_681], %gather3A_617 {strides = array<i32>} : memref<8x8x128xf32, #tpu.memory_space<vmem>>, vector<16xf32>,
        %swap3A_683 = arith.constant 1 : i32
        %swap3A_684 = arith.index_cast %scan3A_602 : i32 to index
        %swap3A_685 = arith.index_cast %swap3A_683 : i32 to index
        %swap3A_686 = arith.constant 64 : index
        %swap3A_687 = tpu.vector_load %arg7[%swap3A_684, %swap3A_685, %swap3A_686] {strides = array<i32>} : memref<8x8x128xf32, #tpu.memory_space<vmem>>, vector<16xf32>,
        tpu.vector_store %arg7[%swap3A_684, %swap3A_685, %swap3A_686], %gather3A_618 {strides = array<i32>} : memref<8x8x128xf32, #tpu.memory_space<vmem>>, vector<16xf32>,
        %swap3A_688 = arith.constant 1 : i32
        %swap3A_689 = arith.index_cast %scan3A_602 : i32 to index
        %swap3A_690 = arith.index_cast %swap3A_688 : i32 to index
        %swap3A_691 = arith.constant 80 : index
        %swap3A_692 = tpu.vector_load %arg7[%swap3A_689, %swap3A_690, %swap3A_691] {strides = array<i32>} : memref<8x8x128xf32, #tpu.memory_space<vmem>>, vector<16xf32>,
        tpu.vector_store %arg7[%swap3A_689, %swap3A_690, %swap3A_691], %gather3A_619 {strides = array<i32>} : memref<8x8x128xf32, #tpu.memory_space<vmem>>, vector<16xf32>,
        %swap3A_693 = arith.constant 1 : i32
        %swap3A_694 = arith.index_cast %scan3A_602 : i32 to index
        %swap3A_695 = arith.index_cast %swap3A_693 : i32 to index
        %swap3A_696 = arith.constant 96 : index
        %swap3A_697 = tpu.vector_load %arg7[%swap3A_694, %swap3A_695, %swap3A_696] {strides = array<i32>} : memref<8x8x128xf32, #tpu.memory_space<vmem>>, vector<16xf32>,
        tpu.vector_store %arg7[%swap3A_694, %swap3A_695, %swap3A_696], %gather3A_620 {strides = array<i32>} : memref<8x8x128xf32, #tpu.memory_space<vmem>>, vector<16xf32>,
        %swap3A_698 = arith.constant 1 : i32
        %swap3A_699 = arith.index_cast %scan3A_602 : i32 to index
        %swap3A_700 = arith.index_cast %swap3A_698 : i32 to index
        %swap3A_701 = arith.constant 112 : index
        %swap3A_702 = tpu.vector_load %arg7[%swap3A_699, %swap3A_700, %swap3A_701] {strides = array<i32>} : memref<8x8x128xf32, #tpu.memory_space<vmem>>, vector<16xf32>,
        tpu.vector_store %arg7[%swap3A_699, %swap3A_700, %swap3A_701], %gather3A_621 {strides = array<i32>} : memref<8x8x128xf32, #tpu.memory_space<vmem>>, vector<16xf32>,
        %gather3A_703 = tpu.vector_load_idx %arg5[%select_n3A, %select_n3A_47, %add3A_622] : memref<8x8x128xf32, #tpu.memory_space<vmem>>[vector<16xi32>, vector<16xi32>, vector<16xi32>], vector<16xf32>,
        %gather3A_704 = tpu.vector_load_idx %arg5[%select_n3A_81, %select_n3A_103, %add3A_622] : memref<8x8x128xf32, #tpu.memory_space<vmem>>[vector<16xi32>, vector<16xi32>, vector<16xi32>], vector<16xf32>,
        %gather3A_705 = tpu.vector_load_idx %arg5[%select_n3A_137, %select_n3A_159, %add3A_622] : memref<8x8x128xf32, #tpu.memory_space<vmem>>[vector<16xi32>, vector<16xi32>, vector<16xi32>], vector<16xf32>,
        %gather3A_706 = tpu.vector_load_idx %arg5[%select_n3A_193, %select_n3A_215, %add3A_622] : memref<8x8x128xf32, #tpu.memory_space<vmem>>[vector<16xi32>, vector<16xi32>, vector<16xi32>], vector<16xf32>,
        %gather3A_707 = tpu.vector_load_idx %arg5[%select_n3A_249, %select_n3A_271, %add3A_623] : memref<8x8x128xf32, #tpu.memory_space<vmem>>[vector<16xi32>, vector<16xi32>, vector<16xi32>], vector<16xf32>,
        %gather3A_708 = tpu.vector_load_idx %arg5[%select_n3A_305, %select_n3A_327, %add3A_623] : memref<8x8x128xf32, #tpu.memory_space<vmem>>[vector<16xi32>, vector<16xi32>, vector<16xi32>], vector<16xf32>,
        %gather3A_709 = tpu.vector_load_idx %arg5[%select_n3A_361, %select_n3A_383, %add3A_623] : memref<8x8x128xf32, #tpu.memory_space<vmem>>[vector<16xi32>, vector<16xi32>, vector<16xi32>], vector<16xf32>,
        %gather3A_710 = tpu.vector_load_idx %arg5[%select_n3A_417, %select_n3A_439, %add3A_623] : memref<8x8x128xf32, #tpu.memory_space<vmem>>[vector<16xi32>, vector<16xi32>, vector<16xi32>], vector<16xf32>,
        %add3A_711 = arith.addi %add3A_622, %broadcast_in_dim3A_1 : vector<16xi32>
        %add3A_712 = arith.addi %add3A_623, %broadcast_in_dim3A_1 : vector<16xi32>
        %gather3A_713 = tpu.vector_load_idx %arg5[%select_n3A, %select_n3A_47, %add3A_711] : memref<8x8x128xf32, #tpu.memory_space<vmem>>[vector<16xi32>, vector<16xi32>, vector<16xi32>], vector<16xf32>,
        %gather3A_714 = tpu.vector_load_idx %arg5[%select_n3A_81, %select_n3A_103, %add3A_711] : memref<8x8x128xf32, #tpu.memory_space<vmem>>[vector<16xi32>, vector<16xi32>, vector<16xi32>], vector<16xf32>,
        %gather3A_715 = tpu.vector_load_idx %arg5[%select_n3A_137, %select_n3A_159, %add3A_711] : memref<8x8x128xf32, #tpu.memory_space<vmem>>[vector<16xi32>, vector<16xi32>, vector<16xi32>], vector<16xf32>,
        %gather3A_716 = tpu.vector_load_idx %arg5[%select_n3A_193, %select_n3A_215, %add3A_711] : memref<8x8x128xf32, #tpu.memory_space<vmem>>[vector<16xi32>, vector<16xi32>, vector<16xi32>], vector<16xf32>,
        %gather3A_717 = tpu.vector_load_idx %arg5[%select_n3A_249, %select_n3A_271, %add3A_712] : memref<8x8x128xf32, #tpu.memory_space<vmem>>[vector<16xi32>, vector<16xi32>, vector<16xi32>], vector<16xf32>,
        %gather3A_718 = tpu.vector_load_idx %arg5[%select_n3A_305, %select_n3A_327, %add3A_712] : memref<8x8x128xf32, #tpu.memory_space<vmem>>[vector<16xi32>, vector<16xi32>, vector<16xi32>], vector<16xf32>,
        %gather3A_719 = tpu.vector_load_idx %arg5[%select_n3A_361, %select_n3A_383, %add3A_712] : memref<8x8x128xf32, #tpu.memory_space<vmem>>[vector<16xi32>, vector<16xi32>, vector<16xi32>], vector<16xf32>,
        %gather3A_720 = tpu.vector_load_idx %arg5[%select_n3A_417, %select_n3A_439, %add3A_712] : memref<8x8x128xf32, #tpu.memory_space<vmem>>[vector<16xi32>, vector<16xi32>, vector<16xi32>], vector<16xf32>,
        %add3A_721 = arith.addi %add3A_711, %broadcast_in_dim3A_1 : vector<16xi32>
        %add3A_722 = arith.addi %add3A_712, %broadcast_in_dim3A_1 : vector<16xi32>
        %swap3A_723 = arith.constant 2 : i32
        %swap3A_724 = arith.index_cast %scan3A_602 : i32 to index
        %swap3A_725 = arith.index_cast %swap3A_723 : i32 to index
        %swap3A_726 = arith.constant 0 : index
        %swap3A_727 = tpu.vector_load %arg7[%swap3A_724, %swap3A_725, %swap3A_726] {strides = array<i32>} : memref<8x8x128xf32, #tpu.memory_space<vmem>>, vector<16xf32>,
        tpu.vector_store %arg7[%swap3A_724, %swap3A_725, %swap3A_726], %gather3A_703 {strides = array<i32>} : memref<8x8x128xf32, #tpu.memory_space<vmem>>, vector<16xf32>,
        %swap3A_728 = arith.constant 2 : i32
        %swap3A_729 = arith.index_cast %scan3A_602 : i32 to index
        %swap3A_730 = arith.index_cast %swap3A_728 : i32 to index
        %swap3A_731 = arith.constant 16 : index
        %swap3A_732 = tpu.vector_load %arg7[%swap3A_729, %swap3A_730, %swap3A_731] {strides = array<i32>} : memref<8x8x128xf32, #tpu.memory_space<vmem>>, vector<16xf32>,
        tpu.vector_store %arg7[%swap3A_729, %swap3A_730, %swap3A_731], %gather3A_704 {strides = array<i32>} : memref<8x8x128xf32, #tpu.memory_space<vmem>>, vector<16xf32>,
        %swap3A_733 = arith.constant 2 : i32
        %swap3A_734 = arith.index_cast %scan3A_602 : i32 to index
        %swap3A_735 = arith.index_cast %swap3A_733 : i32 to index
        %swap3A_736 = arith.constant 32 : index
        %swap3A_737 = tpu.vector_load %arg7[%swap3A_734, %swap3A_735, %swap3A_736] {strides = array<i32>} : memref<8x8x128xf32, #tpu.memory_space<vmem>>, vector<16xf32>,
        tpu.vector_store %arg7[%swap3A_734, %swap3A_735, %swap3A_736], %gather3A_705 {strides = array<i32>} : memref<8x8x128xf32, #tpu.memory_space<vmem>>, vector<16xf32>,
        %swap3A_738 = arith.constant 2 : i32
        %swap3A_739 = arith.index_cast %scan3A_602 : i32 to index
        %swap3A_740 = arith.index_cast %swap3A_738 : i32 to index
        %swap3A_741 = arith.constant 48 : index
        %swap3A_742 = tpu.vector_load %arg7[%swap3A_739, %swap3A_740, %swap3A_741] {strides = array<i32>} : memref<8x8x128xf32, #tpu.memory_space<vmem>>, vector<16xf32>,
        tpu.vector_store %arg7[%swap3A_739, %swap3A_740, %swap3A_741], %gather3A_706 {strides = array<i32>} : memref<8x8x128xf32, #tpu.memory_space<vmem>>, vector<16xf32>,
        %swap3A_743 = arith.constant 2 : i32
        %swap3A_744 = arith.index_cast %scan3A_602 : i32 to index
        %swap3A_745 = arith.index_cast %swap3A_743 : i32 to index
        %swap3A_746 = arith.constant 64 : index
        %swap3A_747 = tpu.vector_load %arg7[%swap3A_744, %swap3A_745, %swap3A_746] {strides = array<i32>} : memref<8x8x128xf32, #tpu.memory_space<vmem>>, vector<16xf32>,
        tpu.vector_store %arg7[%swap3A_744, %swap3A_745, %swap3A_746], %gather3A_707 {strides = array<i32>} : memref<8x8x128xf32, #tpu.memory_space<vmem>>, vector<16xf32>,
        %swap3A_748 = arith.constant 2 : i32
        %swap3A_749 = arith.index_cast %scan3A_602 : i32 to index
        %swap3A_750 = arith.index_cast %swap3A_748 : i32 to index
        %swap3A_751 = arith.constant 80 : index
        %swap3A_752 = tpu.vector_load %arg7[%swap3A_749, %swap3A_750, %swap3A_751] {strides = array<i32>} : memref<8x8x128xf32, #tpu.memory_space<vmem>>, vector<16xf32>,
        tpu.vector_store %arg7[%swap3A_749, %swap3A_750, %swap3A_751], %gather3A_708 {strides = array<i32>} : memref<8x8x128xf32, #tpu.memory_space<vmem>>, vector<16xf32>,
        %swap3A_753 = arith.constant 2 : i32
        %swap3A_754 = arith.index_cast %scan3A_602 : i32 to index
        %swap3A_755 = arith.index_cast %swap3A_753 : i32 to index
        %swap3A_756 = arith.constant 96 : index
        %swap3A_757 = tpu.vector_load %arg7[%swap3A_754, %swap3A_755, %swap3A_756] {strides = array<i32>} : memref<8x8x128xf32, #tpu.memory_space<vmem>>, vector<16xf32>,
        tpu.vector_store %arg7[%swap3A_754, %swap3A_755, %swap3A_756], %gather3A_709 {strides = array<i32>} : memref<8x8x128xf32, #tpu.memory_space<vmem>>, vector<16xf32>,
        %swap3A_758 = arith.constant 2 : i32
        %swap3A_759 = arith.index_cast %scan3A_602 : i32 to index
        %swap3A_760 = arith.index_cast %swap3A_758 : i32 to index
        %swap3A_761 = arith.constant 112 : index
        %swap3A_762 = tpu.vector_load %arg7[%swap3A_759, %swap3A_760, %swap3A_761] {strides = array<i32>} : memref<8x8x128xf32, #tpu.memory_space<vmem>>, vector<16xf32>,
        tpu.vector_store %arg7[%swap3A_759, %swap3A_760, %swap3A_761], %gather3A_710 {strides = array<i32>} : memref<8x8x128xf32, #tpu.memory_space<vmem>>, vector<16xf32>,
        %swap3A_763 = arith.constant 3 : i32
        %swap3A_764 = arith.index_cast %scan3A_602 : i32 to index
        %swap3A_765 = arith.index_cast %swap3A_763 : i32 to index
        %swap3A_766 = arith.constant 0 : index
        %swap3A_767 = tpu.vector_load %arg7[%swap3A_764, %swap3A_765, %swap3A_766] {strides = array<i32>} : memref<8x8x128xf32, #tpu.memory_space<vmem>>, vector<16xf32>,
        tpu.vector_store %arg7[%swap3A_764, %swap3A_765, %swap3A_766], %gather3A_713 {strides = array<i32>} : memref<8x8x128xf32, #tpu.memory_space<vmem>>, vector<16xf32>,
        %swap3A_768 = arith.constant 3 : i32
        %swap3A_769 = arith.index_cast %scan3A_602 : i32 to index
        %swap3A_770 = arith.index_cast %swap3A_768 : i32 to index
        %swap3A_771 = arith.constant 16 : index
        %swap3A_772 = tpu.vector_load %arg7[%swap3A_769, %swap3A_770, %swap3A_771] {strides = array<i32>} : memref<8x8x128xf32, #tpu.memory_space<vmem>>, vector<16xf32>,
        tpu.vector_store %arg7[%swap3A_769, %swap3A_770, %swap3A_771], %gather3A_714 {strides = array<i32>} : memref<8x8x128xf32, #tpu.memory_space<vmem>>, vector<16xf32>,
        %swap3A_773 = arith.constant 3 : i32
        %swap3A_774 = arith.index_cast %scan3A_602 : i32 to index
        %swap3A_775 = arith.index_cast %swap3A_773 : i32 to index
        %swap3A_776 = arith.constant 32 : index
        %swap3A_777 = tpu.vector_load %arg7[%swap3A_774, %swap3A_775, %swap3A_776] {strides = array<i32>} : memref<8x8x128xf32, #tpu.memory_space<vmem>>, vector<16xf32>,
        tpu.vector_store %arg7[%swap3A_774, %swap3A_775, %swap3A_776], %gather3A_715 {strides = array<i32>} : memref<8x8x128xf32, #tpu.memory_space<vmem>>, vector<16xf32>,
        %swap3A_778 = arith.constant 3 : i32
        %swap3A_779 = arith.index_cast %scan3A_602 : i32 to index
        %swap3A_780 = arith.index_cast %swap3A_778 : i32 to index
        %swap3A_781 = arith.constant 48 : index
        %swap3A_782 = tpu.vector_load %arg7[%swap3A_779, %swap3A_780, %swap3A_781] {strides = array<i32>} : memref<8x8x128xf32, #tpu.memory_space<vmem>>, vector<16xf32>,
        tpu.vector_store %arg7[%swap3A_779, %swap3A_780, %swap3A_781], %gather3A_716 {strides = array<i32>} : memref<8x8x128xf32, #tpu.memory_space<vmem>>, vector<16xf32>,
        %swap3A_783 = arith.constant 3 : i32
        %swap3A_784 = arith.index_cast %scan3A_602 : i32 to index
        %swap3A_785 = arith.index_cast %swap3A_783 : i32 to index
        %swap3A_786 = arith.constant 64 : index
        %swap3A_787 = tpu.vector_load %arg7[%swap3A_784, %swap3A_785, %swap3A_786] {strides = array<i32>} : memref<8x8x128xf32, #tpu.memory_space<vmem>>, vector<16xf32>,
        tpu.vector_store %arg7[%swap3A_784, %swap3A_785, %swap3A_786], %gather3A_717 {strides = array<i32>} : memref<8x8x128xf32, #tpu.memory_space<vmem>>, vector<16xf32>,
        %swap3A_788 = arith.constant 3 : i32
        %swap3A_789 = arith.index_cast %scan3A_602 : i32 to index
        %swap3A_790 = arith.index_cast %swap3A_788 : i32 to index
        %swap3A_791 = arith.constant 80 : index
        %swap3A_792 = tpu.vector_load %arg7[%swap3A_789, %swap3A_790, %swap3A_791] {strides = array<i32>} : memref<8x8x128xf32, #tpu.memory_space<vmem>>, vector<16xf32>,
        tpu.vector_store %arg7[%swap3A_789, %swap3A_790, %swap3A_791], %gather3A_718 {strides = array<i32>} : memref<8x8x128xf32, #tpu.memory_space<vmem>>, vector<16xf32>,
        %swap3A_793 = arith.constant 3 : i32
        %swap3A_794 = arith.index_cast %scan3A_602 : i32 to index
        %swap3A_795 = arith.index_cast %swap3A_793 : i32 to index
        %swap3A_796 = arith.constant 96 : index
        %swap3A_797 = tpu.vector_load %arg7[%swap3A_794, %swap3A_795, %swap3A_796] {strides = array<i32>} : memref<8x8x128xf32, #tpu.memory_space<vmem>>, vector<16xf32>,
        tpu.vector_store %arg7[%swap3A_794, %swap3A_795, %swap3A_796], %gather3A_719 {strides = array<i32>} : memref<8x8x128xf32, #tpu.memory_space<vmem>>, vector<16xf32>,
        %swap3A_798 = arith.constant 3 : i32
        %swap3A_799 = arith.index_cast %scan3A_602 : i32 to index
        %swap3A_800 = arith.index_cast %swap3A_798 : i32 to index
        %swap3A_801 = arith.constant 112 : index
        %swap3A_802 = tpu.vector_load %arg7[%swap3A_799, %swap3A_800, %swap3A_801] {strides = array<i32>} : memref<8x8x128xf32, #tpu.memory_space<vmem>>, vector<16xf32>,
        tpu.vector_store %arg7[%swap3A_799, %swap3A_800, %swap3A_801], %gather3A_720 {strides = array<i32>} : memref<8x8x128xf32, #tpu.memory_space<vmem>>, vector<16xf32>,
        %gather3A_803 = tpu.vector_load_idx %arg5[%select_n3A, %select_n3A_47, %add3A_721] : memref<8x8x128xf32, #tpu.memory_space<vmem>>[vector<16xi32>, vector<16xi32>, vector<16xi32>], vector<16xf32>,
        %gather3A_804 = tpu.vector_load_idx %arg5[%select_n3A_81, %select_n3A_103, %add3A_721] : memref<8x8x128xf32, #tpu.memory_space<vmem>>[vector<16xi32>, vector<16xi32>, vector<16xi32>], vector<16xf32>,
        %gather3A_805 = tpu.vector_load_idx %arg5[%select_n3A_137, %select_n3A_159, %add3A_721] : memref<8x8x128xf32, #tpu.memory_space<vmem>>[vector<16xi32>, vector<16xi32>, vector<16xi32>], vector<16xf32>,
        %gather3A_806 = tpu.vector_load_idx %arg5[%select_n3A_193, %select_n3A_215, %add3A_721] : memref<8x8x128xf32, #tpu.memory_space<vmem>>[vector<16xi32>, vector<16xi32>, vector<16xi32>], vector<16xf32>,
        %gather3A_807 = tpu.vector_load_idx %arg5[%select_n3A_249, %select_n3A_271, %add3A_722] : memref<8x8x128xf32, #tpu.memory_space<vmem>>[vector<16xi32>, vector<16xi32>, vector<16xi32>], vector<16xf32>,
        %gather3A_808 = tpu.vector_load_idx %arg5[%select_n3A_305, %select_n3A_327, %add3A_722] : memref<8x8x128xf32, #tpu.memory_space<vmem>>[vector<16xi32>, vector<16xi32>, vector<16xi32>], vector<16xf32>,
        %gather3A_809 = tpu.vector_load_idx %arg5[%select_n3A_361, %select_n3A_383, %add3A_722] : memref<8x8x128xf32, #tpu.memory_space<vmem>>[vector<16xi32>, vector<16xi32>, vector<16xi32>], vector<16xf32>,
        %gather3A_810 = tpu.vector_load_idx %arg5[%select_n3A_417, %select_n3A_439, %add3A_722] : memref<8x8x128xf32, #tpu.memory_space<vmem>>[vector<16xi32>, vector<16xi32>, vector<16xi32>], vector<16xf32>,
        %add3A_811 = arith.addi %add3A_721, %broadcast_in_dim3A_1 : vector<16xi32>
        %add3A_812 = arith.addi %add3A_722, %broadcast_in_dim3A_1 : vector<16xi32>
        %gather3A_813 = tpu.vector_load_idx %arg5[%select_n3A, %select_n3A_47, %add3A_811] : memref<8x8x128xf32, #tpu.memory_space<vmem>>[vector<16xi32>, vector<16xi32>, vector<16xi32>], vector<16xf32>,
        %gather3A_814 = tpu.vector_load_idx %arg5[%select_n3A_81, %select_n3A_103, %add3A_811] : memref<8x8x128xf32, #tpu.memory_space<vmem>>[vector<16xi32>, vector<16xi32>, vector<16xi32>], vector<16xf32>,
        %gather3A_815 = tpu.vector_load_idx %arg5[%select_n3A_137, %select_n3A_159, %add3A_811] : memref<8x8x128xf32, #tpu.memory_space<vmem>>[vector<16xi32>, vector<16xi32>, vector<16xi32>], vector<16xf32>,
        %gather3A_816 = tpu.vector_load_idx %arg5[%select_n3A_193, %select_n3A_215, %add3A_811] : memref<8x8x128xf32, #tpu.memory_space<vmem>>[vector<16xi32>, vector<16xi32>, vector<16xi32>], vector<16xf32>,
        %gather3A_817 = tpu.vector_load_idx %arg5[%select_n3A_249, %select_n3A_271, %add3A_812] : memref<8x8x128xf32, #tpu.memory_space<vmem>>[vector<16xi32>, vector<16xi32>, vector<16xi32>], vector<16xf32>,
        %gather3A_818 = tpu.vector_load_idx %arg5[%select_n3A_305, %select_n3A_327, %add3A_812] : memref<8x8x128xf32, #tpu.memory_space<vmem>>[vector<16xi32>, vector<16xi32>, vector<16xi32>], vector<16xf32>,
        %gather3A_819 = tpu.vector_load_idx %arg5[%select_n3A_361, %select_n3A_383, %add3A_812] : memref<8x8x128xf32, #tpu.memory_space<vmem>>[vector<16xi32>, vector<16xi32>, vector<16xi32>], vector<16xf32>,
        %gather3A_820 = tpu.vector_load_idx %arg5[%select_n3A_417, %select_n3A_439, %add3A_812] : memref<8x8x128xf32, #tpu.memory_space<vmem>>[vector<16xi32>, vector<16xi32>, vector<16xi32>], vector<16xf32>,
        %add3A_821 = arith.addi %add3A_811, %broadcast_in_dim3A_1 : vector<16xi32>
        %add3A_822 = arith.addi %add3A_812, %broadcast_in_dim3A_1 : vector<16xi32>
        %swap3A_823 = arith.constant 4 : i32
        %swap3A_824 = arith.index_cast %scan3A_602 : i32 to index
        %swap3A_825 = arith.index_cast %swap3A_823 : i32 to index
        %swap3A_826 = arith.constant 0 : index
        %swap3A_827 = tpu.vector_load %arg7[%swap3A_824, %swap3A_825, %swap3A_826] {strides = array<i32>} : memref<8x8x128xf32, #tpu.memory_space<vmem>>, vector<16xf32>,
        tpu.vector_store %arg7[%swap3A_824, %swap3A_825, %swap3A_826], %gather3A_803 {strides = array<i32>} : memref<8x8x128xf32, #tpu.memory_space<vmem>>, vector<16xf32>,
        %swap3A_828 = arith.constant 4 : i32
        %swap3A_829 = arith.index_cast %scan3A_602 : i32 to index
        %swap3A_830 = arith.index_cast %swap3A_828 : i32 to index
        %swap3A_831 = arith.constant 16 : index
        %swap3A_832 = tpu.vector_load %arg7[%swap3A_829, %swap3A_830, %swap3A_831] {strides = array<i32>} : memref<8x8x128xf32, #tpu.memory_space<vmem>>, vector<16xf32>,
        tpu.vector_store %arg7[%swap3A_829, %swap3A_830, %swap3A_831], %gather3A_804 {strides = array<i32>} : memref<8x8x128xf32, #tpu.memory_space<vmem>>, vector<16xf32>,
        %swap3A_833 = arith.constant 4 : i32
        %swap3A_834 = arith.index_cast %scan3A_602 : i32 to index
        %swap3A_835 = arith.index_cast %swap3A_833 : i32 to index
        %swap3A_836 = arith.constant 32 : index
        %swap3A_837 = tpu.vector_load %arg7[%swap3A_834, %swap3A_835, %swap3A_836] {strides = array<i32>} : memref<8x8x128xf32, #tpu.memory_space<vmem>>, vector<16xf32>,
        tpu.vector_store %arg7[%swap3A_834, %swap3A_835, %swap3A_836], %gather3A_805 {strides = array<i32>} : memref<8x8x128xf32, #tpu.memory_space<vmem>>, vector<16xf32>,
        %swap3A_838 = arith.constant 4 : i32
        %swap3A_839 = arith.index_cast %scan3A_602 : i32 to index
        %swap3A_840 = arith.index_cast %swap3A_838 : i32 to index
        %swap3A_841 = arith.constant 48 : index
        %swap3A_842 = tpu.vector_load %arg7[%swap3A_839, %swap3A_840, %swap3A_841] {strides = array<i32>} : memref<8x8x128xf32, #tpu.memory_space<vmem>>, vector<16xf32>,
        tpu.vector_store %arg7[%swap3A_839, %swap3A_840, %swap3A_841], %gather3A_806 {strides = array<i32>} : memref<8x8x128xf32, #tpu.memory_space<vmem>>, vector<16xf32>,
        %swap3A_843 = arith.constant 4 : i32
        %swap3A_844 = arith.index_cast %scan3A_602 : i32 to index
        %swap3A_845 = arith.index_cast %swap3A_843 : i32 to index
        %swap3A_846 = arith.constant 64 : index
        %swap3A_847 = tpu.vector_load %arg7[%swap3A_844, %swap3A_845, %swap3A_846] {strides = array<i32>} : memref<8x8x128xf32, #tpu.memory_space<vmem>>, vector<16xf32>,
        tpu.vector_store %arg7[%swap3A_844, %swap3A_845, %swap3A_846], %gather3A_807 {strides = array<i32>} : memref<8x8x128xf32, #tpu.memory_space<vmem>>, vector<16xf32>,
        %swap3A_848 = arith.constant 4 : i32
        %swap3A_849 = arith.index_cast %scan3A_602 : i32 to index
        %swap3A_850 = arith.index_cast %swap3A_848 : i32 to index
        %swap3A_851 = arith.constant 80 : index
        %swap3A_852 = tpu.vector_load %arg7[%swap3A_849, %swap3A_850, %swap3A_851] {strides = array<i32>} : memref<8x8x128xf32, #tpu.memory_space<vmem>>, vector<16xf32>,
        tpu.vector_store %arg7[%swap3A_849, %swap3A_850, %swap3A_851], %gather3A_808 {strides = array<i32>} : memref<8x8x128xf32, #tpu.memory_space<vmem>>, vector<16xf32>,
        %swap3A_853 = arith.constant 4 : i32
        %swap3A_854 = arith.index_cast %scan3A_602 : i32 to index
        %swap3A_855 = arith.index_cast %swap3A_853 : i32 to index
        %swap3A_856 = arith.constant 96 : index
        %swap3A_857 = tpu.vector_load %arg7[%swap3A_854, %swap3A_855, %swap3A_856] {strides = array<i32>} : memref<8x8x128xf32, #tpu.memory_space<vmem>>, vector<16xf32>,
        tpu.vector_store %arg7[%swap3A_854, %swap3A_855, %swap3A_856], %gather3A_809 {strides = array<i32>} : memref<8x8x128xf32, #tpu.memory_space<vmem>>, vector<16xf32>,
        %swap3A_858 = arith.constant 4 : i32
        %swap3A_859 = arith.index_cast %scan3A_602 : i32 to index
        %swap3A_860 = arith.index_cast %swap3A_858 : i32 to index
        %swap3A_861 = arith.constant 112 : index
        %swap3A_862 = tpu.vector_load %arg7[%swap3A_859, %swap3A_860, %swap3A_861] {strides = array<i32>} : memref<8x8x128xf32, #tpu.memory_space<vmem>>, vector<16xf32>,
        tpu.vector_store %arg7[%swap3A_859, %swap3A_860, %swap3A_861], %gather3A_810 {strides = array<i32>} : memref<8x8x128xf32, #tpu.memory_space<vmem>>, vector<16xf32>,
        %swap3A_863 = arith.constant 5 : i32
        %swap3A_864 = arith.index_cast %scan3A_602 : i32 to index
        %swap3A_865 = arith.index_cast %swap3A_863 : i32 to index
        %swap3A_866 = arith.constant 0 : index
        %swap3A_867 = tpu.vector_load %arg7[%swap3A_864, %swap3A_865, %swap3A_866] {strides = array<i32>} : memref<8x8x128xf32, #tpu.memory_space<vmem>>, vector<16xf32>,
        tpu.vector_store %arg7[%swap3A_864, %swap3A_865, %swap3A_866], %gather3A_813 {strides = array<i32>} : memref<8x8x128xf32, #tpu.memory_space<vmem>>, vector<16xf32>,
        %swap3A_868 = arith.constant 5 : i32
        %swap3A_869 = arith.index_cast %scan3A_602 : i32 to index
        %swap3A_870 = arith.index_cast %swap3A_868 : i32 to index
        %swap3A_871 = arith.constant 16 : index
        %swap3A_872 = tpu.vector_load %arg7[%swap3A_869, %swap3A_870, %swap3A_871] {strides = array<i32>} : memref<8x8x128xf32, #tpu.memory_space<vmem>>, vector<16xf32>,
        tpu.vector_store %arg7[%swap3A_869, %swap3A_870, %swap3A_871], %gather3A_814 {strides = array<i32>} : memref<8x8x128xf32, #tpu.memory_space<vmem>>, vector<16xf32>,
        %swap3A_873 = arith.constant 5 : i32
        %swap3A_874 = arith.index_cast %scan3A_602 : i32 to index
        %swap3A_875 = arith.index_cast %swap3A_873 : i32 to index
        %swap3A_876 = arith.constant 32 : index
        %swap3A_877 = tpu.vector_load %arg7[%swap3A_874, %swap3A_875, %swap3A_876] {strides = array<i32>} : memref<8x8x128xf32, #tpu.memory_space<vmem>>, vector<16xf32>,
        tpu.vector_store %arg7[%swap3A_874, %swap3A_875, %swap3A_876], %gather3A_815 {strides = array<i32>} : memref<8x8x128xf32, #tpu.memory_space<vmem>>, vector<16xf32>,
        %swap3A_878 = arith.constant 5 : i32
        %swap3A_879 = arith.index_cast %scan3A_602 : i32 to index
        %swap3A_880 = arith.index_cast %swap3A_878 : i32 to index
        %swap3A_881 = arith.constant 48 : index
        %swap3A_882 = tpu.vector_load %arg7[%swap3A_879, %swap3A_880, %swap3A_881] {strides = array<i32>} : memref<8x8x128xf32, #tpu.memory_space<vmem>>, vector<16xf32>,
        tpu.vector_store %arg7[%swap3A_879, %swap3A_880, %swap3A_881], %gather3A_816 {strides = array<i32>} : memref<8x8x128xf32, #tpu.memory_space<vmem>>, vector<16xf32>,
        %swap3A_883 = arith.constant 5 : i32
        %swap3A_884 = arith.index_cast %scan3A_602 : i32 to index
        %swap3A_885 = arith.index_cast %swap3A_883 : i32 to index
        %swap3A_886 = arith.constant 64 : index
        %swap3A_887 = tpu.vector_load %arg7[%swap3A_884, %swap3A_885, %swap3A_886] {strides = array<i32>} : memref<8x8x128xf32, #tpu.memory_space<vmem>>, vector<16xf32>,
        tpu.vector_store %arg7[%swap3A_884, %swap3A_885, %swap3A_886], %gather3A_817 {strides = array<i32>} : memref<8x8x128xf32, #tpu.memory_space<vmem>>, vector<16xf32>,
        %swap3A_888 = arith.constant 5 : i32
        %swap3A_889 = arith.index_cast %scan3A_602 : i32 to index
        %swap3A_890 = arith.index_cast %swap3A_888 : i32 to index
        %swap3A_891 = arith.constant 80 : index
        %swap3A_892 = tpu.vector_load %arg7[%swap3A_889, %swap3A_890, %swap3A_891] {strides = array<i32>} : memref<8x8x128xf32, #tpu.memory_space<vmem>>, vector<16xf32>,
        tpu.vector_store %arg7[%swap3A_889, %swap3A_890, %swap3A_891], %gather3A_818 {strides = array<i32>} : memref<8x8x128xf32, #tpu.memory_space<vmem>>, vector<16xf32>,
        %swap3A_893 = arith.constant 5 : i32
        %swap3A_894 = arith.index_cast %scan3A_602 : i32 to index
        %swap3A_895 = arith.index_cast %swap3A_893 : i32 to index
        %swap3A_896 = arith.constant 96 : index
        %swap3A_897 = tpu.vector_load %arg7[%swap3A_894, %swap3A_895, %swap3A_896] {strides = array<i32>} : memref<8x8x128xf32, #tpu.memory_space<vmem>>, vector<16xf32>,
        tpu.vector_store %arg7[%swap3A_894, %swap3A_895, %swap3A_896], %gather3A_819 {strides = array<i32>} : memref<8x8x128xf32, #tpu.memory_space<vmem>>, vector<16xf32>,
        %swap3A_898 = arith.constant 5 : i32
        %swap3A_899 = arith.index_cast %scan3A_602 : i32 to index
        %swap3A_900 = arith.index_cast %swap3A_898 : i32 to index
        %swap3A_901 = arith.constant 112 : index
        %swap3A_902 = tpu.vector_load %arg7[%swap3A_899, %swap3A_900, %swap3A_901] {strides = array<i32>} : memref<8x8x128xf32, #tpu.memory_space<vmem>>, vector<16xf32>,
        tpu.vector_store %arg7[%swap3A_899, %swap3A_900, %swap3A_901], %gather3A_820 {strides = array<i32>} : memref<8x8x128xf32, #tpu.memory_space<vmem>>, vector<16xf32>,
        %gather3A_903 = tpu.vector_load_idx %arg5[%select_n3A, %select_n3A_47, %add3A_821] : memref<8x8x128xf32, #tpu.memory_space<vmem>>[vector<16xi32>, vector<16xi32>, vector<16xi32>], vector<16xf32>,
        %gather3A_904 = tpu.vector_load_idx %arg5[%select_n3A_81, %select_n3A_103, %add3A_821] : memref<8x8x128xf32, #tpu.memory_space<vmem>>[vector<16xi32>, vector<16xi32>, vector<16xi32>], vector<16xf32>,
        %gather3A_905 = tpu.vector_load_idx %arg5[%select_n3A_137, %select_n3A_159, %add3A_821] : memref<8x8x128xf32, #tpu.memory_space<vmem>>[vector<16xi32>, vector<16xi32>, vector<16xi32>], vector<16xf32>,
        %gather3A_906 = tpu.vector_load_idx %arg5[%select_n3A_193, %select_n3A_215, %add3A_821] : memref<8x8x128xf32, #tpu.memory_space<vmem>>[vector<16xi32>, vector<16xi32>, vector<16xi32>], vector<16xf32>,
        %gather3A_907 = tpu.vector_load_idx %arg5[%select_n3A_249, %select_n3A_271, %add3A_822] : memref<8x8x128xf32, #tpu.memory_space<vmem>>[vector<16xi32>, vector<16xi32>, vector<16xi32>], vector<16xf32>,
        %gather3A_908 = tpu.vector_load_idx %arg5[%select_n3A_305, %select_n3A_327, %add3A_822] : memref<8x8x128xf32, #tpu.memory_space<vmem>>[vector<16xi32>, vector<16xi32>, vector<16xi32>], vector<16xf32>,
        %gather3A_909 = tpu.vector_load_idx %arg5[%select_n3A_361, %select_n3A_383, %add3A_822] : memref<8x8x128xf32, #tpu.memory_space<vmem>>[vector<16xi32>, vector<16xi32>, vector<16xi32>], vector<16xf32>,
        %gather3A_910 = tpu.vector_load_idx %arg5[%select_n3A_417, %select_n3A_439, %add3A_822] : memref<8x8x128xf32, #tpu.memory_space<vmem>>[vector<16xi32>, vector<16xi32>, vector<16xi32>], vector<16xf32>,
        %add3A_911 = arith.addi %add3A_821, %broadcast_in_dim3A_1 : vector<16xi32>
        %add3A_912 = arith.addi %add3A_822, %broadcast_in_dim3A_1 : vector<16xi32>
        %gather3A_913 = tpu.vector_load_idx %arg5[%select_n3A, %select_n3A_47, %add3A_911] : memref<8x8x128xf32, #tpu.memory_space<vmem>>[vector<16xi32>, vector<16xi32>, vector<16xi32>], vector<16xf32>,
        %gather3A_914 = tpu.vector_load_idx %arg5[%select_n3A_81, %select_n3A_103, %add3A_911] : memref<8x8x128xf32, #tpu.memory_space<vmem>>[vector<16xi32>, vector<16xi32>, vector<16xi32>], vector<16xf32>,
        %gather3A_915 = tpu.vector_load_idx %arg5[%select_n3A_137, %select_n3A_159, %add3A_911] : memref<8x8x128xf32, #tpu.memory_space<vmem>>[vector<16xi32>, vector<16xi32>, vector<16xi32>], vector<16xf32>,
        %gather3A_916 = tpu.vector_load_idx %arg5[%select_n3A_193, %select_n3A_215, %add3A_911] : memref<8x8x128xf32, #tpu.memory_space<vmem>>[vector<16xi32>, vector<16xi32>, vector<16xi32>], vector<16xf32>,
        %gather3A_917 = tpu.vector_load_idx %arg5[%select_n3A_249, %select_n3A_271, %add3A_912] : memref<8x8x128xf32, #tpu.memory_space<vmem>>[vector<16xi32>, vector<16xi32>, vector<16xi32>], vector<16xf32>,
        %gather3A_918 = tpu.vector_load_idx %arg5[%select_n3A_305, %select_n3A_327, %add3A_912] : memref<8x8x128xf32, #tpu.memory_space<vmem>>[vector<16xi32>, vector<16xi32>, vector<16xi32>], vector<16xf32>,
        %gather3A_919 = tpu.vector_load_idx %arg5[%select_n3A_361, %select_n3A_383, %add3A_912] : memref<8x8x128xf32, #tpu.memory_space<vmem>>[vector<16xi32>, vector<16xi32>, vector<16xi32>], vector<16xf32>,
        %gather3A_920 = tpu.vector_load_idx %arg5[%select_n3A_417, %select_n3A_439, %add3A_912] : memref<8x8x128xf32, #tpu.memory_space<vmem>>[vector<16xi32>, vector<16xi32>, vector<16xi32>], vector<16xf32>,
        %add3A_921 = arith.addi %add3A_911, %broadcast_in_dim3A_1 : vector<16xi32>
        %add3A_922 = arith.addi %add3A_912, %broadcast_in_dim3A_1 : vector<16xi32>
        %swap3A_923 = arith.constant 6 : i32
        %swap3A_924 = arith.index_cast %scan3A_602 : i32 to index
        %swap3A_925 = arith.index_cast %swap3A_923 : i32 to index
        %swap3A_926 = arith.constant 0 : index
        %swap3A_927 = tpu.vector_load %arg7[%swap3A_924, %swap3A_925, %swap3A_926] {strides = array<i32>} : memref<8x8x128xf32, #tpu.memory_space<vmem>>, vector<16xf32>,
        tpu.vector_store %arg7[%swap3A_924, %swap3A_925, %swap3A_926], %gather3A_903 {strides = array<i32>} : memref<8x8x128xf32, #tpu.memory_space<vmem>>, vector<16xf32>,
        %swap3A_928 = arith.constant 6 : i32
        %swap3A_929 = arith.index_cast %scan3A_602 : i32 to index
        %swap3A_930 = arith.index_cast %swap3A_928 : i32 to index
        %swap3A_931 = arith.constant 16 : index
        %swap3A_932 = tpu.vector_load %arg7[%swap3A_929, %swap3A_930, %swap3A_931] {strides = array<i32>} : memref<8x8x128xf32, #tpu.memory_space<vmem>>, vector<16xf32>,
        tpu.vector_store %arg7[%swap3A_929, %swap3A_930, %swap3A_931], %gather3A_904 {strides = array<i32>} : memref<8x8x128xf32, #tpu.memory_space<vmem>>, vector<16xf32>,
        %swap3A_933 = arith.constant 6 : i32
        %swap3A_934 = arith.index_cast %scan3A_602 : i32 to index
        %swap3A_935 = arith.index_cast %swap3A_933 : i32 to index
        %swap3A_936 = arith.constant 32 : index
        %swap3A_937 = tpu.vector_load %arg7[%swap3A_934, %swap3A_935, %swap3A_936] {strides = array<i32>} : memref<8x8x128xf32, #tpu.memory_space<vmem>>, vector<16xf32>,
        tpu.vector_store %arg7[%swap3A_934, %swap3A_935, %swap3A_936], %gather3A_905 {strides = array<i32>} : memref<8x8x128xf32, #tpu.memory_space<vmem>>, vector<16xf32>,
        %swap3A_938 = arith.constant 6 : i32
        %swap3A_939 = arith.index_cast %scan3A_602 : i32 to index
        %swap3A_940 = arith.index_cast %swap3A_938 : i32 to index
        %swap3A_941 = arith.constant 48 : index
        %swap3A_942 = tpu.vector_load %arg7[%swap3A_939, %swap3A_940, %swap3A_941] {strides = array<i32>} : memref<8x8x128xf32, #tpu.memory_space<vmem>>, vector<16xf32>,
        tpu.vector_store %arg7[%swap3A_939, %swap3A_940, %swap3A_941], %gather3A_906 {strides = array<i32>} : memref<8x8x128xf32, #tpu.memory_space<vmem>>, vector<16xf32>,
        %swap3A_943 = arith.constant 6 : i32
        %swap3A_944 = arith.index_cast %scan3A_602 : i32 to index
        %swap3A_945 = arith.index_cast %swap3A_943 : i32 to index
        %swap3A_946 = arith.constant 64 : index
        %swap3A_947 = tpu.vector_load %arg7[%swap3A_944, %swap3A_945, %swap3A_946] {strides = array<i32>} : memref<8x8x128xf32, #tpu.memory_space<vmem>>, vector<16xf32>,
        tpu.vector_store %arg7[%swap3A_944, %swap3A_945, %swap3A_946], %gather3A_907 {strides = array<i32>} : memref<8x8x128xf32, #tpu.memory_space<vmem>>, vector<16xf32>,
        %swap3A_948 = arith.constant 6 : i32
        %swap3A_949 = arith.index_cast %scan3A_602 : i32 to index
        %swap3A_950 = arith.index_cast %swap3A_948 : i32 to index
        %swap3A_951 = arith.constant 80 : index
        %swap3A_952 = tpu.vector_load %arg7[%swap3A_949, %swap3A_950, %swap3A_951] {strides = array<i32>} : memref<8x8x128xf32, #tpu.memory_space<vmem>>, vector<16xf32>,
        tpu.vector_store %arg7[%swap3A_949, %swap3A_950, %swap3A_951], %gather3A_908 {strides = array<i32>} : memref<8x8x128xf32, #tpu.memory_space<vmem>>, vector<16xf32>,
        %swap3A_953 = arith.constant 6 : i32
        %swap3A_954 = arith.index_cast %scan3A_602 : i32 to index
        %swap3A_955 = arith.index_cast %swap3A_953 : i32 to index
        %swap3A_956 = arith.constant 96 : index
        %swap3A_957 = tpu.vector_load %arg7[%swap3A_954, %swap3A_955, %swap3A_956] {strides = array<i32>} : memref<8x8x128xf32, #tpu.memory_space<vmem>>, vector<16xf32>,
        tpu.vector_store %arg7[%swap3A_954, %swap3A_955, %swap3A_956], %gather3A_909 {strides = array<i32>} : memref<8x8x128xf32, #tpu.memory_space<vmem>>, vector<16xf32>,
        %swap3A_958 = arith.constant 6 : i32
        %swap3A_959 = arith.index_cast %scan3A_602 : i32 to index
        %swap3A_960 = arith.index_cast %swap3A_958 : i32 to index
        %swap3A_961 = arith.constant 112 : index
        %swap3A_962 = tpu.vector_load %arg7[%swap3A_959, %swap3A_960, %swap3A_961] {strides = array<i32>} : memref<8x8x128xf32, #tpu.memory_space<vmem>>, vector<16xf32>,
        tpu.vector_store %arg7[%swap3A_959, %swap3A_960, %swap3A_961], %gather3A_910 {strides = array<i32>} : memref<8x8x128xf32, #tpu.memory_space<vmem>>, vector<16xf32>,
        %swap3A_963 = arith.constant 7 : i32
        %swap3A_964 = arith.index_cast %scan3A_602 : i32 to index
        %swap3A_965 = arith.index_cast %swap3A_963 : i32 to index
        %swap3A_966 = arith.constant 0 : index
        %swap3A_967 = tpu.vector_load %arg7[%swap3A_964, %swap3A_965, %swap3A_966] {strides = array<i32>} : memref<8x8x128xf32, #tpu.memory_space<vmem>>, vector<16xf32>,
        tpu.vector_store %arg7[%swap3A_964, %swap3A_965, %swap3A_966], %gather3A_913 {strides = array<i32>} : memref<8x8x128xf32, #tpu.memory_space<vmem>>, vector<16xf32>,
        %swap3A_968 = arith.constant 7 : i32
        %swap3A_969 = arith.index_cast %scan3A_602 : i32 to index
        %swap3A_970 = arith.index_cast %swap3A_968 : i32 to index
        %swap3A_971 = arith.constant 16 : index
        %swap3A_972 = tpu.vector_load %arg7[%swap3A_969, %swap3A_970, %swap3A_971] {strides = array<i32>} : memref<8x8x128xf32, #tpu.memory_space<vmem>>, vector<16xf32>,
        tpu.vector_store %arg7[%swap3A_969, %swap3A_970, %swap3A_971], %gather3A_914 {strides = array<i32>} : memref<8x8x128xf32, #tpu.memory_space<vmem>>, vector<16xf32>,
        %swap3A_973 = arith.constant 7 : i32
        %swap3A_974 = arith.index_cast %scan3A_602 : i32 to index
        %swap3A_975 = arith.index_cast %swap3A_973 : i32 to index
        %swap3A_976 = arith.constant 32 : index
        %swap3A_977 = tpu.vector_load %arg7[%swap3A_974, %swap3A_975, %swap3A_976] {strides = array<i32>} : memref<8x8x128xf32, #tpu.memory_space<vmem>>, vector<16xf32>,
        tpu.vector_store %arg7[%swap3A_974, %swap3A_975, %swap3A_976], %gather3A_915 {strides = array<i32>} : memref<8x8x128xf32, #tpu.memory_space<vmem>>, vector<16xf32>,
        %swap3A_978 = arith.constant 7 : i32
        %swap3A_979 = arith.index_cast %scan3A_602 : i32 to index
        %swap3A_980 = arith.index_cast %swap3A_978 : i32 to index
        %swap3A_981 = arith.constant 48 : index
        %swap3A_982 = tpu.vector_load %arg7[%swap3A_979, %swap3A_980, %swap3A_981] {strides = array<i32>} : memref<8x8x128xf32, #tpu.memory_space<vmem>>, vector<16xf32>,
        tpu.vector_store %arg7[%swap3A_979, %swap3A_980, %swap3A_981], %gather3A_916 {strides = array<i32>} : memref<8x8x128xf32, #tpu.memory_space<vmem>>, vector<16xf32>,
        %swap3A_983 = arith.constant 7 : i32
        %swap3A_984 = arith.index_cast %scan3A_602 : i32 to index
        %swap3A_985 = arith.index_cast %swap3A_983 : i32 to index
        %swap3A_986 = arith.constant 64 : index
        %swap3A_987 = tpu.vector_load %arg7[%swap3A_984, %swap3A_985, %swap3A_986] {strides = array<i32>} : memref<8x8x128xf32, #tpu.memory_space<vmem>>, vector<16xf32>,
        tpu.vector_store %arg7[%swap3A_984, %swap3A_985, %swap3A_986], %gather3A_917 {strides = array<i32>} : memref<8x8x128xf32, #tpu.memory_space<vmem>>, vector<16xf32>,
        %swap3A_988 = arith.constant 7 : i32
        %swap3A_989 = arith.index_cast %scan3A_602 : i32 to index
        %swap3A_990 = arith.index_cast %swap3A_988 : i32 to index
        %swap3A_991 = arith.constant 80 : index
        %swap3A_992 = tpu.vector_load %arg7[%swap3A_989, %swap3A_990, %swap3A_991] {strides = array<i32>} : memref<8x8x128xf32, #tpu.memory_space<vmem>>, vector<16xf32>,
        tpu.vector_store %arg7[%swap3A_989, %swap3A_990, %swap3A_991], %gather3A_918 {strides = array<i32>} : memref<8x8x128xf32, #tpu.memory_space<vmem>>, vector<16xf32>,
        %swap3A_993 = arith.constant 7 : i32
        %swap3A_994 = arith.index_cast %scan3A_602 : i32 to index
        %swap3A_995 = arith.index_cast %swap3A_993 : i32 to index
        %swap3A_996 = arith.constant 96 : index
        %swap3A_997 = tpu.vector_load %arg7[%swap3A_994, %swap3A_995, %swap3A_996] {strides = array<i32>} : memref<8x8x128xf32, #tpu.memory_space<vmem>>, vector<16xf32>,
        tpu.vector_store %arg7[%swap3A_994, %swap3A_995, %swap3A_996], %gather3A_919 {strides = array<i32>} : memref<8x8x128xf32, #tpu.memory_space<vmem>>, vector<16xf32>,
        %swap3A_998 = arith.constant 7 : i32
        %swap3A_999 = arith.index_cast %scan3A_602 : i32 to index
        %swap3A_1000 = arith.index_cast %swap3A_998 : i32 to index
        %swap3A_1001 = arith.constant 112 : index
        %swap3A_1002 = tpu.vector_load %arg7[%swap3A_999, %swap3A_1000, %swap3A_1001] {strides = array<i32>} : memref<8x8x128xf32, #tpu.memory_space<vmem>>, vector<16xf32>,
        tpu.vector_store %arg7[%swap3A_999, %swap3A_1000, %swap3A_1001], %gather3A_920 {strides = array<i32>} : memref<8x8x128xf32, #tpu.memory_space<vmem>>, vector<16xf32>,
        scf.yield %add3A_921, %add3A_922 : vector<16xi32>, vector<16xi32>
      }
      %scan3A_599 = arith.constant 8 : i32
      %mul3A_600 = arith.constant 8 : i32
      %mul3A_601 = arith.muli %add3A_582, %mul3A_600 : i32
      "tpu.region"() ({
        %run_scoped3A = tpu.sem_alloc : memref<!tpu.dma_semaphore, #tpu.memory_space<semaphore_mem>>
        %dma_start3A_602 = arith.constant 0 : i32
        %dma_start3A_603 = arith.constant 0 : i32
        %dma_start3A_604 = tpu.memref_slice %arg4[%mul3A_601, %dma_start3A_602, %dma_start3A_603] : memref<62500x8x128xf32, #tpu.memory_space<hbm>> -> memref<8x8x128xf32, #tpu.memory_space<hbm>>
        %dma_start3A_605 = arith.constant 0 : i32
        %dma_start3A_606 = arith.constant 0 : i32
        %dma_start3A_607 = tpu.memref_slice %arg4[%mul3A_601, %dma_start3A_605, %dma_start3A_606] : memref<62500x8x128xf32, #tpu.memory_space<hbm>> -> memref<8x8x128xf32, #tpu.memory_space<hbm>>
        tpu.enqueue_dma source(%arg7 : memref<8x8x128xf32, #tpu.memory_space<vmem>>) target(%dma_start3A_607 : memref<8x8x128xf32, #tpu.memory_space<hbm>>) target_semaphore(%run_scoped3A : memref<!tpu.dma_semaphore, #tpu.memory_space<semaphore_mem>>)
        %dma_wait3A_608 = arith.constant 0 : i32
        %dma_wait3A_609 = arith.constant 0 : i32
        %dma_wait3A_610 = tpu.memref_slice %arg4[%mul3A_601, %dma_wait3A_608, %dma_wait3A_609] : memref<62500x8x128xf32, #tpu.memory_space<hbm>> -> memref<8x8x128xf32, #tpu.memory_space<hbm>>
        %dma_wait3A_611 = arith.constant 0 : i32
        %dma_wait3A_612 = arith.constant 0 : i32
        %dma_wait3A_613 = tpu.memref_slice %arg4[%mul3A_601, %dma_wait3A_611, %dma_wait3A_612] : memref<62500x8x128xf32, #tpu.memory_space<hbm>> -> memref<8x8x128xf32, #tpu.memory_space<hbm>>
        tpu.wait_dma2 semaphore(%run_scoped3A : memref<!tpu.dma_semaphore, #tpu.memory_space<semaphore_mem>>) src(%arg7 : memref<8x8x128xf32, #tpu.memory_space<vmem>>) dst(%dma_wait3A_613 : memref<8x8x128xf32, #tpu.memory_space<hbm>>)
        tpu.yield
      }) : () -> ()
    } else {
    }
    %eq3A_576 = arith.constant 4 : i32
    %eq3A_577 = arith.cmpi eq, %add3A, %eq3A_576 : i32
    %convert_element_type3A_578 = arith.extui %eq3A_577 : i1 to i32
    %cond3A_579 = arith.constant 0 : i32
    %cond3A_580 = arith.cmpi ne, %convert_element_type3A_578, %cond3A_579 : i32
    scf.if %cond3A_580 {
      "tpu.region"() ({
        %run_scoped3A = tpu.sem_alloc : memref<!tpu.dma_semaphore, #tpu.memory_space<semaphore_mem>>
        %dma_start3A_581 = arith.constant 0 : i32
        %dma_start3A_582 = arith.constant 0 : i32
        %dma_start3A_583 = arith.constant 0 : i32
        %dma_start3A_584 = tpu.memref_slice %arg5[%dma_start3A_581, %dma_start3A_582, %dma_start3A_583] : memref<8x8x128xf32, #tpu.memory_space<vmem>> -> memref<4x8x128xf32, #tpu.memory_space<vmem>>
        %dma_start3A_585 = arith.constant 0 : i32
        %dma_start3A_586 = arith.constant 0 : i32
        %dma_start3A_587 = arith.constant 0 : i32
        %dma_start3A_588 = tpu.memref_slice %arg5[%dma_start3A_585, %dma_start3A_586, %dma_start3A_587] : memref<8x8x128xf32, #tpu.memory_space<vmem>> -> memref<4x8x128xf32, #tpu.memory_space<vmem>>
        tpu.enqueue_dma source(%arg3 : memref<4x8x128xf32, #tpu.memory_space<hbm>>) target(%dma_start3A_588 : memref<4x8x128xf32, #tpu.memory_space<vmem>>) target_semaphore(%run_scoped3A : memref<!tpu.dma_semaphore, #tpu.memory_space<semaphore_mem>>)
        %dma_wait3A_589 = arith.constant 0 : i32
        %dma_wait3A_590 = arith.constant 0 : i32
        %dma_wait3A_591 = arith.constant 0 : i32
        %dma_wait3A_592 = tpu.memref_slice %arg5[%dma_wait3A_589, %dma_wait3A_590, %dma_wait3A_591] : memref<8x8x128xf32, #tpu.memory_space<vmem>> -> memref<4x8x128xf32, #tpu.memory_space<vmem>>
        %dma_wait3A_593 = arith.constant 0 : i32
        %dma_wait3A_594 = arith.constant 0 : i32
        %dma_wait3A_595 = arith.constant 0 : i32
        %dma_wait3A_596 = tpu.memref_slice %arg5[%dma_wait3A_593, %dma_wait3A_594, %dma_wait3A_595] : memref<8x8x128xf32, #tpu.memory_space<vmem>> -> memref<4x8x128xf32, #tpu.memory_space<vmem>>
        tpu.wait_dma2 semaphore(%run_scoped3A : memref<!tpu.dma_semaphore, #tpu.memory_space<semaphore_mem>>) src(%arg3 : memref<4x8x128xf32, #tpu.memory_space<hbm>>) dst(%dma_wait3A_596 : memref<4x8x128xf32, #tpu.memory_space<vmem>>)
        tpu.yield
      }) : () -> ()
      "tpu.region"() ({
        %run_scoped3A = tpu.sem_alloc : memref<!tpu.dma_semaphore, #tpu.memory_space<semaphore_mem>>
        %dma_start3A_581 = arith.constant 0 : i32
        %dma_start3A_582 = arith.constant 0 : i32
        %dma_start3A_583 = arith.constant 0 : i32
        %dma_start3A_584 = tpu.memref_slice %arg5[%dma_start3A_581, %dma_start3A_582, %dma_start3A_583] : memref<8x8x128xf32, #tpu.memory_space<vmem>> -> memref<4x8x128xf32, #tpu.memory_space<vmem>>
        %dma_start3A_585 = arith.constant 62496 : i32
        %dma_start3A_586 = arith.constant 0 : i32
        %dma_start3A_587 = arith.constant 0 : i32
        %dma_start3A_588 = tpu.memref_slice %arg4[%dma_start3A_585, %dma_start3A_586, %dma_start3A_587] : memref<62500x8x128xf32, #tpu.memory_space<hbm>> -> memref<4x8x128xf32, #tpu.memory_space<hbm>>
        %dma_start3A_589 = arith.constant 62496 : i32
        %dma_start3A_590 = arith.constant 0 : i32
        %dma_start3A_591 = arith.constant 0 : i32
        %dma_start3A_592 = tpu.memref_slice %arg4[%dma_start3A_589, %dma_start3A_590, %dma_start3A_591] : memref<62500x8x128xf32, #tpu.memory_space<hbm>> -> memref<4x8x128xf32, #tpu.memory_space<hbm>>
        %dma_start3A_593 = arith.constant 0 : i32
        %dma_start3A_594 = arith.constant 0 : i32
        %dma_start3A_595 = arith.constant 0 : i32
        %dma_start3A_596 = tpu.memref_slice %arg5[%dma_start3A_593, %dma_start3A_594, %dma_start3A_595] : memref<8x8x128xf32, #tpu.memory_space<vmem>> -> memref<4x8x128xf32, #tpu.memory_space<vmem>>
        tpu.enqueue_dma source(%dma_start3A_596 : memref<4x8x128xf32, #tpu.memory_space<vmem>>) target(%dma_start3A_592 : memref<4x8x128xf32, #tpu.memory_space<hbm>>) target_semaphore(%run_scoped3A : memref<!tpu.dma_semaphore, #tpu.memory_space<semaphore_mem>>)
        %dma_wait3A_597 = arith.constant 0 : i32
        %dma_wait3A_598 = arith.constant 0 : i32
        %dma_wait3A_599 = arith.constant 0 : i32
        %dma_wait3A_600 = tpu.memref_slice %arg5[%dma_wait3A_597, %dma_wait3A_598, %dma_wait3A_599] : memref<8x8x128xf32, #tpu.memory_space<vmem>> -> memref<4x8x128xf32, #tpu.memory_space<vmem>>
        %dma_wait3A_601 = arith.constant 62496 : i32
        %dma_wait3A_602 = arith.constant 0 : i32
        %dma_wait3A_603 = arith.constant 0 : i32
        %dma_wait3A_604 = tpu.memref_slice %arg4[%dma_wait3A_601, %dma_wait3A_602, %dma_wait3A_603] : memref<62500x8x128xf32, #tpu.memory_space<hbm>> -> memref<4x8x128xf32, #tpu.memory_space<hbm>>
        %dma_wait3A_605 = arith.constant 62496 : i32
        %dma_wait3A_606 = arith.constant 0 : i32
        %dma_wait3A_607 = arith.constant 0 : i32
        %dma_wait3A_608 = tpu.memref_slice %arg4[%dma_wait3A_605, %dma_wait3A_606, %dma_wait3A_607] : memref<62500x8x128xf32, #tpu.memory_space<hbm>> -> memref<4x8x128xf32, #tpu.memory_space<hbm>>
        %dma_wait3A_609 = arith.constant 0 : i32
        %dma_wait3A_610 = arith.constant 0 : i32
        %dma_wait3A_611 = arith.constant 0 : i32
        %dma_wait3A_612 = tpu.memref_slice %arg5[%dma_wait3A_609, %dma_wait3A_610, %dma_wait3A_611] : memref<8x8x128xf32, #tpu.memory_space<vmem>> -> memref<4x8x128xf32, #tpu.memory_space<vmem>>
        tpu.wait_dma2 semaphore(%run_scoped3A : memref<!tpu.dma_semaphore, #tpu.memory_space<semaphore_mem>>) src(%dma_wait3A_612 : memref<4x8x128xf32, #tpu.memory_space<vmem>>) dst(%dma_wait3A_608 : memref<4x8x128xf32, #tpu.memory_space<hbm>>)
        tpu.yield
      }) : () -> ()
    } else {
    }
    return
  }
}

#map = affine_map<(d0, d1) -> (0, 0)>
module attributes {stable_mosaic.version = 14 : i64} {
  func.func @_sc_gather(%arg0: i32, %arg1: i32, %arg2: memref<4096x200xi32, #tpu.memory_space<hbm>>, %arg3: memref<1000000x64xf32, #tpu.memory_space<hbm>>, %arg4: memref<819200x128xf32, #tpu.memory_space<hbm>>, %arg5: memref<128x200xi32, #tpu.memory_space<vmem>>, %arg6: memref<800x64xf32, #tpu.memory_space<vmem>>, %arg7: memref<800x64xf32, #tpu.memory_space<vmem>>, %arg8: memref<!tpu.dma_semaphore, #tpu.memory_space<semaphore_mem>>, %arg9: memref<!tpu.dma_semaphore, #tpu.memory_space<semaphore_mem>>, %arg10: memref<!tpu.dma_semaphore, #tpu.memory_space<semaphore_mem>>, %arg11: memref<!tpu.dma_semaphore, #tpu.memory_space<semaphore_mem>>) attributes {dimension_semantics = [#tpu.dimension_semantics<core_parallel>, #tpu.dimension_semantics<subcore_parallel>], iteration_bounds = array<i64: 2, 16>, scalar_prefetch = 0 : i64, scratch_operands = 7 : i64, tpu.core_type = #tpu.core_type<sc_vector_subcore>, window_params = [{transform_indices = #map}, {transform_indices = #map}, {transform_indices = #map}]} {
    %mul3A = arith.constant 2 : i32
    %mul3A_0 = arith.muli %arg1, %mul3A : i32
    %add3A = arith.addi %mul3A_0, %arg0 : i32
    %mul3A_1 = arith.constant 25600 : i32
    %mul3A_2 = arith.muli %add3A, %mul3A_1 : i32
    %mul3A_3 = arith.constant 128 : i32
    %mul3A_4 = arith.muli %add3A, %mul3A_3 : i32
    "tpu.region"() ({
      %run_scoped3A = tpu.sem_alloc : memref<!tpu.dma_semaphore, #tpu.memory_space<semaphore_mem>>
      %dma_start3A_100 = arith.constant 0 : i32
      %dma_start3A_101 = tpu.memref_slice %arg2[%mul3A_4, %dma_start3A_100] : memref<4096x200xi32, #tpu.memory_space<hbm>> -> memref<128x200xi32, #tpu.memory_space<hbm>>
      %dma_start3A_102 = arith.constant 0 : i32
      %dma_start3A_103 = tpu.memref_slice %arg2[%mul3A_4, %dma_start3A_102] : memref<4096x200xi32, #tpu.memory_space<hbm>> -> memref<128x200xi32, #tpu.memory_space<hbm>>
      tpu.enqueue_dma source(%dma_start3A_103 : memref<128x200xi32, #tpu.memory_space<hbm>>) target(%arg5 : memref<128x200xi32, #tpu.memory_space<vmem>>) target_semaphore(%run_scoped3A : memref<!tpu.dma_semaphore, #tpu.memory_space<semaphore_mem>>)
      %dma_wait3A_104 = arith.constant 0 : i32
      %dma_wait3A_105 = tpu.memref_slice %arg2[%mul3A_4, %dma_wait3A_104] : memref<4096x200xi32, #tpu.memory_space<hbm>> -> memref<128x200xi32, #tpu.memory_space<hbm>>
      %dma_wait3A_106 = arith.constant 0 : i32
      %dma_wait3A_107 = tpu.memref_slice %arg2[%mul3A_4, %dma_wait3A_106] : memref<4096x200xi32, #tpu.memory_space<hbm>> -> memref<128x200xi32, #tpu.memory_space<hbm>>
      tpu.wait_dma2 semaphore(%run_scoped3A : memref<!tpu.dma_semaphore, #tpu.memory_space<semaphore_mem>>) src(%dma_wait3A_107 : memref<128x200xi32, #tpu.memory_space<hbm>>) dst(%arg5 : memref<128x200xi32, #tpu.memory_space<vmem>>)
      tpu.yield
    }) : () -> ()
    %dma_start3A = arith.constant 0 : i32
    %dma_start3A_5 = arith.constant 0 : i32
    %dma_start3A_6 = arith.constant 0 : i32
    %dma_start3A_7 = tpu.memref_slice %arg6[%dma_start3A_5, %dma_start3A_6] : memref<800x64xf32, #tpu.memory_space<vmem>> -> memref<200x64xf32, #tpu.memory_space<vmem>>
    %dma_start3A_8 = arith.constant 0 : i32
    %dma_start3A_9 = tpu.memref_slice %arg5[%dma_start3A, %dma_start3A_8] : memref<128x200xi32, #tpu.memory_space<vmem>> -> memref<1x200xi32, #tpu.memory_space<vmem>>
    %dma_start3A_10 = tpu.memref_squeeze %dma_start3A_9 : memref<1x200xi32, #tpu.memory_space<vmem>> -> memref<200xi32, #tpu.memory_space<vmem>>
    %dma_start3A_11 = arith.constant 0 : i32
    %dma_start3A_12 = arith.constant 0 : i32
    %dma_start3A_13 = tpu.memref_slice %arg3[%dma_start3A_11, %dma_start3A_12] : memref<1000000x64xf32, #tpu.memory_space<hbm>> -> memref<1000000x64xf32, #tpu.memory_space<hbm>>
    tpu.enqueue_indirect_dma source(%dma_start3A_13 : memref<1000000x64xf32, #tpu.memory_space<hbm>>) target(%dma_start3A_7 : memref<200x64xf32, #tpu.memory_space<vmem>>) offsets(%dma_start3A_10 : memref<200xi32, #tpu.memory_space<vmem>>) semaphore(%arg8 : memref<!tpu.dma_semaphore, #tpu.memory_space<semaphore_mem>>)
    %dma_start3A_14 = arith.constant 1 : i32
    %dma_start3A_15 = arith.constant 200 : i32
    %dma_start3A_16 = arith.constant 0 : i32
    %dma_start3A_17 = tpu.memref_slice %arg6[%dma_start3A_15, %dma_start3A_16] : memref<800x64xf32, #tpu.memory_space<vmem>> -> memref<200x64xf32, #tpu.memory_space<vmem>>
    %dma_start3A_18 = arith.constant 0 : i32
    %dma_start3A_19 = tpu.memref_slice %arg5[%dma_start3A_14, %dma_start3A_18] : memref<128x200xi32, #tpu.memory_space<vmem>> -> memref<1x200xi32, #tpu.memory_space<vmem>>
    %dma_start3A_20 = tpu.memref_squeeze %dma_start3A_19 : memref<1x200xi32, #tpu.memory_space<vmem>> -> memref<200xi32, #tpu.memory_space<vmem>>
    %dma_start3A_21 = arith.constant 0 : i32
    %dma_start3A_22 = arith.constant 0 : i32
    %dma_start3A_23 = tpu.memref_slice %arg3[%dma_start3A_21, %dma_start3A_22] : memref<1000000x64xf32, #tpu.memory_space<hbm>> -> memref<1000000x64xf32, #tpu.memory_space<hbm>>
    tpu.enqueue_indirect_dma source(%dma_start3A_23 : memref<1000000x64xf32, #tpu.memory_space<hbm>>) target(%dma_start3A_17 : memref<200x64xf32, #tpu.memory_space<vmem>>) offsets(%dma_start3A_20 : memref<200xi32, #tpu.memory_space<vmem>>) semaphore(%arg8 : memref<!tpu.dma_semaphore, #tpu.memory_space<semaphore_mem>>)
    %dma_start3A_24 = arith.constant 2 : i32
    %dma_start3A_25 = arith.constant 400 : i32
    %dma_start3A_26 = arith.constant 0 : i32
    %dma_start3A_27 = tpu.memref_slice %arg6[%dma_start3A_25, %dma_start3A_26] : memref<800x64xf32, #tpu.memory_space<vmem>> -> memref<200x64xf32, #tpu.memory_space<vmem>>
    %dma_start3A_28 = arith.constant 0 : i32
    %dma_start3A_29 = tpu.memref_slice %arg5[%dma_start3A_24, %dma_start3A_28] : memref<128x200xi32, #tpu.memory_space<vmem>> -> memref<1x200xi32, #tpu.memory_space<vmem>>
    %dma_start3A_30 = tpu.memref_squeeze %dma_start3A_29 : memref<1x200xi32, #tpu.memory_space<vmem>> -> memref<200xi32, #tpu.memory_space<vmem>>
    %dma_start3A_31 = arith.constant 0 : i32
    %dma_start3A_32 = arith.constant 0 : i32
    %dma_start3A_33 = tpu.memref_slice %arg3[%dma_start3A_31, %dma_start3A_32] : memref<1000000x64xf32, #tpu.memory_space<hbm>> -> memref<1000000x64xf32, #tpu.memory_space<hbm>>
    tpu.enqueue_indirect_dma source(%dma_start3A_33 : memref<1000000x64xf32, #tpu.memory_space<hbm>>) target(%dma_start3A_27 : memref<200x64xf32, #tpu.memory_space<vmem>>) offsets(%dma_start3A_30 : memref<200xi32, #tpu.memory_space<vmem>>) semaphore(%arg8 : memref<!tpu.dma_semaphore, #tpu.memory_space<semaphore_mem>>)
    %dma_start3A_34 = arith.constant 3 : i32
    %dma_start3A_35 = arith.constant 600 : i32
    %dma_start3A_36 = arith.constant 0 : i32
    %dma_start3A_37 = tpu.memref_slice %arg6[%dma_start3A_35, %dma_start3A_36] : memref<800x64xf32, #tpu.memory_space<vmem>> -> memref<200x64xf32, #tpu.memory_space<vmem>>
    %dma_start3A_38 = arith.constant 0 : i32
    %dma_start3A_39 = tpu.memref_slice %arg5[%dma_start3A_34, %dma_start3A_38] : memref<128x200xi32, #tpu.memory_space<vmem>> -> memref<1x200xi32, #tpu.memory_space<vmem>>
    %dma_start3A_40 = tpu.memref_squeeze %dma_start3A_39 : memref<1x200xi32, #tpu.memory_space<vmem>> -> memref<200xi32, #tpu.memory_space<vmem>>
    %dma_start3A_41 = arith.constant 0 : i32
    %dma_start3A_42 = arith.constant 0 : i32
    %dma_start3A_43 = tpu.memref_slice %arg3[%dma_start3A_41, %dma_start3A_42] : memref<1000000x64xf32, #tpu.memory_space<hbm>> -> memref<1000000x64xf32, #tpu.memory_space<hbm>>
    tpu.enqueue_indirect_dma source(%dma_start3A_43 : memref<1000000x64xf32, #tpu.memory_space<hbm>>) target(%dma_start3A_37 : memref<200x64xf32, #tpu.memory_space<vmem>>) offsets(%dma_start3A_40 : memref<200xi32, #tpu.memory_space<vmem>>) semaphore(%arg8 : memref<!tpu.dma_semaphore, #tpu.memory_space<semaphore_mem>>)
    %dma_start3A_44 = arith.constant 4 : i32
    %dma_start3A_45 = arith.constant 0 : i32
    %dma_start3A_46 = arith.constant 0 : i32
    %dma_start3A_47 = tpu.memref_slice %arg7[%dma_start3A_45, %dma_start3A_46] : memref<800x64xf32, #tpu.memory_space<vmem>> -> memref<200x64xf32, #tpu.memory_space<vmem>>
    %dma_start3A_48 = arith.constant 0 : i32
    %dma_start3A_49 = tpu.memref_slice %arg5[%dma_start3A_44, %dma_start3A_48] : memref<128x200xi32, #tpu.memory_space<vmem>> -> memref<1x200xi32, #tpu.memory_space<vmem>>
    %dma_start3A_50 = tpu.memref_squeeze %dma_start3A_49 : memref<1x200xi32, #tpu.memory_space<vmem>> -> memref<200xi32, #tpu.memory_space<vmem>>
    %dma_start3A_51 = arith.constant 0 : i32
    %dma_start3A_52 = arith.constant 0 : i32
    %dma_start3A_53 = tpu.memref_slice %arg3[%dma_start3A_51, %dma_start3A_52] : memref<1000000x64xf32, #tpu.memory_space<hbm>> -> memref<1000000x64xf32, #tpu.memory_space<hbm>>
    tpu.enqueue_indirect_dma source(%dma_start3A_53 : memref<1000000x64xf32, #tpu.memory_space<hbm>>) target(%dma_start3A_47 : memref<200x64xf32, #tpu.memory_space<vmem>>) offsets(%dma_start3A_50 : memref<200xi32, #tpu.memory_space<vmem>>) semaphore(%arg9 : memref<!tpu.dma_semaphore, #tpu.memory_space<semaphore_mem>>)
    %dma_start3A_54 = arith.constant 5 : i32
    %dma_start3A_55 = arith.constant 200 : i32
    %dma_start3A_56 = arith.constant 0 : i32
    %dma_start3A_57 = tpu.memref_slice %arg7[%dma_start3A_55, %dma_start3A_56] : memref<800x64xf32, #tpu.memory_space<vmem>> -> memref<200x64xf32, #tpu.memory_space<vmem>>
    %dma_start3A_58 = arith.constant 0 : i32
    %dma_start3A_59 = tpu.memref_slice %arg5[%dma_start3A_54, %dma_start3A_58] : memref<128x200xi32, #tpu.memory_space<vmem>> -> memref<1x200xi32, #tpu.memory_space<vmem>>
    %dma_start3A_60 = tpu.memref_squeeze %dma_start3A_59 : memref<1x200xi32, #tpu.memory_space<vmem>> -> memref<200xi32, #tpu.memory_space<vmem>>
    %dma_start3A_61 = arith.constant 0 : i32
    %dma_start3A_62 = arith.constant 0 : i32
    %dma_start3A_63 = tpu.memref_slice %arg3[%dma_start3A_61, %dma_start3A_62] : memref<1000000x64xf32, #tpu.memory_space<hbm>> -> memref<1000000x64xf32, #tpu.memory_space<hbm>>
    tpu.enqueue_indirect_dma source(%dma_start3A_63 : memref<1000000x64xf32, #tpu.memory_space<hbm>>) target(%dma_start3A_57 : memref<200x64xf32, #tpu.memory_space<vmem>>) offsets(%dma_start3A_60 : memref<200xi32, #tpu.memory_space<vmem>>) semaphore(%arg9 : memref<!tpu.dma_semaphore, #tpu.memory_space<semaphore_mem>>)
    %dma_start3A_64 = arith.constant 6 : i32
    %dma_start3A_65 = arith.constant 400 : i32
    %dma_start3A_66 = arith.constant 0 : i32
    %dma_start3A_67 = tpu.memref_slice %arg7[%dma_start3A_65, %dma_start3A_66] : memref<800x64xf32, #tpu.memory_space<vmem>> -> memref<200x64xf32, #tpu.memory_space<vmem>>
    %dma_start3A_68 = arith.constant 0 : i32
    %dma_start3A_69 = tpu.memref_slice %arg5[%dma_start3A_64, %dma_start3A_68] : memref<128x200xi32, #tpu.memory_space<vmem>> -> memref<1x200xi32, #tpu.memory_space<vmem>>
    %dma_start3A_70 = tpu.memref_squeeze %dma_start3A_69 : memref<1x200xi32, #tpu.memory_space<vmem>> -> memref<200xi32, #tpu.memory_space<vmem>>
    %dma_start3A_71 = arith.constant 0 : i32
    %dma_start3A_72 = arith.constant 0 : i32
    %dma_start3A_73 = tpu.memref_slice %arg3[%dma_start3A_71, %dma_start3A_72] : memref<1000000x64xf32, #tpu.memory_space<hbm>> -> memref<1000000x64xf32, #tpu.memory_space<hbm>>
    tpu.enqueue_indirect_dma source(%dma_start3A_73 : memref<1000000x64xf32, #tpu.memory_space<hbm>>) target(%dma_start3A_67 : memref<200x64xf32, #tpu.memory_space<vmem>>) offsets(%dma_start3A_70 : memref<200xi32, #tpu.memory_space<vmem>>) semaphore(%arg9 : memref<!tpu.dma_semaphore, #tpu.memory_space<semaphore_mem>>)
    %dma_start3A_74 = arith.constant 7 : i32
    %dma_start3A_75 = arith.constant 600 : i32
    %dma_start3A_76 = arith.constant 0 : i32
    %dma_start3A_77 = tpu.memref_slice %arg7[%dma_start3A_75, %dma_start3A_76] : memref<800x64xf32, #tpu.memory_space<vmem>> -> memref<200x64xf32, #tpu.memory_space<vmem>>
    %dma_start3A_78 = arith.constant 0 : i32
    %dma_start3A_79 = tpu.memref_slice %arg5[%dma_start3A_74, %dma_start3A_78] : memref<128x200xi32, #tpu.memory_space<vmem>> -> memref<1x200xi32, #tpu.memory_space<vmem>>
    %dma_start3A_80 = tpu.memref_squeeze %dma_start3A_79 : memref<1x200xi32, #tpu.memory_space<vmem>> -> memref<200xi32, #tpu.memory_space<vmem>>
    %dma_start3A_81 = arith.constant 0 : i32
    %dma_start3A_82 = arith.constant 0 : i32
    %dma_start3A_83 = tpu.memref_slice %arg3[%dma_start3A_81, %dma_start3A_82] : memref<1000000x64xf32, #tpu.memory_space<hbm>> -> memref<1000000x64xf32, #tpu.memory_space<hbm>>
    tpu.enqueue_indirect_dma source(%dma_start3A_83 : memref<1000000x64xf32, #tpu.memory_space<hbm>>) target(%dma_start3A_77 : memref<200x64xf32, #tpu.memory_space<vmem>>) offsets(%dma_start3A_80 : memref<200xi32, #tpu.memory_space<vmem>>) semaphore(%arg9 : memref<!tpu.dma_semaphore, #tpu.memory_space<semaphore_mem>>)
    %scan3A = arith.constant 0 : i32
    %scan3A_84 = arith.constant 0 : i32
    %scan3A_85 = arith.constant 16 : i32
    %scan3A_86 = arith.addi %scan3A_84, %scan3A_85 : i32
    %scan3A_87 = arith.constant 1 : i32
    scf.for %scan3A_100 = %scan3A_84 to %scan3A_86 step %scan3A_87  : i32 {
      %mul3A_101 = arith.constant 2 : i32
      %mul3A_102 = arith.muli %mul3A_101, %scan3A_100 : i32
      %add3A_103 = arith.constant 0 : i32
      %add3A_104 = arith.addi %mul3A_102, %add3A_103 : i32
      %mul3A_105 = arith.constant 800 : i32
      %mul3A_106 = arith.muli %add3A_104, %mul3A_105 : i32
      %add3A_107 = arith.addi %mul3A_2, %mul3A_106 : i32
      %mul3A_108 = arith.constant 4 : i32
      %mul3A_109 = arith.muli %add3A_104, %mul3A_108 : i32
      %add3A_110 = arith.constant 0 : i32
      %add3A_111 = arith.addi %mul3A_109, %add3A_110 : i32
      %dma_wait3A_112 = arith.constant 0 : i32
      %dma_wait3A_113 = arith.constant 0 : i32
      %dma_wait3A_114 = tpu.memref_slice %arg6[%dma_wait3A_112, %dma_wait3A_113] : memref<800x64xf32, #tpu.memory_space<vmem>> -> memref<200x64xf32, #tpu.memory_space<vmem>>
      %dma_wait3A_115 = arith.constant 0 : i32
      %dma_wait3A_116 = tpu.memref_slice %arg5[%add3A_111, %dma_wait3A_115] : memref<128x200xi32, #tpu.memory_space<vmem>> -> memref<1x200xi32, #tpu.memory_space<vmem>>
      %dma_wait3A_117 = tpu.memref_squeeze %dma_wait3A_116 : memref<1x200xi32, #tpu.memory_space<vmem>> -> memref<200xi32, #tpu.memory_space<vmem>>
      %dma_wait3A_118 = arith.constant 0 : i32
      %dma_wait3A_119 = arith.constant 0 : i32
      %dma_wait3A_120 = tpu.memref_slice %arg3[%dma_wait3A_118, %dma_wait3A_119] : memref<1000000x64xf32, #tpu.memory_space<hbm>> -> memref<1000000x64xf32, #tpu.memory_space<hbm>>
      tpu.wait_indirect_dma semaphore(%arg8 : memref<!tpu.dma_semaphore, #tpu.memory_space<semaphore_mem>>) src(%dma_wait3A_120 : memref<1000000x64xf32, #tpu.memory_space<hbm>>) dst(%dma_wait3A_114 : memref<200x64xf32, #tpu.memory_space<vmem>>)
      %mul3A_121 = arith.constant 4 : i32
      %mul3A_122 = arith.muli %add3A_104, %mul3A_121 : i32
      %add3A_123 = arith.constant 1 : i32
      %add3A_124 = arith.addi %mul3A_122, %add3A_123 : i32
      %dma_wait3A_125 = arith.constant 200 : i32
      %dma_wait3A_126 = arith.constant 0 : i32
      %dma_wait3A_127 = tpu.memref_slice %arg6[%dma_wait3A_125, %dma_wait3A_126] : memref<800x64xf32, #tpu.memory_space<vmem>> -> memref<200x64xf32, #tpu.memory_space<vmem>>
      %dma_wait3A_128 = arith.constant 0 : i32
      %dma_wait3A_129 = tpu.memref_slice %arg5[%add3A_124, %dma_wait3A_128] : memref<128x200xi32, #tpu.memory_space<vmem>> -> memref<1x200xi32, #tpu.memory_space<vmem>>
      %dma_wait3A_130 = tpu.memref_squeeze %dma_wait3A_129 : memref<1x200xi32, #tpu.memory_space<vmem>> -> memref<200xi32, #tpu.memory_space<vmem>>
      %dma_wait3A_131 = arith.constant 0 : i32
      %dma_wait3A_132 = arith.constant 0 : i32
      %dma_wait3A_133 = tpu.memref_slice %arg3[%dma_wait3A_131, %dma_wait3A_132] : memref<1000000x64xf32, #tpu.memory_space<hbm>> -> memref<1000000x64xf32, #tpu.memory_space<hbm>>
      tpu.wait_indirect_dma semaphore(%arg8 : memref<!tpu.dma_semaphore, #tpu.memory_space<semaphore_mem>>) src(%dma_wait3A_133 : memref<1000000x64xf32, #tpu.memory_space<hbm>>) dst(%dma_wait3A_127 : memref<200x64xf32, #tpu.memory_space<vmem>>)
      %mul3A_134 = arith.constant 4 : i32
      %mul3A_135 = arith.muli %add3A_104, %mul3A_134 : i32
      %add3A_136 = arith.constant 2 : i32
      %add3A_137 = arith.addi %mul3A_135, %add3A_136 : i32
      %dma_wait3A_138 = arith.constant 400 : i32
      %dma_wait3A_139 = arith.constant 0 : i32
      %dma_wait3A_140 = tpu.memref_slice %arg6[%dma_wait3A_138, %dma_wait3A_139] : memref<800x64xf32, #tpu.memory_space<vmem>> -> memref<200x64xf32, #tpu.memory_space<vmem>>
      %dma_wait3A_141 = arith.constant 0 : i32
      %dma_wait3A_142 = tpu.memref_slice %arg5[%add3A_137, %dma_wait3A_141] : memref<128x200xi32, #tpu.memory_space<vmem>> -> memref<1x200xi32, #tpu.memory_space<vmem>>
      %dma_wait3A_143 = tpu.memref_squeeze %dma_wait3A_142 : memref<1x200xi32, #tpu.memory_space<vmem>> -> memref<200xi32, #tpu.memory_space<vmem>>
      %dma_wait3A_144 = arith.constant 0 : i32
      %dma_wait3A_145 = arith.constant 0 : i32
      %dma_wait3A_146 = tpu.memref_slice %arg3[%dma_wait3A_144, %dma_wait3A_145] : memref<1000000x64xf32, #tpu.memory_space<hbm>> -> memref<1000000x64xf32, #tpu.memory_space<hbm>>
      tpu.wait_indirect_dma semaphore(%arg8 : memref<!tpu.dma_semaphore, #tpu.memory_space<semaphore_mem>>) src(%dma_wait3A_146 : memref<1000000x64xf32, #tpu.memory_space<hbm>>) dst(%dma_wait3A_140 : memref<200x64xf32, #tpu.memory_space<vmem>>)
      %mul3A_147 = arith.constant 4 : i32
      %mul3A_148 = arith.muli %add3A_104, %mul3A_147 : i32
      %add3A_149 = arith.constant 3 : i32
      %add3A_150 = arith.addi %mul3A_148, %add3A_149 : i32
      %dma_wait3A_151 = arith.constant 600 : i32
      %dma_wait3A_152 = arith.constant 0 : i32
      %dma_wait3A_153 = tpu.memref_slice %arg6[%dma_wait3A_151, %dma_wait3A_152] : memref<800x64xf32, #tpu.memory_space<vmem>> -> memref<200x64xf32, #tpu.memory_space<vmem>>
      %dma_wait3A_154 = arith.constant 0 : i32
      %dma_wait3A_155 = tpu.memref_slice %arg5[%add3A_150, %dma_wait3A_154] : memref<128x200xi32, #tpu.memory_space<vmem>> -> memref<1x200xi32, #tpu.memory_space<vmem>>
      %dma_wait3A_156 = tpu.memref_squeeze %dma_wait3A_155 : memref<1x200xi32, #tpu.memory_space<vmem>> -> memref<200xi32, #tpu.memory_space<vmem>>
      %dma_wait3A_157 = arith.constant 0 : i32
      %dma_wait3A_158 = arith.constant 0 : i32
      %dma_wait3A_159 = tpu.memref_slice %arg3[%dma_wait3A_157, %dma_wait3A_158] : memref<1000000x64xf32, #tpu.memory_space<hbm>> -> memref<1000000x64xf32, #tpu.memory_space<hbm>>
      tpu.wait_indirect_dma semaphore(%arg8 : memref<!tpu.dma_semaphore, #tpu.memory_space<semaphore_mem>>) src(%dma_wait3A_159 : memref<1000000x64xf32, #tpu.memory_space<hbm>>) dst(%dma_wait3A_153 : memref<200x64xf32, #tpu.memory_space<vmem>>)
      %dma_start3A_160 = arith.constant 0 : i32
      %dma_start3A_161 = tpu.memref_slice %arg4[%add3A_107, %dma_start3A_160] : memref<819200x128xf32, #tpu.memory_space<hbm>> -> memref<800x64xf32, #tpu.memory_space<hbm>>
      %dma_start3A_162 = arith.constant 0 : i32
      %dma_start3A_163 = tpu.memref_slice %arg4[%add3A_107, %dma_start3A_162] : memref<819200x128xf32, #tpu.memory_space<hbm>> -> memref<800x64xf32, #tpu.memory_space<hbm>>
      tpu.enqueue_dma source(%arg6 : memref<800x64xf32, #tpu.memory_space<vmem>>) target(%dma_start3A_163 : memref<800x64xf32, #tpu.memory_space<hbm>>) target_semaphore(%arg10 : memref<!tpu.dma_semaphore, #tpu.memory_space<semaphore_mem>>)
      %lt3A = arith.constant 15 : i32
      %lt3A_164 = arith.cmpi slt, %scan3A_100, %lt3A : i32
      %convert_element_type3A = arith.extui %lt3A_164 : i1 to i32
      %cond3A = arith.constant 0 : i32
      %cond3A_165 = arith.cmpi ne, %convert_element_type3A, %cond3A : i32
      scf.if %cond3A_165 {
        %dma_wait3A_234 = arith.constant 0 : i32
        %dma_wait3A_235 = tpu.memref_slice %arg4[%add3A_107, %dma_wait3A_234] : memref<819200x128xf32, #tpu.memory_space<hbm>> -> memref<800x64xf32, #tpu.memory_space<hbm>>
        %dma_wait3A_236 = arith.constant 0 : i32
        %dma_wait3A_237 = tpu.memref_slice %arg4[%add3A_107, %dma_wait3A_236] : memref<819200x128xf32, #tpu.memory_space<hbm>> -> memref<800x64xf32, #tpu.memory_space<hbm>>
        tpu.wait_dma2 semaphore(%arg10 : memref<!tpu.dma_semaphore, #tpu.memory_space<semaphore_mem>>) src(%arg6 : memref<800x64xf32, #tpu.memory_space<vmem>>) dst(%dma_wait3A_237 : memref<800x64xf32, #tpu.memory_space<hbm>>)
        %add3A_238 = arith.constant 2 : i32
        %add3A_239 = arith.addi %add3A_104, %add3A_238 : i32
        %mul3A_240 = arith.constant 4 : i32
        %mul3A_241 = arith.muli %add3A_239, %mul3A_240 : i32
        %add3A_242 = arith.constant 0 : i32
        %add3A_243 = arith.addi %mul3A_241, %add3A_242 : i32
        %dma_start3A_244 = arith.constant 0 : i32
        %dma_start3A_245 = arith.constant 0 : i32
        %dma_start3A_246 = tpu.memref_slice %arg6[%dma_start3A_244, %dma_start3A_245] : memref<800x64xf32, #tpu.memory_space<vmem>> -> memref<200x64xf32, #tpu.memory_space<vmem>>
        %dma_start3A_247 = arith.constant 0 : i32
        %dma_start3A_248 = tpu.memref_slice %arg5[%add3A_243, %dma_start3A_247] : memref<128x200xi32, #tpu.memory_space<vmem>> -> memref<1x200xi32, #tpu.memory_space<vmem>>
        %dma_start3A_249 = tpu.memref_squeeze %dma_start3A_248 : memref<1x200xi32, #tpu.memory_space<vmem>> -> memref<200xi32, #tpu.memory_space<vmem>>
        %dma_start3A_250 = arith.constant 0 : i32
        %dma_start3A_251 = arith.constant 0 : i32
        %dma_start3A_252 = tpu.memref_slice %arg3[%dma_start3A_250, %dma_start3A_251] : memref<1000000x64xf32, #tpu.memory_space<hbm>> -> memref<1000000x64xf32, #tpu.memory_space<hbm>>
        tpu.enqueue_indirect_dma source(%dma_start3A_252 : memref<1000000x64xf32, #tpu.memory_space<hbm>>) target(%dma_start3A_246 : memref<200x64xf32, #tpu.memory_space<vmem>>) offsets(%dma_start3A_249 : memref<200xi32, #tpu.memory_space<vmem>>) semaphore(%arg8 : memref<!tpu.dma_semaphore, #tpu.memory_space<semaphore_mem>>)
        %mul3A_253 = arith.constant 4 : i32
        %mul3A_254 = arith.muli %add3A_239, %mul3A_253 : i32
        %add3A_255 = arith.constant 1 : i32
        %add3A_256 = arith.addi %mul3A_254, %add3A_255 : i32
        %dma_start3A_257 = arith.constant 200 : i32
        %dma_start3A_258 = arith.constant 0 : i32
        %dma_start3A_259 = tpu.memref_slice %arg6[%dma_start3A_257, %dma_start3A_258] : memref<800x64xf32, #tpu.memory_space<vmem>> -> memref<200x64xf32, #tpu.memory_space<vmem>>
        %dma_start3A_260 = arith.constant 0 : i32
        %dma_start3A_261 = tpu.memref_slice %arg5[%add3A_256, %dma_start3A_260] : memref<128x200xi32, #tpu.memory_space<vmem>> -> memref<1x200xi32, #tpu.memory_space<vmem>>
        %dma_start3A_262 = tpu.memref_squeeze %dma_start3A_261 : memref<1x200xi32, #tpu.memory_space<vmem>> -> memref<200xi32, #tpu.memory_space<vmem>>
        %dma_start3A_263 = arith.constant 0 : i32
        %dma_start3A_264 = arith.constant 0 : i32
        %dma_start3A_265 = tpu.memref_slice %arg3[%dma_start3A_263, %dma_start3A_264] : memref<1000000x64xf32, #tpu.memory_space<hbm>> -> memref<1000000x64xf32, #tpu.memory_space<hbm>>
        tpu.enqueue_indirect_dma source(%dma_start3A_265 : memref<1000000x64xf32, #tpu.memory_space<hbm>>) target(%dma_start3A_259 : memref<200x64xf32, #tpu.memory_space<vmem>>) offsets(%dma_start3A_262 : memref<200xi32, #tpu.memory_space<vmem>>) semaphore(%arg8 : memref<!tpu.dma_semaphore, #tpu.memory_space<semaphore_mem>>)
        %mul3A_266 = arith.constant 4 : i32
        %mul3A_267 = arith.muli %add3A_239, %mul3A_266 : i32
        %add3A_268 = arith.constant 2 : i32
        %add3A_269 = arith.addi %mul3A_267, %add3A_268 : i32
        %dma_start3A_270 = arith.constant 400 : i32
        %dma_start3A_271 = arith.constant 0 : i32
        %dma_start3A_272 = tpu.memref_slice %arg6[%dma_start3A_270, %dma_start3A_271] : memref<800x64xf32, #tpu.memory_space<vmem>> -> memref<200x64xf32, #tpu.memory_space<vmem>>
        %dma_start3A_273 = arith.constant 0 : i32
        %dma_start3A_274 = tpu.memref_slice %arg5[%add3A_269, %dma_start3A_273] : memref<128x200xi32, #tpu.memory_space<vmem>> -> memref<1x200xi32, #tpu.memory_space<vmem>>
        %dma_start3A_275 = tpu.memref_squeeze %dma_start3A_274 : memref<1x200xi32, #tpu.memory_space<vmem>> -> memref<200xi32, #tpu.memory_space<vmem>>
        %dma_start3A_276 = arith.constant 0 : i32
        %dma_start3A_277 = arith.constant 0 : i32
        %dma_start3A_278 = tpu.memref_slice %arg3[%dma_start3A_276, %dma_start3A_277] : memref<1000000x64xf32, #tpu.memory_space<hbm>> -> memref<1000000x64xf32, #tpu.memory_space<hbm>>
        tpu.enqueue_indirect_dma source(%dma_start3A_278 : memref<1000000x64xf32, #tpu.memory_space<hbm>>) target(%dma_start3A_272 : memref<200x64xf32, #tpu.memory_space<vmem>>) offsets(%dma_start3A_275 : memref<200xi32, #tpu.memory_space<vmem>>) semaphore(%arg8 : memref<!tpu.dma_semaphore, #tpu.memory_space<semaphore_mem>>)
        %mul3A_279 = arith.constant 4 : i32
        %mul3A_280 = arith.muli %add3A_239, %mul3A_279 : i32
        %add3A_281 = arith.constant 3 : i32
        %add3A_282 = arith.addi %mul3A_280, %add3A_281 : i32
        %dma_start3A_283 = arith.constant 600 : i32
        %dma_start3A_284 = arith.constant 0 : i32
        %dma_start3A_285 = tpu.memref_slice %arg6[%dma_start3A_283, %dma_start3A_284] : memref<800x64xf32, #tpu.memory_space<vmem>> -> memref<200x64xf32, #tpu.memory_space<vmem>>
        %dma_start3A_286 = arith.constant 0 : i32
        %dma_start3A_287 = tpu.memref_slice %arg5[%add3A_282, %dma_start3A_286] : memref<128x200xi32, #tpu.memory_space<vmem>> -> memref<1x200xi32, #tpu.memory_space<vmem>>
        %dma_start3A_288 = tpu.memref_squeeze %dma_start3A_287 : memref<1x200xi32, #tpu.memory_space<vmem>> -> memref<200xi32, #tpu.memory_space<vmem>>
        %dma_start3A_289 = arith.constant 0 : i32
        %dma_start3A_290 = arith.constant 0 : i32
        %dma_start3A_291 = tpu.memref_slice %arg3[%dma_start3A_289, %dma_start3A_290] : memref<1000000x64xf32, #tpu.memory_space<hbm>> -> memref<1000000x64xf32, #tpu.memory_space<hbm>>
        tpu.enqueue_indirect_dma source(%dma_start3A_291 : memref<1000000x64xf32, #tpu.memory_space<hbm>>) target(%dma_start3A_285 : memref<200x64xf32, #tpu.memory_space<vmem>>) offsets(%dma_start3A_288 : memref<200xi32, #tpu.memory_space<vmem>>) semaphore(%arg8 : memref<!tpu.dma_semaphore, #tpu.memory_space<semaphore_mem>>)
      } else {
      }
      %mul3A_166 = arith.constant 2 : i32
      %mul3A_167 = arith.muli %mul3A_166, %scan3A_100 : i32
      %add3A_168 = arith.constant 1 : i32
      %add3A_169 = arith.addi %mul3A_167, %add3A_168 : i32
      %mul3A_170 = arith.constant 800 : i32
      %mul3A_171 = arith.muli %add3A_169, %mul3A_170 : i32
      %add3A_172 = arith.addi %mul3A_2, %mul3A_171 : i32
      %mul3A_173 = arith.constant 4 : i32
      %mul3A_174 = arith.muli %add3A_169, %mul3A_173 : i32
      %add3A_175 = arith.constant 0 : i32
      %add3A_176 = arith.addi %mul3A_174, %add3A_175 : i32
      %dma_wait3A_177 = arith.constant 0 : i32
      %dma_wait3A_178 = arith.constant 0 : i32
      %dma_wait3A_179 = tpu.memref_slice %arg7[%dma_wait3A_177, %dma_wait3A_178] : memref<800x64xf32, #tpu.memory_space<vmem>> -> memref<200x64xf32, #tpu.memory_space<vmem>>
      %dma_wait3A_180 = arith.constant 0 : i32
      %dma_wait3A_181 = tpu.memref_slice %arg5[%add3A_176, %dma_wait3A_180] : memref<128x200xi32, #tpu.memory_space<vmem>> -> memref<1x200xi32, #tpu.memory_space<vmem>>
      %dma_wait3A_182 = tpu.memref_squeeze %dma_wait3A_181 : memref<1x200xi32, #tpu.memory_space<vmem>> -> memref<200xi32, #tpu.memory_space<vmem>>
      %dma_wait3A_183 = arith.constant 0 : i32
      %dma_wait3A_184 = arith.constant 0 : i32
      %dma_wait3A_185 = tpu.memref_slice %arg3[%dma_wait3A_183, %dma_wait3A_184] : memref<1000000x64xf32, #tpu.memory_space<hbm>> -> memref<1000000x64xf32, #tpu.memory_space<hbm>>
      tpu.wait_indirect_dma semaphore(%arg9 : memref<!tpu.dma_semaphore, #tpu.memory_space<semaphore_mem>>) src(%dma_wait3A_185 : memref<1000000x64xf32, #tpu.memory_space<hbm>>) dst(%dma_wait3A_179 : memref<200x64xf32, #tpu.memory_space<vmem>>)
      %mul3A_186 = arith.constant 4 : i32
      %mul3A_187 = arith.muli %add3A_169, %mul3A_186 : i32
      %add3A_188 = arith.constant 1 : i32
      %add3A_189 = arith.addi %mul3A_187, %add3A_188 : i32
      %dma_wait3A_190 = arith.constant 200 : i32
      %dma_wait3A_191 = arith.constant 0 : i32
      %dma_wait3A_192 = tpu.memref_slice %arg7[%dma_wait3A_190, %dma_wait3A_191] : memref<800x64xf32, #tpu.memory_space<vmem>> -> memref<200x64xf32, #tpu.memory_space<vmem>>
      %dma_wait3A_193 = arith.constant 0 : i32
      %dma_wait3A_194 = tpu.memref_slice %arg5[%add3A_189, %dma_wait3A_193] : memref<128x200xi32, #tpu.memory_space<vmem>> -> memref<1x200xi32, #tpu.memory_space<vmem>>
      %dma_wait3A_195 = tpu.memref_squeeze %dma_wait3A_194 : memref<1x200xi32, #tpu.memory_space<vmem>> -> memref<200xi32, #tpu.memory_space<vmem>>
      %dma_wait3A_196 = arith.constant 0 : i32
      %dma_wait3A_197 = arith.constant 0 : i32
      %dma_wait3A_198 = tpu.memref_slice %arg3[%dma_wait3A_196, %dma_wait3A_197] : memref<1000000x64xf32, #tpu.memory_space<hbm>> -> memref<1000000x64xf32, #tpu.memory_space<hbm>>
      tpu.wait_indirect_dma semaphore(%arg9 : memref<!tpu.dma_semaphore, #tpu.memory_space<semaphore_mem>>) src(%dma_wait3A_198 : memref<1000000x64xf32, #tpu.memory_space<hbm>>) dst(%dma_wait3A_192 : memref<200x64xf32, #tpu.memory_space<vmem>>)
      %mul3A_199 = arith.constant 4 : i32
      %mul3A_200 = arith.muli %add3A_169, %mul3A_199 : i32
      %add3A_201 = arith.constant 2 : i32
      %add3A_202 = arith.addi %mul3A_200, %add3A_201 : i32
      %dma_wait3A_203 = arith.constant 400 : i32
      %dma_wait3A_204 = arith.constant 0 : i32
      %dma_wait3A_205 = tpu.memref_slice %arg7[%dma_wait3A_203, %dma_wait3A_204] : memref<800x64xf32, #tpu.memory_space<vmem>> -> memref<200x64xf32, #tpu.memory_space<vmem>>
      %dma_wait3A_206 = arith.constant 0 : i32
      %dma_wait3A_207 = tpu.memref_slice %arg5[%add3A_202, %dma_wait3A_206] : memref<128x200xi32, #tpu.memory_space<vmem>> -> memref<1x200xi32, #tpu.memory_space<vmem>>
      %dma_wait3A_208 = tpu.memref_squeeze %dma_wait3A_207 : memref<1x200xi32, #tpu.memory_space<vmem>> -> memref<200xi32, #tpu.memory_space<vmem>>
      %dma_wait3A_209 = arith.constant 0 : i32
      %dma_wait3A_210 = arith.constant 0 : i32
      %dma_wait3A_211 = tpu.memref_slice %arg3[%dma_wait3A_209, %dma_wait3A_210] : memref<1000000x64xf32, #tpu.memory_space<hbm>> -> memref<1000000x64xf32, #tpu.memory_space<hbm>>
      tpu.wait_indirect_dma semaphore(%arg9 : memref<!tpu.dma_semaphore, #tpu.memory_space<semaphore_mem>>) src(%dma_wait3A_211 : memref<1000000x64xf32, #tpu.memory_space<hbm>>) dst(%dma_wait3A_205 : memref<200x64xf32, #tpu.memory_space<vmem>>)
      %mul3A_212 = arith.constant 4 : i32
      %mul3A_213 = arith.muli %add3A_169, %mul3A_212 : i32
      %add3A_214 = arith.constant 3 : i32
      %add3A_215 = arith.addi %mul3A_213, %add3A_214 : i32
      %dma_wait3A_216 = arith.constant 600 : i32
      %dma_wait3A_217 = arith.constant 0 : i32
      %dma_wait3A_218 = tpu.memref_slice %arg7[%dma_wait3A_216, %dma_wait3A_217] : memref<800x64xf32, #tpu.memory_space<vmem>> -> memref<200x64xf32, #tpu.memory_space<vmem>>
      %dma_wait3A_219 = arith.constant 0 : i32
      %dma_wait3A_220 = tpu.memref_slice %arg5[%add3A_215, %dma_wait3A_219] : memref<128x200xi32, #tpu.memory_space<vmem>> -> memref<1x200xi32, #tpu.memory_space<vmem>>
      %dma_wait3A_221 = tpu.memref_squeeze %dma_wait3A_220 : memref<1x200xi32, #tpu.memory_space<vmem>> -> memref<200xi32, #tpu.memory_space<vmem>>
      %dma_wait3A_222 = arith.constant 0 : i32
      %dma_wait3A_223 = arith.constant 0 : i32
      %dma_wait3A_224 = tpu.memref_slice %arg3[%dma_wait3A_222, %dma_wait3A_223] : memref<1000000x64xf32, #tpu.memory_space<hbm>> -> memref<1000000x64xf32, #tpu.memory_space<hbm>>
      tpu.wait_indirect_dma semaphore(%arg9 : memref<!tpu.dma_semaphore, #tpu.memory_space<semaphore_mem>>) src(%dma_wait3A_224 : memref<1000000x64xf32, #tpu.memory_space<hbm>>) dst(%dma_wait3A_218 : memref<200x64xf32, #tpu.memory_space<vmem>>)
      %dma_start3A_225 = arith.constant 0 : i32
      %dma_start3A_226 = tpu.memref_slice %arg4[%add3A_172, %dma_start3A_225] : memref<819200x128xf32, #tpu.memory_space<hbm>> -> memref<800x64xf32, #tpu.memory_space<hbm>>
      %dma_start3A_227 = arith.constant 0 : i32
      %dma_start3A_228 = tpu.memref_slice %arg4[%add3A_172, %dma_start3A_227] : memref<819200x128xf32, #tpu.memory_space<hbm>> -> memref<800x64xf32, #tpu.memory_space<hbm>>
      tpu.enqueue_dma source(%arg7 : memref<800x64xf32, #tpu.memory_space<vmem>>) target(%dma_start3A_228 : memref<800x64xf32, #tpu.memory_space<hbm>>) target_semaphore(%arg11 : memref<!tpu.dma_semaphore, #tpu.memory_space<semaphore_mem>>)
      %lt3A_229 = arith.constant 15 : i32
      %lt3A_230 = arith.cmpi slt, %scan3A_100, %lt3A_229 : i32
      %convert_element_type3A_231 = arith.extui %lt3A_230 : i1 to i32
      %cond3A_232 = arith.constant 0 : i32
      %cond3A_233 = arith.cmpi ne, %convert_element_type3A_231, %cond3A_232 : i32
      scf.if %cond3A_233 {
        %dma_wait3A_234 = arith.constant 0 : i32
        %dma_wait3A_235 = tpu.memref_slice %arg4[%add3A_172, %dma_wait3A_234] : memref<819200x128xf32, #tpu.memory_space<hbm>> -> memref<800x64xf32, #tpu.memory_space<hbm>>
        %dma_wait3A_236 = arith.constant 0 : i32
        %dma_wait3A_237 = tpu.memref_slice %arg4[%add3A_172, %dma_wait3A_236] : memref<819200x128xf32, #tpu.memory_space<hbm>> -> memref<800x64xf32, #tpu.memory_space<hbm>>
        tpu.wait_dma2 semaphore(%arg11 : memref<!tpu.dma_semaphore, #tpu.memory_space<semaphore_mem>>) src(%arg7 : memref<800x64xf32, #tpu.memory_space<vmem>>) dst(%dma_wait3A_237 : memref<800x64xf32, #tpu.memory_space<hbm>>)
        %add3A_238 = arith.constant 2 : i32
        %add3A_239 = arith.addi %add3A_169, %add3A_238 : i32
        %mul3A_240 = arith.constant 4 : i32
        %mul3A_241 = arith.muli %add3A_239, %mul3A_240 : i32
        %add3A_242 = arith.constant 0 : i32
        %add3A_243 = arith.addi %mul3A_241, %add3A_242 : i32
        %dma_start3A_244 = arith.constant 0 : i32
        %dma_start3A_245 = arith.constant 0 : i32
        %dma_start3A_246 = tpu.memref_slice %arg7[%dma_start3A_244, %dma_start3A_245] : memref<800x64xf32, #tpu.memory_space<vmem>> -> memref<200x64xf32, #tpu.memory_space<vmem>>
        %dma_start3A_247 = arith.constant 0 : i32
        %dma_start3A_248 = tpu.memref_slice %arg5[%add3A_243, %dma_start3A_247] : memref<128x200xi32, #tpu.memory_space<vmem>> -> memref<1x200xi32, #tpu.memory_space<vmem>>
        %dma_start3A_249 = tpu.memref_squeeze %dma_start3A_248 : memref<1x200xi32, #tpu.memory_space<vmem>> -> memref<200xi32, #tpu.memory_space<vmem>>
        %dma_start3A_250 = arith.constant 0 : i32
        %dma_start3A_251 = arith.constant 0 : i32
        %dma_start3A_252 = tpu.memref_slice %arg3[%dma_start3A_250, %dma_start3A_251] : memref<1000000x64xf32, #tpu.memory_space<hbm>> -> memref<1000000x64xf32, #tpu.memory_space<hbm>>
        tpu.enqueue_indirect_dma source(%dma_start3A_252 : memref<1000000x64xf32, #tpu.memory_space<hbm>>) target(%dma_start3A_246 : memref<200x64xf32, #tpu.memory_space<vmem>>) offsets(%dma_start3A_249 : memref<200xi32, #tpu.memory_space<vmem>>) semaphore(%arg9 : memref<!tpu.dma_semaphore, #tpu.memory_space<semaphore_mem>>)
        %mul3A_253 = arith.constant 4 : i32
        %mul3A_254 = arith.muli %add3A_239, %mul3A_253 : i32
        %add3A_255 = arith.constant 1 : i32
        %add3A_256 = arith.addi %mul3A_254, %add3A_255 : i32
        %dma_start3A_257 = arith.constant 200 : i32
        %dma_start3A_258 = arith.constant 0 : i32
        %dma_start3A_259 = tpu.memref_slice %arg7[%dma_start3A_257, %dma_start3A_258] : memref<800x64xf32, #tpu.memory_space<vmem>> -> memref<200x64xf32, #tpu.memory_space<vmem>>
        %dma_start3A_260 = arith.constant 0 : i32
        %dma_start3A_261 = tpu.memref_slice %arg5[%add3A_256, %dma_start3A_260] : memref<128x200xi32, #tpu.memory_space<vmem>> -> memref<1x200xi32, #tpu.memory_space<vmem>>
        %dma_start3A_262 = tpu.memref_squeeze %dma_start3A_261 : memref<1x200xi32, #tpu.memory_space<vmem>> -> memref<200xi32, #tpu.memory_space<vmem>>
        %dma_start3A_263 = arith.constant 0 : i32
        %dma_start3A_264 = arith.constant 0 : i32
        %dma_start3A_265 = tpu.memref_slice %arg3[%dma_start3A_263, %dma_start3A_264] : memref<1000000x64xf32, #tpu.memory_space<hbm>> -> memref<1000000x64xf32, #tpu.memory_space<hbm>>
        tpu.enqueue_indirect_dma source(%dma_start3A_265 : memref<1000000x64xf32, #tpu.memory_space<hbm>>) target(%dma_start3A_259 : memref<200x64xf32, #tpu.memory_space<vmem>>) offsets(%dma_start3A_262 : memref<200xi32, #tpu.memory_space<vmem>>) semaphore(%arg9 : memref<!tpu.dma_semaphore, #tpu.memory_space<semaphore_mem>>)
        %mul3A_266 = arith.constant 4 : i32
        %mul3A_267 = arith.muli %add3A_239, %mul3A_266 : i32
        %add3A_268 = arith.constant 2 : i32
        %add3A_269 = arith.addi %mul3A_267, %add3A_268 : i32
        %dma_start3A_270 = arith.constant 400 : i32
        %dma_start3A_271 = arith.constant 0 : i32
        %dma_start3A_272 = tpu.memref_slice %arg7[%dma_start3A_270, %dma_start3A_271] : memref<800x64xf32, #tpu.memory_space<vmem>> -> memref<200x64xf32, #tpu.memory_space<vmem>>
        %dma_start3A_273 = arith.constant 0 : i32
        %dma_start3A_274 = tpu.memref_slice %arg5[%add3A_269, %dma_start3A_273] : memref<128x200xi32, #tpu.memory_space<vmem>> -> memref<1x200xi32, #tpu.memory_space<vmem>>
        %dma_start3A_275 = tpu.memref_squeeze %dma_start3A_274 : memref<1x200xi32, #tpu.memory_space<vmem>> -> memref<200xi32, #tpu.memory_space<vmem>>
        %dma_start3A_276 = arith.constant 0 : i32
        %dma_start3A_277 = arith.constant 0 : i32
        %dma_start3A_278 = tpu.memref_slice %arg3[%dma_start3A_276, %dma_start3A_277] : memref<1000000x64xf32, #tpu.memory_space<hbm>> -> memref<1000000x64xf32, #tpu.memory_space<hbm>>
        tpu.enqueue_indirect_dma source(%dma_start3A_278 : memref<1000000x64xf32, #tpu.memory_space<hbm>>) target(%dma_start3A_272 : memref<200x64xf32, #tpu.memory_space<vmem>>) offsets(%dma_start3A_275 : memref<200xi32, #tpu.memory_space<vmem>>) semaphore(%arg9 : memref<!tpu.dma_semaphore, #tpu.memory_space<semaphore_mem>>)
        %mul3A_279 = arith.constant 4 : i32
        %mul3A_280 = arith.muli %add3A_239, %mul3A_279 : i32
        %add3A_281 = arith.constant 3 : i32
        %add3A_282 = arith.addi %mul3A_280, %add3A_281 : i32
        %dma_start3A_283 = arith.constant 600 : i32
        %dma_start3A_284 = arith.constant 0 : i32
        %dma_start3A_285 = tpu.memref_slice %arg7[%dma_start3A_283, %dma_start3A_284] : memref<800x64xf32, #tpu.memory_space<vmem>> -> memref<200x64xf32, #tpu.memory_space<vmem>>
        %dma_start3A_286 = arith.constant 0 : i32
        %dma_start3A_287 = tpu.memref_slice %arg5[%add3A_282, %dma_start3A_286] : memref<128x200xi32, #tpu.memory_space<vmem>> -> memref<1x200xi32, #tpu.memory_space<vmem>>
        %dma_start3A_288 = tpu.memref_squeeze %dma_start3A_287 : memref<1x200xi32, #tpu.memory_space<vmem>> -> memref<200xi32, #tpu.memory_space<vmem>>
        %dma_start3A_289 = arith.constant 0 : i32
        %dma_start3A_290 = arith.constant 0 : i32
        %dma_start3A_291 = tpu.memref_slice %arg3[%dma_start3A_289, %dma_start3A_290] : memref<1000000x64xf32, #tpu.memory_space<hbm>> -> memref<1000000x64xf32, #tpu.memory_space<hbm>>
        tpu.enqueue_indirect_dma source(%dma_start3A_291 : memref<1000000x64xf32, #tpu.memory_space<hbm>>) target(%dma_start3A_285 : memref<200x64xf32, #tpu.memory_space<vmem>>) offsets(%dma_start3A_288 : memref<200xi32, #tpu.memory_space<vmem>>) semaphore(%arg9 : memref<!tpu.dma_semaphore, #tpu.memory_space<semaphore_mem>>)
      } else {
      }
    }
    %scan3A_88 = arith.constant 16 : i32
    %add3A_89 = arith.constant 24000 : i32
    %add3A_90 = arith.addi %mul3A_2, %add3A_89 : i32
    %dma_wait3A = arith.constant 0 : i32
    %dma_wait3A_91 = tpu.memref_slice %arg4[%add3A_90, %dma_wait3A] : memref<819200x128xf32, #tpu.memory_space<hbm>> -> memref<800x64xf32, #tpu.memory_space<hbm>>
    %dma_wait3A_92 = arith.constant 0 : i32
    %dma_wait3A_93 = tpu.memref_slice %arg4[%add3A_90, %dma_wait3A_92] : memref<819200x128xf32, #tpu.memory_space<hbm>> -> memref<800x64xf32, #tpu.memory_space<hbm>>
    tpu.wait_dma2 semaphore(%arg10 : memref<!tpu.dma_semaphore, #tpu.memory_space<semaphore_mem>>) src(%arg6 : memref<800x64xf32, #tpu.memory_space<vmem>>) dst(%dma_wait3A_93 : memref<800x64xf32, #tpu.memory_space<hbm>>)
    %add3A_94 = arith.constant 24800 : i32
    %add3A_95 = arith.addi %mul3A_2, %add3A_94 : i32
    %dma_wait3A_96 = arith.constant 0 : i32
    %dma_wait3A_97 = tpu.memref_slice %arg4[%add3A_95, %dma_wait3A_96] : memref<819200x128xf32, #tpu.memory_space<hbm>> -> memref<800x64xf32, #tpu.memory_space<hbm>>
    %dma_wait3A_98 = arith.constant 0 : i32
    %dma_wait3A_99 = tpu.memref_slice %arg4[%add3A_95, %dma_wait3A_98] : memref<819200x128xf32, #tpu.memory_space<hbm>> -> memref<800x64xf32, #tpu.memory_space<hbm>>
    tpu.wait_dma2 semaphore(%arg11 : memref<!tpu.dma_semaphore, #tpu.memory_space<semaphore_mem>>) src(%arg7 : memref<800x64xf32, #tpu.memory_space<vmem>>) dst(%dma_wait3A_99 : memref<800x64xf32, #tpu.memory_space<hbm>>)
    return
  }
}

</mosaic_0001>

<sc_bundles>
// kernel: kernel.4.cloned.1.call-start
scs
__scs_entry_jumppad:
0x0: {  	(pc) =	sbr.rel $0x88, $3  }
0x1: {  	(tag) =	ssettag $0x0;
	lr =	simm.s32 $0x1  }
0x2: {  	[smem:$0x3F9F] =	sst lr;
	_ =	strace $0xD0000000  }
0x3: {  	_ = 	snop  }
0x4: {  	_ = 	snop  }
0x5: {  	_ = 	snop  }
0x6: {  	_ = 	snop  }
0x7: {  	_ = 	snop  }
__scs_overlays_trampoline_lowered:
0x8: {  	[smem:$0x3FAE] =	sst s0  }
0x9: {  	[smem:$0x3FAF] =	sst s1  }
0xa: {  	[smem:$0x3FB0] =	sst s2  }
0xb: {  	[smem:$0x3FB1] =	sst s3  }
0xc: {  	[smem:$0x3FB2] =	sst s4  }
0xd: {  	[smem:$0x3FB3] =	sst s5  }
0xe: {  	[smem:$0x3FB4] =	sst s6  }
0xf: {  	[smem:$0x3FB5] =	sst s7  }
0x10: {  	[smem:$0x3FB6] =	sst s8  }
0x11: {  	[smem:$0x3FB7] =	sst s9;
	s0 =	simm.s32 @!p0 $0x0  }
0x12: {  	s1 =	sld [smem:$0x3F9D];
	s0 =	simm.s32 @p0 $0x1  }
0x13: {  	[smem:$0x3FB8] =	sst s0;
	s0 =	simm.s32 @!p1 $0x0  }
0x14: {  	s2 =	sld [smem:$0x3F9C];
	s0 =	simm.s32 @p1 $0x1  }
0x15: {  	[smem:$0x3FB9] =	sst s0;
	s0 =	simm.s32 @!p2 $0x0  }
0x16: {  	s3 =	sld [smem:$0x3FDB];
	s0 =	simm.s32 @p2 $0x1  }
0x17: {  	s4 =	simm.s32 $0x1BF5;
	[smem:$0x3FBB] =	sst s0  }
0x18: {  	s0 =	sld [smem:$0x3F9E];
	_ =	swait.ge [sflag:s4], $0x0  }
0x19: {  	s7 =	sld [smem:$0x3F9F]  }
0x1a: {  	s8 =	sadd.s32 $0xFFFFE003, lr  }
0x1b: {  	s9 =	sadd.s32 $0xFFFFFEF7, lr;
	s5 =	simm.s32 $0xFFFFFFFF;
	p2 =	slt.u32 s8, $0xFFFFF086  }
0x1c: {  	p1 =	slt.u32 s9, $0xF7A;
	s5 =	simm.s32 @!p2 $0x0  }
0x1d: {  	s5 =	simm.s32 @p1 $0x1;
	p0 =	seq.s32 s7, s2  }
0x1e: {  	s7 =	smul.u32 @!p0 $0xF7A, s2;
	p2 =	seq.s32 @!p0 s5, $0x0  }
0x1f: {  	s9 =	smul.u32 $0xF7A, s1;
	s8 =	simm.s32 @!p0 $0x1BF5;
	p2 =	por !p2, p0  }
0x20: {  	[sflag:s8] =	ssyncset.s32 @!p0 $0xFFFFF086;
	s6 =	sadd.s32 @!p0 s3, s7;
	s7 =	simm.s32 @!p0 $0x108  }
0x21: {  	s3 =	sadd.s32 s3, s9;
	s6 =	sadd.s32 @!p0 $0x88, s6;
	s7 =	simm.s32 @p2 $0x1082  }
0x22: {  	[simem:s7], [sflag:s8] =	dma.local @!p0 [hbm:s6], $0xF7A  }
0x23: {  	s9 =	sor.u32 $0xD0000000, s2;
	s6 =	simm.s32 $0x108;
	_ =	swait.ge @!p0 [sflag:s8], $0x0  }
0x24: {  	s3 =	sadd.s32 $0x88, s3;
	s6 =	simm.s32 @!p1 $0x1082;
	[sflag:s4] =	ssyncset.s32 $0xFFFFF086  }
0x25: {  	[simem:s6], [sflag:s4] =	dma.local [hbm:s3], $0xF7A  }
0x26: {  	[smem:$0x3F9F] =	sst s1;
	(tag) =	ssettag s2;
	_ =	strace s9  }
0x27: {  	s1 =	sld [smem:$0x3FAF]  }
0x28: {  	s2 =	sld [smem:$0x3FB0]  }
0x29: {  	s4 =	sld [smem:$0x3FB2]  }
0x2a: {  	p0 =	seq.s32 s5, $0x0;
	s5 =	sld [smem:$0x3FB3]  }
0x2b: {  	s6 =	sld [smem:$0x3FB4]  }
0x2c: {  	s7 =	sld [smem:$0x3FB5]  }
0x2d: {  	s3 =	simm.s32 $0x108;
	s8 =	sld [smem:$0x3FB6]  }
0x2e: {  	s3 =	simm.s32 @!p0 $0x1082;
	s9 =	sld [smem:$0x3FB7]  }
0x2f: {  	lr =	sadd.s32 s0, s3;
	s0 =	sld [smem:$0x3FAE]  }
0x30: {  	s3 =	sld [smem:$0x3FB1]  }
0x31: {  	[smem:$0x3FBA] =	sst s10  }
0x32: {  	s10 =	sld [smem:$0x3FB8];
	_ =	sdelay $0x3  }
0x33: {  	p0 =	seq.s32 s10, $0x1;
	s10 =	sld [smem:$0x3FBA];
	_ =	sdelay $0x3  }
0x34: {  	[smem:$0x3FBA] =	sst s10  }
0x35: {  	s10 =	sld [smem:$0x3FB9];
	_ =	sdelay $0x3  }
0x36: {  	p1 =	seq.s32 s10, $0x1;
	s10 =	sld [smem:$0x3FBA];
	_ =	sdelay $0x3  }
0x37: {  	[smem:$0x3FBA] =	sst s10  }
0x38: {  	s10 =	sld [smem:$0x3FBB]  }
0x39: {  	_ = 	snop;
	(pc) =	sbr.ind lr, $3  }
0x3a: {  	_ = 	snop  }
0x3b: {  	_ = 	snop  }
0x3c: {  	p2 =	seq.s32 s10, $0x1;
	s10 =	sld [smem:$0x3FBA]  }
0x3d: {  	_ =	shalt  }
0x3e: {  	_ =	shalt  }
0x3f: {  	_ =	shalt  }
0x40: {  	_ =	shalt  }
0x41: {  	_ =	shalt  }
0x42: {  	_ =	shalt  }
0x43: {  	_ =	shalt  }
0x44: {  	_ =	shalt  }
0x45: {  	_ =	shalt  }
0x46: {  	_ =	shalt  }
0x47: {  	_ =	shalt  }
0x48: {  	_ =	shalt  }
0x49: {  	_ =	shalt  }
0x4a: {  	_ =	shalt  }
0x4b: {  	_ =	shalt  }
0x4c: {  	_ =	shalt  }
0x4d: {  	_ =	shalt  }
0x4e: {  	_ =	shalt  }
0x4f: {  	_ =	shalt  }
0x50: {  	_ =	shalt  }
0x51: {  	_ =	shalt  }
0x52: {  	_ =	shalt  }
0x53: {  	_ =	shalt  }
0x54: {  	_ =	shalt  }
0x55: {  	_ =	shalt  }
0x56: {  	_ =	shalt  }
0x57: {  	_ =	shalt  }
0x58: {  	_ =	shalt  }
0x59: {  	_ =	shalt  }
0x5a: {  	_ =	shalt  }
0x5b: {  	_ =	shalt  }
0x5c: {  	_ =	shalt  }
0x5d: {  	_ =	shalt  }
0x5e: {  	_ =	shalt  }
0x5f: {  	_ =	shalt  }
0x60: {  	_ =	shalt  }
0x61: {  	_ =	shalt  }
0x62: {  	_ =	shalt  }
0x63: {  	_ =	shalt  }
0x64: {  	_ =	shalt  }
0x65: {  	_ =	shalt  }
0x66: {  	_ =	shalt  }
0x67: {  	_ =	shalt  }
0x68: {  	_ =	shalt  }
0x69: {  	_ =	shalt  }
0x6a: {  	_ =	shalt  }
0x6b: {  	_ =	shalt  }
0x6c: {  	_ =	shalt  }
0x6d: {  	_ =	shalt  }
0x6e: {  	_ =	shalt  }
0x6f: {  	_ =	shalt  }
0x70: {  	_ =	shalt  }
0x71: {  	_ =	shalt  }
0x72: {  	_ =	shalt  }
0x73: {  	_ =	shalt  }
0x74: {  	_ =	shalt  }
0x75: {  	_ =	shalt  }
0x76: {  	_ =	shalt  }
0x77: {  	_ =	shalt  }
0x78: {  	_ =	shalt  }
0x79: {  	_ =	shalt  }
0x7a: {  	_ =	shalt  }
0x7b: {  	_ =	shalt  }
0x7c: {  	_ =	shalt  }
0x7d: {  	_ =	shalt  }
0x7e: {  	_ =	shalt  }
0x7f: {  	_ =	shalt  }
0x80: {  	_ =	shalt  }
0x81: {  	_ =	shalt  }
0x82: {  	_ =	shalt  }
0x83: {  	_ =	shalt  }
0x84: {  	_ =	shalt  }
0x85: {  	_ =	shalt  }
0x86: {  	_ =	shalt  }
0x87: {  	_ =	shalt  }
.Lfunc_end0:
.L_simem_size_0:
called_computation.1_lowered:
.L_overlay_start_0:
0x88: {  	s2 =	sld [smem:$0x3FD9]  }
0x89: {  	s3 =	sld [smem:$0x3FFE];
	_ =	sdelay $0x1  }
0x8a: {  	s1 =	srdreg.scid  }
0x8b: {  	s0 =	sand.u32 $0x1, s1  }
0x8c: {  	s17 =	sshll.u32 s0, $0xA;
	s2 =	sadd.s32 s3, s2  }
0x8d: {  	s2 =	sadd.s32 s2, s17  }
0x8e: {  	[smem:$0x3FC6] =	sst s2  }
0x8f: {  	_ = 	snop  }
0x90: {  	s2 =	sld [smem:$0x3FC8];
	(tm) =	ssettm $0x1  }
0x91: {  	s18 =	sld [smem:$0x3FFB];
	_ =	sdelay $0x3  }
0x92: {  	_ =	strace s18  }
0x93: {  	s3 =	sld [smem:$0x3FFC];
	_ =	sdelay $0x3  }
0x94: {  	_ =	strace s3  }
0x95: {  	s3 =	sld [smem:$0x3FFD];
	_ =	sdelay $0x3  }
0x96: {  	_ =	strace s3  }
0x97: {  	_ =	strace $0x8FFFFFFF  }
0x98: {  	s19 =	sld [smem:$0x3FDB];
	_ =	sdelay $0x1  }
0x99: {  	s4 =	simm.s32 $_scs_section_size  }
0x9a: {  	s5 =	simm.s32 $_size__tile_overlayer_lowered;
	s6 =	simm.s32 $_tile_overlayer_lowered  }
0x9b: {  	s22 =	simm.s32 $0x1BFF;
	s21 =	sshll.u32 s6, $0x1;
	s3 =	sadd.s32 s4, s19  }
0x9c: {  	s7 =	simm.s32 $0x0;
	s20 =	sshll.u32 s5, $0x1;
	s5 =	sadd.s32 s21, s3  }
0x9d: {  	[timem:s7], [sflag:s22] =	dma.local [hbm:s5], s20  }
0x9e: {  	_ =	swait.ge [sflag:s22], s20  }
0x9f: {  	s4 =	ssub.s32 $0x0, s20;
	[sflag:s22] =	ssyncset.done $0x0  }
0xa0: {  	[sflag:s22] =	ssyncadd.s32 s4;
	_ =	sdelay $0x1  }
0xa1: {  	s23 =	simm.s32 $0x1B8B  }
0xa2: {  	_ =	swait.ge [sflag:s23], $0x1  }
0xa3: {  	[sflag:s23] =	ssyncset.done $0x0  }
0xa4: {  	s25 =	simm.s32 $0x1B8E;
	s24 =	sld [smem:$0x3FFE];
	[sflag:s23] =	ssyncadd.s32 $0xFFFFFFFF  }
0xa5: {  	s26 =	simm.s32 $execute0_lowered;
	[smem:$0x3FD2] =	sst s25  }
0xa6: {  	s5 =	sshll.u32 s26, $0x1;
	_ =	strace $0x80000046;
	[dreg:$0x1] =	wrdreg $0xFFFFFFFF  }
0xa7: {  	s28 =	simm.s32 $_size_execute0_lowered;
	s3 =	sadd.s32 s3, s5;
	[dreg:$0x0] =	wrdreg $0x0  }
0xa8: {  	s5 =	sshll.u32 s28, $0x1;
	[dreg:$0x2] =	wrdreg s3  }
0xa9: {  	[dreg:$0x3] =	wrdreg s5  }
0xaa: {  	[dreg:$0x4] =	wrdreg $0xC0  }
0xab: {  	_ =	task [dreg:s7], $0x5FFFF  }
0xac: {  	[dreg:$0x1] =	wrdreg $0xFFFFFFFF  }
0xad: {  	[dreg:$0x0] =	wrdreg $0x60  }
0xae: {  	[dreg:$0x2] =	wrdreg s2  }
0xaf: {  	[dreg:$0x3] =	wrdreg s24  }
0xb0: {  	[dreg:$0x4] =	wrdreg $0x9  }
0xb1: {  	_ =	task.clear_ibuf [dreg:s7], $0x5FFFF;
	_ =	strace $0x90000046  }
0xb2: {  	s29 =	simm.s32 $0x9;
	_ =	strace $0x80000048  }
0xb3: {  	_ =	swait.ge [sflag:s29], $0x1  }
0xb4: {  	[sflag:s29] =	ssyncadd.s32 $0xFFFFFFFF  }
0xb5: {  	_ =	strace $0x90000048  }
0xb6: {  	_ =	sfence  }
0xb7: {  	s30 =	sld [smem:$0x0];
	_ =	sdelay $0x2  }
0xb8: {  	s31 =	sshll.u32 s1, $0xD;
	s1 =	sshrl.u32 s1, $0x2  }
0xb9: {  	s3 =	sand.u32 $0x4000, s31;
	s1 =	sadd.s32 s1, s30  }
0xba: {  	s0 =	sor.u32 s3, s0;
	s1 =	sshll.u32 s1, $0x11  }
0xbb: {  	s0 =	sor.u32 s1, s0  }
0xbc: {  	s0 =	sadd.s32 $0x8F2B, s0  }
0xbd: {  	[sflag:s0] =	ssyncadd.remote.s32 $0x1  }
0xbe: {  	_ =	sfence.sel $0xFFFF  }
0xbf: {  	[dreg:$0x0] =	wrdreg $0xFFFFFFFF;
	(pc) =	sbr.abs _section_cstart, $3  }
0xc0: {  	[dreg:$0x1] =	wrdreg $0xFFFFFFFF  }
0xc1: {  	_ =	task.clear_ibuf [dreg:s7], $0x2FFFF;
	_ =	strace $0x9FFFFFFF  }
0xc2: {  	(tm) =	ssettm $0x7FFFFFFF  }
0xc3: {  	_ =	shalt  }
tec
execute0_lowered:
.L_overlay_start_1:
0x0: {  	(tag) =	ssettag $0x1  }
0x1: {  	s0 =	rddreg [dreg:$0x0]  }
0x2: {  	s1 =	rddreg [dreg:$0x1];
	s2 =	simm.s32 $0x0;
	s3 =	srdreg.scid  }
0x3: {  	s26 =	stileid.u32;
	s19 =	simm.s32 $0x400;
	s20 =	simm.s32 $0x7A1400  }
0x4: {  	s21 =	simm.s32 $0x2000;
	s28 =	simm.s32 $0x4;
	s29 =	simm.s32 $0x5  }
0x5: {  	s30 =	simm.s32 $0x0;
	[smem:$0x7FF] =	sst s2;
	s5 =	sand.u32 $0x1, s3  }
0x6: {  	v0 =	vlaneseq.u32;
	s22 =	sadd.s32 $0xE00, s1;
	s7 =	sshll.u32 s26, $0x1;
	s4 =	sadd.s32 $0x1000, s1  }
0x7: {  	v0 =	vmul.u32 $0x80, v0;
	p1 =	sgt.u32 s26, $0x1;
	s26 =	simm.s32 $0x3;
	_ =	strace $0x80000047  }
0x8: {  	[dreg:$0x3] =	wrdreg s22;
	s6 =	ssub.s32 $0x2, s5;
	s15 =	sor.u32 s5, s7  }
0x9: {  	s22 =	simm.s32 $0x1;
	s8 =	sshrl.u32 s6, $0x1;
	s5 =	sshll.u32 s15, $0x7;
	v1 =	vor.u32 $0x800, v0  }
0xa: {  	s23 =	sor.u32 $0x20, s15;
	s7 =	sshll.u32 s15, $0xA;
	v2 =	vor.u32 $0x1000, v0;
	v3 =	vor.u32 $0x1800, v0;
	v4 =	vor.u32 $0x2, v0;
	s11 =	sor.u32 $0x40, s15  }
0xb: {  	v5 =	vor.u32 $0x802, v0;
	v6 =	vor.u32 $0x1002, v0;
	v7 =	vor.u32 $0x1802, v0;
	s12 =	sor.u32 $0x60, s15;
	s14 =	sor.u32 $0x1E80, s15;
	p0 =	sne.s32 s15, $0x4  }
0xc: {  	v8 =	vor.u32 $0x4, v0;
	v9 =	vor.u32 $0x804, v0;
	v10 =	vor.u32 $0x1004, v0;
	s16 =	ssub.s32 s6, s8;
	s5 =	sadd.s32 s0, s5;
	s24 =	sshll.u32 s23, $0x7  }
0xd: {  	v11 =	vor.u32 $0x1804, v0;
	v12 =	vor.u32 $0x6, v0;
	v13 =	vor.u32 $0x806, v0;
	s7 =	sadd.s32 s4, s7;
	s9 =	sshll.u32 s23, $0xA;
	s17 =	sshll.u32 s14, $0x7  }
0xe: {  	v14 =	vor.u32 $0x1006, v0;
	v15 =	vor.u32 $0x1806, v0;
	v16 =	vor.u32 $0x8, v0;
	s18 =	sshll.u32 s14, $0xA;
	s23 =	simm.s32 $0x4000;
	s25 =	sadd.s32 s0, s24  }
.Ltmp0:
0xf: {  	v17 =	vor.u32 $0x808, v0;
	v18 =	vor.u32 $0x1008, v0;
	v19 =	vor.u32 $0x1808, v0;
	s8 =	sadd.s32 $0x2000, s5;
	s9 =	sadd.s32 s4, s9;
	(pc) =	sbr.rel .LBB2_1-.Ltmp0, $4  }
0x10: {  	v20 =	vor.u32 $0xA, v0;
	v21 =	vor.u32 $0x80A, v0;
	v22 =	vor.u32 $0x100A, v0;
	s10 =	sadd.s32 $0x3000, s5;
	s13 =	sadd.s32 $0x4000, s5;
	s14 =	sadd.s32 $0x5000, s5  }
0x11: {  	v23 =	vor.u32 $0x180A, v0;
	v24 =	vor.u32 $0xC, v0;
	v25 =	vor.u32 $0x80C, v0;
	s0 =	sadd.s32 s0, s17;
	s31 =	sadd.s32 s4, s18;
	[dreg:$0x4] =	wrdreg s25  }
0x12: {  	v26 =	vor.u32 $0x100C, v0;
	v27 =	vor.u32 $0x180C, v0;
	v28 =	vor.u32 $0xE, v0;
	s17 =	sadd.s32 $0x7A2000, s1;
	s18 =	smax.u32 s16, $0x1;
	[dreg:$0x5] =	wrdreg s0  }
0x13: {  	v29 =	vor.u32 $0x80E, v0;
	v30 =	vor.u32 $0x100E, v0;
	v31 =	vor.u32 $0x180E, v0;
	s24 =	simm.s32 $0x2;
	[dreg:$0x6] =	wrdreg s31;
	s25 =	simm.s32 $0x6000  }
.LBB2_16:
0x14: {  	s0 =	simm.s32 @!p0 $0x0;
	s1 =	rddreg [dreg:$0x3]  }
0x15: {  	[tilespmem:s0], [sflag:$0x5] =	stream.linear.gather @!p0 [hbm4b:s1+s0], $0x1000, $0x38;
	[tilespmem:$0x8000] =	vst v63  }
0x16: {  	s1 =	simm.s32 @!p0 $0x5  }
0x17: {  	s30 =	sadd.s32 $0x1, s30;
	_ =	swait.ge @!p0 [sflag:s1], $0x1000  }
0x18: {  	p2 =	sne.s32 s30, s18;
	[sflag:s1] =	ssyncset.done @!p0 $0x0  }
.Ltmp1:
0x19: {  	[sflag:s1] =	ssyncadd.s32 @!p0 $0xFFFFF000;
	(pc) =	sbr.rel @!p2 .LBB2_17-.Ltmp1, $4  }
0x1a: {  	[hbm4b:s17+s0] =	stream.linear.scatter @!p0 [tilespmem:s0], [sflag:$0x5], $0x1000, $0x38;
	[tilespmem:$0x8000] =	vst v63  }
0x1b: {  	_ =	swait.ge @!p0 [sflag:s1], $0x1000  }
0x1c: {  	[sflag:s1] =	ssyncset.done @!p0 $0x0  }
0x1d: {  	[sflag:s1] =	ssyncadd.s32 @!p0 $0xFFFFF000  }
.LBB2_1:
0x1e: {  	[tilespmem:s2], [sflag:$0x1] =	stream.strided.gather [hbm4b:s5+s19], $0x2000, s20, s19, $0x38;
	[tilespmem:$0x8000] =	vst v63  }
0x1f: {  	s0 =	rddreg [dreg:$0x4]  }
0x20: {  	[tilespmem:s21], [sflag:$0x2] =	stream.strided.gather [hbm4b:s0+s19], $0x2000, s20, s19, $0x38;
	[tilespmem:$0x8000] =	vst v63  }
0x21: {  	_ =	swait.ge [sflag:s22], $0x2000  }
0x22: {  	[sflag:s22] =	ssyncset.done $0x0  }
0x23: {  	v32 =	vimm.s32 $0x0;
	v33 =	vimm.s32 $0x1;
	s0 =	simm.s32 $0x0;
	[sflag:s22] =	ssyncadd.s32 $0xFFFFE000  }
.LBB2_2:
0x24: {  	v43 =	vadd.s32 v0, v33  }
0x25: {  	v44 =	vadd.s32 v1, v33  }
0x26: {  	v45 =	vadd.s32 v2, v33  }
0x27: {  	v46 =	vadd.s32 v3, v33  }
0x28: {  	v51 =	vadd.s32 v4, v33  }
0x29: {  	v52 =	vadd.s32 v5, v33;
	v43 =	vld.idx.msk [tilespmem:v43+s2+$0x0], $0xffff  }
0x2a: {  	v37 =	vand.u32 $0xFFFFFF80, v32;
	v53 =	vadd.s32 v6, v33;
	v44 =	vld.idx.msk [tilespmem:v44+s2+$0x0], $0xffff  }
0x2b: {  	v38 =	vand.u32 $0x70, v32;
	v54 =	vadd.s32 v7, v33;
	v34 =	vadd.s32 v0, v37;
	v45 =	vld.idx.msk [tilespmem:v45+s2+$0x0], $0xffff  }
0x2c: {  	v35 =	vadd.s32 v1, v37;
	v39 =	vor.u32 v38, v34;
	v46 =	vld.idx.msk [tilespmem:v46+s2+$0x0], $0xffff  }
0x2d: {  	v36 =	vadd.s32 v2, v37;
	v40 =	vor.u32 v38, v35;
	v51 =	vld.idx.msk [tilespmem:v51+s2+$0x0], $0xffff  }
0x2e: {  	v37 =	vadd.s32 v3, v37;
	v41 =	vor.u32 v38, v36;
	v52 =	vld.idx.msk [tilespmem:v52+s2+$0x0], $0xffff  }
0x2f: {  	v47 =	vor.u32 $0x2, v38;
	v42 =	vor.u32 v38, v37;
	v53 =	vld.idx.msk [tilespmem:v53+s2+$0x0], $0xffff  }
0x30: {  	v48 =	vor.u32 v47, v34;
	v54 =	vld.idx.msk [tilespmem:v54+s2+$0x0], $0xffff  }
0x31: {  	v49 =	vor.u32 v47, v35;
	v39 =	vld.idx.msk [tilespmem:v39+s2+$0x0], $0xffff  }
0x32: {  	v50 =	vor.u32 v47, v36;
	v40 =	vld.idx.msk [tilespmem:v40+s2+$0x0], $0xffff  }
0x33: {  	v47 =	vor.u32 v47, v37;
	v41 =	vld.idx.msk [tilespmem:v41+s2+$0x0], $0xffff  }
0x34: {  	v42 =	vld.idx.msk [tilespmem:v42+s2+$0x0], $0xffff  }
0x35: {  	v48 =	vld.idx.msk [tilespmem:v48+s2+$0x0], $0xffff  }
0x36: {  	v49 =	vld.idx.msk [tilespmem:v49+s2+$0x0], $0xffff  }
0x37: {  	s1 =	sshra.s32 s0, $0x2;
	v50 =	vld.idx.msk [tilespmem:v50+s2+$0x0], $0xffff  }
0x38: {  	v47 =	vld.idx.msk [tilespmem:v47+s2+$0x0], $0xffff;
	[tilespmem:s1+$0x4040] =	vst v43  }
0x39: {  	[tilespmem:s1+$0x4050] =	vst v44  }
0x3a: {  	[tilespmem:s1+$0x4060] =	vst v45  }
0x3b: {  	[tilespmem:s1+$0x4070] =	vst v46  }
0x3c: {  	[tilespmem:s1+$0x40C0] =	vst v51  }
0x3d: {  	[tilespmem:s1+$0x40D0] =	vst v52  }
0x3e: {  	[tilespmem:s1+$0x40E0] =	vst v53  }
0x3f: {  	[tilespmem:s1+$0x40F0] =	vst v54  }
0x40: {  	[tilespmem:s1+$0x4000] =	vst v39  }
0x41: {  	[tilespmem:s1+$0x4010] =	vst v40  }
0x42: {  	[tilespmem:s1+$0x4020] =	vst v41  }
0x43: {  	v55 =	vadd.s32 v11, v33;
	v56 =	vor.u32 $0x6, v38;
	[tilespmem:s1+$0x4030] =	vst v42  }
0x44: {  	v57 =	vor.u32 v56, v34;
	[tilespmem:s1+$0x4080] =	vst v48  }
0x45: {  	v52 =	vadd.s32 v8, v33;
	[tilespmem:s1+$0x4090] =	vst v49  }
0x46: {  	v53 =	vadd.s32 v9, v33;
	[tilespmem:s1+$0x40A0] =	vst v50  }
0x47: {  	v54 =	vadd.s32 v10, v33;
	v48 =	vor.u32 $0x4, v38;
	[tilespmem:s1+$0x40B0] =	vst v47  }
0x48: {  	v61 =	vadd.s32 v13, v33;
	v62 =	vadd.s32 v14, v33;
	v49 =	vor.u32 v48, v34;
	v46 =	vld.idx.msk [tilespmem:v55+s2+$0x0], $0xffff  }
0x49: {  	v50 =	vor.u32 v48, v35;
	v51 =	vor.u32 v48, v36;
	v39 =	vor.u32 v48, v37;
	v48 =	vld.idx.msk [tilespmem:v57+s2+$0x0], $0xffff  }
0x4a: {  	v63 =	vadd.s32 v15, v33;
	v43 =	vld.idx.msk [tilespmem:v52+s2+$0x0], $0xffff  }
0x4b: {  	v47 =	vor.u32 v56, v37;
	v44 =	vld.idx.msk [tilespmem:v53+s2+$0x0], $0xffff  }
0x4c: {  	v45 =	vld.idx.msk [tilespmem:v54+s2+$0x0], $0xffff  }
0x4d: {  	v52 =	vld.idx.msk [tilespmem:v61+s2+$0x0], $0xffff  }
0x4e: {  	v53 =	vld.idx.msk [tilespmem:v62+s2+$0x0], $0xffff  }
0x4f: {  	v54 =	vld.idx.msk [tilespmem:v63+s2+$0x0], $0xffff  }
0x50: {  	v58 =	vor.u32 v56, v35;
	v47 =	vld.idx.msk [tilespmem:v47+s2+$0x0], $0xffff  }
0x51: {  	v59 =	vor.u32 v56, v36;
	v40 =	vld.idx.msk [tilespmem:v49+s2+$0x0], $0xffff  }
0x52: {  	v60 =	vadd.s32 v12, v33;
	v41 =	vld.idx.msk [tilespmem:v50+s2+$0x0], $0xffff  }
0x53: {  	v42 =	vld.idx.msk [tilespmem:v51+s2+$0x0], $0xffff  }
0x54: {  	v39 =	vld.idx.msk [tilespmem:v39+s2+$0x0], $0xffff  }
0x55: {  	v49 =	vld.idx.msk [tilespmem:v58+s2+$0x0], $0xffff  }
0x56: {  	v50 =	vld.idx.msk [tilespmem:v59+s2+$0x0], $0xffff  }
0x57: {  	v51 =	vld.idx.msk [tilespmem:v60+s2+$0x0], $0xffff;
	[tilespmem:s1+$0x4170] =	vst v46  }
0x58: {  	[tilespmem:s1+$0x4180] =	vst v48  }
0x59: {  	[tilespmem:s1+$0x4140] =	vst v43  }
0x5a: {  	[tilespmem:s1+$0x4150] =	vst v44  }
0x5b: {  	[tilespmem:s1+$0x4160] =	vst v45  }
0x5c: {  	[tilespmem:s1+$0x41D0] =	vst v52  }
0x5d: {  	[tilespmem:s1+$0x41E0] =	vst v53  }
0x5e: {  	[tilespmem:s1+$0x41F0] =	vst v54  }
0x5f: {  	[tilespmem:s1+$0x41B0] =	vst v47  }
0x60: {  	[tilespmem:s1+$0x4100] =	vst v40  }
0x61: {  	[tilespmem:s1+$0x4110] =	vst v41  }
0x62: {  	v56 =	vor.u32 $0xA, v38;
	v55 =	vadd.s32 v19, v33;
	[tilespmem:s1+$0x4120] =	vst v42  }
0x63: {  	v57 =	vor.u32 v56, v34;
	[tilespmem:s1+$0x4130] =	vst v39  }
0x64: {  	v52 =	vadd.s32 v16, v33;
	[tilespmem:s1+$0x4190] =	vst v49  }
0x65: {  	v53 =	vadd.s32 v17, v33;
	[tilespmem:s1+$0x41A0] =	vst v50  }
0x66: {  	v48 =	vor.u32 $0x8, v38;
	v54 =	vadd.s32 v18, v33;
	[tilespmem:s1+$0x41C0] =	vst v51  }
0x67: {  	v61 =	vadd.s32 v21, v33;
	v62 =	vadd.s32 v22, v33;
	v49 =	vor.u32 v48, v34;
	v46 =	vld.idx.msk [tilespmem:v55+s2+$0x0], $0xffff  }
0x68: {  	v50 =	vor.u32 v48, v35;
	v51 =	vor.u32 v48, v36;
	v39 =	vor.u32 v48, v37;
	v48 =	vld.idx.msk [tilespmem:v57+s2+$0x0], $0xffff  }
0x69: {  	v63 =	vadd.s32 v23, v33;
	v43 =	vld.idx.msk [tilespmem:v52+s2+$0x0], $0xffff  }
0x6a: {  	v47 =	vor.u32 v56, v37;
	v44 =	vld.idx.msk [tilespmem:v53+s2+$0x0], $0xffff  }
0x6b: {  	v45 =	vld.idx.msk [tilespmem:v54+s2+$0x0], $0xffff  }
0x6c: {  	v52 =	vld.idx.msk [tilespmem:v61+s2+$0x0], $0xffff  }
0x6d: {  	v53 =	vld.idx.msk [tilespmem:v62+s2+$0x0], $0xffff  }
0x6e: {  	v54 =	vld.idx.msk [tilespmem:v63+s2+$0x0], $0xffff  }
0x6f: {  	v58 =	vor.u32 v56, v35;
	v47 =	vld.idx.msk [tilespmem:v47+s2+$0x0], $0xffff  }
0x70: {  	v59 =	vor.u32 v56, v36;
	v40 =	vld.idx.msk [tilespmem:v49+s2+$0x0], $0xffff  }
0x71: {  	v60 =	vadd.s32 v20, v33;
	v41 =	vld.idx.msk [tilespmem:v50+s2+$0x0], $0xffff  }
0x72: {  	v42 =	vld.idx.msk [tilespmem:v51+s2+$0x0], $0xffff  }
0x73: {  	v39 =	vld.idx.msk [tilespmem:v39+s2+$0x0], $0xffff  }
0x74: {  	v49 =	vld.idx.msk [tilespmem:v58+s2+$0x0], $0xffff  }
0x75: {  	v50 =	vld.idx.msk [tilespmem:v59+s2+$0x0], $0xffff  }
0x76: {  	v51 =	vld.idx.msk [tilespmem:v60+s2+$0x0], $0xffff;
	[tilespmem:s1+$0x4270] =	vst v46  }
0x77: {  	[tilespmem:s1+$0x4280] =	vst v48  }
0x78: {  	[tilespmem:s1+$0x4240] =	vst v43  }
0x79: {  	[tilespmem:s1+$0x4250] =	vst v44  }
0x7a: {  	[tilespmem:s1+$0x4260] =	vst v45  }
0x7b: {  	[tilespmem:s1+$0x42D0] =	vst v52  }
0x7c: {  	[tilespmem:s1+$0x42E0] =	vst v53  }
0x7d: {  	[tilespmem:s1+$0x42F0] =	vst v54  }
0x7e: {  	[tilespmem:s1+$0x42B0] =	vst v47  }
0x7f: {  	[tilespmem:s1+$0x4200] =	vst v40  }
0x80: {  	[tilespmem:s1+$0x4210] =	vst v41  }
0x81: {  	v55 =	vadd.s32 v24, v33;
	[tilespmem:s1+$0x4220] =	vst v42  }
0x82: {  	v56 =	vadd.s32 v25, v33;
	[tilespmem:s1+$0x4230] =	vst v39  }
0x83: {  	v57 =	vadd.s32 v26, v33;
	[tilespmem:s1+$0x4290] =	vst v49  }
0x84: {  	v58 =	vadd.s32 v27, v33;
	[tilespmem:s1+$0x42A0] =	vst v50  }
0x85: {  	v60 =	vadd.s32 v28, v33;
	[tilespmem:s1+$0x42C0] =	vst v51  }
0x86: {  	v61 =	vadd.s32 v29, v33;
	v43 =	vld.idx.msk [tilespmem:v55+s2+$0x0], $0xffff  }
0x87: {  	v62 =	vadd.s32 v30, v33;
	v44 =	vld.idx.msk [tilespmem:v56+s2+$0x0], $0xffff  }
0x88: {  	v63 =	vadd.s32 v31, v33;
	v49 =	vor.u32 $0xC, v38;
	v45 =	vld.idx.msk [tilespmem:v57+s2+$0x0], $0xffff  }
0x89: {  	v50 =	vor.u32 v49, v34;
	v59 =	vld.idx.msk [tilespmem:v58+s2+$0x0], $0xffff  }
0x8a: {  	v51 =	vor.u32 v49, v35;
	v46 =	vld.idx.msk [tilespmem:v60+s2+$0x0], $0xffff  }
0x8b: {  	v52 =	vor.u32 v49, v36;
	v47 =	vld.idx.msk [tilespmem:v61+s2+$0x0], $0xffff  }
0x8c: {  	v38 =	vor.u32 $0xE, v38;
	v39 =	vor.u32 v49, v37;
	v48 =	vld.idx.msk [tilespmem:v62+s2+$0x0], $0xffff  }
0x8d: {  	v34 =	vor.u32 v38, v34;
	v49 =	vld.idx.msk [tilespmem:v63+s2+$0x0], $0xffff  }
0x8e: {  	v35 =	vor.u32 v38, v35;
	v40 =	vld.idx.msk [tilespmem:v50+s2+$0x0], $0xffff  }
0x8f: {  	v36 =	vor.u32 v38, v36;
	v41 =	vld.idx.msk [tilespmem:v51+s2+$0x0], $0xffff  }
0x90: {  	v37 =	vor.u32 v38, v37;
	v42 =	vld.idx.msk [tilespmem:v52+s2+$0x0], $0xffff  }
0x91: {  	v39 =	vld.idx.msk [tilespmem:v39+s2+$0x0], $0xffff  }
0x92: {  	v34 =	vld.idx.msk [tilespmem:v34+s2+$0x0], $0xffff  }
0x93: {  	v35 =	vld.idx.msk [tilespmem:v35+s2+$0x0], $0xffff  }
0x94: {  	v36 =	vld.idx.msk [tilespmem:v36+s2+$0x0], $0xffff  }
0x95: {  	v37 =	vld.idx.msk [tilespmem:v37+s2+$0x0], $0xffff;
	[tilespmem:s1+$0x4340] =	vst v43  }
0x96: {  	[tilespmem:s1+$0x4350] =	vst v44  }
0x97: {  	[tilespmem:s1+$0x4360] =	vst v45  }
0x98: {  	[tilespmem:s1+$0x4370] =	vst v59  }
0x99: {  	[tilespmem:s1+$0x43C0] =	vst v46  }
0x9a: {  	[tilespmem:s1+$0x43D0] =	vst v47  }
0x9b: {  	[tilespmem:s1+$0x43E0] =	vst v48  }
0x9c: {  	[tilespmem:s1+$0x43F0] =	vst v49  }
0x9d: {  	[tilespmem:s1+$0x4300] =	vst v40  }
0x9e: {  	[tilespmem:s1+$0x4310] =	vst v41  }
0x9f: {  	p2 =	sne.s32 s0, $0x7000;
	[tilespmem:s1+$0x4320] =	vst v42  }
.Ltmp2:
0xa0: {  	[tilespmem:s1+$0x4330] =	vst v39;
	(pc) =	sbr.rel @p2 .LBB2_2-.Ltmp2, $4  }
0xa1: {  	[tilespmem:s1+$0x4380] =	vst v34  }
0xa2: {  	[tilespmem:s1+$0x4390] =	vst v35  }
0xa3: {  	[tilespmem:s1+$0x43A0] =	vst v36  }
0xa4: {  	v32 =	vadd.s32 $0x10, v32;
	s0 =	sadd.s32 $0x1000, s0;
	v33 =	vadd.s32 $0x10, v33;
	[tilespmem:s1+$0x43B0] =	vst v37  }
0xa5: {  	s0 =	simm.s32 $0x0  }
0xa6: {  	[hbm4b:s7+s0] =	stream.linear.scatter [tilespmem:s23], [sflag:$0x3], $0x2000, $0x38;
	[tilespmem:$0x8000] =	vst v63  }
0xa7: {  	_ = 	snop  }
0xa8: {  	[tilespmem:s0], [sflag:$0x1] =	stream.strided.gather [hbm4b:s8+s19], $0x2000, s20, s19, $0x38;
	[tilespmem:$0x8000] =	vst v63  }
0xa9: {  	_ =	swait.ge [sflag:s24], $0x2000  }
0xaa: {  	[sflag:s24] =	ssyncset.done $0x0  }
0xab: {  	v32 =	vimm.s32 $0x0;
	v33 =	vimm.s32 $0x1;
	[sflag:s24] =	ssyncadd.s32 $0xFFFFE000  }
.LBB2_4:
0xac: {  	v43 =	vadd.s32 v0, v33  }
0xad: {  	v44 =	vadd.s32 v1, v33  }
0xae: {  	v45 =	vadd.s32 v2, v33  }
0xaf: {  	v46 =	vadd.s32 v3, v33  }
0xb0: {  	v51 =	vadd.s32 v4, v33  }
0xb1: {  	v52 =	vadd.s32 v5, v33;
	v43 =	vld.idx.msk [tilespmem:v43+s21+$0x0], $0xffff  }
0xb2: {  	v37 =	vand.u32 $0xFFFFFF80, v32;
	v53 =	vadd.s32 v6, v33;
	v44 =	vld.idx.msk [tilespmem:v44+s21+$0x0], $0xffff  }
0xb3: {  	v38 =	vand.u32 $0x70, v32;
	v54 =	vadd.s32 v7, v33;
	v34 =	vadd.s32 v0, v37;
	v45 =	vld.idx.msk [tilespmem:v45+s21+$0x0], $0xffff  }
0xb4: {  	v35 =	vadd.s32 v1, v37;
	v39 =	vor.u32 v38, v34;
	v46 =	vld.idx.msk [tilespmem:v46+s21+$0x0], $0xffff  }
0xb5: {  	v36 =	vadd.s32 v2, v37;
	v40 =	vor.u32 v38, v35;
	v51 =	vld.idx.msk [tilespmem:v51+s21+$0x0], $0xffff  }
0xb6: {  	v37 =	vadd.s32 v3, v37;
	v41 =	vor.u32 v38, v36;
	v52 =	vld.idx.msk [tilespmem:v52+s21+$0x0], $0xffff  }
0xb7: {  	v47 =	vor.u32 $0x2, v38;
	v42 =	vor.u32 v38, v37;
	v53 =	vld.idx.msk [tilespmem:v53+s21+$0x0], $0xffff  }
0xb8: {  	v48 =	vor.u32 v47, v34;
	v54 =	vld.idx.msk [tilespmem:v54+s21+$0x0], $0xffff  }
0xb9: {  	v49 =	vor.u32 v47, v35;
	v39 =	vld.idx.msk [tilespmem:v39+s21+$0x0], $0xffff  }
0xba: {  	v50 =	vor.u32 v47, v36;
	v40 =	vld.idx.msk [tilespmem:v40+s21+$0x0], $0xffff  }
0xbb: {  	v47 =	vor.u32 v47, v37;
	v41 =	vld.idx.msk [tilespmem:v41+s21+$0x0], $0xffff  }
0xbc: {  	v42 =	vld.idx.msk [tilespmem:v42+s21+$0x0], $0xffff  }
0xbd: {  	v48 =	vld.idx.msk [tilespmem:v48+s21+$0x0], $0xffff  }
0xbe: {  	v49 =	vld.idx.msk [tilespmem:v49+s21+$0x0], $0xffff  }
0xbf: {  	s1 =	sshra.s32 s0, $0x2;
	v50 =	vld.idx.msk [tilespmem:v50+s21+$0x0], $0xffff  }
0xc0: {  	v47 =	vld.idx.msk [tilespmem:v47+s21+$0x0], $0xffff;
	[tilespmem:s1+$0x6040] =	vst v43  }
0xc1: {  	[tilespmem:s1+$0x6050] =	vst v44  }
0xc2: {  	[tilespmem:s1+$0x6060] =	vst v45  }
0xc3: {  	[tilespmem:s1+$0x6070] =	vst v46  }
0xc4: {  	[tilespmem:s1+$0x60C0] =	vst v51  }
0xc5: {  	[tilespmem:s1+$0x60D0] =	vst v52  }
0xc6: {  	[tilespmem:s1+$0x60E0] =	vst v53  }
0xc7: {  	[tilespmem:s1+$0x60F0] =	vst v54  }
0xc8: {  	[tilespmem:s1+$0x6000] =	vst v39  }
0xc9: {  	[tilespmem:s1+$0x6010] =	vst v40  }
0xca: {  	[tilespmem:s1+$0x6020] =	vst v41  }
0xcb: {  	v55 =	vadd.s32 v11, v33;
	v56 =	vor.u32 $0x6, v38;
	[tilespmem:s1+$0x6030] =	vst v42  }
0xcc: {  	v57 =	vor.u32 v56, v34;
	[tilespmem:s1+$0x6080] =	vst v48  }
0xcd: {  	v52 =	vadd.s32 v8, v33;
	[tilespmem:s1+$0x6090] =	vst v49  }
0xce: {  	v53 =	vadd.s32 v9, v33;
	[tilespmem:s1+$0x60A0] =	vst v50  }
0xcf: {  	v54 =	vadd.s32 v10, v33;
	v48 =	vor.u32 $0x4, v38;
	[tilespmem:s1+$0x60B0] =	vst v47  }
0xd0: {  	v61 =	vadd.s32 v13, v33;
	v62 =	vadd.s32 v14, v33;
	v49 =	vor.u32 v48, v34;
	v46 =	vld.idx.msk [tilespmem:v55+s21+$0x0], $0xffff  }
0xd1: {  	v50 =	vor.u32 v48, v35;
	v51 =	vor.u32 v48, v36;
	v39 =	vor.u32 v48, v37;
	v48 =	vld.idx.msk [tilespmem:v57+s21+$0x0], $0xffff  }
0xd2: {  	v63 =	vadd.s32 v15, v33;
	v43 =	vld.idx.msk [tilespmem:v52+s21+$0x0], $0xffff  }
0xd3: {  	v47 =	vor.u32 v56, v37;
	v44 =	vld.idx.msk [tilespmem:v53+s21+$0x0], $0xffff  }
0xd4: {  	v45 =	vld.idx.msk [tilespmem:v54+s21+$0x0], $0xffff  }
0xd5: {  	v52 =	vld.idx.msk [tilespmem:v61+s21+$0x0], $0xffff  }
0xd6: {  	v53 =	vld.idx.msk [tilespmem:v62+s21+$0x0], $0xffff  }
0xd7: {  	v54 =	vld.idx.msk [tilespmem:v63+s21+$0x0], $0xffff  }
0xd8: {  	v58 =	vor.u32 v56, v35;
	v47 =	vld.idx.msk [tilespmem:v47+s21+$0x0], $0xffff  }
0xd9: {  	v59 =	vor.u32 v56, v36;
	v40 =	vld.idx.msk [tilespmem:v49+s21+$0x0], $0xffff  }
0xda: {  	v60 =	vadd.s32 v12, v33;
	v41 =	vld.idx.msk [tilespmem:v50+s21+$0x0], $0xffff  }
0xdb: {  	v42 =	vld.idx.msk [tilespmem:v51+s21+$0x0], $0xffff  }
0xdc: {  	v39 =	vld.idx.msk [tilespmem:v39+s21+$0x0], $0xffff  }
0xdd: {  	v49 =	vld.idx.msk [tilespmem:v58+s21+$0x0], $0xffff  }
0xde: {  	v50 =	vld.idx.msk [tilespmem:v59+s21+$0x0], $0xffff  }
0xdf: {  	v51 =	vld.idx.msk [tilespmem:v60+s21+$0x0], $0xffff;
	[tilespmem:s1+$0x6170] =	vst v46  }
0xe0: {  	[tilespmem:s1+$0x6180] =	vst v48  }
0xe1: {  	[tilespmem:s1+$0x6140] =	vst v43  }
0xe2: {  	[tilespmem:s1+$0x6150] =	vst v44  }
0xe3: {  	[tilespmem:s1+$0x6160] =	vst v45  }
0xe4: {  	[tilespmem:s1+$0x61D0] =	vst v52  }
0xe5: {  	[tilespmem:s1+$0x61E0] =	vst v53  }
0xe6: {  	[tilespmem:s1+$0x61F0] =	vst v54  }
0xe7: {  	[tilespmem:s1+$0x61B0] =	vst v47  }
0xe8: {  	[tilespmem:s1+$0x6100] =	vst v40  }
0xe9: {  	[tilespmem:s1+$0x6110] =	vst v41  }
0xea: {  	v56 =	vor.u32 $0xA, v38;
	v55 =	vadd.s32 v19, v33;
	[tilespmem:s1+$0x6120] =	vst v42  }
0xeb: {  	v57 =	vor.u32 v56, v34;
	[tilespmem:s1+$0x6130] =	vst v39  }
0xec: {  	v52 =	vadd.s32 v16, v33;
	[tilespmem:s1+$0x6190] =	vst v49  }
0xed: {  	v53 =	vadd.s32 v17, v33;
	[tilespmem:s1+$0x61A0] =	vst v50  }
0xee: {  	v48 =	vor.u32 $0x8, v38;
	v54 =	vadd.s32 v18, v33;
	[tilespmem:s1+$0x61C0] =	vst v51  }
0xef: {  	v61 =	vadd.s32 v21, v33;
	v62 =	vadd.s32 v22, v33;
	v49 =	vor.u32 v48, v34;
	v46 =	vld.idx.msk [tilespmem:v55+s21+$0x0], $0xffff  }
0xf0: {  	v50 =	vor.u32 v48, v35;
	v51 =	vor.u32 v48, v36;
	v39 =	vor.u32 v48, v37;
	v48 =	vld.idx.msk [tilespmem:v57+s21+$0x0], $0xffff  }
0xf1: {  	v63 =	vadd.s32 v23, v33;
	v43 =	vld.idx.msk [tilespmem:v52+s21+$0x0], $0xffff  }
0xf2: {  	v47 =	vor.u32 v56, v37;
	v44 =	vld.idx.msk [tilespmem:v53+s21+$0x0], $0xffff  }
0xf3: {  	v45 =	vld.idx.msk [tilespmem:v54+s21+$0x0], $0xffff  }
0xf4: {  	v52 =	vld.idx.msk [tilespmem:v61+s21+$0x0], $0xffff  }
0xf5: {  	v53 =	vld.idx.msk [tilespmem:v62+s21+$0x0], $0xffff  }
0xf6: {  	v54 =	vld.idx.msk [tilespmem:v63+s21+$0x0], $0xffff  }
0xf7: {  	v58 =	vor.u32 v56, v35;
	v47 =	vld.idx.msk [tilespmem:v47+s21+$0x0], $0xffff  }
0xf8: {  	v59 =	vor.u32 v56, v36;
	v40 =	vld.idx.msk [tilespmem:v49+s21+$0x0], $0xffff  }
0xf9: {  	v60 =	vadd.s32 v20, v33;
	v41 =	vld.idx.msk [tilespmem:v50+s21+$0x0], $0xffff  }
0xfa: {  	v42 =	vld.idx.msk [tilespmem:v51+s21+$0x0], $0xffff  }
0xfb: {  	v39 =	vld.idx.msk [tilespmem:v39+s21+$0x0], $0xffff  }
0xfc: {  	v49 =	vld.idx.msk [tilespmem:v58+s21+$0x0], $0xffff  }
0xfd: {  	v50 =	vld.idx.msk [tilespmem:v59+s21+$0x0], $0xffff  }
0xfe: {  	v51 =	vld.idx.msk [tilespmem:v60+s21+$0x0], $0xffff;
	[tilespmem:s1+$0x6270] =	vst v46  }
0xff: {  	[tilespmem:s1+$0x6280] =	vst v48  }
0x100: {  	[tilespmem:s1+$0x6240] =	vst v43  }
0x101: {  	[tilespmem:s1+$0x6250] =	vst v44  }
0x102: {  	[tilespmem:s1+$0x6260] =	vst v45  }
0x103: {  	[tilespmem:s1+$0x62D0] =	vst v52  }
0x104: {  	[tilespmem:s1+$0x62E0] =	vst v53  }
0x105: {  	[tilespmem:s1+$0x62F0] =	vst v54  }
0x106: {  	[tilespmem:s1+$0x62B0] =	vst v47  }
0x107: {  	[tilespmem:s1+$0x6200] =	vst v40  }
0x108: {  	[tilespmem:s1+$0x6210] =	vst v41  }
0x109: {  	v55 =	vadd.s32 v24, v33;
	[tilespmem:s1+$0x6220] =	vst v42  }
0x10a: {  	v56 =	vadd.s32 v25, v33;
	[tilespmem:s1+$0x6230] =	vst v39  }
0x10b: {  	v57 =	vadd.s32 v26, v33;
	[tilespmem:s1+$0x6290] =	vst v49  }
0x10c: {  	v58 =	vadd.s32 v27, v33;
	[tilespmem:s1+$0x62A0] =	vst v50  }
0x10d: {  	v60 =	vadd.s32 v28, v33;
	[tilespmem:s1+$0x62C0] =	vst v51  }
0x10e: {  	v61 =	vadd.s32 v29, v33;
	v43 =	vld.idx.msk [tilespmem:v55+s21+$0x0], $0xffff  }
0x10f: {  	v62 =	vadd.s32 v30, v33;
	v44 =	vld.idx.msk [tilespmem:v56+s21+$0x0], $0xffff  }
0x110: {  	v63 =	vadd.s32 v31, v33;
	v49 =	vor.u32 $0xC, v38;
	v45 =	vld.idx.msk [tilespmem:v57+s21+$0x0], $0xffff  }
0x111: {  	v50 =	vor.u32 v49, v34;
	v59 =	vld.idx.msk [tilespmem:v58+s21+$0x0], $0xffff  }
0x112: {  	v51 =	vor.u32 v49, v35;
	v46 =	vld.idx.msk [tilespmem:v60+s21+$0x0], $0xffff  }
0x113: {  	v52 =	vor.u32 v49, v36;
	v47 =	vld.idx.msk [tilespmem:v61+s21+$0x0], $0xffff  }
0x114: {  	v38 =	vor.u32 $0xE, v38;
	v39 =	vor.u32 v49, v37;
	v48 =	vld.idx.msk [tilespmem:v62+s21+$0x0], $0xffff  }
0x115: {  	v34 =	vor.u32 v38, v34;
	v49 =	vld.idx.msk [tilespmem:v63+s21+$0x0], $0xffff  }
0x116: {  	v35 =	vor.u32 v38, v35;
	v40 =	vld.idx.msk [tilespmem:v50+s21+$0x0], $0xffff  }
0x117: {  	v36 =	vor.u32 v38, v36;
	v41 =	vld.idx.msk [tilespmem:v51+s21+$0x0], $0xffff  }
0x118: {  	v37 =	vor.u32 v38, v37;
	v42 =	vld.idx.msk [tilespmem:v52+s21+$0x0], $0xffff  }
0x119: {  	v39 =	vld.idx.msk [tilespmem:v39+s21+$0x0], $0xffff  }
0x11a: {  	v34 =	vld.idx.msk [tilespmem:v34+s21+$0x0], $0xffff  }
0x11b: {  	v35 =	vld.idx.msk [tilespmem:v35+s21+$0x0], $0xffff  }
0x11c: {  	v36 =	vld.idx.msk [tilespmem:v36+s21+$0x0], $0xffff  }
0x11d: {  	v37 =	vld.idx.msk [tilespmem:v37+s21+$0x0], $0xffff;
	[tilespmem:s1+$0x6340] =	vst v43  }
0x11e: {  	[tilespmem:s1+$0x6350] =	vst v44  }
0x11f: {  	[tilespmem:s1+$0x6360] =	vst v45  }
0x120: {  	[tilespmem:s1+$0x6370] =	vst v59  }
0x121: {  	[tilespmem:s1+$0x63C0] =	vst v46  }
0x122: {  	[tilespmem:s1+$0x63D0] =	vst v47  }
0x123: {  	[tilespmem:s1+$0x63E0] =	vst v48  }
0x124: {  	[tilespmem:s1+$0x63F0] =	vst v49  }
0x125: {  	[tilespmem:s1+$0x6300] =	vst v40  }
0x126: {  	[tilespmem:s1+$0x6310] =	vst v41  }
0x127: {  	p2 =	sne.s32 s0, $0x7000;
	[tilespmem:s1+$0x6320] =	vst v42  }
.Ltmp3:
0x128: {  	[tilespmem:s1+$0x6330] =	vst v39;
	(pc) =	sbr.rel @p2 .LBB2_4-.Ltmp3, $4  }
0x129: {  	[tilespmem:s1+$0x6380] =	vst v34  }
0x12a: {  	[tilespmem:s1+$0x6390] =	vst v35  }
0x12b: {  	[tilespmem:s1+$0x63A0] =	vst v36  }
0x12c: {  	v32 =	vadd.s32 $0x10, v32;
	s0 =	sadd.s32 $0x1000, s0;
	v33 =	vadd.s32 $0x10, v33;
	[tilespmem:s1+$0x63B0] =	vst v37  }
0x12d: {  	s31 =	simm.s32 $0x0  }
0x12e: {  	[hbm4b:s9+s31] =	stream.linear.scatter [tilespmem:s25], [sflag:$0x4], $0x2000, $0x38;
	[tilespmem:$0x8000] =	vst v63  }
0x12f: {  	_ = 	snop  }
0x130: {  	[tilespmem:s21], [sflag:$0x2] =	stream.strided.gather [hbm4b:s10+s19], $0x2000, s20, s19, $0x38;
	[tilespmem:$0x8000] =	vst v63  }
.LBB2_6:
0x131: {  	_ =	swait.ge [sflag:s22], $0x2000  }
0x132: {  	[sflag:s22] =	ssyncset.done $0x0  }
0x133: {  	[sflag:s22] =	ssyncadd.s32 $0xFFFFE000  }
0x134: {  	_ =	swait.ge [sflag:s26], $0x2000  }
0x135: {  	[sflag:s26] =	ssyncset.done $0x0  }
0x136: {  	v32 =	vimm.s32 $0x0;
	v33 =	vimm.s32 $0x1;
	s0 =	simm.s32 $0x0;
	[sflag:s26] =	ssyncadd.s32 $0xFFFFE000  }
.LBB2_7:
0x137: {  	v43 =	vadd.s32 v0, v33  }
0x138: {  	v44 =	vadd.s32 v1, v33  }
0x139: {  	v45 =	vadd.s32 v2, v33  }
0x13a: {  	v46 =	vadd.s32 v3, v33  }
0x13b: {  	v51 =	vadd.s32 v4, v33  }
0x13c: {  	v52 =	vadd.s32 v5, v33;
	v43 =	vld.idx.msk [tilespmem:v43+s2+$0x0], $0xffff  }
0x13d: {  	v37 =	vand.u32 $0xFFFFFF80, v32;
	v53 =	vadd.s32 v6, v33;
	v44 =	vld.idx.msk [tilespmem:v44+s2+$0x0], $0xffff  }
0x13e: {  	v38 =	vand.u32 $0x70, v32;
	v54 =	vadd.s32 v7, v33;
	v34 =	vadd.s32 v0, v37;
	v45 =	vld.idx.msk [tilespmem:v45+s2+$0x0], $0xffff  }
0x13f: {  	v35 =	vadd.s32 v1, v37;
	v39 =	vor.u32 v38, v34;
	v46 =	vld.idx.msk [tilespmem:v46+s2+$0x0], $0xffff  }
0x140: {  	v36 =	vadd.s32 v2, v37;
	v40 =	vor.u32 v38, v35;
	v51 =	vld.idx.msk [tilespmem:v51+s2+$0x0], $0xffff  }
0x141: {  	v37 =	vadd.s32 v3, v37;
	v41 =	vor.u32 v38, v36;
	v52 =	vld.idx.msk [tilespmem:v52+s2+$0x0], $0xffff  }
0x142: {  	v47 =	vor.u32 $0x2, v38;
	v42 =	vor.u32 v38, v37;
	v53 =	vld.idx.msk [tilespmem:v53+s2+$0x0], $0xffff  }
0x143: {  	v48 =	vor.u32 v47, v34;
	v54 =	vld.idx.msk [tilespmem:v54+s2+$0x0], $0xffff  }
0x144: {  	v49 =	vor.u32 v47, v35;
	v39 =	vld.idx.msk [tilespmem:v39+s2+$0x0], $0xffff  }
0x145: {  	v50 =	vor.u32 v47, v36;
	v40 =	vld.idx.msk [tilespmem:v40+s2+$0x0], $0xffff  }
0x146: {  	v47 =	vor.u32 v47, v37;
	v41 =	vld.idx.msk [tilespmem:v41+s2+$0x0], $0xffff  }
0x147: {  	v42 =	vld.idx.msk [tilespmem:v42+s2+$0x0], $0xffff  }
0x148: {  	v48 =	vld.idx.msk [tilespmem:v48+s2+$0x0], $0xffff  }
0x149: {  	v49 =	vld.idx.msk [tilespmem:v49+s2+$0x0], $0xffff  }
0x14a: {  	s1 =	sshra.s32 s0, $0x2;
	v50 =	vld.idx.msk [tilespmem:v50+s2+$0x0], $0xffff  }
0x14b: {  	v47 =	vld.idx.msk [tilespmem:v47+s2+$0x0], $0xffff;
	[tilespmem:s1+$0x4040] =	vst v43  }
0x14c: {  	[tilespmem:s1+$0x4050] =	vst v44  }
0x14d: {  	[tilespmem:s1+$0x4060] =	vst v45  }
0x14e: {  	[tilespmem:s1+$0x4070] =	vst v46  }
0x14f: {  	[tilespmem:s1+$0x40C0] =	vst v51  }
0x150: {  	[tilespmem:s1+$0x40D0] =	vst v52  }
0x151: {  	[tilespmem:s1+$0x40E0] =	vst v53  }
0x152: {  	[tilespmem:s1+$0x40F0] =	vst v54  }
0x153: {  	[tilespmem:s1+$0x4000] =	vst v39  }
0x154: {  	[tilespmem:s1+$0x4010] =	vst v40  }
0x155: {  	[tilespmem:s1+$0x4020] =	vst v41  }
0x156: {  	v55 =	vadd.s32 v11, v33;
	v56 =	vor.u32 $0x6, v38;
	[tilespmem:s1+$0x4030] =	vst v42  }
0x157: {  	v57 =	vor.u32 v56, v34;
	[tilespmem:s1+$0x4080] =	vst v48  }
0x158: {  	v52 =	vadd.s32 v8, v33;
	[tilespmem:s1+$0x4090] =	vst v49  }
0x159: {  	v53 =	vadd.s32 v9, v33;
	[tilespmem:s1+$0x40A0] =	vst v50  }
0x15a: {  	v54 =	vadd.s32 v10, v33;
	v48 =	vor.u32 $0x4, v38;
	[tilespmem:s1+$0x40B0] =	vst v47  }
0x15b: {  	v61 =	vadd.s32 v13, v33;
	v62 =	vadd.s32 v14, v33;
	v49 =	vor.u32 v48, v34;
	v46 =	vld.idx.msk [tilespmem:v55+s2+$0x0], $0xffff  }
0x15c: {  	v50 =	vor.u32 v48, v35;
	v51 =	vor.u32 v48, v36;
	v39 =	vor.u32 v48, v37;
	v48 =	vld.idx.msk [tilespmem:v57+s2+$0x0], $0xffff  }
0x15d: {  	v63 =	vadd.s32 v15, v33;
	v43 =	vld.idx.msk [tilespmem:v52+s2+$0x0], $0xffff  }
0x15e: {  	v47 =	vor.u32 v56, v37;
	v44 =	vld.idx.msk [tilespmem:v53+s2+$0x0], $0xffff  }
0x15f: {  	v45 =	vld.idx.msk [tilespmem:v54+s2+$0x0], $0xffff  }
0x160: {  	v52 =	vld.idx.msk [tilespmem:v61+s2+$0x0], $0xffff  }
0x161: {  	v53 =	vld.idx.msk [tilespmem:v62+s2+$0x0], $0xffff  }
0x162: {  	v54 =	vld.idx.msk [tilespmem:v63+s2+$0x0], $0xffff  }
0x163: {  	v58 =	vor.u32 v56, v35;
	v47 =	vld.idx.msk [tilespmem:v47+s2+$0x0], $0xffff  }
0x164: {  	v59 =	vor.u32 v56, v36;
	v40 =	vld.idx.msk [tilespmem:v49+s2+$0x0], $0xffff  }
0x165: {  	v60 =	vadd.s32 v12, v33;
	v41 =	vld.idx.msk [tilespmem:v50+s2+$0x0], $0xffff  }
0x166: {  	v42 =	vld.idx.msk [tilespmem:v51+s2+$0x0], $0xffff  }
0x167: {  	v39 =	vld.idx.msk [tilespmem:v39+s2+$0x0], $0xffff  }
0x168: {  	v49 =	vld.idx.msk [tilespmem:v58+s2+$0x0], $0xffff  }
0x169: {  	v50 =	vld.idx.msk [tilespmem:v59+s2+$0x0], $0xffff  }
0x16a: {  	v51 =	vld.idx.msk [tilespmem:v60+s2+$0x0], $0xffff;
	[tilespmem:s1+$0x4170] =	vst v46  }
0x16b: {  	[tilespmem:s1+$0x4180] =	vst v48  }
0x16c: {  	[tilespmem:s1+$0x4140] =	vst v43  }
0x16d: {  	[tilespmem:s1+$0x4150] =	vst v44  }
0x16e: {  	[tilespmem:s1+$0x4160] =	vst v45  }
0x16f: {  	[tilespmem:s1+$0x41D0] =	vst v52  }
0x170: {  	[tilespmem:s1+$0x41E0] =	vst v53  }
0x171: {  	[tilespmem:s1+$0x41F0] =	vst v54  }
0x172: {  	[tilespmem:s1+$0x41B0] =	vst v47  }
0x173: {  	[tilespmem:s1+$0x4100] =	vst v40  }
0x174: {  	[tilespmem:s1+$0x4110] =	vst v41  }
0x175: {  	v56 =	vor.u32 $0xA, v38;
	v55 =	vadd.s32 v19, v33;
	[tilespmem:s1+$0x4120] =	vst v42  }
0x176: {  	v57 =	vor.u32 v56, v34;
	[tilespmem:s1+$0x4130] =	vst v39  }
0x177: {  	v52 =	vadd.s32 v16, v33;
	[tilespmem:s1+$0x4190] =	vst v49  }
0x178: {  	v53 =	vadd.s32 v17, v33;
	[tilespmem:s1+$0x41A0] =	vst v50  }
0x179: {  	v48 =	vor.u32 $0x8, v38;
	v54 =	vadd.s32 v18, v33;
	[tilespmem:s1+$0x41C0] =	vst v51  }
0x17a: {  	v61 =	vadd.s32 v21, v33;
	v62 =	vadd.s32 v22, v33;
	v49 =	vor.u32 v48, v34;
	v46 =	vld.idx.msk [tilespmem:v55+s2+$0x0], $0xffff  }
0x17b: {  	v50 =	vor.u32 v48, v35;
	v51 =	vor.u32 v48, v36;
	v39 =	vor.u32 v48, v37;
	v48 =	vld.idx.msk [tilespmem:v57+s2+$0x0], $0xffff  }
0x17c: {  	v63 =	vadd.s32 v23, v33;
	v43 =	vld.idx.msk [tilespmem:v52+s2+$0x0], $0xffff  }
0x17d: {  	v47 =	vor.u32 v56, v37;
	v44 =	vld.idx.msk [tilespmem:v53+s2+$0x0], $0xffff  }
0x17e: {  	v45 =	vld.idx.msk [tilespmem:v54+s2+$0x0], $0xffff  }
0x17f: {  	v52 =	vld.idx.msk [tilespmem:v61+s2+$0x0], $0xffff  }
0x180: {  	v53 =	vld.idx.msk [tilespmem:v62+s2+$0x0], $0xffff  }
0x181: {  	v54 =	vld.idx.msk [tilespmem:v63+s2+$0x0], $0xffff  }
0x182: {  	v58 =	vor.u32 v56, v35;
	v47 =	vld.idx.msk [tilespmem:v47+s2+$0x0], $0xffff  }
0x183: {  	v59 =	vor.u32 v56, v36;
	v40 =	vld.idx.msk [tilespmem:v49+s2+$0x0], $0xffff  }
0x184: {  	v60 =	vadd.s32 v20, v33;
	v41 =	vld.idx.msk [tilespmem:v50+s2+$0x0], $0xffff  }
0x185: {  	v42 =	vld.idx.msk [tilespmem:v51+s2+$0x0], $0xffff  }
0x186: {  	v39 =	vld.idx.msk [tilespmem:v39+s2+$0x0], $0xffff  }
0x187: {  	v49 =	vld.idx.msk [tilespmem:v58+s2+$0x0], $0xffff  }
0x188: {  	v50 =	vld.idx.msk [tilespmem:v59+s2+$0x0], $0xffff  }
0x189: {  	v51 =	vld.idx.msk [tilespmem:v60+s2+$0x0], $0xffff;
	[tilespmem:s1+$0x4270] =	vst v46  }
0x18a: {  	[tilespmem:s1+$0x4280] =	vst v48  }
0x18b: {  	[tilespmem:s1+$0x4240] =	vst v43  }
0x18c: {  	[tilespmem:s1+$0x4250] =	vst v44  }
0x18d: {  	[tilespmem:s1+$0x4260] =	vst v45  }
0x18e: {  	[tilespmem:s1+$0x42D0] =	vst v52  }
0x18f: {  	[tilespmem:s1+$0x42E0] =	vst v53  }
0x190: {  	[tilespmem:s1+$0x42F0] =	vst v54  }
0x191: {  	[tilespmem:s1+$0x42B0] =	vst v47  }
0x192: {  	[tilespmem:s1+$0x4200] =	vst v40  }
0x193: {  	[tilespmem:s1+$0x4210] =	vst v41  }
0x194: {  	v55 =	vadd.s32 v24, v33;
	[tilespmem:s1+$0x4220] =	vst v42  }
0x195: {  	v56 =	vadd.s32 v25, v33;
	[tilespmem:s1+$0x4230] =	vst v39  }
0x196: {  	v57 =	vadd.s32 v26, v33;
	[tilespmem:s1+$0x4290] =	vst v49  }
0x197: {  	v58 =	vadd.s32 v27, v33;
	[tilespmem:s1+$0x42A0] =	vst v50  }
0x198: {  	v60 =	vadd.s32 v28, v33;
	[tilespmem:s1+$0x42C0] =	vst v51  }
0x199: {  	v61 =	vadd.s32 v29, v33;
	v43 =	vld.idx.msk [tilespmem:v55+s2+$0x0], $0xffff  }
0x19a: {  	v62 =	vadd.s32 v30, v33;
	v44 =	vld.idx.msk [tilespmem:v56+s2+$0x0], $0xffff  }
0x19b: {  	v63 =	vadd.s32 v31, v33;
	v49 =	vor.u32 $0xC, v38;
	v45 =	vld.idx.msk [tilespmem:v57+s2+$0x0], $0xffff  }
0x19c: {  	v50 =	vor.u32 v49, v34;
	v59 =	vld.idx.msk [tilespmem:v58+s2+$0x0], $0xffff  }
0x19d: {  	v51 =	vor.u32 v49, v35;
	v46 =	vld.idx.msk [tilespmem:v60+s2+$0x0], $0xffff  }
0x19e: {  	v52 =	vor.u32 v49, v36;
	v47 =	vld.idx.msk [tilespmem:v61+s2+$0x0], $0xffff  }
0x19f: {  	v38 =	vor.u32 $0xE, v38;
	v39 =	vor.u32 v49, v37;
	v48 =	vld.idx.msk [tilespmem:v62+s2+$0x0], $0xffff  }
0x1a0: {  	v34 =	vor.u32 v38, v34;
	v49 =	vld.idx.msk [tilespmem:v63+s2+$0x0], $0xffff  }
0x1a1: {  	v35 =	vor.u32 v38, v35;
	v40 =	vld.idx.msk [tilespmem:v50+s2+$0x0], $0xffff  }
0x1a2: {  	v36 =	vor.u32 v38, v36;
	v41 =	vld.idx.msk [tilespmem:v51+s2+$0x0], $0xffff  }
0x1a3: {  	v37 =	vor.u32 v38, v37;
	v42 =	vld.idx.msk [tilespmem:v52+s2+$0x0], $0xffff  }
0x1a4: {  	v39 =	vld.idx.msk [tilespmem:v39+s2+$0x0], $0xffff  }
0x1a5: {  	v34 =	vld.idx.msk [tilespmem:v34+s2+$0x0], $0xffff  }
0x1a6: {  	v35 =	vld.idx.msk [tilespmem:v35+s2+$0x0], $0xffff  }
0x1a7: {  	v36 =	vld.idx.msk [tilespmem:v36+s2+$0x0], $0xffff  }
0x1a8: {  	v37 =	vld.idx.msk [tilespmem:v37+s2+$0x0], $0xffff;
	[tilespmem:s1+$0x4340] =	vst v43  }
0x1a9: {  	[tilespmem:s1+$0x4350] =	vst v44  }
0x1aa: {  	[tilespmem:s1+$0x4360] =	vst v45  }
0x1ab: {  	[tilespmem:s1+$0x4370] =	vst v59  }
0x1ac: {  	[tilespmem:s1+$0x43C0] =	vst v46  }
0x1ad: {  	[tilespmem:s1+$0x43D0] =	vst v47  }
0x1ae: {  	[tilespmem:s1+$0x43E0] =	vst v48  }
0x1af: {  	[tilespmem:s1+$0x43F0] =	vst v49  }
0x1b0: {  	[tilespmem:s1+$0x4300] =	vst v40  }
0x1b1: {  	[tilespmem:s1+$0x4310] =	vst v41  }
0x1b2: {  	p2 =	sne.s32 s0, $0x7000;
	[tilespmem:s1+$0x4320] =	vst v42  }
.Ltmp4:
0x1b3: {  	[tilespmem:s1+$0x4330] =	vst v39;
	(pc) =	sbr.rel @p2 .LBB2_7-.Ltmp4, $4  }
0x1b4: {  	[tilespmem:s1+$0x4380] =	vst v34  }
0x1b5: {  	[tilespmem:s1+$0x4390] =	vst v35  }
0x1b6: {  	[tilespmem:s1+$0x43A0] =	vst v36  }
0x1b7: {  	v32 =	vadd.s32 $0x10, v32;
	s0 =	sadd.s32 $0x1000, s0;
	v33 =	vadd.s32 $0x10, v33;
	[tilespmem:s1+$0x43B0] =	vst v37  }
0x1b8: {  	s1 =	sshll.u32 s31, $0x6  }
0x1b9: {  	s0 =	sadd.s32 s11, s1  }
0x1ba: {  	s0 =	sshll.u32 s0, $0xA  }
0x1bb: {  	p2 =	seq.s32 s31, $0x78;
	s0 =	sadd.s32 s4, s0  }
0x1bc: {  	[hbm4b:s0+s2] =	stream.linear.scatter [tilespmem:s23], [sflag:$0x3], $0x2000, $0x38;
	[tilespmem:$0x8000] =	vst v63  }
0x1bd: {  	s16 =	simm.s32 @!p2 $0x400;
	s0 =	sshll.u32 s31, $0xD  }
0x1be: {  	s3 =	simm.s32 @!p2 $0x7A1400;
	s6 =	simm.s32 @!p2 $0x0;
	s15 =	sadd.s32 @!p2 s0, s13  }
0x1bf: {  	[tilespmem:s6], [sflag:$0x1] =	stream.strided.gather @!p2 [hbm4b:s15+s16], $0x2000, s3, s16, $0x38;
	[tilespmem:$0x8000] =	vst v63  }
0x1c0: {  	_ =	swait.ge [sflag:s24], $0x2000  }
0x1c1: {  	[sflag:s24] =	ssyncset.done $0x0  }
0x1c2: {  	[sflag:s24] =	ssyncadd.s32 $0xFFFFE000  }
0x1c3: {  	_ =	swait.ge [sflag:s28], $0x2000  }
0x1c4: {  	[sflag:s28] =	ssyncset.done $0x0  }
0x1c5: {  	v32 =	vimm.s32 $0x0;
	v33 =	vimm.s32 $0x1;
	s15 =	simm.s32 $0x0;
	[sflag:s28] =	ssyncadd.s32 $0xFFFFE000  }
.LBB2_9:
0x1c6: {  	v43 =	vadd.s32 v0, v33  }
0x1c7: {  	v44 =	vadd.s32 v1, v33  }
0x1c8: {  	v45 =	vadd.s32 v2, v33  }
0x1c9: {  	v46 =	vadd.s32 v3, v33  }
0x1ca: {  	v51 =	vadd.s32 v4, v33  }
0x1cb: {  	v52 =	vadd.s32 v5, v33;
	v43 =	vld.idx.msk [tilespmem:v43+s21+$0x0], $0xffff  }
0x1cc: {  	v37 =	vand.u32 $0xFFFFFF80, v32;
	v53 =	vadd.s32 v6, v33;
	v44 =	vld.idx.msk [tilespmem:v44+s21+$0x0], $0xffff  }
0x1cd: {  	v38 =	vand.u32 $0x70, v32;
	v54 =	vadd.s32 v7, v33;
	v34 =	vadd.s32 v0, v37;
	v45 =	vld.idx.msk [tilespmem:v45+s21+$0x0], $0xffff  }
0x1ce: {  	v35 =	vadd.s32 v1, v37;
	v39 =	vor.u32 v38, v34;
	v46 =	vld.idx.msk [tilespmem:v46+s21+$0x0], $0xffff  }
0x1cf: {  	v36 =	vadd.s32 v2, v37;
	v40 =	vor.u32 v38, v35;
	v51 =	vld.idx.msk [tilespmem:v51+s21+$0x0], $0xffff  }
0x1d0: {  	v37 =	vadd.s32 v3, v37;
	v41 =	vor.u32 v38, v36;
	v52 =	vld.idx.msk [tilespmem:v52+s21+$0x0], $0xffff  }
0x1d1: {  	v47 =	vor.u32 $0x2, v38;
	v42 =	vor.u32 v38, v37;
	v53 =	vld.idx.msk [tilespmem:v53+s21+$0x0], $0xffff  }
0x1d2: {  	v48 =	vor.u32 v47, v34;
	v54 =	vld.idx.msk [tilespmem:v54+s21+$0x0], $0xffff  }
0x1d3: {  	v49 =	vor.u32 v47, v35;
	v39 =	vld.idx.msk [tilespmem:v39+s21+$0x0], $0xffff  }
0x1d4: {  	v50 =	vor.u32 v47, v36;
	v40 =	vld.idx.msk [tilespmem:v40+s21+$0x0], $0xffff  }
0x1d5: {  	v47 =	vor.u32 v47, v37;
	v41 =	vld.idx.msk [tilespmem:v41+s21+$0x0], $0xffff  }
0x1d6: {  	v42 =	vld.idx.msk [tilespmem:v42+s21+$0x0], $0xffff  }
0x1d7: {  	v48 =	vld.idx.msk [tilespmem:v48+s21+$0x0], $0xffff  }
0x1d8: {  	v49 =	vld.idx.msk [tilespmem:v49+s21+$0x0], $0xffff  }
0x1d9: {  	s16 =	sshra.s32 s15, $0x2;
	v50 =	vld.idx.msk [tilespmem:v50+s21+$0x0], $0xffff  }
0x1da: {  	v47 =	vld.idx.msk [tilespmem:v47+s21+$0x0], $0xffff;
	[tilespmem:s16+$0x6040] =	vst v43  }
0x1db: {  	[tilespmem:s16+$0x6050] =	vst v44  }
0x1dc: {  	[tilespmem:s16+$0x6060] =	vst v45  }
0x1dd: {  	[tilespmem:s16+$0x6070] =	vst v46  }
0x1de: {  	[tilespmem:s16+$0x60C0] =	vst v51  }
0x1df: {  	[tilespmem:s16+$0x60D0] =	vst v52  }
0x1e0: {  	[tilespmem:s16+$0x60E0] =	vst v53  }
0x1e1: {  	[tilespmem:s16+$0x60F0] =	vst v54  }
0x1e2: {  	[tilespmem:s16+$0x6000] =	vst v39  }
0x1e3: {  	[tilespmem:s16+$0x6010] =	vst v40  }
0x1e4: {  	[tilespmem:s16+$0x6020] =	vst v41  }
0x1e5: {  	v55 =	vadd.s32 v11, v33;
	v56 =	vor.u32 $0x6, v38;
	[tilespmem:s16+$0x6030] =	vst v42  }
0x1e6: {  	v57 =	vor.u32 v56, v34;
	[tilespmem:s16+$0x6080] =	vst v48  }
0x1e7: {  	v52 =	vadd.s32 v8, v33;
	[tilespmem:s16+$0x6090] =	vst v49  }
0x1e8: {  	v53 =	vadd.s32 v9, v33;
	[tilespmem:s16+$0x60A0] =	vst v50  }
0x1e9: {  	v54 =	vadd.s32 v10, v33;
	v48 =	vor.u32 $0x4, v38;
	[tilespmem:s16+$0x60B0] =	vst v47  }
0x1ea: {  	v61 =	vadd.s32 v13, v33;
	v62 =	vadd.s32 v14, v33;
	v49 =	vor.u32 v48, v34;
	v46 =	vld.idx.msk [tilespmem:v55+s21+$0x0], $0xffff  }
0x1eb: {  	v50 =	vor.u32 v48, v35;
	v51 =	vor.u32 v48, v36;
	v39 =	vor.u32 v48, v37;
	v48 =	vld.idx.msk [tilespmem:v57+s21+$0x0], $0xffff  }
0x1ec: {  	v63 =	vadd.s32 v15, v33;
	v43 =	vld.idx.msk [tilespmem:v52+s21+$0x0], $0xffff  }
0x1ed: {  	v47 =	vor.u32 v56, v37;
	v44 =	vld.idx.msk [tilespmem:v53+s21+$0x0], $0xffff  }
0x1ee: {  	v45 =	vld.idx.msk [tilespmem:v54+s21+$0x0], $0xffff  }
0x1ef: {  	v52 =	vld.idx.msk [tilespmem:v61+s21+$0x0], $0xffff  }
0x1f0: {  	v53 =	vld.idx.msk [tilespmem:v62+s21+$0x0], $0xffff  }
0x1f1: {  	v54 =	vld.idx.msk [tilespmem:v63+s21+$0x0], $0xffff  }
0x1f2: {  	v58 =	vor.u32 v56, v35;
	v47 =	vld.idx.msk [tilespmem:v47+s21+$0x0], $0xffff  }
0x1f3: {  	v59 =	vor.u32 v56, v36;
	v40 =	vld.idx.msk [tilespmem:v49+s21+$0x0], $0xffff  }
0x1f4: {  	v60 =	vadd.s32 v12, v33;
	v41 =	vld.idx.msk [tilespmem:v50+s21+$0x0], $0xffff  }
0x1f5: {  	v42 =	vld.idx.msk [tilespmem:v51+s21+$0x0], $0xffff  }
0x1f6: {  	v39 =	vld.idx.msk [tilespmem:v39+s21+$0x0], $0xffff  }
0x1f7: {  	v49 =	vld.idx.msk [tilespmem:v58+s21+$0x0], $0xffff  }
0x1f8: {  	v50 =	vld.idx.msk [tilespmem:v59+s21+$0x0], $0xffff  }
0x1f9: {  	v51 =	vld.idx.msk [tilespmem:v60+s21+$0x0], $0xffff;
	[tilespmem:s16+$0x6170] =	vst v46  }
0x1fa: {  	[tilespmem:s16+$0x6180] =	vst v48  }
0x1fb: {  	[tilespmem:s16+$0x6140] =	vst v43  }
0x1fc: {  	[tilespmem:s16+$0x6150] =	vst v44  }
0x1fd: {  	[tilespmem:s16+$0x6160] =	vst v45  }
0x1fe: {  	[tilespmem:s16+$0x61D0] =	vst v52  }
0x1ff: {  	[tilespmem:s16+$0x61E0] =	vst v53  }
0x200: {  	[tilespmem:s16+$0x61F0] =	vst v54  }
0x201: {  	[tilespmem:s16+$0x61B0] =	vst v47  }
0x202: {  	[tilespmem:s16+$0x6100] =	vst v40  }
0x203: {  	[tilespmem:s16+$0x6110] =	vst v41  }
0x204: {  	v56 =	vor.u32 $0xA, v38;
	v55 =	vadd.s32 v19, v33;
	[tilespmem:s16+$0x6120] =	vst v42  }
0x205: {  	v57 =	vor.u32 v56, v34;
	[tilespmem:s16+$0x6130] =	vst v39  }
0x206: {  	v52 =	vadd.s32 v16, v33;
	[tilespmem:s16+$0x6190] =	vst v49  }
0x207: {  	v53 =	vadd.s32 v17, v33;
	[tilespmem:s16+$0x61A0] =	vst v50  }
0x208: {  	v48 =	vor.u32 $0x8, v38;
	v54 =	vadd.s32 v18, v33;
	[tilespmem:s16+$0x61C0] =	vst v51  }
0x209: {  	v61 =	vadd.s32 v21, v33;
	v62 =	vadd.s32 v22, v33;
	v49 =	vor.u32 v48, v34;
	v46 =	vld.idx.msk [tilespmem:v55+s21+$0x0], $0xffff  }
0x20a: {  	v50 =	vor.u32 v48, v35;
	v51 =	vor.u32 v48, v36;
	v39 =	vor.u32 v48, v37;
	v48 =	vld.idx.msk [tilespmem:v57+s21+$0x0], $0xffff  }
0x20b: {  	v63 =	vadd.s32 v23, v33;
	v43 =	vld.idx.msk [tilespmem:v52+s21+$0x0], $0xffff  }
0x20c: {  	v47 =	vor.u32 v56, v37;
	v44 =	vld.idx.msk [tilespmem:v53+s21+$0x0], $0xffff  }
0x20d: {  	v45 =	vld.idx.msk [tilespmem:v54+s21+$0x0], $0xffff  }
0x20e: {  	v52 =	vld.idx.msk [tilespmem:v61+s21+$0x0], $0xffff  }
0x20f: {  	v53 =	vld.idx.msk [tilespmem:v62+s21+$0x0], $0xffff  }
0x210: {  	v54 =	vld.idx.msk [tilespmem:v63+s21+$0x0], $0xffff  }
0x211: {  	v58 =	vor.u32 v56, v35;
	v47 =	vld.idx.msk [tilespmem:v47+s21+$0x0], $0xffff  }
0x212: {  	v59 =	vor.u32 v56, v36;
	v40 =	vld.idx.msk [tilespmem:v49+s21+$0x0], $0xffff  }
0x213: {  	v60 =	vadd.s32 v20, v33;
	v41 =	vld.idx.msk [tilespmem:v50+s21+$0x0], $0xffff  }
0x214: {  	v42 =	vld.idx.msk [tilespmem:v51+s21+$0x0], $0xffff  }
0x215: {  	v39 =	vld.idx.msk [tilespmem:v39+s21+$0x0], $0xffff  }
0x216: {  	v49 =	vld.idx.msk [tilespmem:v58+s21+$0x0], $0xffff  }
0x217: {  	v50 =	vld.idx.msk [tilespmem:v59+s21+$0x0], $0xffff  }
0x218: {  	v51 =	vld.idx.msk [tilespmem:v60+s21+$0x0], $0xffff;
	[tilespmem:s16+$0x6270] =	vst v46  }
0x219: {  	[tilespmem:s16+$0x6280] =	vst v48  }
0x21a: {  	[tilespmem:s16+$0x6240] =	vst v43  }
0x21b: {  	[tilespmem:s16+$0x6250] =	vst v44  }
0x21c: {  	[tilespmem:s16+$0x6260] =	vst v45  }
0x21d: {  	[tilespmem:s16+$0x62D0] =	vst v52  }
0x21e: {  	[tilespmem:s16+$0x62E0] =	vst v53  }
0x21f: {  	[tilespmem:s16+$0x62F0] =	vst v54  }
0x220: {  	[tilespmem:s16+$0x62B0] =	vst v47  }
0x221: {  	[tilespmem:s16+$0x6200] =	vst v40  }
0x222: {  	[tilespmem:s16+$0x6210] =	vst v41  }
0x223: {  	v55 =	vadd.s32 v24, v33;
	[tilespmem:s16+$0x6220] =	vst v42  }
0x224: {  	v56 =	vadd.s32 v25, v33;
	[tilespmem:s16+$0x6230] =	vst v39  }
0x225: {  	v57 =	vadd.s32 v26, v33;
	[tilespmem:s16+$0x6290] =	vst v49  }
0x226: {  	v58 =	vadd.s32 v27, v33;
	[tilespmem:s16+$0x62A0] =	vst v50  }
0x227: {  	v60 =	vadd.s32 v28, v33;
	[tilespmem:s16+$0x62C0] =	vst v51  }
0x228: {  	v61 =	vadd.s32 v29, v33;
	v43 =	vld.idx.msk [tilespmem:v55+s21+$0x0], $0xffff  }
0x229: {  	v62 =	vadd.s32 v30, v33;
	v44 =	vld.idx.msk [tilespmem:v56+s21+$0x0], $0xffff  }
0x22a: {  	v63 =	vadd.s32 v31, v33;
	v49 =	vor.u32 $0xC, v38;
	v45 =	vld.idx.msk [tilespmem:v57+s21+$0x0], $0xffff  }
0x22b: {  	v50 =	vor.u32 v49, v34;
	v59 =	vld.idx.msk [tilespmem:v58+s21+$0x0], $0xffff  }
0x22c: {  	v51 =	vor.u32 v49, v35;
	v46 =	vld.idx.msk [tilespmem:v60+s21+$0x0], $0xffff  }
0x22d: {  	v52 =	vor.u32 v49, v36;
	v47 =	vld.idx.msk [tilespmem:v61+s21+$0x0], $0xffff  }
0x22e: {  	v38 =	vor.u32 $0xE, v38;
	v39 =	vor.u32 v49, v37;
	v48 =	vld.idx.msk [tilespmem:v62+s21+$0x0], $0xffff  }
0x22f: {  	v34 =	vor.u32 v38, v34;
	v49 =	vld.idx.msk [tilespmem:v63+s21+$0x0], $0xffff  }
0x230: {  	v35 =	vor.u32 v38, v35;
	v40 =	vld.idx.msk [tilespmem:v50+s21+$0x0], $0xffff  }
0x231: {  	v36 =	vor.u32 v38, v36;
	v41 =	vld.idx.msk [tilespmem:v51+s21+$0x0], $0xffff  }
0x232: {  	v37 =	vor.u32 v38, v37;
	v42 =	vld.idx.msk [tilespmem:v52+s21+$0x0], $0xffff  }
0x233: {  	v39 =	vld.idx.msk [tilespmem:v39+s21+$0x0], $0xffff  }
0x234: {  	v34 =	vld.idx.msk [tilespmem:v34+s21+$0x0], $0xffff  }
0x235: {  	v35 =	vld.idx.msk [tilespmem:v35+s21+$0x0], $0xffff  }
0x236: {  	v36 =	vld.idx.msk [tilespmem:v36+s21+$0x0], $0xffff  }
0x237: {  	v37 =	vld.idx.msk [tilespmem:v37+s21+$0x0], $0xffff;
	[tilespmem:s16+$0x6340] =	vst v43  }
0x238: {  	[tilespmem:s16+$0x6350] =	vst v44  }
0x239: {  	[tilespmem:s16+$0x6360] =	vst v45  }
0x23a: {  	[tilespmem:s16+$0x6370] =	vst v59  }
0x23b: {  	[tilespmem:s16+$0x63C0] =	vst v46  }
0x23c: {  	[tilespmem:s16+$0x63D0] =	vst v47  }
0x23d: {  	[tilespmem:s16+$0x63E0] =	vst v48  }
0x23e: {  	[tilespmem:s16+$0x63F0] =	vst v49  }
0x23f: {  	[tilespmem:s16+$0x6300] =	vst v40  }
0x240: {  	[tilespmem:s16+$0x6310] =	vst v41  }
0x241: {  	p3 =	sne.s32 s15, $0x7000;
	[tilespmem:s16+$0x6320] =	vst v42  }
.Ltmp5:
0x242: {  	[tilespmem:s16+$0x6330] =	vst v39;
	(pc) =	sbr.rel @p3 .LBB2_9-.Ltmp5, $4  }
0x243: {  	[tilespmem:s16+$0x6380] =	vst v34  }
0x244: {  	[tilespmem:s16+$0x6390] =	vst v35  }
0x245: {  	[tilespmem:s16+$0x63A0] =	vst v36  }
0x246: {  	v32 =	vadd.s32 $0x10, v32;
	s15 =	sadd.s32 $0x1000, s15;
	v33 =	vadd.s32 $0x10, v33;
	[tilespmem:s16+$0x63B0] =	vst v37  }
.Ltmp6:
0x247: {  	(pc) =	sbr.rel @p2 .LBB2_12-.Ltmp6, $4  }
0x248: {  	s1 =	sadd.s32 s12, s1  }
0x249: {  	s1 =	sshll.u32 s1, $0xA  }
0x24a: {  	s1 =	sadd.s32 s4, s1  }
0x24b: {  	[hbm4b:s1+s2] =	stream.linear.scatter [tilespmem:s25], [sflag:$0x4], $0x2000, $0x38;
	[tilespmem:$0x8000] =	vst v63  }
.Ltmp7:
0x24c: {  	(pc) =	sbr.rel .LBB2_6-.Ltmp7, $3  }
0x24d: {  	_ =	sdelay $0x1  }
0x24e: {  	s0 =	sadd.s32 s0, s14;
	s31 =	sadd.s32 $0x1, s31  }
0x24f: {  	[tilespmem:s21], [sflag:$0x2] =	stream.strided.gather [hbm4b:s0+s19], $0x2000, s20, s19, $0x38;
	[tilespmem:$0x8000] =	vst v63  }
.LBB2_12:
0x250: {  	_ =	swait.ge [sflag:s26], $0x2000  }
.Ltmp8:
0x251: {  	[sflag:s26] =	ssyncset.done $0x0;
	(pc) =	sbr.rel @p1 .LBB2_16-.Ltmp8, $4  }
0x252: {  	[sflag:s26] =	ssyncadd.s32 $0xFFFFE000  }
0x253: {  	_ =	swait.ge [sflag:s28], $0x2000  }
0x254: {  	[sflag:s28] =	ssyncset.done $0x0  }
0x255: {  	[sflag:s28] =	ssyncadd.s32 $0xFFFFE000  }
0x256: {  	s0 =	simm.s32 $0x0;
	s1 =	rddreg [dreg:$0x5]  }
0x257: {  	[tilespmem:s0], [sflag:$0x5] =	stream.strided.gather [hbm4b:s1+s19], $0x2000, s20, s19, $0x38;
	[tilespmem:$0x8000] =	vst v63  }
0x258: {  	_ =	swait.ge [sflag:s29], $0x2000  }
0x259: {  	[sflag:s29] =	ssyncset.done $0x0  }
0x25a: {  	v32 =	vimm.s32 $0x0;
	v33 =	vimm.s32 $0x1;
	[sflag:s29] =	ssyncadd.s32 $0xFFFFE000  }
.LBB2_14:
0x25b: {  	v43 =	vadd.s32 v0, v33  }
0x25c: {  	v44 =	vadd.s32 v1, v33  }
0x25d: {  	v45 =	vadd.s32 v2, v33  }
0x25e: {  	v46 =	vadd.s32 v3, v33  }
0x25f: {  	v51 =	vadd.s32 v4, v33  }
0x260: {  	v52 =	vadd.s32 v5, v33;
	v43 =	vld.idx.msk [tilespmem:v43+s2+$0x0], $0xffff  }
0x261: {  	v37 =	vand.u32 $0xFFFFFF80, v32;
	v53 =	vadd.s32 v6, v33;
	v44 =	vld.idx.msk [tilespmem:v44+s2+$0x0], $0xffff  }
0x262: {  	v38 =	vand.u32 $0x70, v32;
	v54 =	vadd.s32 v7, v33;
	v34 =	vadd.s32 v0, v37;
	v45 =	vld.idx.msk [tilespmem:v45+s2+$0x0], $0xffff  }
0x263: {  	v35 =	vadd.s32 v1, v37;
	v39 =	vor.u32 v38, v34;
	v46 =	vld.idx.msk [tilespmem:v46+s2+$0x0], $0xffff  }
0x264: {  	v36 =	vadd.s32 v2, v37;
	v40 =	vor.u32 v38, v35;
	v51 =	vld.idx.msk [tilespmem:v51+s2+$0x0], $0xffff  }
0x265: {  	v37 =	vadd.s32 v3, v37;
	v41 =	vor.u32 v38, v36;
	v52 =	vld.idx.msk [tilespmem:v52+s2+$0x0], $0xffff  }
0x266: {  	v47 =	vor.u32 $0x2, v38;
	v42 =	vor.u32 v38, v37;
	v53 =	vld.idx.msk [tilespmem:v53+s2+$0x0], $0xffff  }
0x267: {  	v48 =	vor.u32 v47, v34;
	v54 =	vld.idx.msk [tilespmem:v54+s2+$0x0], $0xffff  }
0x268: {  	v49 =	vor.u32 v47, v35;
	v39 =	vld.idx.msk [tilespmem:v39+s2+$0x0], $0xffff  }
0x269: {  	v50 =	vor.u32 v47, v36;
	v40 =	vld.idx.msk [tilespmem:v40+s2+$0x0], $0xffff  }
0x26a: {  	v47 =	vor.u32 v47, v37;
	v41 =	vld.idx.msk [tilespmem:v41+s2+$0x0], $0xffff  }
0x26b: {  	v42 =	vld.idx.msk [tilespmem:v42+s2+$0x0], $0xffff  }
0x26c: {  	v48 =	vld.idx.msk [tilespmem:v48+s2+$0x0], $0xffff  }
0x26d: {  	v49 =	vld.idx.msk [tilespmem:v49+s2+$0x0], $0xffff  }
0x26e: {  	s1 =	sshra.s32 s0, $0x2;
	v50 =	vld.idx.msk [tilespmem:v50+s2+$0x0], $0xffff  }
0x26f: {  	v47 =	vld.idx.msk [tilespmem:v47+s2+$0x0], $0xffff;
	[tilespmem:s1+$0x4040] =	vst v43  }
0x270: {  	[tilespmem:s1+$0x4050] =	vst v44  }
0x271: {  	[tilespmem:s1+$0x4060] =	vst v45  }
0x272: {  	[tilespmem:s1+$0x4070] =	vst v46  }
0x273: {  	[tilespmem:s1+$0x40C0] =	vst v51  }
0x274: {  	[tilespmem:s1+$0x40D0] =	vst v52  }
0x275: {  	[tilespmem:s1+$0x40E0] =	vst v53  }
0x276: {  	[tilespmem:s1+$0x40F0] =	vst v54  }
0x277: {  	[tilespmem:s1+$0x4000] =	vst v39  }
0x278: {  	[tilespmem:s1+$0x4010] =	vst v40  }
0x279: {  	[tilespmem:s1+$0x4020] =	vst v41  }
0x27a: {  	v55 =	vadd.s32 v11, v33;
	v56 =	vor.u32 $0x6, v38;
	[tilespmem:s1+$0x4030] =	vst v42  }
0x27b: {  	v57 =	vor.u32 v56, v34;
	[tilespmem:s1+$0x4080] =	vst v48  }
0x27c: {  	v52 =	vadd.s32 v8, v33;
	[tilespmem:s1+$0x4090] =	vst v49  }
0x27d: {  	v53 =	vadd.s32 v9, v33;
	[tilespmem:s1+$0x40A0] =	vst v50  }
0x27e: {  	v54 =	vadd.s32 v10, v33;
	v48 =	vor.u32 $0x4, v38;
	[tilespmem:s1+$0x40B0] =	vst v47  }
0x27f: {  	v61 =	vadd.s32 v13, v33;
	v62 =	vadd.s32 v14, v33;
	v49 =	vor.u32 v48, v34;
	v46 =	vld.idx.msk [tilespmem:v55+s2+$0x0], $0xffff  }
0x280: {  	v50 =	vor.u32 v48, v35;
	v51 =	vor.u32 v48, v36;
	v39 =	vor.u32 v48, v37;
	v48 =	vld.idx.msk [tilespmem:v57+s2+$0x0], $0xffff  }
0x281: {  	v63 =	vadd.s32 v15, v33;
	v43 =	vld.idx.msk [tilespmem:v52+s2+$0x0], $0xffff  }
0x282: {  	v47 =	vor.u32 v56, v37;
	v44 =	vld.idx.msk [tilespmem:v53+s2+$0x0], $0xffff  }
0x283: {  	v45 =	vld.idx.msk [tilespmem:v54+s2+$0x0], $0xffff  }
0x284: {  	v52 =	vld.idx.msk [tilespmem:v61+s2+$0x0], $0xffff  }
0x285: {  	v53 =	vld.idx.msk [tilespmem:v62+s2+$0x0], $0xffff  }
0x286: {  	v54 =	vld.idx.msk [tilespmem:v63+s2+$0x0], $0xffff  }
0x287: {  	v58 =	vor.u32 v56, v35;
	v47 =	vld.idx.msk [tilespmem:v47+s2+$0x0], $0xffff  }
0x288: {  	v59 =	vor.u32 v56, v36;
	v40 =	vld.idx.msk [tilespmem:v49+s2+$0x0], $0xffff  }
0x289: {  	v60 =	vadd.s32 v12, v33;
	v41 =	vld.idx.msk [tilespmem:v50+s2+$0x0], $0xffff  }
0x28a: {  	v42 =	vld.idx.msk [tilespmem:v51+s2+$0x0], $0xffff  }
0x28b: {  	v39 =	vld.idx.msk [tilespmem:v39+s2+$0x0], $0xffff  }
0x28c: {  	v49 =	vld.idx.msk [tilespmem:v58+s2+$0x0], $0xffff  }
0x28d: {  	v50 =	vld.idx.msk [tilespmem:v59+s2+$0x0], $0xffff  }
0x28e: {  	v51 =	vld.idx.msk [tilespmem:v60+s2+$0x0], $0xffff;
	[tilespmem:s1+$0x4170] =	vst v46  }
0x28f: {  	[tilespmem:s1+$0x4180] =	vst v48  }
0x290: {  	[tilespmem:s1+$0x4140] =	vst v43  }
0x291: {  	[tilespmem:s1+$0x4150] =	vst v44  }
0x292: {  	[tilespmem:s1+$0x4160] =	vst v45  }
0x293: {  	[tilespmem:s1+$0x41D0] =	vst v52  }
0x294: {  	[tilespmem:s1+$0x41E0] =	vst v53  }
0x295: {  	[tilespmem:s1+$0x41F0] =	vst v54  }
0x296: {  	[tilespmem:s1+$0x41B0] =	vst v47  }
0x297: {  	[tilespmem:s1+$0x4100] =	vst v40  }
0x298: {  	[tilespmem:s1+$0x4110] =	vst v41  }
0x299: {  	v56 =	vor.u32 $0xA, v38;
	v55 =	vadd.s32 v19, v33;
	[tilespmem:s1+$0x4120] =	vst v42  }
0x29a: {  	v57 =	vor.u32 v56, v34;
	[tilespmem:s1+$0x4130] =	vst v39  }
0x29b: {  	v52 =	vadd.s32 v16, v33;
	[tilespmem:s1+$0x4190] =	vst v49  }
0x29c: {  	v53 =	vadd.s32 v17, v33;
	[tilespmem:s1+$0x41A0] =	vst v50  }
0x29d: {  	v48 =	vor.u32 $0x8, v38;
	v54 =	vadd.s32 v18, v33;
	[tilespmem:s1+$0x41C0] =	vst v51  }
0x29e: {  	v61 =	vadd.s32 v21, v33;
	v62 =	vadd.s32 v22, v33;
	v49 =	vor.u32 v48, v34;
	v46 =	vld.idx.msk [tilespmem:v55+s2+$0x0], $0xffff  }
0x29f: {  	v50 =	vor.u32 v48, v35;
	v51 =	vor.u32 v48, v36;
	v39 =	vor.u32 v48, v37;
	v48 =	vld.idx.msk [tilespmem:v57+s2+$0x0], $0xffff  }
0x2a0: {  	v63 =	vadd.s32 v23, v33;
	v43 =	vld.idx.msk [tilespmem:v52+s2+$0x0], $0xffff  }
0x2a1: {  	v47 =	vor.u32 v56, v37;
	v44 =	vld.idx.msk [tilespmem:v53+s2+$0x0], $0xffff  }
0x2a2: {  	v45 =	vld.idx.msk [tilespmem:v54+s2+$0x0], $0xffff  }
0x2a3: {  	v52 =	vld.idx.msk [tilespmem:v61+s2+$0x0], $0xffff  }
0x2a4: {  	v53 =	vld.idx.msk [tilespmem:v62+s2+$0x0], $0xffff  }
0x2a5: {  	v54 =	vld.idx.msk [tilespmem:v63+s2+$0x0], $0xffff  }
0x2a6: {  	v58 =	vor.u32 v56, v35;
	v47 =	vld.idx.msk [tilespmem:v47+s2+$0x0], $0xffff  }
0x2a7: {  	v59 =	vor.u32 v56, v36;
	v40 =	vld.idx.msk [tilespmem:v49+s2+$0x0], $0xffff  }
0x2a8: {  	v60 =	vadd.s32 v20, v33;
	v41 =	vld.idx.msk [tilespmem:v50+s2+$0x0], $0xffff  }
0x2a9: {  	v42 =	vld.idx.msk [tilespmem:v51+s2+$0x0], $0xffff  }
0x2aa: {  	v39 =	vld.idx.msk [tilespmem:v39+s2+$0x0], $0xffff  }
0x2ab: {  	v49 =	vld.idx.msk [tilespmem:v58+s2+$0x0], $0xffff  }
0x2ac: {  	v50 =	vld.idx.msk [tilespmem:v59+s2+$0x0], $0xffff  }
0x2ad: {  	v51 =	vld.idx.msk [tilespmem:v60+s2+$0x0], $0xffff;
	[tilespmem:s1+$0x4270] =	vst v46  }
0x2ae: {  	[tilespmem:s1+$0x4280] =	vst v48  }
0x2af: {  	[tilespmem:s1+$0x4240] =	vst v43  }
0x2b0: {  	[tilespmem:s1+$0x4250] =	vst v44  }
0x2b1: {  	[tilespmem:s1+$0x4260] =	vst v45  }
0x2b2: {  	[tilespmem:s1+$0x42D0] =	vst v52  }
0x2b3: {  	[tilespmem:s1+$0x42E0] =	vst v53  }
0x2b4: {  	[tilespmem:s1+$0x42F0] =	vst v54  }
0x2b5: {  	[tilespmem:s1+$0x42B0] =	vst v47  }
0x2b6: {  	[tilespmem:s1+$0x4200] =	vst v40  }
0x2b7: {  	[tilespmem:s1+$0x4210] =	vst v41  }
0x2b8: {  	v55 =	vadd.s32 v24, v33;
	[tilespmem:s1+$0x4220] =	vst v42  }
0x2b9: {  	v56 =	vadd.s32 v25, v33;
	[tilespmem:s1+$0x4230] =	vst v39  }
0x2ba: {  	v57 =	vadd.s32 v26, v33;
	[tilespmem:s1+$0x4290] =	vst v49  }
0x2bb: {  	v58 =	vadd.s32 v27, v33;
	[tilespmem:s1+$0x42A0] =	vst v50  }
0x2bc: {  	v60 =	vadd.s32 v28, v33;
	[tilespmem:s1+$0x42C0] =	vst v51  }
0x2bd: {  	v61 =	vadd.s32 v29, v33;
	v43 =	vld.idx.msk [tilespmem:v55+s2+$0x0], $0xffff  }
0x2be: {  	v62 =	vadd.s32 v30, v33;
	v44 =	vld.idx.msk [tilespmem:v56+s2+$0x0], $0xffff  }
0x2bf: {  	v63 =	vadd.s32 v31, v33;
	v49 =	vor.u32 $0xC, v38;
	v45 =	vld.idx.msk [tilespmem:v57+s2+$0x0], $0xffff  }
0x2c0: {  	v50 =	vor.u32 v49, v34;
	v59 =	vld.idx.msk [tilespmem:v58+s2+$0x0], $0xffff  }
0x2c1: {  	v51 =	vor.u32 v49, v35;
	v46 =	vld.idx.msk [tilespmem:v60+s2+$0x0], $0xffff  }
0x2c2: {  	v52 =	vor.u32 v49, v36;
	v47 =	vld.idx.msk [tilespmem:v61+s2+$0x0], $0xffff  }
0x2c3: {  	v38 =	vor.u32 $0xE, v38;
	v39 =	vor.u32 v49, v37;
	v48 =	vld.idx.msk [tilespmem:v62+s2+$0x0], $0xffff  }
0x2c4: {  	v34 =	vor.u32 v38, v34;
	v49 =	vld.idx.msk [tilespmem:v63+s2+$0x0], $0xffff  }
0x2c5: {  	v35 =	vor.u32 v38, v35;
	v40 =	vld.idx.msk [tilespmem:v50+s2+$0x0], $0xffff  }
0x2c6: {  	v36 =	vor.u32 v38, v36;
	v41 =	vld.idx.msk [tilespmem:v51+s2+$0x0], $0xffff  }
0x2c7: {  	v37 =	vor.u32 v38, v37;
	v42 =	vld.idx.msk [tilespmem:v52+s2+$0x0], $0xffff  }
0x2c8: {  	v39 =	vld.idx.msk [tilespmem:v39+s2+$0x0], $0xffff  }
0x2c9: {  	v34 =	vld.idx.msk [tilespmem:v34+s2+$0x0], $0xffff  }
0x2ca: {  	v35 =	vld.idx.msk [tilespmem:v35+s2+$0x0], $0xffff  }
0x2cb: {  	v36 =	vld.idx.msk [tilespmem:v36+s2+$0x0], $0xffff  }
0x2cc: {  	v37 =	vld.idx.msk [tilespmem:v37+s2+$0x0], $0xffff;
	[tilespmem:s1+$0x4340] =	vst v43  }
0x2cd: {  	[tilespmem:s1+$0x4350] =	vst v44  }
0x2ce: {  	[tilespmem:s1+$0x4360] =	vst v45  }
0x2cf: {  	[tilespmem:s1+$0x4370] =	vst v59  }
0x2d0: {  	[tilespmem:s1+$0x43C0] =	vst v46  }
0x2d1: {  	[tilespmem:s1+$0x43D0] =	vst v47  }
0x2d2: {  	[tilespmem:s1+$0x43E0] =	vst v48  }
0x2d3: {  	[tilespmem:s1+$0x43F0] =	vst v49  }
0x2d4: {  	[tilespmem:s1+$0x4300] =	vst v40  }
0x2d5: {  	[tilespmem:s1+$0x4310] =	vst v41  }
0x2d6: {  	p2 =	sne.s32 s0, $0x7000;
	[tilespmem:s1+$0x4320] =	vst v42  }
.Ltmp9:
0x2d7: {  	[tilespmem:s1+$0x4330] =	vst v39;
	(pc) =	sbr.rel @p2 .LBB2_14-.Ltmp9, $4  }
0x2d8: {  	[tilespmem:s1+$0x4380] =	vst v34  }
0x2d9: {  	[tilespmem:s1+$0x4390] =	vst v35  }
0x2da: {  	[tilespmem:s1+$0x43A0] =	vst v36  }
0x2db: {  	v32 =	vadd.s32 $0x10, v32;
	s0 =	sadd.s32 $0x1000, s0;
	v33 =	vadd.s32 $0x10, v33;
	[tilespmem:s1+$0x43B0] =	vst v37  }
.Ltmp10:
0x2dc: {  	s0 =	rddreg [dreg:$0x6];
	(pc) =	sbr.rel .LBB2_16-.Ltmp10, $4  }
0x2dd: {  	[hbm4b:s0+s2] =	stream.linear.scatter [tilespmem:s23], [sflag:$0x5], $0x2000, $0x38;
	[tilespmem:$0x8000] =	vst v63  }
0x2de: {  	_ =	swait.ge [sflag:s29], $0x2000  }
0x2df: {  	[sflag:s29] =	ssyncset.done $0x0  }
0x2e0: {  	[sflag:s29] =	ssyncadd.s32 $0xFFFFE000  }
.LBB2_17:
0x2e1: {  	_ =	sfence.sel $0x180000  }
0x2e2: {  	[bflag:$0x0] =	sbarrier.arrive $0xFFFF  }
0x2e3: {  	_ =	strace $0x90000047  }
0x2e4: {  	s0 =	stileid.u32;
	[bflag:$0x2] =	sbarrier.arrive $0xFFFF  }
0x2e5: {  	p0 =	sne.s32 s0, $0x0;
	s0 =	rddreg [dreg:$0x2]  }
0x2e6: {  	s0 =	sadd.s32 @!p0 $0x100000, s0  }
0x2e7: {  	[sflag:s0] =	ssyncadd.tile.s32 @!p0 $0x1;
	_ =	shalt  }
.Lfunc_end2:
_tile_overlayer_lowered:
.L_overlay_start_2:
0x2e8: {  	(tag) =	ssettag $0x2  }
0x2e9: {  	s0 =	rddreg [dreg:$0x0];
	s2 =	stileid.u32  }
0x2ea: {  	s1 =	rddreg [dreg:$0x1];
	p0 =	sne.s32 s2, $0x0  }
0x2eb: {  	s3 =	rddreg [dreg:$0x2];
	[bflag:$0x3] =	sbarrier.arrive $0xFFFF;
	s2 =	simm.s32 @!p0 $0x1C05  }
0x2ec: {  	[timem:s3], [sflag:s2] =	dma.local @!p0 [hbm:s0], s1  }
0x2ed: {  	s0 =	simm.s32 @!p0 $0x5  }
0x2ee: {  	_ =	swait.ge @!p0 [sflag:s0], s1  }
0x2ef: {  	s1 =	ssub.s32 @!p0 $0x0, s1;
	[sflag:s0] =	ssyncset.done @!p0 $0x0  }
0x2f0: {  	[sflag:s0] =	ssyncadd.s32 @!p0 s1  }
0x2f1: {  	[bflag:$0x3] =	sbarrier.arrive $0xFFFF  }
0x2f2: {  	_ =	shalt  }

// kernel: kernel.7.cloned.1.call-start
scs
__scs_entry_jumppad:
0x0: {  	(pc) =	sbr.rel $0x88, $3  }
0x1: {  	(tag) =	ssettag $0x0;
	lr =	simm.s32 $0x1  }
0x2: {  	[smem:$0x3F9F] =	sst lr;
	_ =	strace $0xD0000000  }
0x3: {  	_ = 	snop  }
0x4: {  	_ = 	snop  }
0x5: {  	_ = 	snop  }
0x6: {  	_ = 	snop  }
0x7: {  	_ = 	snop  }
__scs_overlays_trampoline_lowered:
0x8: {  	[smem:$0x3FAE] =	sst s0  }
0x9: {  	[smem:$0x3FAF] =	sst s1  }
0xa: {  	[smem:$0x3FB0] =	sst s2  }
0xb: {  	[smem:$0x3FB1] =	sst s3  }
0xc: {  	[smem:$0x3FB2] =	sst s4  }
0xd: {  	[smem:$0x3FB3] =	sst s5  }
0xe: {  	[smem:$0x3FB4] =	sst s6  }
0xf: {  	[smem:$0x3FB5] =	sst s7  }
0x10: {  	[smem:$0x3FB6] =	sst s8  }
0x11: {  	[smem:$0x3FB7] =	sst s9;
	s0 =	simm.s32 @!p0 $0x0  }
0x12: {  	s1 =	sld [smem:$0x3F9D];
	s0 =	simm.s32 @p0 $0x1  }
0x13: {  	[smem:$0x3FB8] =	sst s0;
	s0 =	simm.s32 @!p1 $0x0  }
0x14: {  	s2 =	sld [smem:$0x3F9C];
	s0 =	simm.s32 @p1 $0x1  }
0x15: {  	[smem:$0x3FB9] =	sst s0;
	s0 =	simm.s32 @!p2 $0x0  }
0x16: {  	s3 =	sld [smem:$0x3FDB];
	s0 =	simm.s32 @p2 $0x1  }
0x17: {  	s4 =	simm.s32 $0x1BF5;
	[smem:$0x3FBB] =	sst s0  }
0x18: {  	s0 =	sld [smem:$0x3F9E];
	_ =	swait.ge [sflag:s4], $0x0  }
0x19: {  	s7 =	sld [smem:$0x3F9F]  }
0x1a: {  	s8 =	sadd.s32 $0xFFFFE003, lr  }
0x1b: {  	s9 =	sadd.s32 $0xFFFFFEF7, lr;
	s5 =	simm.s32 $0xFFFFFFFF;
	p2 =	slt.u32 s8, $0xFFFFF086  }
0x1c: {  	p1 =	slt.u32 s9, $0xF7A;
	s5 =	simm.s32 @!p2 $0x0  }
0x1d: {  	s5 =	simm.s32 @p1 $0x1;
	p0 =	seq.s32 s7, s2  }
0x1e: {  	s7 =	smul.u32 @!p0 $0xF7A, s2;
	p2 =	seq.s32 @!p0 s5, $0x0  }
0x1f: {  	s9 =	smul.u32 $0xF7A, s1;
	s8 =	simm.s32 @!p0 $0x1BF5;
	p2 =	por !p2, p0  }
0x20: {  	[sflag:s8] =	ssyncset.s32 @!p0 $0xFFFFF086;
	s6 =	sadd.s32 @!p0 s3, s7;
	s7 =	simm.s32 @!p0 $0x108  }
0x21: {  	s3 =	sadd.s32 s3, s9;
	s6 =	sadd.s32 @!p0 $0x88, s6;
	s7 =	simm.s32 @p2 $0x1082  }
0x22: {  	[simem:s7], [sflag:s8] =	dma.local @!p0 [hbm:s6], $0xF7A  }
0x23: {  	s9 =	sor.u32 $0xD0000000, s2;
	s6 =	simm.s32 $0x108;
	_ =	swait.ge @!p0 [sflag:s8], $0x0  }
0x24: {  	s3 =	sadd.s32 $0x88, s3;
	s6 =	simm.s32 @!p1 $0x1082;
	[sflag:s4] =	ssyncset.s32 $0xFFFFF086  }
0x25: {  	[simem:s6], [sflag:s4] =	dma.local [hbm:s3], $0xF7A  }
0x26: {  	[smem:$0x3F9F] =	sst s1;
	(tag) =	ssettag s2;
	_ =	strace s9  }
0x27: {  	s1 =	sld [smem:$0x3FAF]  }
0x28: {  	s2 =	sld [smem:$0x3FB0]  }
0x29: {  	s4 =	sld [smem:$0x3FB2]  }
0x2a: {  	p0 =	seq.s32 s5, $0x0;
	s5 =	sld [smem:$0x3FB3]  }
0x2b: {  	s6 =	sld [smem:$0x3FB4]  }
0x2c: {  	s7 =	sld [smem:$0x3FB5]  }
0x2d: {  	s3 =	simm.s32 $0x108;
	s8 =	sld [smem:$0x3FB6]  }
0x2e: {  	s3 =	simm.s32 @!p0 $0x1082;
	s9 =	sld [smem:$0x3FB7]  }
0x2f: {  	lr =	sadd.s32 s0, s3;
	s0 =	sld [smem:$0x3FAE]  }
0x30: {  	s3 =	sld [smem:$0x3FB1]  }
0x31: {  	[smem:$0x3FBA] =	sst s10  }
0x32: {  	s10 =	sld [smem:$0x3FB8];
	_ =	sdelay $0x3  }
0x33: {  	p0 =	seq.s32 s10, $0x1;
	s10 =	sld [smem:$0x3FBA];
	_ =	sdelay $0x3  }
0x34: {  	[smem:$0x3FBA] =	sst s10  }
0x35: {  	s10 =	sld [smem:$0x3FB9];
	_ =	sdelay $0x3  }
0x36: {  	p1 =	seq.s32 s10, $0x1;
	s10 =	sld [smem:$0x3FBA];
	_ =	sdelay $0x3  }
0x37: {  	[smem:$0x3FBA] =	sst s10  }
0x38: {  	s10 =	sld [smem:$0x3FBB]  }
0x39: {  	_ = 	snop;
	(pc) =	sbr.ind lr, $3  }
0x3a: {  	_ = 	snop  }
0x3b: {  	_ = 	snop  }
0x3c: {  	p2 =	seq.s32 s10, $0x1;
	s10 =	sld [smem:$0x3FBA]  }
0x3d: {  	_ =	shalt  }
0x3e: {  	_ =	shalt  }
0x3f: {  	_ =	shalt  }
0x40: {  	_ =	shalt  }
0x41: {  	_ =	shalt  }
0x42: {  	_ =	shalt  }
0x43: {  	_ =	shalt  }
0x44: {  	_ =	shalt  }
0x45: {  	_ =	shalt  }
0x46: {  	_ =	shalt  }
0x47: {  	_ =	shalt  }
0x48: {  	_ =	shalt  }
0x49: {  	_ =	shalt  }
0x4a: {  	_ =	shalt  }
0x4b: {  	_ =	shalt  }
0x4c: {  	_ =	shalt  }
0x4d: {  	_ =	shalt  }
0x4e: {  	_ =	shalt  }
0x4f: {  	_ =	shalt  }
0x50: {  	_ =	shalt  }
0x51: {  	_ =	shalt  }
0x52: {  	_ =	shalt  }
0x53: {  	_ =	shalt  }
0x54: {  	_ =	shalt  }
0x55: {  	_ =	shalt  }
0x56: {  	_ =	shalt  }
0x57: {  	_ =	shalt  }
0x58: {  	_ =	shalt  }
0x59: {  	_ =	shalt  }
0x5a: {  	_ =	shalt  }
0x5b: {  	_ =	shalt  }
0x5c: {  	_ =	shalt  }
0x5d: {  	_ =	shalt  }
0x5e: {  	_ =	shalt  }
0x5f: {  	_ =	shalt  }
0x60: {  	_ =	shalt  }
0x61: {  	_ =	shalt  }
0x62: {  	_ =	shalt  }
0x63: {  	_ =	shalt  }
0x64: {  	_ =	shalt  }
0x65: {  	_ =	shalt  }
0x66: {  	_ =	shalt  }
0x67: {  	_ =	shalt  }
0x68: {  	_ =	shalt  }
0x69: {  	_ =	shalt  }
0x6a: {  	_ =	shalt  }
0x6b: {  	_ =	shalt  }
0x6c: {  	_ =	shalt  }
0x6d: {  	_ =	shalt  }
0x6e: {  	_ =	shalt  }
0x6f: {  	_ =	shalt  }
0x70: {  	_ =	shalt  }
0x71: {  	_ =	shalt  }
0x72: {  	_ =	shalt  }
0x73: {  	_ =	shalt  }
0x74: {  	_ =	shalt  }
0x75: {  	_ =	shalt  }
0x76: {  	_ =	shalt  }
0x77: {  	_ =	shalt  }
0x78: {  	_ =	shalt  }
0x79: {  	_ =	shalt  }
0x7a: {  	_ =	shalt  }
0x7b: {  	_ =	shalt  }
0x7c: {  	_ =	shalt  }
0x7d: {  	_ =	shalt  }
0x7e: {  	_ =	shalt  }
0x7f: {  	_ =	shalt  }
0x80: {  	_ =	shalt  }
0x81: {  	_ =	shalt  }
0x82: {  	_ =	shalt  }
0x83: {  	_ =	shalt  }
0x84: {  	_ =	shalt  }
0x85: {  	_ =	shalt  }
0x86: {  	_ =	shalt  }
0x87: {  	_ =	shalt  }
.Lfunc_end0:
.L_simem_size_0:
called_computation.2_lowered:
.L_overlay_start_0:
0x88: {  	s2 =	sld [smem:$0x3FD9]  }
0x89: {  	s3 =	sld [smem:$0x3FFE];
	_ =	sdelay $0x1  }
0x8a: {  	s1 =	srdreg.scid  }
0x8b: {  	s0 =	sand.u32 $0x1, s1  }
0x8c: {  	s17 =	sshll.u32 s0, $0xA;
	s2 =	sadd.s32 s3, s2  }
0x8d: {  	s2 =	sadd.s32 s2, s17  }
0x8e: {  	[smem:$0x3FC6] =	sst s2  }
0x8f: {  	_ = 	snop  }
0x90: {  	s2 =	sld [smem:$0x3FD0];
	(tm) =	ssettm $0x1  }
0x91: {  	s18 =	sld [smem:$0x3FFB];
	_ =	sdelay $0x3  }
0x92: {  	_ =	strace s18  }
0x93: {  	s3 =	sld [smem:$0x3FFC];
	_ =	sdelay $0x3  }
0x94: {  	_ =	strace s3  }
0x95: {  	s3 =	sld [smem:$0x3FFD];
	_ =	sdelay $0x3  }
0x96: {  	_ =	strace s3  }
0x97: {  	_ =	strace $0x8FFFFFFF  }
0x98: {  	s19 =	sld [smem:$0x3FDB];
	_ =	sdelay $0x1  }
0x99: {  	s4 =	simm.s32 $_scs_section_size  }
0x9a: {  	s5 =	simm.s32 $_size__tile_overlayer_lowered;
	s6 =	simm.s32 $_tile_overlayer_lowered  }
0x9b: {  	s22 =	simm.s32 $0x1BFF;
	s21 =	sshll.u32 s6, $0x1;
	s3 =	sadd.s32 s4, s19  }
0x9c: {  	s7 =	simm.s32 $0x0;
	s20 =	sshll.u32 s5, $0x1;
	s5 =	sadd.s32 s21, s3  }
0x9d: {  	[timem:s7], [sflag:s22] =	dma.local [hbm:s5], s20  }
0x9e: {  	_ =	swait.ge [sflag:s22], s20  }
0x9f: {  	s4 =	ssub.s32 $0x0, s20;
	[sflag:s22] =	ssyncset.done $0x0  }
0xa0: {  	[sflag:s22] =	ssyncadd.s32 s4;
	_ =	sdelay $0x1  }
0xa1: {  	s23 =	simm.s32 $0x1B8B  }
0xa2: {  	_ =	swait.ge [sflag:s23], $0x1  }
0xa3: {  	[sflag:s23] =	ssyncset.done $0x0  }
0xa4: {  	s25 =	simm.s32 $0x1B8E;
	s24 =	sld [smem:$0x3FFE];
	[sflag:s23] =	ssyncadd.s32 $0xFFFFFFFF  }
0xa5: {  	s26 =	simm.s32 $execute0_lowered;
	[smem:$0x3FD2] =	sst s25  }
0xa6: {  	s5 =	sshll.u32 s26, $0x1;
	_ =	strace $0x80000049;
	[dreg:$0x1] =	wrdreg $0xFFFFFFFF  }
0xa7: {  	s28 =	simm.s32 $_size_execute0_lowered;
	s3 =	sadd.s32 s3, s5;
	[dreg:$0x0] =	wrdreg $0x0  }
0xa8: {  	s5 =	sshll.u32 s28, $0x1;
	[dreg:$0x2] =	wrdreg s3  }
0xa9: {  	[dreg:$0x3] =	wrdreg s5  }
0xaa: {  	[dreg:$0x4] =	wrdreg $0xC0  }
0xab: {  	_ =	task [dreg:s7], $0x5FFFF  }
0xac: {  	[dreg:$0x1] =	wrdreg $0xFFFFFFFF  }
0xad: {  	[dreg:$0x0] =	wrdreg $0x60  }
0xae: {  	[dreg:$0x2] =	wrdreg s2  }
0xaf: {  	[dreg:$0x3] =	wrdreg s24  }
0xb0: {  	[dreg:$0x4] =	wrdreg $0x9  }
0xb1: {  	_ =	task.clear_ibuf [dreg:s7], $0x5FFFF;
	_ =	strace $0x90000049  }
0xb2: {  	s29 =	simm.s32 $0x9;
	_ =	strace $0x8000004B  }
0xb3: {  	_ =	swait.ge [sflag:s29], $0x1  }
0xb4: {  	[sflag:s29] =	ssyncadd.s32 $0xFFFFFFFF  }
0xb5: {  	_ =	strace $0x9000004B  }
0xb6: {  	_ =	sfence  }
0xb7: {  	s30 =	sld [smem:$0x0];
	_ =	sdelay $0x2  }
0xb8: {  	s31 =	sshll.u32 s1, $0xD;
	s1 =	sshrl.u32 s1, $0x2  }
0xb9: {  	s3 =	sand.u32 $0x4000, s31;
	s1 =	sadd.s32 s1, s30  }
0xba: {  	s0 =	sor.u32 s3, s0;
	s1 =	sshll.u32 s1, $0x11  }
0xbb: {  	s0 =	sor.u32 s1, s0  }
0xbc: {  	s0 =	sadd.s32 $0x8F2B, s0  }
0xbd: {  	[sflag:s0] =	ssyncadd.remote.s32 $0x1  }
0xbe: {  	_ =	sfence.sel $0xFFFF  }
0xbf: {  	[dreg:$0x0] =	wrdreg $0xFFFFFFFF;
	(pc) =	sbr.abs _section_cstart, $3  }
0xc0: {  	[dreg:$0x1] =	wrdreg $0xFFFFFFFF  }
0xc1: {  	_ =	task.clear_ibuf [dreg:s7], $0x2FFFF;
	_ =	strace $0x9FFFFFFF  }
0xc2: {  	(tm) =	ssettm $0x7FFFFFFF  }
0xc3: {  	_ =	shalt  }
tec
execute0_lowered:
.L_overlay_start_1:
0x0: {  	(tag) =	ssettag $0x1  }
0x1: {  	s0 =	rddreg [dreg:$0x0];
	s1 =	srdreg.scid  }
0x2: {  	s12 =	stileid.u32;
	s4 =	rddreg [dreg:$0x1];
	s2 =	simm.s32 $0x0  }
0x3: {  	s13 =	simm.s32 $0x9600;
	s15 =	simm.s32 $0xC800;
	s17 =	simm.s32 $0xFA00  }
0x4: {  	s19 =	simm.s32 $0x12C00;
	s21 =	simm.s32 $0x15E00;
	s28 =	simm.s32 $0x40  }
0x5: {  	s29 =	simm.s32 $0x80;
	s30 =	simm.s32 $0x3;
	s31 =	simm.s32 $0x2  }
0x6: {  	s1 =	sand.u32 $0x1, s1;
	s3 =	sshll.u32 s12, $0x1;
	s8 =	smul.u32 $0xC800, s12  }
0x7: {  	[smem:$0x7FF] =	sst s2;
	s11 =	sadd.s32 $0x7A2200, s4;
	s25 =	smul.u32 $0xC8000, s12  }
0x8: {  	s12 =	simm.s32 $0x6400;
	s5 =	sor.u32 s1, s3;
	s10 =	smul.u32 $0x6400, s1  }
0x9: {  	_ =	strace $0x8000004A;
	s7 =	ssub.s32 $0x2, s1;
	s1 =	smul.u32 $0x64000, s1  }
0xa: {  	s3 =	sadd.s32 $0x1000, s4;
	s6 =	smul.u32 $0xC80, s5;
	s9 =	sshrl.u32 s7, $0x1  }
0xb: {  	s22 =	smul.u32 $0x64000, s5;
	s26 =	sadd.s32 s25, s11;
	s25 =	simm.s32 $0x1C200  }
0xc: {  	s7 =	ssub.s32 s7, s9;
	s23 =	sadd.s32 s10, s8;
	s9 =	sadd.s32 s1, s26  }
0xd: {  	s10 =	simm.s32 $0x5;
	s26 =	simm.s32 $0x1;
	s1 =	simm.s32 $0x4  }
0xe: {  	s4 =	sadd.s32 s0, s6;
	s5 =	smax.u32 s7, $0x1;
	s24 =	sadd.s32 s11, s22  }
0xf: {  	s0 =	sshll.u32 s23, $0x4;
	s23 =	simm.s32 $0x19000;
	s6 =	sadd.s32 $0x5DC00, s24  }
0x10: {  	s0 =	sadd.s32 s0, s11;
	s7 =	sadd.s32 $0x60E00, s24;
	s11 =	simm.s32 $0xC8  }
0x11: {  	s24 =	simm.s32 $0x578;
	s8 =	sadd.s32 $0x3200, s0;
	s0 =	simm.s32 $0x0  }
.LBB2_1:
0x12: {  	[tilespmem:s2], [sflag:$0x5] =	stream.linear.gather [hbm4b:s4+s2], $0x6400, $0x38;
	[tilespmem:$0x1F400] =	vst v63  }
0x13: {  	_ =	swait.ge [sflag:s10], $0x6400  }
0x14: {  	[sflag:s10] =	ssyncset.done $0x0  }
0x15: {  	[sflag:s10] =	ssyncadd.s32 $0xFFFF9C00  }
0x16: {  	[tilespmem:s12], [sflag:$0x1] =	stream.indirect.gather [hbm4b:s3+s11], $0x40, s2, s11, $0xb8;
	[tilespmem:$0x1F400] =	vst v63  }
0x17: {  	_ = 	snop  }
0x18: {  	[tilespmem:s13], [sflag:$0x1] =	stream.indirect.gather [hbm4b:s3+s11], $0x40, s11, s11, $0xb8;
	[tilespmem:$0x1F400] =	vst v63  }
0x19: {  	s14 =	simm.s32 $0x190  }
0x1a: {  	[tilespmem:s15], [sflag:$0x1] =	stream.indirect.gather [hbm4b:s3+s11], $0x40, s14, s11, $0xb8;
	[tilespmem:$0x1F400] =	vst v63  }
0x1b: {  	s18 =	simm.s32 $0x258  }
0x1c: {  	[tilespmem:s17], [sflag:$0x1] =	stream.indirect.gather [hbm4b:s3+s11], $0x40, s18, s11, $0xb8;
	[tilespmem:$0x1F400] =	vst v63  }
0x1d: {  	s20 =	simm.s32 $0x320  }
0x1e: {  	[tilespmem:s19], [sflag:$0x2] =	stream.indirect.gather [hbm4b:s3+s11], $0x40, s20, s11, $0xb8;
	[tilespmem:$0x1F400] =	vst v63  }
0x1f: {  	s22 =	simm.s32 $0x3E8  }
0x20: {  	[tilespmem:s21], [sflag:$0x2] =	stream.indirect.gather [hbm4b:s3+s11], $0x40, s22, s11, $0xb8;
	[tilespmem:$0x1F400] =	vst v63  }
0x21: {  	s16 =	simm.s32 $0x4B0  }
0x22: {  	[tilespmem:s23], [sflag:$0x2] =	stream.indirect.gather [hbm4b:s3+s11], $0x40, s16, s11, $0xb8;
	[tilespmem:$0x1F400] =	vst v63  }
0x23: {  	_ = 	snop  }
0x24: {  	[tilespmem:s25], [sflag:$0x2] =	stream.indirect.gather [hbm4b:s3+s11], $0x40, s24, s11, $0xb8;
	[tilespmem:$0x1F400] =	vst v63  }
0x25: {  	_ =	swait.ge [sflag:s26], $0x3200  }
0x26: {  	[sflag:s26] =	ssyncset.done $0x0  }
0x27: {  	[sflag:s26] =	ssyncadd.s32 $0xFFFFCE00  }
0x28: {  	_ =	swait.ge [sflag:s26], $0x3200  }
0x29: {  	[sflag:s26] =	ssyncset.done $0x0  }
0x2a: {  	[sflag:s26] =	ssyncadd.s32 $0xFFFFCE00  }
0x2b: {  	_ =	swait.ge [sflag:s26], $0x3200  }
0x2c: {  	[sflag:s26] =	ssyncset.done $0x0  }
0x2d: {  	[sflag:s26] =	ssyncadd.s32 $0xFFFFCE00  }
0x2e: {  	_ =	swait.ge [sflag:s26], $0x3200  }
0x2f: {  	[sflag:s26] =	ssyncset.done $0x0  }
0x30: {  	[sflag:s26] =	ssyncadd.s32 $0xFFFFCE00  }
0x31: {  	[hbm4b:s9+s28] =	stream.strided.scatter [tilespmem:s12], [sflag:$0x3], $0xC800, s29, s28, $0x38;
	[tilespmem:$0x1F400] =	vst v63  }
0x32: {  	_ =	swait.ge [sflag:s30], $0xC800  }
0x33: {  	[sflag:s30] =	ssyncset.done $0x0  }
0x34: {  	s18 =	simm.s32 $0x640;
	[sflag:s30] =	ssyncadd.s32 $0xFFFF3800  }
0x35: {  	[tilespmem:s12], [sflag:$0x1] =	stream.indirect.gather [hbm4b:s3+s11], $0x40, s18, s11, $0xb8;
	[tilespmem:$0x1F400] =	vst v63  }
0x36: {  	s20 =	simm.s32 $0x708  }
0x37: {  	[tilespmem:s13], [sflag:$0x1] =	stream.indirect.gather [hbm4b:s3+s11], $0x40, s20, s11, $0xb8;
	[tilespmem:$0x1F400] =	vst v63  }
0x38: {  	s22 =	simm.s32 $0x7D0  }
0x39: {  	[tilespmem:s15], [sflag:$0x1] =	stream.indirect.gather [hbm4b:s3+s11], $0x40, s22, s11, $0xb8;
	[tilespmem:$0x1F400] =	vst v63  }
0x3a: {  	s16 =	simm.s32 $0x898  }
0x3b: {  	[tilespmem:s17], [sflag:$0x1] =	stream.indirect.gather [hbm4b:s3+s11], $0x40, s16, s11, $0xb8;
	[tilespmem:$0x1F400] =	vst v63  }
0x3c: {  	_ =	swait.ge [sflag:s31], $0x3200  }
0x3d: {  	[sflag:s31] =	ssyncset.done $0x0  }
0x3e: {  	[sflag:s31] =	ssyncadd.s32 $0xFFFFCE00  }
0x3f: {  	_ =	swait.ge [sflag:s31], $0x3200  }
0x40: {  	[sflag:s31] =	ssyncset.done $0x0  }
0x41: {  	[sflag:s31] =	ssyncadd.s32 $0xFFFFCE00  }
0x42: {  	_ =	swait.ge [sflag:s31], $0x3200  }
0x43: {  	[sflag:s31] =	ssyncset.done $0x0  }
0x44: {  	[sflag:s31] =	ssyncadd.s32 $0xFFFFCE00  }
0x45: {  	_ =	swait.ge [sflag:s31], $0x3200  }
0x46: {  	[sflag:s31] =	ssyncset.done $0x0  }
0x47: {  	[sflag:s31] =	ssyncadd.s32 $0xFFFFCE00  }
0x48: {  	[hbm4b:s8+s28] =	stream.strided.scatter [tilespmem:s19], [sflag:$0x4], $0xC800, s29, s28, $0x38;
	[tilespmem:$0x1F400] =	vst v63  }
0x49: {  	_ =	swait.ge [sflag:s1], $0xC800  }
0x4a: {  	[sflag:s1] =	ssyncset.done $0x0  }
0x4b: {  	s18 =	simm.s32 $0x960;
	[sflag:s1] =	ssyncadd.s32 $0xFFFF3800  }
0x4c: {  	[tilespmem:s19], [sflag:$0x2] =	stream.indirect.gather [hbm4b:s3+s11], $0x40, s18, s11, $0xb8;
	[tilespmem:$0x1F400] =	vst v63  }
0x4d: {  	s14 =	simm.s32 $0x1900;
	s20 =	simm.s32 $0xA28;
	s22 =	simm.s32 $0xAF0  }
0x4e: {  	[tilespmem:s21], [sflag:$0x2] =	stream.indirect.gather [hbm4b:s3+s11], $0x40, s20, s11, $0xb8;
	[tilespmem:$0x1F400] =	vst v63  }
0x4f: {  	s16 =	sadd.s32 $0x6400, s8;
	s18 =	sadd.s32 $0x6400, s9;
	s20 =	simm.s32 $0xBB8  }
0x50: {  	[tilespmem:s23], [sflag:$0x2] =	stream.indirect.gather [hbm4b:s3+s11], $0x40, s22, s11, $0xb8;
	[tilespmem:$0x1F400] =	vst v63  }
.LBB2_2:
0x51: {  	[tilespmem:s25], [sflag:$0x2] =	stream.indirect.gather [hbm4b:s3+s11], $0x40, s20, s11, $0xb8;
	[tilespmem:$0x1F400] =	vst v63  }
0x52: {  	s20 =	smov.u32 s14  }
0x53: {  	p0 =	sne.s32 s14, $0x15E00;
	s14 =	sadd.s32 $0x1900, s14;
	_ =	swait.ge [sflag:s26], $0x3200  }
0x54: {  	[sflag:s26] =	ssyncset.done $0x0  }
0x55: {  	[sflag:s26] =	ssyncadd.s32 $0xFFFFCE00  }
0x56: {  	_ =	swait.ge [sflag:s26], $0x3200  }
0x57: {  	[sflag:s26] =	ssyncset.done $0x0  }
0x58: {  	[sflag:s26] =	ssyncadd.s32 $0xFFFFCE00  }
0x59: {  	_ =	swait.ge [sflag:s26], $0x3200  }
0x5a: {  	[sflag:s26] =	ssyncset.done $0x0  }
0x5b: {  	[sflag:s26] =	ssyncadd.s32 $0xFFFFCE00  }
0x5c: {  	_ =	swait.ge [sflag:s26], $0x3200  }
0x5d: {  	[sflag:s26] =	ssyncset.done $0x0  }
0x5e: {  	[sflag:s26] =	ssyncadd.s32 $0xFFFFCE00  }
0x5f: {  	[hbm4b:s18+s28] =	stream.strided.scatter [tilespmem:s12], [sflag:$0x3], $0xC800, s29, s28, $0x38;
	[tilespmem:$0x1F400] =	vst v63  }
0x60: {  	_ =	swait.ge [sflag:s30], $0xC800  }
0x61: {  	s20 =	sshra.s32 s20, $0x2;
	[sflag:s30] =	ssyncset.done $0x0  }
0x62: {  	s22 =	sadd.s32 $0x640, s20;
	[sflag:s30] =	ssyncadd.s32 $0xFFFF3800  }
0x63: {  	[tilespmem:s12], [sflag:$0x1] =	stream.indirect.gather [hbm4b:s3+s11], $0x40, s22, s11, $0xb8;
	[tilespmem:$0x1F400] =	vst v63  }
0x64: {  	s22 =	sadd.s32 $0x708, s20  }
0x65: {  	[tilespmem:s13], [sflag:$0x1] =	stream.indirect.gather [hbm4b:s3+s11], $0x40, s22, s11, $0xb8;
	[tilespmem:$0x1F400] =	vst v63  }
0x66: {  	s22 =	sadd.s32 $0x7D0, s20  }
0x67: {  	[tilespmem:s15], [sflag:$0x1] =	stream.indirect.gather [hbm4b:s3+s11], $0x40, s22, s11, $0xb8;
	[tilespmem:$0x1F400] =	vst v63  }
0x68: {  	s22 =	sadd.s32 $0x898, s20  }
0x69: {  	[tilespmem:s17], [sflag:$0x1] =	stream.indirect.gather [hbm4b:s3+s11], $0x40, s22, s11, $0xb8;
	[tilespmem:$0x1F400] =	vst v63  }
0x6a: {  	_ =	swait.ge [sflag:s31], $0x3200  }
0x6b: {  	[sflag:s31] =	ssyncset.done $0x0  }
0x6c: {  	[sflag:s31] =	ssyncadd.s32 $0xFFFFCE00  }
0x6d: {  	_ =	swait.ge [sflag:s31], $0x3200  }
0x6e: {  	[sflag:s31] =	ssyncset.done $0x0  }
0x6f: {  	[sflag:s31] =	ssyncadd.s32 $0xFFFFCE00  }
0x70: {  	_ =	swait.ge [sflag:s31], $0x3200  }
0x71: {  	[sflag:s31] =	ssyncset.done $0x0  }
0x72: {  	[sflag:s31] =	ssyncadd.s32 $0xFFFFCE00  }
0x73: {  	_ =	swait.ge [sflag:s31], $0x3200  }
0x74: {  	[sflag:s31] =	ssyncset.done $0x0  }
0x75: {  	[sflag:s31] =	ssyncadd.s32 $0xFFFFCE00  }
0x76: {  	[hbm4b:s16+s28] =	stream.strided.scatter [tilespmem:s19], [sflag:$0x4], $0xC800, s29, s28, $0x38;
	[tilespmem:$0x1F400] =	vst v63  }
0x77: {  	_ =	swait.ge [sflag:s1], $0xC800  }
0x78: {  	[sflag:s1] =	ssyncset.done $0x0  }
0x79: {  	s22 =	sadd.s32 $0x960, s20;
	[sflag:s1] =	ssyncadd.s32 $0xFFFF3800  }
0x7a: {  	[tilespmem:s19], [sflag:$0x2] =	stream.indirect.gather [hbm4b:s3+s11], $0x40, s22, s11, $0xb8;
	[tilespmem:$0x1F400] =	vst v63  }
.Ltmp0:
0x7b: {  	s22 =	sadd.s32 $0xA28, s20;
	(pc) =	sbr.rel @p0 .LBB2_2-.Ltmp0, $4  }
0x7c: {  	[tilespmem:s21], [sflag:$0x2] =	stream.indirect.gather [hbm4b:s3+s11], $0x40, s22, s11, $0xb8;
	[tilespmem:$0x1F400] =	vst v63  }
0x7d: {  	s22 =	sadd.s32 $0xAF0, s20  }
0x7e: {  	[tilespmem:s23], [sflag:$0x2] =	stream.indirect.gather [hbm4b:s3+s11], $0x40, s22, s11, $0xb8;
	[tilespmem:$0x1F400] =	vst v63  }
0x7f: {  	s18 =	sadd.s32 $0x6400, s18;
	s16 =	sadd.s32 $0x6400, s16;
	s20 =	sadd.s32 $0xBB8, s20  }
0x80: {  	[tilespmem:s25], [sflag:$0x2] =	stream.indirect.gather [hbm4b:s3+s11], $0x40, s20, s11, $0xb8;
	[tilespmem:$0x1F400] =	vst v63  }
0x81: {  	_ =	swait.ge [sflag:s26], $0x3200  }
0x82: {  	[sflag:s26] =	ssyncset.done $0x0  }
0x83: {  	[sflag:s26] =	ssyncadd.s32 $0xFFFFCE00  }
0x84: {  	_ =	swait.ge [sflag:s26], $0x3200  }
0x85: {  	[sflag:s26] =	ssyncset.done $0x0  }
0x86: {  	[sflag:s26] =	ssyncadd.s32 $0xFFFFCE00  }
0x87: {  	_ =	swait.ge [sflag:s26], $0x3200  }
0x88: {  	[sflag:s26] =	ssyncset.done $0x0  }
0x89: {  	[sflag:s26] =	ssyncadd.s32 $0xFFFFCE00  }
0x8a: {  	_ =	swait.ge [sflag:s26], $0x3200  }
0x8b: {  	[sflag:s26] =	ssyncset.done $0x0  }
0x8c: {  	[sflag:s26] =	ssyncadd.s32 $0xFFFFCE00  }
0x8d: {  	[hbm4b:s6+s28] =	stream.strided.scatter [tilespmem:s12], [sflag:$0x3], $0xC800, s29, s28, $0x38;
	[tilespmem:$0x1F400] =	vst v63  }
0x8e: {  	_ =	swait.ge [sflag:s31], $0x3200  }
0x8f: {  	[sflag:s31] =	ssyncset.done $0x0  }
0x90: {  	[sflag:s31] =	ssyncadd.s32 $0xFFFFCE00  }
0x91: {  	_ =	swait.ge [sflag:s31], $0x3200  }
0x92: {  	[sflag:s31] =	ssyncset.done $0x0  }
0x93: {  	[sflag:s31] =	ssyncadd.s32 $0xFFFFCE00  }
0x94: {  	_ =	swait.ge [sflag:s31], $0x3200  }
0x95: {  	[sflag:s31] =	ssyncset.done $0x0  }
0x96: {  	[sflag:s31] =	ssyncadd.s32 $0xFFFFCE00  }
0x97: {  	_ =	swait.ge [sflag:s31], $0x3200  }
0x98: {  	[sflag:s31] =	ssyncset.done $0x0  }
0x99: {  	s0 =	sadd.s32 $0x1, s0;
	[sflag:s31] =	ssyncadd.s32 $0xFFFFCE00  }
0x9a: {  	[hbm4b:s7+s28] =	stream.strided.scatter [tilespmem:s19], [sflag:$0x4], $0xC800, s29, s28, $0x38;
	[tilespmem:$0x1F400] =	vst v63  }
0x9b: {  	p0 =	sne.s32 s0, s5;
	_ =	swait.ge [sflag:s30], $0xC800  }
.Ltmp1:
0x9c: {  	[sflag:s30] =	ssyncset.done $0x0;
	(pc) =	sbr.rel @p0 .LBB2_1-.Ltmp1, $4  }
0x9d: {  	[sflag:s30] =	ssyncadd.s32 $0xFFFF3800  }
0x9e: {  	_ =	swait.ge [sflag:s1], $0xC800  }
0x9f: {  	[sflag:s1] =	ssyncset.done $0x0  }
0xa0: {  	[sflag:s1] =	ssyncadd.s32 $0xFFFF3800  }
0xa1: {  	_ =	sfence.sel $0x180000  }
0xa2: {  	[bflag:$0x0] =	sbarrier.arrive $0xFFFF  }
0xa3: {  	_ =	strace $0x9000004A  }
0xa4: {  	s0 =	stileid.u32;
	[bflag:$0x2] =	sbarrier.arrive $0xFFFF  }
0xa5: {  	p0 =	sne.s32 s0, $0x0;
	s0 =	rddreg [dreg:$0x2]  }
0xa6: {  	s0 =	sadd.s32 @!p0 $0x100000, s0  }
0xa7: {  	[sflag:s0] =	ssyncadd.tile.s32 @!p0 $0x1;
	_ =	shalt  }
.Lfunc_end2:
_tile_overlayer_lowered:
.L_overlay_start_2:
0xa8: {  	(tag) =	ssettag $0x2  }
0xa9: {  	s0 =	rddreg [dreg:$0x0];
	s2 =	stileid.u32  }
0xaa: {  	s1 =	rddreg [dreg:$0x1];
	p0 =	sne.s32 s2, $0x0  }
0xab: {  	s3 =	rddreg [dreg:$0x2];
	[bflag:$0x3] =	sbarrier.arrive $0xFFFF;
	s2 =	simm.s32 @!p0 $0x1C05  }
0xac: {  	[timem:s3], [sflag:s2] =	dma.local @!p0 [hbm:s0], s1  }
0xad: {  	s0 =	simm.s32 @!p0 $0x5  }
0xae: {  	_ =	swait.ge @!p0 [sflag:s0], s1  }
0xaf: {  	s1 =	ssub.s32 @!p0 $0x0, s1;
	[sflag:s0] =	ssyncset.done @!p0 $0x0  }
0xb0: {  	[sflag:s0] =	ssyncadd.s32 @!p0 s1  }
0xb1: {  	[bflag:$0x3] =	sbarrier.arrive $0xFFFF  }
0xb2: {  	_ =	shalt  }

// kernel: sparse-core-data-format-call.cloned.1.call-start
scs
called_computation_lowered:
.L_overlay_start_0:
0x0: {  	s2 =	sld [smem:$0x3FD9]  }
0x1: {  	s3 =	sld [smem:$0x3FFE];
	_ =	sdelay $0x1  }
0x2: {  	s1 =	srdreg.scid  }
0x3: {  	s0 =	sand.u32 $0x1, s1  }
0x4: {  	s18 =	sshll.u32 s0, $0xA;
	s2 =	sadd.s32 s3, s2  }
0x5: {  	s2 =	sadd.s32 s2, s18  }
0x6: {  	[smem:$0x3FC6] =	sst s2  }
0x7: {  	_ = 	snop  }
0x8: {  	s2 =	sld [smem:$0x3FD0];
	(tm) =	ssettm $0x1  }
0x9: {  	s19 =	sld [smem:$0x3FFB];
	_ =	sdelay $0x3  }
0xa: {  	_ =	strace s19  }
0xb: {  	s3 =	sld [smem:$0x3FFC];
	_ =	sdelay $0x3  }
0xc: {  	_ =	strace s3  }
0xd: {  	s3 =	sld [smem:$0x3FFD];
	_ =	sdelay $0x3  }
0xe: {  	_ =	strace s3  }
0xf: {  	_ =	strace $0x8FFFFFFF  }
0x10: {  	s20 =	sld [smem:$0x3FDB];
	_ =	sdelay $0x1  }
0x11: {  	s4 =	simm.s32 $_scs_section_size  }
0x12: {  	s5 =	simm.s32 $_size__tile_overlayer_lowered;
	s6 =	simm.s32 $_tile_overlayer_lowered  }
0x13: {  	s23 =	simm.s32 $0x1BFF;
	s22 =	sshll.u32 s6, $0x1;
	s3 =	sadd.s32 s4, s20  }
0x14: {  	s7 =	simm.s32 $0x0;
	s21 =	sshll.u32 s5, $0x1;
	s5 =	sadd.s32 s22, s3  }
0x15: {  	[timem:s7], [sflag:s23] =	dma.local [hbm:s5], s21  }
0x16: {  	_ =	swait.ge [sflag:s23], s21  }
0x17: {  	s4 =	ssub.s32 $0x0, s21;
	[sflag:s23] =	ssyncset.done $0x0  }
0x18: {  	[sflag:s23] =	ssyncadd.s32 s4;
	_ =	sdelay $0x1  }
0x19: {  	s24 =	simm.s32 $0x1B8B  }
0x1a: {  	_ =	swait.ge [sflag:s24], $0x1  }
0x1b: {  	[sflag:s24] =	ssyncset.done $0x0  }
0x1c: {  	s26 =	simm.s32 $0x1B8E;
	s25 =	sld [smem:$0x3FFE];
	[sflag:s24] =	ssyncadd.s32 $0xFFFFFFFF  }
0x1d: {  	s27 =	simm.s32 $execute0_lowered;
	[smem:$0x3FD2] =	sst s26  }
0x1e: {  	s5 =	sshll.u32 s27, $0x1;
	_ =	strace $0x8000004C;
	[dreg:$0x1] =	wrdreg $0xFFFFFFFF  }
0x1f: {  	s28 =	simm.s32 $_size_execute0_lowered;
	s3 =	sadd.s32 s3, s5;
	[dreg:$0x0] =	wrdreg $0x0  }
0x20: {  	s5 =	sshll.u32 s28, $0x1;
	[dreg:$0x2] =	wrdreg s3  }
0x21: {  	[dreg:$0x3] =	wrdreg s5  }
0x22: {  	[dreg:$0x4] =	wrdreg $0xC0  }
0x23: {  	_ =	task [dreg:s7], $0x5FFFF  }
0x24: {  	[dreg:$0x1] =	wrdreg $0xFFFFFFFF  }
0x25: {  	[dreg:$0x0] =	wrdreg $0x60  }
0x26: {  	[dreg:$0x2] =	wrdreg s25  }
0x27: {  	[dreg:$0x3] =	wrdreg s2  }
0x28: {  	[dreg:$0x4] =	wrdreg $0x9  }
0x29: {  	_ =	task.clear_ibuf [dreg:s7], $0x5FFFF;
	_ =	strace $0x9000004C  }
0x2a: {  	s29 =	simm.s32 $0x9;
	_ =	strace $0x8000004E  }
0x2b: {  	_ =	swait.ge [sflag:s29], $0x1  }
0x2c: {  	[sflag:s29] =	ssyncadd.s32 $0xFFFFFFFF  }
0x2d: {  	_ =	strace $0x9000004E  }
0x2e: {  	_ =	sfence  }
0x2f: {  	s30 =	sld [smem:$0x0];
	_ =	sdelay $0x2  }
0x30: {  	s31 =	sshll.u32 s1, $0xD;
	s1 =	sshrl.u32 s1, $0x2  }
0x31: {  	s3 =	sand.u32 $0x4000, s31;
	s1 =	sadd.s32 s1, s30  }
0x32: {  	s0 =	sor.u32 s3, s0;
	s1 =	sshll.u32 s1, $0x11  }
0x33: {  	s0 =	sor.u32 s1, s0  }
0x34: {  	s0 =	sadd.s32 $0x8F2B, s0  }
0x35: {  	[sflag:s0] =	ssyncadd.remote.s32 $0x1  }
0x36: {  	_ =	sfence.sel $0xFFFF  }
0x37: {  	[dreg:$0x0] =	wrdreg $0xFFFFFFFF;
	(pc) =	sbr.abs _section_cstart, $3  }
0x38: {  	[dreg:$0x1] =	wrdreg $0xFFFFFFFF  }
0x39: {  	_ =	task.clear_ibuf [dreg:s7], $0x2FFFF;
	_ =	strace $0x9FFFFFFF  }
0x3a: {  	(tm) =	ssettm $0x7FFFFFFF  }
0x3b: {  	_ =	shalt  }
tec
execute0_lowered:
.L_overlay_start_1:
0x0: {  	(tag) =	ssettag $0x1  }
0x1: {  	s0 =	srdreg.scid  }
0x2: {  	s1 =	sshll.u32 s0, $0x4  }
0x3: {  	s0 =	stileid.u32;
	s1 =	sand.u32 $0x10, s1  }
0x4: {  	s1 =	sor.u32 s0, s1  }
0x5: {  	s6 =	rddreg [dreg:$0x0];
	s4 =	simm.s32 $0x1;
	s2 =	sshll.u32 s1, $0x7  }
0x6: {  	s7 =	simm.s32 $0x2;
	s12 =	simm.s32 $0x0;
	s1 =	ssub.s32 $0x1000, s2  }
0x7: {  	s8 =	simm.s32 $0x8000;
	s13 =	simm.s32 $0x0;
	s3 =	sand.u32 $0xF80, s1  }
0x8: {  	s9 =	simm.s32 $0x0;
	s5 =	sshrl.u32 s1, $0xC;
	p0 =	sne.s32 s3, $0x0  }
.Ltmp0:
0x9: {  	s1 =	rddreg [dreg:$0x2];
	s4 =	simm.s32 @!p0 $0x0;
	(pc) =	sbr.rel .LBB1_1-.Ltmp0, $4  }
0xa: {  	s11 =	simm.s32 $0x0;
	s3 =	rddreg [dreg:$0x1];
	s5 =	sadd.s32 s4, s5  }
0xb: {  	_ =	strace $0x8000004D;
	s4 =	simm.s32 $0x1;
	s5 =	smul.u32 $0xC8, s5  }
0xc: {  	s6 =	sadd.s32 $0x7A2200, s6;
	s10 =	smov.u32 s2;
	[sflag:s4] =	ssyncpa.u1 $0x0  }
0xd: {  	p0 =	por $0x0, $0x0;
	[sflag:s7] =	ssyncpa.u1 $0x0;
	s7 =	sor.u32 $0x1, s5  }
.LBB1_4:
0xe: {  	s16 =	sshll.u32 s13, $0x3;
	s17 =	sand.u32 $0x78, s13  }
0xf: {  	s30 =	sand.u32 $0x7E00, s13;
	s12 =	sshll.u32 s12, $0xF;
	s16 =	sand.u32 $0xC00, s16  }
0x10: {  	[tilespmem:s15+$0x810 ss:$0x81] =	vst.msk $0xffff, v2;
	s31 =	sand.u32 $0x7, s13;
	s16 =	sor.u32 s17, s16;
	s17 =	sadd.s32 s3, s30  }
0x11: {  	[tilespmem:s15+$0x1020 ss:$0x81] =	vst.msk $0xffff, v0;
	s13 =	sshll.u32 s31, $0x12;
	s12 =	sadd.s32 s12, s17;
	s16 =	sshrl.u32 s16, $0x3  }
0x12: {  	[tilespmem:s15+$0x0 ss:$0x81] =	vst.msk $0xffff, v1;
	s13 =	sor.u32 $0x400, s13;
	s12 =	sadd.s32 s16, s12  }
0x13: {  	[hbm4b:s12+s13] =	stream.strided.scatter [tilespmem:s14], [sflag:$0x2], $0x2000, s8, s13, $0x20;
	[tilespmem:$0x8080] =	vst v63  }
.LBB1_5:
0x14: {  	s14 =	sadd.s32 $0x1, s9  }
0x15: {  	s12 =	sadd.s32 $0x1000, s10;
	s16 =	smov.u32 s10;
	p2 =	sgt.s32 s14, $0xC7  }
0x16: {  	s16 =	smov.u32 @p2 s12  }
0x17: {  	s14 =	simm.s32 @p2 $0x0;
	p2 =	sgt.s32 s16, $0xFFF  }
0x18: {  	s16 =	smov.u32 @p2 s2;
	p2 =	sne.s32 s11, s7  }
.Ltmp1:
0x19: {  	p1 =	slt.u32 s11, $0x2;
	(pc) =	sbr.rel @!p2 .LBB1_6-.Ltmp1, $4  }
0x1a: {  	s15 =	simm.s32 @!p1 $0x2  }
0x1b: {  	s13 =	smov.u32 s10;
	p0 =	por !p0, !p0;
	_ =	swait.ge @!p1 [sflag:s15], $0x2000  }
0x1c: {  	s12 =	smov.u32 s9;
	[sflag:s15] =	ssyncset.done @!p1 $0x0;
	s9 =	smov.u32 s14  }
0x1d: {  	s11 =	sadd.s32 $0x1, s11;
	[sflag:s15] =	ssyncadd.s32 @!p1 $0xFFFFE000;
	s10 =	smov.u32 s16  }
.LBB1_1:
0x1e: {  	p1 =	sge.u32 s11, s5  }
0x1f: {  	s14 =	sand.u32 @!p1 $0x1FFFFFF, s9  }
0x20: {  	s15 =	smulhi.u32 @!p1 $0x147AE15, s14;
	_ =	sdelay $0x1  }
0x21: {  	s15 =	smul.u32 @!p1 $0xC8, s15  }
0x22: {  	s16 =	sxor.u32 @!p1 $0xFFFFFFFF, s11;
	s17 =	smul.u32 @!p1 $0xC80, s10  }
0x23: {  	s31 =	sadd.s32 $0xFFFFFFFF, s11;
	s16 =	sshll.u32 @!p1 s16, $0xD;
	s14 =	ssub.s32 @!p1 s14, s15  }
0x24: {  	s15 =	sand.u32 @!p1 $0x2000, s16;
	s16 =	sadd.s32 @!p1 s6, s17;
	s14 =	sshll.u32 @!p1 s14, $0x4  }
0x25: {  	s17 =	simm.s32 @!p1 $0x6400;
	s14 =	sadd.s32 @!p1 s14, s16;
	s16 =	simm.s32 @!p1 $0x40  }
0x26: {  	[tilespmem:s15], [sflag:$0x1] =	stream.strided.gather @!p1 [hbm4b:s14+s16], $0x2000, s17, s16, $0x38;
	[tilespmem:$0x8080] =	vst v63  }
0x27: {  	p1 =	sge.u32 s31, s5  }
.Ltmp2:
0x28: {  	_ = 	snop;
	(pc) =	sbr.rel @p1 .LBB1_5-.Ltmp2, $1  }
0x29: {  	_ =	sdelay $0x3  }
0x2a: {  	s14 =	simm.s32 $0x1  }
0x2b: {  	_ =	swait.ge [sflag:s4], $0x2000;
	s14 =	simm.s32 @!p0 $0x0  }
0x2c: {  	[sflag:s4] =	ssyncset.done $0x0;
	s15 =	sshll.u32 s14, $0xD  }
0x2d: {  	[sflag:s4] =	ssyncadd.s32 $0xFFFFE000;
	s18 =	sor.u32 $0x20, s15  }
0x2e: {  	s14 =	smul.u32 $0x8100, s14;
	v3 =	vld [tilespmem:s18+$0x10]  }
0x2f: {  	s30 =	sand.u32 $0x1, s11;
	v2 =	vld [tilespmem:s18+$0xFFFFFFF0]  }
0x30: {  	s15 =	smul.u32 $0x8100, s30;
	s14 =	sshrl.u32 s14, $0x2;
	v0 =	vld [tilespmem:s18+$0x0]  }
0x31: {  	v1 =	vld [tilespmem:s18+$0xFFFFFFE0];
	s16 =	sor.u32 $0x4000, s14  }
0x32: {  	s31 =	sshrl.u32 s15, $0x2;
	s15 =	sadd.s32 $0x0, s16  }
0x33: {  	s17 =	simm.s32 $0x4;
	s18 =	sadd.s32 $0x40, s18;
	s14 =	sor.u32 $0x4000, s31;
	[tilespmem:s15+$0x1830 ss:$0x81] =	vst.msk $0xffff, v3  }
.LBB1_3:
0x34: {  	v3 =	vld [tilespmem:s18+$0x10];
	p1 =	sne.s32 s17, $0x1FC;
	[tilespmem:s15+$0x810 ss:$0x81] =	vst.msk $0xffff, v2;
	s19 =	smov.u32 s17;
	s17 =	sadd.s32 $0x4, s17  }
.Ltmp3:
0x35: {  	v2 =	vld [tilespmem:s18+$0xFFFFFFF0];
	[tilespmem:s15+$0x1020 ss:$0x81] =	vst.msk $0xffff, v0;
	(pc) =	sbr.rel @p1 .LBB1_3-.Ltmp3, $4  }
0x36: {  	v0 =	vld [tilespmem:s18+$0x0];
	[tilespmem:s15+$0x0 ss:$0x81] =	vst.msk $0xffff, v1  }
0x37: {  	s15 =	sshra.s32 s19, $0x2;
	v1 =	vld [tilespmem:s18+$0xFFFFFFE0]  }
0x38: {  	s15 =	sadd.s32 s15, s16  }
0x39: {  	s18 =	sadd.s32 $0x40, s18;
	[tilespmem:s15+$0x1830 ss:$0x81] =	vst.msk $0xffff, v3  }
.Ltmp4:
0x3a: {  	_ = 	snop;
	(pc) =	sbr.rel .LBB1_4-.Ltmp4, $1  }
0x3b: {  	_ =	sdelay $0x3  }
.LBB1_6:
0x3c: {  	_ =	sfence.sel $0x180000  }
0x3d: {  	s2 =	simm.s32 $0x1;
	[bflag:$0x0] =	sbarrier.arrive $0xFFFF  }
0x3e: {  	s31 =	simm.s32 $0x2;
	[sflag:s2] =	ssyncpa.u1 $0x1  }
0x3f: {  	[sflag:s31] =	ssyncpa.u1 $0x1  }
0x40: {  	p0 =	sne.s32 s0, $0x0;
	_ =	strace $0x9000004D  }
0x41: {  	s0 =	sadd.s32 @!p0 $0x100000, s1;
	[bflag:$0x2] =	sbarrier.arrive $0xFFFF  }
0x42: {  	[sflag:s0] =	ssyncadd.tile.s32 @!p0 $0x1;
	_ =	shalt  }
.Lfunc_end1:
_tile_overlayer_lowered:
.L_overlay_start_2:
0x43: {  	(tag) =	ssettag $0x2  }
0x44: {  	s0 =	rddreg [dreg:$0x0];
	s2 =	stileid.u32  }
0x45: {  	s1 =	rddreg [dreg:$0x1];
	p0 =	sne.s32 s2, $0x0  }
0x46: {  	s3 =	rddreg [dreg:$0x2];
	[bflag:$0x3] =	sbarrier.arrive $0xFFFF;
	s2 =	simm.s32 @!p0 $0x1C01  }
0x47: {  	[timem:s3], [sflag:s2] =	dma.local @!p0 [hbm:s0], s1  }
0x48: {  	s0 =	simm.s32 @!p0 $0x1  }
0x49: {  	_ =	swait.ge @!p0 [sflag:s0], s1  }
0x4a: {  	s1 =	ssub.s32 @!p0 $0x0, s1;
	[sflag:s0] =	ssyncset.done @!p0 $0x0  }
0x4b: {  	[sflag:s0] =	ssyncadd.s32 @!p0 s1  }
0x4c: {  	[bflag:$0x3] =	sbarrier.arrive $0xFFFF  }
0x4d: {  	_ =	shalt  }

</sc_bundles>
